<compile_context>
chip_gen: v7x
topology: tpu7x:2x2x1
jax: 0.10.2.dev20260603
libtpu: 0.0.44.dev20260713+nightly
codegen_flags: <defaults>
</compile_context>

<pallas_src>
import math

import jax
import jax.numpy as jnp
from jax import lax
from jax.experimental import pallas as pl
from jax.experimental.pallas import tpu as pltpu
from jax.experimental.pallas import tpu_sc as plsc

VOCAB = 100000
CTX = 2048
DIM = 768
BATCH = 4
SCALE = math.sqrt(DIM)

ROWS = BATCH * CTX
NW = 32
PPW = CTX // NW
PC = 8
NCHUNK = PPW // PC
NBUF = 3
LANES = 16
VPR = DIM // LANES


def _emb_body(x_hbm, tab_hbm, pos_hbm, out_hbm, idx_stage, idx_v, rows_v,
              pos_v, psem, isem, gsem0, gsem1, gsem2, ssem0, ssem1, ssem2):
    gsems = (gsem0, gsem1, gsem2)
    ssems = (ssem0, ssem1, ssem2)
    cid = lax.axis_index("c")
    sid = lax.axis_index("s")
    wid = sid * 2 + cid
    pbase = wid * PPW

    pos_cp = pltpu.async_copy(pos_hbm.at[pl.ds(pbase, PPW)], pos_v, psem)
    icopies = [
        pltpu.async_copy(
            x_hbm.at[pl.ds(b * CTX + pbase, PPW)],
            idx_stage.at[pl.ds(b * PPW, PPW)], isem)
        for b in range(BATCH)
    ]
    for cp in icopies:
        cp.wait()
    low8 = lax.iota(jnp.int32, LANES) < PC
    for i in range(BATCH * PPW // LANES):
        kk, b0, b1 = i >> 1, (2 * i) & 3, (2 * i + 1) & 3
        va = idx_stage[pl.ds(b0 * PPW + kk * PC, LANES)]
        vb = idx_stage[pl.ds(b1 * PPW + kk * PC - PC, LANES)]
        idx_v[pl.ds(i * LANES, LANES)] = jnp.where(low8, va, vb)

    def issue(k):
        bsel = k % NBUF
        return pltpu.async_copy(
            tab_hbm.at[idx_v.at[pl.ds(k * BATCH * PC, BATCH * PC)]], rows_v.at[bsel], gsems[bsel])

    inflight = [None] * NCHUNK
    stores = [None] * NCHUNK
    for d in range(NBUF):
        inflight[d] = issue(d)
    pos_cp.wait()
    for k in range(NCHUNK):
        bsel = k % NBUF
        inflight[k].wait()
        buf = rows_v.at[bsel]

        @plsc.parallel_loop(0, VPR * PC, 1, unroll=4)
        def _vec_body(i):
            j = i // PC
            p = lax.rem(i, PC)
            sl = pl.ds(j * LANES, LANES)
            pv = pos_v[k * PC + p, sl]
            for b in range(BATCH):
                buf[b * PC + p, sl] = buf[b * PC + p, sl] * SCALE + pv

        stores[k] = [
            pltpu.async_copy(
                buf.at[pl.ds(b * PC, PC)],
                out_hbm.at[pl.ds(b * CTX + pbase + k * PC, PC)], ssems[bsel])
            for b in range(BATCH)
        ]
        if k + NBUF < NCHUNK:
            for s in stores[k]:
                s.wait()
            inflight[k + NBUF] = issue(k + NBUF)
    for k in range(max(NCHUNK - NBUF, 0), NCHUNK):
        for s in stores[k]:
            s.wait()


def kernel(x, token_emb, pos_enc):
    x_flat = x.reshape(ROWS).astype(jnp.int32)
    pos2d = pos_enc.reshape(CTX, DIM)

    mesh = plsc.VectorSubcoreMesh(core_axis_name="c", subcore_axis_name="s")
    out = pl.kernel(
        _emb_body,
        mesh=mesh,
        out_type=jax.ShapeDtypeStruct((ROWS, DIM), jnp.float32),
        scratch_types=[
            pltpu.VMEM((BATCH * PPW,), jnp.int32),
            pltpu.VMEM((NCHUNK * BATCH * PC,), jnp.int32),
            pltpu.VMEM((NBUF, BATCH * PC, DIM), jnp.float32),
            pltpu.VMEM((PPW, DIM), jnp.float32),
            pltpu.SemaphoreType.DMA,
            pltpu.SemaphoreType.DMA,
            pltpu.SemaphoreType.DMA,
            pltpu.SemaphoreType.DMA,
            pltpu.SemaphoreType.DMA,
            pltpu.SemaphoreType.DMA,
            pltpu.SemaphoreType.DMA,
            pltpu.SemaphoreType.DMA,
        ],
    )(x_flat, token_emb, pos2d)
    return out.reshape(BATCH, CTX, DIM)

# --- scband reference (transcript-rebuilt; emitter-appended) ---
"""Pipeline reference for scband-legacy-embedding-43731357008531 (READ-ONLY COPY).

The authoritative reference and input builder live on the scoring server;
editing this copy changes nothing except your own understanding.
"""

import jax, jax.numpy as jnp
import numpy as np
import math

VOCAB = 100000
CTX = 2048
DIM = 768
BATCH = 4


def precompute_pos_enc(context_length, model_dim):
    pos = jnp.arange(context_length, dtype=jnp.float32)[:, None]
    dim = jnp.arange(0, model_dim, 2, dtype=jnp.float32)[None, :]
    val = pos * jnp.exp(dim * (-math.log(10000.0) / model_dim))
    pe = jnp.zeros((context_length, model_dim), dtype=jnp.float32)
    pe = pe.at[:, 0::2].set(jnp.sin(val))
    pe = pe.at[:, 1::2].set(jnp.cos(val))
    return pe[None, :, :]


def setup_inputs(seed: int = 0) -> dict:
    key = jax.random.key(seed)
    k1, k2 = jax.random.split(key)
    x = jax.random.randint(k1, (BATCH, CTX), 0, VOCAB, dtype=jnp.int64 if jax.config.jax_enable_x64 else jnp.int32)
    token_emb = jax.random.normal(k2, (VOCAB, DIM), dtype=jnp.float32)
    pos_enc = precompute_pos_enc(CTX, DIM)
    return {"x": x, "token_emb": token_emb, "pos_enc": pos_enc}


def reference(x, token_emb, pos_enc):
    # token embedding lookup (gather)
    h = jnp.take(token_emb, x, axis=0)
    h = h * math.sqrt(DIM)
    h = h + pos_enc  # pos_enc broadcasts over batch; seq_len == context_length
    # dropout is identity in eval / deterministic reference
    return h

if __name__ == "__main__":
    import jax
    _d = setup_inputs()
    print(jax.jit(kernel)(*tuple(_d.values())))

</pallas_src>

<mosaic_0001>
#map = affine_map<(d0, d1) -> (0)>
#map1 = affine_map<(d0, d1) -> (0, 0)>
module attributes {stable_mosaic.version = 14 : i64} {
  func.func @_emb_body(%arg0: i32, %arg1: i32, %arg2: memref<8192xi32, #tpu.memory_space<hbm>>, %arg3: memref<100000x768xf32, #tpu.memory_space<hbm>>, %arg4: memref<2048x768xf32, #tpu.memory_space<hbm>>, %arg5: memref<8192x768xf32, #tpu.memory_space<hbm>>, %arg6: memref<256xi32, #tpu.memory_space<vmem>>, %arg7: memref<256xi32, #tpu.memory_space<vmem>>, %arg8: memref<3x32x768xf32, #tpu.memory_space<vmem>>, %arg9: memref<64x768xf32, #tpu.memory_space<vmem>>, %arg10: memref<!tpu.dma_semaphore, #tpu.memory_space<semaphore_mem>>, %arg11: memref<!tpu.dma_semaphore, #tpu.memory_space<semaphore_mem>>, %arg12: memref<!tpu.dma_semaphore, #tpu.memory_space<semaphore_mem>>, %arg13: memref<!tpu.dma_semaphore, #tpu.memory_space<semaphore_mem>>, %arg14: memref<!tpu.dma_semaphore, #tpu.memory_space<semaphore_mem>>, %arg15: memref<!tpu.dma_semaphore, #tpu.memory_space<semaphore_mem>>, %arg16: memref<!tpu.dma_semaphore, #tpu.memory_space<semaphore_mem>>, %arg17: memref<!tpu.dma_semaphore, #tpu.memory_space<semaphore_mem>>) attributes {dimension_semantics = [#tpu.dimension_semantics<core_parallel>, #tpu.dimension_semantics<subcore_parallel>], iteration_bounds = array<i64: 2, 16>, scalar_prefetch = 0 : i64, scratch_operands = 12 : i64, tpu.core_type = #tpu.core_type<sc_vector_subcore>, window_params = [{transform_indices = #map}, {transform_indices = #map1}, {transform_indices = #map1}, {transform_indices = #map1}]} {
    %mul3A = arith.constant 2 : i32
    %mul3A_0 = arith.muli %arg1, %mul3A : i32
    %add3A = arith.addi %mul3A_0, %arg0 : i32
    %mul3A_1 = arith.constant 64 : i32
    %mul3A_2 = arith.muli %add3A, %mul3A_1 : i32
    %dma_start3A = arith.constant 0 : i32
    %dma_start3A_3 = tpu.memref_slice %arg4[%mul3A_2, %dma_start3A] : memref<2048x768xf32, #tpu.memory_space<hbm>> -> memref<64x768xf32, #tpu.memory_space<hbm>>
    %dma_start3A_4 = arith.constant 0 : i32
    %dma_start3A_5 = tpu.memref_slice %arg4[%mul3A_2, %dma_start3A_4] : memref<2048x768xf32, #tpu.memory_space<hbm>> -> memref<64x768xf32, #tpu.memory_space<hbm>>
    tpu.enqueue_dma source(%dma_start3A_5 : memref<64x768xf32, #tpu.memory_space<hbm>>) target(%arg9 : memref<64x768xf32, #tpu.memory_space<vmem>>) target_semaphore(%arg10 : memref<!tpu.dma_semaphore, #tpu.memory_space<semaphore_mem>>)
    %add3A_6 = arith.constant 0 : i32
    %add3A_7 = arith.addi %add3A_6, %mul3A_2 : i32
    %dma_start3A_8 = arith.constant 0 : i32
    %dma_start3A_9 = tpu.memref_slice %arg6[%dma_start3A_8] : memref<256xi32, #tpu.memory_space<vmem>> -> memref<64xi32, #tpu.memory_space<vmem>>
    %dma_start3A_10 = tpu.memref_slice %arg2[%add3A_7] : memref<8192xi32, #tpu.memory_space<hbm>> -> memref<64xi32, #tpu.memory_space<hbm>>
    %dma_start3A_11 = arith.constant 0 : i32
    %dma_start3A_12 = tpu.memref_slice %arg6[%dma_start3A_11] : memref<256xi32, #tpu.memory_space<vmem>> -> memref<64xi32, #tpu.memory_space<vmem>>
    %dma_start3A_13 = tpu.memref_slice %arg2[%add3A_7] : memref<8192xi32, #tpu.memory_space<hbm>> -> memref<64xi32, #tpu.memory_space<hbm>>
    tpu.enqueue_dma source(%dma_start3A_13 : memref<64xi32, #tpu.memory_space<hbm>>) target(%dma_start3A_12 : memref<64xi32, #tpu.memory_space<vmem>>) target_semaphore(%arg11 : memref<!tpu.dma_semaphore, #tpu.memory_space<semaphore_mem>>)
    %add3A_14 = arith.constant 2048 : i32
    %add3A_15 = arith.addi %add3A_14, %mul3A_2 : i32
    %dma_start3A_16 = arith.constant 64 : i32
    %dma_start3A_17 = tpu.memref_slice %arg6[%dma_start3A_16] : memref<256xi32, #tpu.memory_space<vmem>> -> memref<64xi32, #tpu.memory_space<vmem>>
    %dma_start3A_18 = tpu.memref_slice %arg2[%add3A_15] : memref<8192xi32, #tpu.memory_space<hbm>> -> memref<64xi32, #tpu.memory_space<hbm>>
    %dma_start3A_19 = arith.constant 64 : i32
    %dma_start3A_20 = tpu.memref_slice %arg6[%dma_start3A_19] : memref<256xi32, #tpu.memory_space<vmem>> -> memref<64xi32, #tpu.memory_space<vmem>>
    %dma_start3A_21 = tpu.memref_slice %arg2[%add3A_15] : memref<8192xi32, #tpu.memory_space<hbm>> -> memref<64xi32, #tpu.memory_space<hbm>>
    tpu.enqueue_dma source(%dma_start3A_21 : memref<64xi32, #tpu.memory_space<hbm>>) target(%dma_start3A_20 : memref<64xi32, #tpu.memory_space<vmem>>) target_semaphore(%arg11 : memref<!tpu.dma_semaphore, #tpu.memory_space<semaphore_mem>>)
    %add3A_22 = arith.constant 4096 : i32
    %add3A_23 = arith.addi %add3A_22, %mul3A_2 : i32
    %dma_start3A_24 = arith.constant 128 : i32
    %dma_start3A_25 = tpu.memref_slice %arg6[%dma_start3A_24] : memref<256xi32, #tpu.memory_space<vmem>> -> memref<64xi32, #tpu.memory_space<vmem>>
    %dma_start3A_26 = tpu.memref_slice %arg2[%add3A_23] : memref<8192xi32, #tpu.memory_space<hbm>> -> memref<64xi32, #tpu.memory_space<hbm>>
    %dma_start3A_27 = arith.constant 128 : i32
    %dma_start3A_28 = tpu.memref_slice %arg6[%dma_start3A_27] : memref<256xi32, #tpu.memory_space<vmem>> -> memref<64xi32, #tpu.memory_space<vmem>>
    %dma_start3A_29 = tpu.memref_slice %arg2[%add3A_23] : memref<8192xi32, #tpu.memory_space<hbm>> -> memref<64xi32, #tpu.memory_space<hbm>>
    tpu.enqueue_dma source(%dma_start3A_29 : memref<64xi32, #tpu.memory_space<hbm>>) target(%dma_start3A_28 : memref<64xi32, #tpu.memory_space<vmem>>) target_semaphore(%arg11 : memref<!tpu.dma_semaphore, #tpu.memory_space<semaphore_mem>>)
    %add3A_30 = arith.constant 6144 : i32
    %add3A_31 = arith.addi %add3A_30, %mul3A_2 : i32
    %dma_start3A_32 = arith.constant 192 : i32
    %dma_start3A_33 = tpu.memref_slice %arg6[%dma_start3A_32] : memref<256xi32, #tpu.memory_space<vmem>> -> memref<64xi32, #tpu.memory_space<vmem>>
    %dma_start3A_34 = tpu.memref_slice %arg2[%add3A_31] : memref<8192xi32, #tpu.memory_space<hbm>> -> memref<64xi32, #tpu.memory_space<hbm>>
    %dma_start3A_35 = arith.constant 192 : i32
    %dma_start3A_36 = tpu.memref_slice %arg6[%dma_start3A_35] : memref<256xi32, #tpu.memory_space<vmem>> -> memref<64xi32, #tpu.memory_space<vmem>>
    %dma_start3A_37 = tpu.memref_slice %arg2[%add3A_31] : memref<8192xi32, #tpu.memory_space<hbm>> -> memref<64xi32, #tpu.memory_space<hbm>>
    tpu.enqueue_dma source(%dma_start3A_37 : memref<64xi32, #tpu.memory_space<hbm>>) target(%dma_start3A_36 : memref<64xi32, #tpu.memory_space<vmem>>) target_semaphore(%arg11 : memref<!tpu.dma_semaphore, #tpu.memory_space<semaphore_mem>>)
    %dma_wait3A = arith.constant 0 : i32
    %dma_wait3A_38 = tpu.memref_slice %arg6[%dma_wait3A] : memref<256xi32, #tpu.memory_space<vmem>> -> memref<64xi32, #tpu.memory_space<vmem>>
    %dma_wait3A_39 = tpu.memref_slice %arg2[%add3A_7] : memref<8192xi32, #tpu.memory_space<hbm>> -> memref<64xi32, #tpu.memory_space<hbm>>
    %dma_wait3A_40 = arith.constant 0 : i32
    %dma_wait3A_41 = tpu.memref_slice %arg6[%dma_wait3A_40] : memref<256xi32, #tpu.memory_space<vmem>> -> memref<64xi32, #tpu.memory_space<vmem>>
    %dma_wait3A_42 = tpu.memref_slice %arg2[%add3A_7] : memref<8192xi32, #tpu.memory_space<hbm>> -> memref<64xi32, #tpu.memory_space<hbm>>
    tpu.wait_dma2 semaphore(%arg11 : memref<!tpu.dma_semaphore, #tpu.memory_space<semaphore_mem>>) src(%dma_wait3A_42 : memref<64xi32, #tpu.memory_space<hbm>>) dst(%dma_wait3A_41 : memref<64xi32, #tpu.memory_space<vmem>>)
    %dma_wait3A_43 = arith.constant 64 : i32
    %dma_wait3A_44 = tpu.memref_slice %arg6[%dma_wait3A_43] : memref<256xi32, #tpu.memory_space<vmem>> -> memref<64xi32, #tpu.memory_space<vmem>>
    %dma_wait3A_45 = tpu.memref_slice %arg2[%add3A_15] : memref<8192xi32, #tpu.memory_space<hbm>> -> memref<64xi32, #tpu.memory_space<hbm>>
    %dma_wait3A_46 = arith.constant 64 : i32
    %dma_wait3A_47 = tpu.memref_slice %arg6[%dma_wait3A_46] : memref<256xi32, #tpu.memory_space<vmem>> -> memref<64xi32, #tpu.memory_space<vmem>>
    %dma_wait3A_48 = tpu.memref_slice %arg2[%add3A_15] : memref<8192xi32, #tpu.memory_space<hbm>> -> memref<64xi32, #tpu.memory_space<hbm>>
    tpu.wait_dma2 semaphore(%arg11 : memref<!tpu.dma_semaphore, #tpu.memory_space<semaphore_mem>>) src(%dma_wait3A_48 : memref<64xi32, #tpu.memory_space<hbm>>) dst(%dma_wait3A_47 : memref<64xi32, #tpu.memory_space<vmem>>)
    %dma_wait3A_49 = arith.constant 128 : i32
    %dma_wait3A_50 = tpu.memref_slice %arg6[%dma_wait3A_49] : memref<256xi32, #tpu.memory_space<vmem>> -> memref<64xi32, #tpu.memory_space<vmem>>
    %dma_wait3A_51 = tpu.memref_slice %arg2[%add3A_23] : memref<8192xi32, #tpu.memory_space<hbm>> -> memref<64xi32, #tpu.memory_space<hbm>>
    %dma_wait3A_52 = arith.constant 128 : i32
    %dma_wait3A_53 = tpu.memref_slice %arg6[%dma_wait3A_52] : memref<256xi32, #tpu.memory_space<vmem>> -> memref<64xi32, #tpu.memory_space<vmem>>
    %dma_wait3A_54 = tpu.memref_slice %arg2[%add3A_23] : memref<8192xi32, #tpu.memory_space<hbm>> -> memref<64xi32, #tpu.memory_space<hbm>>
    tpu.wait_dma2 semaphore(%arg11 : memref<!tpu.dma_semaphore, #tpu.memory_space<semaphore_mem>>) src(%dma_wait3A_54 : memref<64xi32, #tpu.memory_space<hbm>>) dst(%dma_wait3A_53 : memref<64xi32, #tpu.memory_space<vmem>>)
    %dma_wait3A_55 = arith.constant 192 : i32
    %dma_wait3A_56 = tpu.memref_slice %arg6[%dma_wait3A_55] : memref<256xi32, #tpu.memory_space<vmem>> -> memref<64xi32, #tpu.memory_space<vmem>>
    %dma_wait3A_57 = tpu.memref_slice %arg2[%add3A_31] : memref<8192xi32, #tpu.memory_space<hbm>> -> memref<64xi32, #tpu.memory_space<hbm>>
    %dma_wait3A_58 = arith.constant 192 : i32
    %dma_wait3A_59 = tpu.memref_slice %arg6[%dma_wait3A_58] : memref<256xi32, #tpu.memory_space<vmem>> -> memref<64xi32, #tpu.memory_space<vmem>>
    %dma_wait3A_60 = tpu.memref_slice %arg2[%add3A_31] : memref<8192xi32, #tpu.memory_space<hbm>> -> memref<64xi32, #tpu.memory_space<hbm>>
    tpu.wait_dma2 semaphore(%arg11 : memref<!tpu.dma_semaphore, #tpu.memory_space<semaphore_mem>>) src(%dma_wait3A_60 : memref<64xi32, #tpu.memory_space<hbm>>) dst(%dma_wait3A_59 : memref<64xi32, #tpu.memory_space<vmem>>)
    %iota3A = tpu.iota {dimensions = array<i32: 0>} : vector<16xi32>
    %lt3A = arith.constant 8 : i32
    %lt3A_61 = vector.broadcast %lt3A : i32 to vector<16xi32>
    %lt3A_62 = arith.cmpi slt, %iota3A, %lt3A_61 : vector<16xi32>
    %get3A = arith.constant 0 : index
    %get3A_63 = tpu.vector_load %arg6[%get3A] {strides = array<i32>} : memref<256xi32, #tpu.memory_space<vmem>>, vector<16xi32>,
    %get3A_64 = vector.shape_cast %get3A_63 : vector<16xi32> to vector<16xi32>
    %get3A_65 = arith.constant 56 : index
    %get3A_66 = tpu.vector_load %arg6[%get3A_65] {strides = array<i32>} : memref<256xi32, #tpu.memory_space<vmem>>, vector<16xi32>,
    %get3A_67 = vector.shape_cast %get3A_66 : vector<16xi32> to vector<16xi32>
    %select_n3A = arith.select %lt3A_62, %get3A_64, %get3A_67 : vector<16xi1>, vector<16xi32>
    %swap3A = arith.constant 0 : index
    %swap3A_68 = tpu.vector_load %arg7[%swap3A] {strides = array<i32>} : memref<256xi32, #tpu.memory_space<vmem>>, vector<16xi32>,
    %swap3A_69 = vector.shape_cast %swap3A_68 : vector<16xi32> to vector<16xi32>
    %swap3A_70 = vector.shape_cast %select_n3A : vector<16xi32> to vector<16xi32>
    tpu.vector_store %arg7[%swap3A], %swap3A_70 {strides = array<i32>} : memref<256xi32, #tpu.memory_space<vmem>>, vector<16xi32>,
    %get3A_71 = arith.constant 128 : index
    %get3A_72 = tpu.vector_load %arg6[%get3A_71] {strides = array<i32>} : memref<256xi32, #tpu.memory_space<vmem>>, vector<16xi32>,
    %get3A_73 = vector.shape_cast %get3A_72 : vector<16xi32> to vector<16xi32>
    %get3A_74 = arith.constant 184 : index
    %get3A_75 = tpu.vector_load %arg6[%get3A_74] {strides = array<i32>} : memref<256xi32, #tpu.memory_space<vmem>>, vector<16xi32>,
    %get3A_76 = vector.shape_cast %get3A_75 : vector<16xi32> to vector<16xi32>
    %select_n3A_77 = arith.select %lt3A_62, %get3A_73, %get3A_76 : vector<16xi1>, vector<16xi32>
    %swap3A_78 = arith.constant 16 : index
    %swap3A_79 = tpu.vector_load %arg7[%swap3A_78] {strides = array<i32>} : memref<256xi32, #tpu.memory_space<vmem>>, vector<16xi32>,
    %swap3A_80 = vector.shape_cast %swap3A_79 : vector<16xi32> to vector<16xi32>
    %swap3A_81 = vector.shape_cast %select_n3A_77 : vector<16xi32> to vector<16xi32>
    tpu.vector_store %arg7[%swap3A_78], %swap3A_81 {strides = array<i32>} : memref<256xi32, #tpu.memory_space<vmem>>, vector<16xi32>,
    %get3A_82 = arith.constant 8 : index
    %get3A_83 = tpu.vector_load %arg6[%get3A_82] {strides = array<i32>} : memref<256xi32, #tpu.memory_space<vmem>>, vector<16xi32>,
    %get3A_84 = vector.shape_cast %get3A_83 : vector<16xi32> to vector<16xi32>
    %get3A_85 = arith.constant 64 : index
    %get3A_86 = tpu.vector_load %arg6[%get3A_85] {strides = array<i32>} : memref<256xi32, #tpu.memory_space<vmem>>, vector<16xi32>,
    %get3A_87 = vector.shape_cast %get3A_86 : vector<16xi32> to vector<16xi32>
    %select_n3A_88 = arith.select %lt3A_62, %get3A_84, %get3A_87 : vector<16xi1>, vector<16xi32>
    %swap3A_89 = arith.constant 32 : index
    %swap3A_90 = tpu.vector_load %arg7[%swap3A_89] {strides = array<i32>} : memref<256xi32, #tpu.memory_space<vmem>>, vector<16xi32>,
    %swap3A_91 = vector.shape_cast %swap3A_90 : vector<16xi32> to vector<16xi32>
    %swap3A_92 = vector.shape_cast %select_n3A_88 : vector<16xi32> to vector<16xi32>
    tpu.vector_store %arg7[%swap3A_89], %swap3A_92 {strides = array<i32>} : memref<256xi32, #tpu.memory_space<vmem>>, vector<16xi32>,
    %get3A_93 = arith.constant 136 : index
    %get3A_94 = tpu.vector_load %arg6[%get3A_93] {strides = array<i32>} : memref<256xi32, #tpu.memory_space<vmem>>, vector<16xi32>,
    %get3A_95 = vector.shape_cast %get3A_94 : vector<16xi32> to vector<16xi32>
    %get3A_96 = arith.constant 192 : index
    %get3A_97 = tpu.vector_load %arg6[%get3A_96] {strides = array<i32>} : memref<256xi32, #tpu.memory_space<vmem>>, vector<16xi32>,
    %get3A_98 = vector.shape_cast %get3A_97 : vector<16xi32> to vector<16xi32>
    %select_n3A_99 = arith.select %lt3A_62, %get3A_95, %get3A_98 : vector<16xi1>, vector<16xi32>
    %swap3A_100 = arith.constant 48 : index
    %swap3A_101 = tpu.vector_load %arg7[%swap3A_100] {strides = array<i32>} : memref<256xi32, #tpu.memory_space<vmem>>, vector<16xi32>,
    %swap3A_102 = vector.shape_cast %swap3A_101 : vector<16xi32> to vector<16xi32>
    %swap3A_103 = vector.shape_cast %select_n3A_99 : vector<16xi32> to vector<16xi32>
    tpu.vector_store %arg7[%swap3A_100], %swap3A_103 {strides = array<i32>} : memref<256xi32, #tpu.memory_space<vmem>>, vector<16xi32>,
    %get3A_104 = arith.constant 16 : index
    %get3A_105 = tpu.vector_load %arg6[%get3A_104] {strides = array<i32>} : memref<256xi32, #tpu.memory_space<vmem>>, vector<16xi32>,
    %get3A_106 = vector.shape_cast %get3A_105 : vector<16xi32> to vector<16xi32>
    %get3A_107 = arith.constant 72 : index
    %get3A_108 = tpu.vector_load %arg6[%get3A_107] {strides = array<i32>} : memref<256xi32, #tpu.memory_space<vmem>>, vector<16xi32>,
    %get3A_109 = vector.shape_cast %get3A_108 : vector<16xi32> to vector<16xi32>
    %select_n3A_110 = arith.select %lt3A_62, %get3A_106, %get3A_109 : vector<16xi1>, vector<16xi32>
    %swap3A_111 = arith.constant 64 : index
    %swap3A_112 = tpu.vector_load %arg7[%swap3A_111] {strides = array<i32>} : memref<256xi32, #tpu.memory_space<vmem>>, vector<16xi32>,
    %swap3A_113 = vector.shape_cast %swap3A_112 : vector<16xi32> to vector<16xi32>
    %swap3A_114 = vector.shape_cast %select_n3A_110 : vector<16xi32> to vector<16xi32>
    tpu.vector_store %arg7[%swap3A_111], %swap3A_114 {strides = array<i32>} : memref<256xi32, #tpu.memory_space<vmem>>, vector<16xi32>,
    %get3A_115 = arith.constant 144 : index
    %get3A_116 = tpu.vector_load %arg6[%get3A_115] {strides = array<i32>} : memref<256xi32, #tpu.memory_space<vmem>>, vector<16xi32>,
    %get3A_117 = vector.shape_cast %get3A_116 : vector<16xi32> to vector<16xi32>
    %get3A_118 = arith.constant 200 : index
    %get3A_119 = tpu.vector_load %arg6[%get3A_118] {strides = array<i32>} : memref<256xi32, #tpu.memory_space<vmem>>, vector<16xi32>,
    %get3A_120 = vector.shape_cast %get3A_119 : vector<16xi32> to vector<16xi32>
    %select_n3A_121 = arith.select %lt3A_62, %get3A_117, %get3A_120 : vector<16xi1>, vector<16xi32>
    %swap3A_122 = arith.constant 80 : index
    %swap3A_123 = tpu.vector_load %arg7[%swap3A_122] {strides = array<i32>} : memref<256xi32, #tpu.memory_space<vmem>>, vector<16xi32>,
    %swap3A_124 = vector.shape_cast %swap3A_123 : vector<16xi32> to vector<16xi32>
    %swap3A_125 = vector.shape_cast %select_n3A_121 : vector<16xi32> to vector<16xi32>
    tpu.vector_store %arg7[%swap3A_122], %swap3A_125 {strides = array<i32>} : memref<256xi32, #tpu.memory_space<vmem>>, vector<16xi32>,
    %get3A_126 = arith.constant 24 : index
    %get3A_127 = tpu.vector_load %arg6[%get3A_126] {strides = array<i32>} : memref<256xi32, #tpu.memory_space<vmem>>, vector<16xi32>,
    %get3A_128 = vector.shape_cast %get3A_127 : vector<16xi32> to vector<16xi32>
    %get3A_129 = arith.constant 80 : index
    %get3A_130 = tpu.vector_load %arg6[%get3A_129] {strides = array<i32>} : memref<256xi32, #tpu.memory_space<vmem>>, vector<16xi32>,
    %get3A_131 = vector.shape_cast %get3A_130 : vector<16xi32> to vector<16xi32>
    %select_n3A_132 = arith.select %lt3A_62, %get3A_128, %get3A_131 : vector<16xi1>, vector<16xi32>
    %swap3A_133 = arith.constant 96 : index
    %swap3A_134 = tpu.vector_load %arg7[%swap3A_133] {strides = array<i32>} : memref<256xi32, #tpu.memory_space<vmem>>, vector<16xi32>,
    %swap3A_135 = vector.shape_cast %swap3A_134 : vector<16xi32> to vector<16xi32>
    %swap3A_136 = vector.shape_cast %select_n3A_132 : vector<16xi32> to vector<16xi32>
    tpu.vector_store %arg7[%swap3A_133], %swap3A_136 {strides = array<i32>} : memref<256xi32, #tpu.memory_space<vmem>>, vector<16xi32>,
    %get3A_137 = arith.constant 152 : index
    %get3A_138 = tpu.vector_load %arg6[%get3A_137] {strides = array<i32>} : memref<256xi32, #tpu.memory_space<vmem>>, vector<16xi32>,
    %get3A_139 = vector.shape_cast %get3A_138 : vector<16xi32> to vector<16xi32>
    %get3A_140 = arith.constant 208 : index
    %get3A_141 = tpu.vector_load %arg6[%get3A_140] {strides = array<i32>} : memref<256xi32, #tpu.memory_space<vmem>>, vector<16xi32>,
    %get3A_142 = vector.shape_cast %get3A_141 : vector<16xi32> to vector<16xi32>
    %select_n3A_143 = arith.select %lt3A_62, %get3A_139, %get3A_142 : vector<16xi1>, vector<16xi32>
    %swap3A_144 = arith.constant 112 : index
    %swap3A_145 = tpu.vector_load %arg7[%swap3A_144] {strides = array<i32>} : memref<256xi32, #tpu.memory_space<vmem>>, vector<16xi32>,
    %swap3A_146 = vector.shape_cast %swap3A_145 : vector<16xi32> to vector<16xi32>
    %swap3A_147 = vector.shape_cast %select_n3A_143 : vector<16xi32> to vector<16xi32>
    tpu.vector_store %arg7[%swap3A_144], %swap3A_147 {strides = array<i32>} : memref<256xi32, #tpu.memory_space<vmem>>, vector<16xi32>,
    %get3A_148 = arith.constant 32 : index
    %get3A_149 = tpu.vector_load %arg6[%get3A_148] {strides = array<i32>} : memref<256xi32, #tpu.memory_space<vmem>>, vector<16xi32>,
    %get3A_150 = vector.shape_cast %get3A_149 : vector<16xi32> to vector<16xi32>
    %get3A_151 = arith.constant 88 : index
    %get3A_152 = tpu.vector_load %arg6[%get3A_151] {strides = array<i32>} : memref<256xi32, #tpu.memory_space<vmem>>, vector<16xi32>,
    %get3A_153 = vector.shape_cast %get3A_152 : vector<16xi32> to vector<16xi32>
    %select_n3A_154 = arith.select %lt3A_62, %get3A_150, %get3A_153 : vector<16xi1>, vector<16xi32>
    %swap3A_155 = arith.constant 128 : index
    %swap3A_156 = tpu.vector_load %arg7[%swap3A_155] {strides = array<i32>} : memref<256xi32, #tpu.memory_space<vmem>>, vector<16xi32>,
    %swap3A_157 = vector.shape_cast %swap3A_156 : vector<16xi32> to vector<16xi32>
    %swap3A_158 = vector.shape_cast %select_n3A_154 : vector<16xi32> to vector<16xi32>
    tpu.vector_store %arg7[%swap3A_155], %swap3A_158 {strides = array<i32>} : memref<256xi32, #tpu.memory_space<vmem>>, vector<16xi32>,
    %get3A_159 = arith.constant 160 : index
    %get3A_160 = tpu.vector_load %arg6[%get3A_159] {strides = array<i32>} : memref<256xi32, #tpu.memory_space<vmem>>, vector<16xi32>,
    %get3A_161 = vector.shape_cast %get3A_160 : vector<16xi32> to vector<16xi32>
    %get3A_162 = arith.constant 216 : index
    %get3A_163 = tpu.vector_load %arg6[%get3A_162] {strides = array<i32>} : memref<256xi32, #tpu.memory_space<vmem>>, vector<16xi32>,
    %get3A_164 = vector.shape_cast %get3A_163 : vector<16xi32> to vector<16xi32>
    %select_n3A_165 = arith.select %lt3A_62, %get3A_161, %get3A_164 : vector<16xi1>, vector<16xi32>
    %swap3A_166 = arith.constant 144 : index
    %swap3A_167 = tpu.vector_load %arg7[%swap3A_166] {strides = array<i32>} : memref<256xi32, #tpu.memory_space<vmem>>, vector<16xi32>,
    %swap3A_168 = vector.shape_cast %swap3A_167 : vector<16xi32> to vector<16xi32>
    %swap3A_169 = vector.shape_cast %select_n3A_165 : vector<16xi32> to vector<16xi32>
    tpu.vector_store %arg7[%swap3A_166], %swap3A_169 {strides = array<i32>} : memref<256xi32, #tpu.memory_space<vmem>>, vector<16xi32>,
    %get3A_170 = arith.constant 40 : index
    %get3A_171 = tpu.vector_load %arg6[%get3A_170] {strides = array<i32>} : memref<256xi32, #tpu.memory_space<vmem>>, vector<16xi32>,
    %get3A_172 = vector.shape_cast %get3A_171 : vector<16xi32> to vector<16xi32>
    %get3A_173 = arith.constant 96 : index
    %get3A_174 = tpu.vector_load %arg6[%get3A_173] {strides = array<i32>} : memref<256xi32, #tpu.memory_space<vmem>>, vector<16xi32>,
    %get3A_175 = vector.shape_cast %get3A_174 : vector<16xi32> to vector<16xi32>
    %select_n3A_176 = arith.select %lt3A_62, %get3A_172, %get3A_175 : vector<16xi1>, vector<16xi32>
    %swap3A_177 = arith.constant 160 : index
    %swap3A_178 = tpu.vector_load %arg7[%swap3A_177] {strides = array<i32>} : memref<256xi32, #tpu.memory_space<vmem>>, vector<16xi32>,
    %swap3A_179 = vector.shape_cast %swap3A_178 : vector<16xi32> to vector<16xi32>
    %swap3A_180 = vector.shape_cast %select_n3A_176 : vector<16xi32> to vector<16xi32>
    tpu.vector_store %arg7[%swap3A_177], %swap3A_180 {strides = array<i32>} : memref<256xi32, #tpu.memory_space<vmem>>, vector<16xi32>,
    %get3A_181 = arith.constant 168 : index
    %get3A_182 = tpu.vector_load %arg6[%get3A_181] {strides = array<i32>} : memref<256xi32, #tpu.memory_space<vmem>>, vector<16xi32>,
    %get3A_183 = vector.shape_cast %get3A_182 : vector<16xi32> to vector<16xi32>
    %get3A_184 = arith.constant 224 : index
    %get3A_185 = tpu.vector_load %arg6[%get3A_184] {strides = array<i32>} : memref<256xi32, #tpu.memory_space<vmem>>, vector<16xi32>,
    %get3A_186 = vector.shape_cast %get3A_185 : vector<16xi32> to vector<16xi32>
    %select_n3A_187 = arith.select %lt3A_62, %get3A_183, %get3A_186 : vector<16xi1>, vector<16xi32>
    %swap3A_188 = arith.constant 176 : index
    %swap3A_189 = tpu.vector_load %arg7[%swap3A_188] {strides = array<i32>} : memref<256xi32, #tpu.memory_space<vmem>>, vector<16xi32>,
    %swap3A_190 = vector.shape_cast %swap3A_189 : vector<16xi32> to vector<16xi32>
    %swap3A_191 = vector.shape_cast %select_n3A_187 : vector<16xi32> to vector<16xi32>
    tpu.vector_store %arg7[%swap3A_188], %swap3A_191 {strides = array<i32>} : memref<256xi32, #tpu.memory_space<vmem>>, vector<16xi32>,
    %get3A_192 = arith.constant 48 : index
    %get3A_193 = tpu.vector_load %arg6[%get3A_192] {strides = array<i32>} : memref<256xi32, #tpu.memory_space<vmem>>, vector<16xi32>,
    %get3A_194 = vector.shape_cast %get3A_193 : vector<16xi32> to vector<16xi32>
    %get3A_195 = arith.constant 104 : index
    %get3A_196 = tpu.vector_load %arg6[%get3A_195] {strides = array<i32>} : memref<256xi32, #tpu.memory_space<vmem>>, vector<16xi32>,
    %get3A_197 = vector.shape_cast %get3A_196 : vector<16xi32> to vector<16xi32>
    %select_n3A_198 = arith.select %lt3A_62, %get3A_194, %get3A_197 : vector<16xi1>, vector<16xi32>
    %swap3A_199 = arith.constant 192 : index
    %swap3A_200 = tpu.vector_load %arg7[%swap3A_199] {strides = array<i32>} : memref<256xi32, #tpu.memory_space<vmem>>, vector<16xi32>,
    %swap3A_201 = vector.shape_cast %swap3A_200 : vector<16xi32> to vector<16xi32>
    %swap3A_202 = vector.shape_cast %select_n3A_198 : vector<16xi32> to vector<16xi32>
    tpu.vector_store %arg7[%swap3A_199], %swap3A_202 {strides = array<i32>} : memref<256xi32, #tpu.memory_space<vmem>>, vector<16xi32>,
    %get3A_203 = arith.constant 176 : index
    %get3A_204 = tpu.vector_load %arg6[%get3A_203] {strides = array<i32>} : memref<256xi32, #tpu.memory_space<vmem>>, vector<16xi32>,
    %get3A_205 = vector.shape_cast %get3A_204 : vector<16xi32> to vector<16xi32>
    %get3A_206 = arith.constant 232 : index
    %get3A_207 = tpu.vector_load %arg6[%get3A_206] {strides = array<i32>} : memref<256xi32, #tpu.memory_space<vmem>>, vector<16xi32>,
    %get3A_208 = vector.shape_cast %get3A_207 : vector<16xi32> to vector<16xi32>
    %select_n3A_209 = arith.select %lt3A_62, %get3A_205, %get3A_208 : vector<16xi1>, vector<16xi32>
    %swap3A_210 = arith.constant 208 : index
    %swap3A_211 = tpu.vector_load %arg7[%swap3A_210] {strides = array<i32>} : memref<256xi32, #tpu.memory_space<vmem>>, vector<16xi32>,
    %swap3A_212 = vector.shape_cast %swap3A_211 : vector<16xi32> to vector<16xi32>
    %swap3A_213 = vector.shape_cast %select_n3A_209 : vector<16xi32> to vector<16xi32>
    tpu.vector_store %arg7[%swap3A_210], %swap3A_213 {strides = array<i32>} : memref<256xi32, #tpu.memory_space<vmem>>, vector<16xi32>,
    %get3A_214 = arith.constant 56 : index
    %get3A_215 = tpu.vector_load %arg6[%get3A_214] {strides = array<i32>} : memref<256xi32, #tpu.memory_space<vmem>>, vector<16xi32>,
    %get3A_216 = vector.shape_cast %get3A_215 : vector<16xi32> to vector<16xi32>
    %get3A_217 = arith.constant 112 : index
    %get3A_218 = tpu.vector_load %arg6[%get3A_217] {strides = array<i32>} : memref<256xi32, #tpu.memory_space<vmem>>, vector<16xi32>,
    %get3A_219 = vector.shape_cast %get3A_218 : vector<16xi32> to vector<16xi32>
    %select_n3A_220 = arith.select %lt3A_62, %get3A_216, %get3A_219 : vector<16xi1>, vector<16xi32>
    %swap3A_221 = arith.constant 224 : index
    %swap3A_222 = tpu.vector_load %arg7[%swap3A_221] {strides = array<i32>} : memref<256xi32, #tpu.memory_space<vmem>>, vector<16xi32>,
    %swap3A_223 = vector.shape_cast %swap3A_222 : vector<16xi32> to vector<16xi32>
    %swap3A_224 = vector.shape_cast %select_n3A_220 : vector<16xi32> to vector<16xi32>
    tpu.vector_store %arg7[%swap3A_221], %swap3A_224 {strides = array<i32>} : memref<256xi32, #tpu.memory_space<vmem>>, vector<16xi32>,
    %get3A_225 = arith.constant 184 : index
    %get3A_226 = tpu.vector_load %arg6[%get3A_225] {strides = array<i32>} : memref<256xi32, #tpu.memory_space<vmem>>, vector<16xi32>,
    %get3A_227 = vector.shape_cast %get3A_226 : vector<16xi32> to vector<16xi32>
    %get3A_228 = arith.constant 240 : index
    %get3A_229 = tpu.vector_load %arg6[%get3A_228] {strides = array<i32>} : memref<256xi32, #tpu.memory_space<vmem>>, vector<16xi32>,
    %get3A_230 = vector.shape_cast %get3A_229 : vector<16xi32> to vector<16xi32>
    %select_n3A_231 = arith.select %lt3A_62, %get3A_227, %get3A_230 : vector<16xi1>, vector<16xi32>
    %swap3A_232 = arith.constant 240 : index
    %swap3A_233 = tpu.vector_load %arg7[%swap3A_232] {strides = array<i32>} : memref<256xi32, #tpu.memory_space<vmem>>, vector<16xi32>,
    %swap3A_234 = vector.shape_cast %swap3A_233 : vector<16xi32> to vector<16xi32>
    %swap3A_235 = vector.shape_cast %select_n3A_231 : vector<16xi32> to vector<16xi32>
    tpu.vector_store %arg7[%swap3A_232], %swap3A_235 {strides = array<i32>} : memref<256xi32, #tpu.memory_space<vmem>>, vector<16xi32>,
    %dma_start3A_236 = arith.constant 0 : i32
    %dma_start3A_237 = arith.constant 0 : i32
    %dma_start3A_238 = arith.constant 0 : i32
    %dma_start3A_239 = tpu.memref_slice %arg8[%dma_start3A_236, %dma_start3A_237, %dma_start3A_238] : memref<3x32x768xf32, #tpu.memory_space<vmem>> -> memref<1x32x768xf32, #tpu.memory_space<vmem>>
    %dma_start3A_240 = tpu.memref_squeeze %dma_start3A_239 : memref<1x32x768xf32, #tpu.memory_space<vmem>> -> memref<32x768xf32, #tpu.memory_space<vmem>>
    %dma_start3A_241 = arith.constant 0 : i32
    %dma_start3A_242 = tpu.memref_slice %arg7[%dma_start3A_241] : memref<256xi32, #tpu.memory_space<vmem>> -> memref<32xi32, #tpu.memory_space<vmem>>
    %dma_start3A_243 = arith.constant 0 : i32
    %dma_start3A_244 = arith.constant 0 : i32
    %dma_start3A_245 = tpu.memref_slice %arg3[%dma_start3A_243, %dma_start3A_244] : memref<100000x768xf32, #tpu.memory_space<hbm>> -> memref<100000x768xf32, #tpu.memory_space<hbm>>
    tpu.enqueue_indirect_dma source(%dma_start3A_245 : memref<100000x768xf32, #tpu.memory_space<hbm>>) target(%dma_start3A_240 : memref<32x768xf32, #tpu.memory_space<vmem>>) offsets(%dma_start3A_242 : memref<32xi32, #tpu.memory_space<vmem>>) semaphore(%arg12 : memref<!tpu.dma_semaphore, #tpu.memory_space<semaphore_mem>>)
    %dma_start3A_246 = arith.constant 1 : i32
    %dma_start3A_247 = arith.constant 0 : i32
    %dma_start3A_248 = arith.constant 0 : i32
    %dma_start3A_249 = tpu.memref_slice %arg8[%dma_start3A_246, %dma_start3A_247, %dma_start3A_248] : memref<3x32x768xf32, #tpu.memory_space<vmem>> -> memref<1x32x768xf32, #tpu.memory_space<vmem>>
    %dma_start3A_250 = tpu.memref_squeeze %dma_start3A_249 : memref<1x32x768xf32, #tpu.memory_space<vmem>> -> memref<32x768xf32, #tpu.memory_space<vmem>>
    %dma_start3A_251 = arith.constant 32 : i32
    %dma_start3A_252 = tpu.memref_slice %arg7[%dma_start3A_251] : memref<256xi32, #tpu.memory_space<vmem>> -> memref<32xi32, #tpu.memory_space<vmem>>
    %dma_start3A_253 = arith.constant 0 : i32
    %dma_start3A_254 = arith.constant 0 : i32
    %dma_start3A_255 = tpu.memref_slice %arg3[%dma_start3A_253, %dma_start3A_254] : memref<100000x768xf32, #tpu.memory_space<hbm>> -> memref<100000x768xf32, #tpu.memory_space<hbm>>
    tpu.enqueue_indirect_dma source(%dma_start3A_255 : memref<100000x768xf32, #tpu.memory_space<hbm>>) target(%dma_start3A_250 : memref<32x768xf32, #tpu.memory_space<vmem>>) offsets(%dma_start3A_252 : memref<32xi32, #tpu.memory_space<vmem>>) semaphore(%arg13 : memref<!tpu.dma_semaphore, #tpu.memory_space<semaphore_mem>>)
    %dma_start3A_256 = arith.constant 2 : i32
    %dma_start3A_257 = arith.constant 0 : i32
    %dma_start3A_258 = arith.constant 0 : i32
    %dma_start3A_259 = tpu.memref_slice %arg8[%dma_start3A_256, %dma_start3A_257, %dma_start3A_258] : memref<3x32x768xf32, #tpu.memory_space<vmem>> -> memref<1x32x768xf32, #tpu.memory_space<vmem>>
    %dma_start3A_260 = tpu.memref_squeeze %dma_start3A_259 : memref<1x32x768xf32, #tpu.memory_space<vmem>> -> memref<32x768xf32, #tpu.memory_space<vmem>>
    %dma_start3A_261 = arith.constant 64 : i32
    %dma_start3A_262 = tpu.memref_slice %arg7[%dma_start3A_261] : memref<256xi32, #tpu.memory_space<vmem>> -> memref<32xi32, #tpu.memory_space<vmem>>
    %dma_start3A_263 = arith.constant 0 : i32
    %dma_start3A_264 = arith.constant 0 : i32
    %dma_start3A_265 = tpu.memref_slice %arg3[%dma_start3A_263, %dma_start3A_264] : memref<100000x768xf32, #tpu.memory_space<hbm>> -> memref<100000x768xf32, #tpu.memory_space<hbm>>
    tpu.enqueue_indirect_dma source(%dma_start3A_265 : memref<100000x768xf32, #tpu.memory_space<hbm>>) target(%dma_start3A_260 : memref<32x768xf32, #tpu.memory_space<vmem>>) offsets(%dma_start3A_262 : memref<32xi32, #tpu.memory_space<vmem>>) semaphore(%arg14 : memref<!tpu.dma_semaphore, #tpu.memory_space<semaphore_mem>>)
    %dma_wait3A_266 = arith.constant 0 : i32
    %dma_wait3A_267 = tpu.memref_slice %arg4[%mul3A_2, %dma_wait3A_266] : memref<2048x768xf32, #tpu.memory_space<hbm>> -> memref<64x768xf32, #tpu.memory_space<hbm>>
    %dma_wait3A_268 = arith.constant 0 : i32
    %dma_wait3A_269 = tpu.memref_slice %arg4[%mul3A_2, %dma_wait3A_268] : memref<2048x768xf32, #tpu.memory_space<hbm>> -> memref<64x768xf32, #tpu.memory_space<hbm>>
    tpu.wait_dma2 semaphore(%arg10 : memref<!tpu.dma_semaphore, #tpu.memory_space<semaphore_mem>>) src(%dma_wait3A_269 : memref<64x768xf32, #tpu.memory_space<hbm>>) dst(%arg9 : memref<64x768xf32, #tpu.memory_space<vmem>>)
    %dma_wait3A_270 = arith.constant 0 : i32
    %dma_wait3A_271 = arith.constant 0 : i32
    %dma_wait3A_272 = arith.constant 0 : i32
    %dma_wait3A_273 = tpu.memref_slice %arg8[%dma_wait3A_270, %dma_wait3A_271, %dma_wait3A_272] : memref<3x32x768xf32, #tpu.memory_space<vmem>> -> memref<1x32x768xf32, #tpu.memory_space<vmem>>
    %dma_wait3A_274 = tpu.memref_squeeze %dma_wait3A_273 : memref<1x32x768xf32, #tpu.memory_space<vmem>> -> memref<32x768xf32, #tpu.memory_space<vmem>>
    %dma_wait3A_275 = arith.constant 0 : i32
    %dma_wait3A_276 = tpu.memref_slice %arg7[%dma_wait3A_275] : memref<256xi32, #tpu.memory_space<vmem>> -> memref<32xi32, #tpu.memory_space<vmem>>
    %dma_wait3A_277 = arith.constant 0 : i32
    %dma_wait3A_278 = arith.constant 0 : i32
    %dma_wait3A_279 = tpu.memref_slice %arg3[%dma_wait3A_277, %dma_wait3A_278] : memref<100000x768xf32, #tpu.memory_space<hbm>> -> memref<100000x768xf32, #tpu.memory_space<hbm>>
    tpu.wait_indirect_dma semaphore(%arg12 : memref<!tpu.dma_semaphore, #tpu.memory_space<semaphore_mem>>) src(%dma_wait3A_279 : memref<100000x768xf32, #tpu.memory_space<hbm>>) dst(%dma_wait3A_274 : memref<32x768xf32, #tpu.memory_space<vmem>>)
    %parallel_loop3A = arith.constant 0 : i32
    %parallel_loop3A_280 = arith.constant 384 : i32
    %parallel_loop3A_281 = arith.constant 1 : i32
    %parallel_loop3A_282 = arith.constant 0 : i32
    scf.for %parallel_loop3A_1775 = %parallel_loop3A to %parallel_loop3A_280 step %parallel_loop3A_281  : i32 {
      %parallel_loop3A_1776 = arith.constant 8 : i32
      %parallel_loop3A_1777 = arith.divsi %parallel_loop3A_1775, %parallel_loop3A_1776 : i32
      %parallel_loop3A_1778 = arith.constant 0 : i32
      %parallel_loop3A_1779 = arith.cmpi sgt, %parallel_loop3A_1775, %parallel_loop3A_1778 : i32
      %parallel_loop3A_1780 = arith.extui %parallel_loop3A_1779 : i1 to i32
      %parallel_loop3A_1781 = arith.constant 0 : i32
      %parallel_loop3A_1782 = arith.cmpi slt, %parallel_loop3A_1775, %parallel_loop3A_1781 : i32
      %parallel_loop3A_1783 = arith.extui %parallel_loop3A_1782 : i1 to i32
      %parallel_loop3A_1784 = arith.subi %parallel_loop3A_1780, %parallel_loop3A_1783 : i32
      %parallel_loop3A_1785 = arith.constant 0 : i32
      %parallel_loop3A_1786 = arith.cmpi sgt, %parallel_loop3A_1776, %parallel_loop3A_1785 : i32
      %parallel_loop3A_1787 = arith.extui %parallel_loop3A_1786 : i1 to i32
      %parallel_loop3A_1788 = arith.constant 0 : i32
      %parallel_loop3A_1789 = arith.cmpi slt, %parallel_loop3A_1776, %parallel_loop3A_1788 : i32
      %parallel_loop3A_1790 = arith.extui %parallel_loop3A_1789 : i1 to i32
      %parallel_loop3A_1791 = arith.subi %parallel_loop3A_1787, %parallel_loop3A_1790 : i32
      %parallel_loop3A_1792 = arith.cmpi ne, %parallel_loop3A_1784, %parallel_loop3A_1791 : i32
      %parallel_loop3A_1793 = arith.remsi %parallel_loop3A_1775, %parallel_loop3A_1776 : i32
      %parallel_loop3A_1794 = arith.constant 0 : i32
      %parallel_loop3A_1795 = arith.cmpi ne, %parallel_loop3A_1793, %parallel_loop3A_1794 : i32
      %parallel_loop3A_1796 = arith.andi %parallel_loop3A_1792, %parallel_loop3A_1795 : i1
      %parallel_loop3A_1797 = arith.constant 1 : i32
      %parallel_loop3A_1798 = arith.subi %parallel_loop3A_1777, %parallel_loop3A_1797 : i32
      %parallel_loop3A_1799 = arith.select %parallel_loop3A_1796, %parallel_loop3A_1798, %parallel_loop3A_1777 : i32
      %parallel_loop3A_1800 = arith.constant 8 : i32
      %parallel_loop3A_1801 = arith.remsi %parallel_loop3A_1775, %parallel_loop3A_1800 : i32
      %parallel_loop3A_1802 = arith.constant 16 : i32
      %parallel_loop3A_1803 = arith.muli %parallel_loop3A_1799, %parallel_loop3A_1802 : i32
      %parallel_loop3A_1804 = arith.constant 0 : i32
      %parallel_loop3A_1805 = arith.addi %parallel_loop3A_1804, %parallel_loop3A_1801 : i32
      %parallel_loop3A_1806 = arith.index_cast %parallel_loop3A_1805 : i32 to index
      %parallel_loop3A_1807 = arith.index_cast %parallel_loop3A_1803 : i32 to index
      %parallel_loop3A_1808 = tpu.vector_load %arg9[%parallel_loop3A_1806, %parallel_loop3A_1807] {strides = array<i32>} : memref<64x768xf32, #tpu.memory_space<vmem>>, vector<1x16xf32>,
      %parallel_loop3A_1809 = vector.shape_cast %parallel_loop3A_1808 : vector<1x16xf32> to vector<16xf32>
      %parallel_loop3A_1810 = arith.constant 0 : i32
      %parallel_loop3A_1811 = arith.addi %parallel_loop3A_1810, %parallel_loop3A_1801 : i32
      %parallel_loop3A_1812 = arith.constant 0 : i32
      %parallel_loop3A_1813 = arith.constant 0 : i32
      %parallel_loop3A_1814 = tpu.memref_slice %arg8[%parallel_loop3A_282, %parallel_loop3A_1812, %parallel_loop3A_1813] : memref<3x32x768xf32, #tpu.memory_space<vmem>> -> memref<1x32x768xf32, #tpu.memory_space<vmem>>
      %parallel_loop3A_1815 = tpu.memref_squeeze %parallel_loop3A_1814 : memref<1x32x768xf32, #tpu.memory_space<vmem>> -> memref<32x768xf32, #tpu.memory_space<vmem>>
      %parallel_loop3A_1816 = arith.index_cast %parallel_loop3A_1811 : i32 to index
      %parallel_loop3A_1817 = arith.index_cast %parallel_loop3A_1803 : i32 to index
      %parallel_loop3A_1818 = tpu.vector_load %parallel_loop3A_1815[%parallel_loop3A_1816, %parallel_loop3A_1817] {strides = array<i32>} : memref<32x768xf32, #tpu.memory_space<vmem>>, vector<1x16xf32>,
      %parallel_loop3A_1819 = vector.shape_cast %parallel_loop3A_1818 : vector<1x16xf32> to vector<16xf32>
      %parallel_loop3A_1820 = arith.constant 27.7128124 : f32
      %parallel_loop3A_1821 = vector.broadcast %parallel_loop3A_1820 : f32 to vector<16xf32>
      %parallel_loop3A_1822 = arith.mulf %parallel_loop3A_1819, %parallel_loop3A_1821 : vector<16xf32>
      %parallel_loop3A_1823 = arith.addf %parallel_loop3A_1822, %parallel_loop3A_1809 : vector<16xf32>
      %parallel_loop3A_1824 = arith.constant 0 : i32
      %parallel_loop3A_1825 = arith.addi %parallel_loop3A_1824, %parallel_loop3A_1801 : i32
      %parallel_loop3A_1826 = arith.constant 0 : i32
      %parallel_loop3A_1827 = arith.constant 0 : i32
      %parallel_loop3A_1828 = tpu.memref_slice %arg8[%parallel_loop3A_282, %parallel_loop3A_1826, %parallel_loop3A_1827] : memref<3x32x768xf32, #tpu.memory_space<vmem>> -> memref<1x32x768xf32, #tpu.memory_space<vmem>>
      %parallel_loop3A_1829 = tpu.memref_squeeze %parallel_loop3A_1828 : memref<1x32x768xf32, #tpu.memory_space<vmem>> -> memref<32x768xf32, #tpu.memory_space<vmem>>
      %parallel_loop3A_1830 = arith.index_cast %parallel_loop3A_1825 : i32 to index
      %parallel_loop3A_1831 = arith.index_cast %parallel_loop3A_1803 : i32 to index
      %parallel_loop3A_1832 = tpu.vector_load %parallel_loop3A_1829[%parallel_loop3A_1830, %parallel_loop3A_1831] {strides = array<i32>} : memref<32x768xf32, #tpu.memory_space<vmem>>, vector<1x16xf32>,
      %parallel_loop3A_1833 = vector.shape_cast %parallel_loop3A_1832 : vector<1x16xf32> to vector<16xf32>
      %parallel_loop3A_1834 = vector.shape_cast %parallel_loop3A_1823 : vector<16xf32> to vector<1x16xf32>
      tpu.vector_store %parallel_loop3A_1829[%parallel_loop3A_1830, %parallel_loop3A_1831], %parallel_loop3A_1834 {strides = array<i32>} : memref<32x768xf32, #tpu.memory_space<vmem>>, vector<1x16xf32>,
      %parallel_loop3A_1835 = arith.constant 8 : i32
      %parallel_loop3A_1836 = arith.addi %parallel_loop3A_1835, %parallel_loop3A_1801 : i32
      %parallel_loop3A_1837 = arith.constant 0 : i32
      %parallel_loop3A_1838 = arith.constant 0 : i32
      %parallel_loop3A_1839 = tpu.memref_slice %arg8[%parallel_loop3A_282, %parallel_loop3A_1837, %parallel_loop3A_1838] : memref<3x32x768xf32, #tpu.memory_space<vmem>> -> memref<1x32x768xf32, #tpu.memory_space<vmem>>
      %parallel_loop3A_1840 = tpu.memref_squeeze %parallel_loop3A_1839 : memref<1x32x768xf32, #tpu.memory_space<vmem>> -> memref<32x768xf32, #tpu.memory_space<vmem>>
      %parallel_loop3A_1841 = arith.index_cast %parallel_loop3A_1836 : i32 to index
      %parallel_loop3A_1842 = arith.index_cast %parallel_loop3A_1803 : i32 to index
      %parallel_loop3A_1843 = tpu.vector_load %parallel_loop3A_1840[%parallel_loop3A_1841, %parallel_loop3A_1842] {strides = array<i32>} : memref<32x768xf32, #tpu.memory_space<vmem>>, vector<1x16xf32>,
      %parallel_loop3A_1844 = vector.shape_cast %parallel_loop3A_1843 : vector<1x16xf32> to vector<16xf32>
      %parallel_loop3A_1845 = arith.constant 27.7128124 : f32
      %parallel_loop3A_1846 = vector.broadcast %parallel_loop3A_1845 : f32 to vector<16xf32>
      %parallel_loop3A_1847 = arith.mulf %parallel_loop3A_1844, %parallel_loop3A_1846 : vector<16xf32>
      %parallel_loop3A_1848 = arith.addf %parallel_loop3A_1847, %parallel_loop3A_1809 : vector<16xf32>
      %parallel_loop3A_1849 = arith.constant 8 : i32
      %parallel_loop3A_1850 = arith.addi %parallel_loop3A_1849, %parallel_loop3A_1801 : i32
      %parallel_loop3A_1851 = arith.constant 0 : i32
      %parallel_loop3A_1852 = arith.constant 0 : i32
      %parallel_loop3A_1853 = tpu.memref_slice %arg8[%parallel_loop3A_282, %parallel_loop3A_1851, %parallel_loop3A_1852] : memref<3x32x768xf32, #tpu.memory_space<vmem>> -> memref<1x32x768xf32, #tpu.memory_space<vmem>>
      %parallel_loop3A_1854 = tpu.memref_squeeze %parallel_loop3A_1853 : memref<1x32x768xf32, #tpu.memory_space<vmem>> -> memref<32x768xf32, #tpu.memory_space<vmem>>
      %parallel_loop3A_1855 = arith.index_cast %parallel_loop3A_1850 : i32 to index
      %parallel_loop3A_1856 = arith.index_cast %parallel_loop3A_1803 : i32 to index
      %parallel_loop3A_1857 = tpu.vector_load %parallel_loop3A_1854[%parallel_loop3A_1855, %parallel_loop3A_1856] {strides = array<i32>} : memref<32x768xf32, #tpu.memory_space<vmem>>, vector<1x16xf32>,
      %parallel_loop3A_1858 = vector.shape_cast %parallel_loop3A_1857 : vector<1x16xf32> to vector<16xf32>
      %parallel_loop3A_1859 = vector.shape_cast %parallel_loop3A_1848 : vector<16xf32> to vector<1x16xf32>
      tpu.vector_store %parallel_loop3A_1854[%parallel_loop3A_1855, %parallel_loop3A_1856], %parallel_loop3A_1859 {strides = array<i32>} : memref<32x768xf32, #tpu.memory_space<vmem>>, vector<1x16xf32>,
      %parallel_loop3A_1860 = arith.constant 16 : i32
      %parallel_loop3A_1861 = arith.addi %parallel_loop3A_1860, %parallel_loop3A_1801 : i32
      %parallel_loop3A_1862 = arith.constant 0 : i32
      %parallel_loop3A_1863 = arith.constant 0 : i32
      %parallel_loop3A_1864 = tpu.memref_slice %arg8[%parallel_loop3A_282, %parallel_loop3A_1862, %parallel_loop3A_1863] : memref<3x32x768xf32, #tpu.memory_space<vmem>> -> memref<1x32x768xf32, #tpu.memory_space<vmem>>
      %parallel_loop3A_1865 = tpu.memref_squeeze %parallel_loop3A_1864 : memref<1x32x768xf32, #tpu.memory_space<vmem>> -> memref<32x768xf32, #tpu.memory_space<vmem>>
      %parallel_loop3A_1866 = arith.index_cast %parallel_loop3A_1861 : i32 to index
      %parallel_loop3A_1867 = arith.index_cast %parallel_loop3A_1803 : i32 to index
      %parallel_loop3A_1868 = tpu.vector_load %parallel_loop3A_1865[%parallel_loop3A_1866, %parallel_loop3A_1867] {strides = array<i32>} : memref<32x768xf32, #tpu.memory_space<vmem>>, vector<1x16xf32>,
      %parallel_loop3A_1869 = vector.shape_cast %parallel_loop3A_1868 : vector<1x16xf32> to vector<16xf32>
      %parallel_loop3A_1870 = arith.constant 27.7128124 : f32
      %parallel_loop3A_1871 = vector.broadcast %parallel_loop3A_1870 : f32 to vector<16xf32>
      %parallel_loop3A_1872 = arith.mulf %parallel_loop3A_1869, %parallel_loop3A_1871 : vector<16xf32>
      %parallel_loop3A_1873 = arith.addf %parallel_loop3A_1872, %parallel_loop3A_1809 : vector<16xf32>
      %parallel_loop3A_1874 = arith.constant 16 : i32
      %parallel_loop3A_1875 = arith.addi %parallel_loop3A_1874, %parallel_loop3A_1801 : i32
      %parallel_loop3A_1876 = arith.constant 0 : i32
      %parallel_loop3A_1877 = arith.constant 0 : i32
      %parallel_loop3A_1878 = tpu.memref_slice %arg8[%parallel_loop3A_282, %parallel_loop3A_1876, %parallel_loop3A_1877] : memref<3x32x768xf32, #tpu.memory_space<vmem>> -> memref<1x32x768xf32, #tpu.memory_space<vmem>>
      %parallel_loop3A_1879 = tpu.memref_squeeze %parallel_loop3A_1878 : memref<1x32x768xf32, #tpu.memory_space<vmem>> -> memref<32x768xf32, #tpu.memory_space<vmem>>
      %parallel_loop3A_1880 = arith.index_cast %parallel_loop3A_1875 : i32 to index
      %parallel_loop3A_1881 = arith.index_cast %parallel_loop3A_1803 : i32 to index
      %parallel_loop3A_1882 = tpu.vector_load %parallel_loop3A_1879[%parallel_loop3A_1880, %parallel_loop3A_1881] {strides = array<i32>} : memref<32x768xf32, #tpu.memory_space<vmem>>, vector<1x16xf32>,
      %parallel_loop3A_1883 = vector.shape_cast %parallel_loop3A_1882 : vector<1x16xf32> to vector<16xf32>
      %parallel_loop3A_1884 = vector.shape_cast %parallel_loop3A_1873 : vector<16xf32> to vector<1x16xf32>
      tpu.vector_store %parallel_loop3A_1879[%parallel_loop3A_1880, %parallel_loop3A_1881], %parallel_loop3A_1884 {strides = array<i32>} : memref<32x768xf32, #tpu.memory_space<vmem>>, vector<1x16xf32>,
      %parallel_loop3A_1885 = arith.constant 24 : i32
      %parallel_loop3A_1886 = arith.addi %parallel_loop3A_1885, %parallel_loop3A_1801 : i32
      %parallel_loop3A_1887 = arith.constant 0 : i32
      %parallel_loop3A_1888 = arith.constant 0 : i32
      %parallel_loop3A_1889 = tpu.memref_slice %arg8[%parallel_loop3A_282, %parallel_loop3A_1887, %parallel_loop3A_1888] : memref<3x32x768xf32, #tpu.memory_space<vmem>> -> memref<1x32x768xf32, #tpu.memory_space<vmem>>
      %parallel_loop3A_1890 = tpu.memref_squeeze %parallel_loop3A_1889 : memref<1x32x768xf32, #tpu.memory_space<vmem>> -> memref<32x768xf32, #tpu.memory_space<vmem>>
      %parallel_loop3A_1891 = arith.index_cast %parallel_loop3A_1886 : i32 to index
      %parallel_loop3A_1892 = arith.index_cast %parallel_loop3A_1803 : i32 to index
      %parallel_loop3A_1893 = tpu.vector_load %parallel_loop3A_1890[%parallel_loop3A_1891, %parallel_loop3A_1892] {strides = array<i32>} : memref<32x768xf32, #tpu.memory_space<vmem>>, vector<1x16xf32>,
      %parallel_loop3A_1894 = vector.shape_cast %parallel_loop3A_1893 : vector<1x16xf32> to vector<16xf32>
      %parallel_loop3A_1895 = arith.constant 27.7128124 : f32
      %parallel_loop3A_1896 = vector.broadcast %parallel_loop3A_1895 : f32 to vector<16xf32>
      %parallel_loop3A_1897 = arith.mulf %parallel_loop3A_1894, %parallel_loop3A_1896 : vector<16xf32>
      %parallel_loop3A_1898 = arith.addf %parallel_loop3A_1897, %parallel_loop3A_1809 : vector<16xf32>
      %parallel_loop3A_1899 = arith.constant 24 : i32
      %parallel_loop3A_1900 = arith.addi %parallel_loop3A_1899, %parallel_loop3A_1801 : i32
      %parallel_loop3A_1901 = arith.constant 0 : i32
      %parallel_loop3A_1902 = arith.constant 0 : i32
      %parallel_loop3A_1903 = tpu.memref_slice %arg8[%parallel_loop3A_282, %parallel_loop3A_1901, %parallel_loop3A_1902] : memref<3x32x768xf32, #tpu.memory_space<vmem>> -> memref<1x32x768xf32, #tpu.memory_space<vmem>>
      %parallel_loop3A_1904 = tpu.memref_squeeze %parallel_loop3A_1903 : memref<1x32x768xf32, #tpu.memory_space<vmem>> -> memref<32x768xf32, #tpu.memory_space<vmem>>
      %parallel_loop3A_1905 = arith.index_cast %parallel_loop3A_1900 : i32 to index
      %parallel_loop3A_1906 = arith.index_cast %parallel_loop3A_1803 : i32 to index
      %parallel_loop3A_1907 = tpu.vector_load %parallel_loop3A_1904[%parallel_loop3A_1905, %parallel_loop3A_1906] {strides = array<i32>} : memref<32x768xf32, #tpu.memory_space<vmem>>, vector<1x16xf32>,
      %parallel_loop3A_1908 = vector.shape_cast %parallel_loop3A_1907 : vector<1x16xf32> to vector<16xf32>
      %parallel_loop3A_1909 = vector.shape_cast %parallel_loop3A_1898 : vector<16xf32> to vector<1x16xf32>
      tpu.vector_store %parallel_loop3A_1904[%parallel_loop3A_1905, %parallel_loop3A_1906], %parallel_loop3A_1909 {strides = array<i32>} : memref<32x768xf32, #tpu.memory_space<vmem>>, vector<1x16xf32>,
    } {sc.loop_unroll_factor = 4 : i64, sc.parallel_access}
    %add3A_283 = arith.constant 0 : i32
    %add3A_284 = arith.addi %add3A_283, %mul3A_2 : i32
    %add3A_285 = arith.constant 0 : i32
    %add3A_286 = arith.addi %add3A_284, %add3A_285 : i32
    %dma_start3A_287 = arith.constant 0 : i32
    %dma_start3A_288 = arith.constant 0 : i32
    %dma_start3A_289 = arith.constant 0 : i32
    %dma_start3A_290 = tpu.memref_slice %arg8[%dma_start3A_287, %dma_start3A_288, %dma_start3A_289] : memref<3x32x768xf32, #tpu.memory_space<vmem>> -> memref<1x32x768xf32, #tpu.memory_space<vmem>>
    %dma_start3A_291 = tpu.memref_squeeze %dma_start3A_290 : memref<1x32x768xf32, #tpu.memory_space<vmem>> -> memref<32x768xf32, #tpu.memory_space<vmem>>
    %dma_start3A_292 = arith.constant 0 : i32
    %dma_start3A_293 = arith.constant 0 : i32
    %dma_start3A_294 = tpu.memref_slice %dma_start3A_291[%dma_start3A_292, %dma_start3A_293] : memref<32x768xf32, #tpu.memory_space<vmem>> -> memref<8x768xf32, #tpu.memory_space<vmem>>
    %dma_start3A_295 = arith.constant 0 : i32
    %dma_start3A_296 = tpu.memref_slice %arg5[%add3A_286, %dma_start3A_295] : memref<8192x768xf32, #tpu.memory_space<hbm>> -> memref<8x768xf32, #tpu.memory_space<hbm>>
    %dma_start3A_297 = arith.constant 0 : i32
    %dma_start3A_298 = tpu.memref_slice %arg5[%add3A_286, %dma_start3A_297] : memref<8192x768xf32, #tpu.memory_space<hbm>> -> memref<8x768xf32, #tpu.memory_space<hbm>>
    %dma_start3A_299 = arith.constant 0 : i32
    %dma_start3A_300 = arith.constant 0 : i32
    %dma_start3A_301 = tpu.memref_slice %arg8[%dma_start3A_287, %dma_start3A_299, %dma_start3A_300] : memref<3x32x768xf32, #tpu.memory_space<vmem>> -> memref<1x32x768xf32, #tpu.memory_space<vmem>>
    %dma_start3A_302 = tpu.memref_squeeze %dma_start3A_301 : memref<1x32x768xf32, #tpu.memory_space<vmem>> -> memref<32x768xf32, #tpu.memory_space<vmem>>
    %dma_start3A_303 = arith.constant 0 : i32
    %dma_start3A_304 = arith.constant 0 : i32
    %dma_start3A_305 = tpu.memref_slice %dma_start3A_302[%dma_start3A_303, %dma_start3A_304] : memref<32x768xf32, #tpu.memory_space<vmem>> -> memref<8x768xf32, #tpu.memory_space<vmem>>
    tpu.enqueue_dma source(%dma_start3A_305 : memref<8x768xf32, #tpu.memory_space<vmem>>) target(%dma_start3A_298 : memref<8x768xf32, #tpu.memory_space<hbm>>) target_semaphore(%arg15 : memref<!tpu.dma_semaphore, #tpu.memory_space<semaphore_mem>>)
    %add3A_306 = arith.constant 2048 : i32
    %add3A_307 = arith.addi %add3A_306, %mul3A_2 : i32
    %add3A_308 = arith.constant 0 : i32
    %add3A_309 = arith.addi %add3A_307, %add3A_308 : i32
    %dma_start3A_310 = arith.constant 0 : i32
    %dma_start3A_311 = arith.constant 0 : i32
    %dma_start3A_312 = arith.constant 0 : i32
    %dma_start3A_313 = tpu.memref_slice %arg8[%dma_start3A_310, %dma_start3A_311, %dma_start3A_312] : memref<3x32x768xf32, #tpu.memory_space<vmem>> -> memref<1x32x768xf32, #tpu.memory_space<vmem>>
    %dma_start3A_314 = tpu.memref_squeeze %dma_start3A_313 : memref<1x32x768xf32, #tpu.memory_space<vmem>> -> memref<32x768xf32, #tpu.memory_space<vmem>>
    %dma_start3A_315 = arith.constant 8 : i32
    %dma_start3A_316 = arith.constant 0 : i32
    %dma_start3A_317 = tpu.memref_slice %dma_start3A_314[%dma_start3A_315, %dma_start3A_316] : memref<32x768xf32, #tpu.memory_space<vmem>> -> memref<8x768xf32, #tpu.memory_space<vmem>>
    %dma_start3A_318 = arith.constant 0 : i32
    %dma_start3A_319 = tpu.memref_slice %arg5[%add3A_309, %dma_start3A_318] : memref<8192x768xf32, #tpu.memory_space<hbm>> -> memref<8x768xf32, #tpu.memory_space<hbm>>
    %dma_start3A_320 = arith.constant 0 : i32
    %dma_start3A_321 = tpu.memref_slice %arg5[%add3A_309, %dma_start3A_320] : memref<8192x768xf32, #tpu.memory_space<hbm>> -> memref<8x768xf32, #tpu.memory_space<hbm>>
    %dma_start3A_322 = arith.constant 0 : i32
    %dma_start3A_323 = arith.constant 0 : i32
    %dma_start3A_324 = tpu.memref_slice %arg8[%dma_start3A_310, %dma_start3A_322, %dma_start3A_323] : memref<3x32x768xf32, #tpu.memory_space<vmem>> -> memref<1x32x768xf32, #tpu.memory_space<vmem>>
    %dma_start3A_325 = tpu.memref_squeeze %dma_start3A_324 : memref<1x32x768xf32, #tpu.memory_space<vmem>> -> memref<32x768xf32, #tpu.memory_space<vmem>>
    %dma_start3A_326 = arith.constant 8 : i32
    %dma_start3A_327 = arith.constant 0 : i32
    %dma_start3A_328 = tpu.memref_slice %dma_start3A_325[%dma_start3A_326, %dma_start3A_327] : memref<32x768xf32, #tpu.memory_space<vmem>> -> memref<8x768xf32, #tpu.memory_space<vmem>>
    tpu.enqueue_dma source(%dma_start3A_328 : memref<8x768xf32, #tpu.memory_space<vmem>>) target(%dma_start3A_321 : memref<8x768xf32, #tpu.memory_space<hbm>>) target_semaphore(%arg15 : memref<!tpu.dma_semaphore, #tpu.memory_space<semaphore_mem>>)
    %add3A_329 = arith.constant 4096 : i32
    %add3A_330 = arith.addi %add3A_329, %mul3A_2 : i32
    %add3A_331 = arith.constant 0 : i32
    %add3A_332 = arith.addi %add3A_330, %add3A_331 : i32
    %dma_start3A_333 = arith.constant 0 : i32
    %dma_start3A_334 = arith.constant 0 : i32
    %dma_start3A_335 = arith.constant 0 : i32
    %dma_start3A_336 = tpu.memref_slice %arg8[%dma_start3A_333, %dma_start3A_334, %dma_start3A_335] : memref<3x32x768xf32, #tpu.memory_space<vmem>> -> memref<1x32x768xf32, #tpu.memory_space<vmem>>
    %dma_start3A_337 = tpu.memref_squeeze %dma_start3A_336 : memref<1x32x768xf32, #tpu.memory_space<vmem>> -> memref<32x768xf32, #tpu.memory_space<vmem>>
    %dma_start3A_338 = arith.constant 16 : i32
    %dma_start3A_339 = arith.constant 0 : i32
    %dma_start3A_340 = tpu.memref_slice %dma_start3A_337[%dma_start3A_338, %dma_start3A_339] : memref<32x768xf32, #tpu.memory_space<vmem>> -> memref<8x768xf32, #tpu.memory_space<vmem>>
    %dma_start3A_341 = arith.constant 0 : i32
    %dma_start3A_342 = tpu.memref_slice %arg5[%add3A_332, %dma_start3A_341] : memref<8192x768xf32, #tpu.memory_space<hbm>> -> memref<8x768xf32, #tpu.memory_space<hbm>>
    %dma_start3A_343 = arith.constant 0 : i32
    %dma_start3A_344 = tpu.memref_slice %arg5[%add3A_332, %dma_start3A_343] : memref<8192x768xf32, #tpu.memory_space<hbm>> -> memref<8x768xf32, #tpu.memory_space<hbm>>
    %dma_start3A_345 = arith.constant 0 : i32
    %dma_start3A_346 = arith.constant 0 : i32
    %dma_start3A_347 = tpu.memref_slice %arg8[%dma_start3A_333, %dma_start3A_345, %dma_start3A_346] : memref<3x32x768xf32, #tpu.memory_space<vmem>> -> memref<1x32x768xf32, #tpu.memory_space<vmem>>
    %dma_start3A_348 = tpu.memref_squeeze %dma_start3A_347 : memref<1x32x768xf32, #tpu.memory_space<vmem>> -> memref<32x768xf32, #tpu.memory_space<vmem>>
    %dma_start3A_349 = arith.constant 16 : i32
    %dma_start3A_350 = arith.constant 0 : i32
    %dma_start3A_351 = tpu.memref_slice %dma_start3A_348[%dma_start3A_349, %dma_start3A_350] : memref<32x768xf32, #tpu.memory_space<vmem>> -> memref<8x768xf32, #tpu.memory_space<vmem>>
    tpu.enqueue_dma source(%dma_start3A_351 : memref<8x768xf32, #tpu.memory_space<vmem>>) target(%dma_start3A_344 : memref<8x768xf32, #tpu.memory_space<hbm>>) target_semaphore(%arg15 : memref<!tpu.dma_semaphore, #tpu.memory_space<semaphore_mem>>)
    %add3A_352 = arith.constant 6144 : i32
    %add3A_353 = arith.addi %add3A_352, %mul3A_2 : i32
    %add3A_354 = arith.constant 0 : i32
    %add3A_355 = arith.addi %add3A_353, %add3A_354 : i32
    %dma_start3A_356 = arith.constant 0 : i32
    %dma_start3A_357 = arith.constant 0 : i32
    %dma_start3A_358 = arith.constant 0 : i32
    %dma_start3A_359 = tpu.memref_slice %arg8[%dma_start3A_356, %dma_start3A_357, %dma_start3A_358] : memref<3x32x768xf32, #tpu.memory_space<vmem>> -> memref<1x32x768xf32, #tpu.memory_space<vmem>>
    %dma_start3A_360 = tpu.memref_squeeze %dma_start3A_359 : memref<1x32x768xf32, #tpu.memory_space<vmem>> -> memref<32x768xf32, #tpu.memory_space<vmem>>
    %dma_start3A_361 = arith.constant 24 : i32
    %dma_start3A_362 = arith.constant 0 : i32
    %dma_start3A_363 = tpu.memref_slice %dma_start3A_360[%dma_start3A_361, %dma_start3A_362] : memref<32x768xf32, #tpu.memory_space<vmem>> -> memref<8x768xf32, #tpu.memory_space<vmem>>
    %dma_start3A_364 = arith.constant 0 : i32
    %dma_start3A_365 = tpu.memref_slice %arg5[%add3A_355, %dma_start3A_364] : memref<8192x768xf32, #tpu.memory_space<hbm>> -> memref<8x768xf32, #tpu.memory_space<hbm>>
    %dma_start3A_366 = arith.constant 0 : i32
    %dma_start3A_367 = tpu.memref_slice %arg5[%add3A_355, %dma_start3A_366] : memref<8192x768xf32, #tpu.memory_space<hbm>> -> memref<8x768xf32, #tpu.memory_space<hbm>>
    %dma_start3A_368 = arith.constant 0 : i32
    %dma_start3A_369 = arith.constant 0 : i32
    %dma_start3A_370 = tpu.memref_slice %arg8[%dma_start3A_356, %dma_start3A_368, %dma_start3A_369] : memref<3x32x768xf32, #tpu.memory_space<vmem>> -> memref<1x32x768xf32, #tpu.memory_space<vmem>>
    %dma_start3A_371 = tpu.memref_squeeze %dma_start3A_370 : memref<1x32x768xf32, #tpu.memory_space<vmem>> -> memref<32x768xf32, #tpu.memory_space<vmem>>
    %dma_start3A_372 = arith.constant 24 : i32
    %dma_start3A_373 = arith.constant 0 : i32
    %dma_start3A_374 = tpu.memref_slice %dma_start3A_371[%dma_start3A_372, %dma_start3A_373] : memref<32x768xf32, #tpu.memory_space<vmem>> -> memref<8x768xf32, #tpu.memory_space<vmem>>
    tpu.enqueue_dma source(%dma_start3A_374 : memref<8x768xf32, #tpu.memory_space<vmem>>) target(%dma_start3A_367 : memref<8x768xf32, #tpu.memory_space<hbm>>) target_semaphore(%arg15 : memref<!tpu.dma_semaphore, #tpu.memory_space<semaphore_mem>>)
    %dma_wait3A_375 = arith.constant 0 : i32
    %dma_wait3A_376 = arith.constant 0 : i32
    %dma_wait3A_377 = arith.constant 0 : i32
    %dma_wait3A_378 = tpu.memref_slice %arg8[%dma_wait3A_375, %dma_wait3A_376, %dma_wait3A_377] : memref<3x32x768xf32, #tpu.memory_space<vmem>> -> memref<1x32x768xf32, #tpu.memory_space<vmem>>
    %dma_wait3A_379 = tpu.memref_squeeze %dma_wait3A_378 : memref<1x32x768xf32, #tpu.memory_space<vmem>> -> memref<32x768xf32, #tpu.memory_space<vmem>>
    %dma_wait3A_380 = arith.constant 0 : i32
    %dma_wait3A_381 = arith.constant 0 : i32
    %dma_wait3A_382 = tpu.memref_slice %dma_wait3A_379[%dma_wait3A_380, %dma_wait3A_381] : memref<32x768xf32, #tpu.memory_space<vmem>> -> memref<8x768xf32, #tpu.memory_space<vmem>>
    %dma_wait3A_383 = arith.constant 0 : i32
    %dma_wait3A_384 = tpu.memref_slice %arg5[%add3A_286, %dma_wait3A_383] : memref<8192x768xf32, #tpu.memory_space<hbm>> -> memref<8x768xf32, #tpu.memory_space<hbm>>
    %dma_wait3A_385 = arith.constant 0 : i32
    %dma_wait3A_386 = tpu.memref_slice %arg5[%add3A_286, %dma_wait3A_385] : memref<8192x768xf32, #tpu.memory_space<hbm>> -> memref<8x768xf32, #tpu.memory_space<hbm>>
    %dma_wait3A_387 = arith.constant 0 : i32
    %dma_wait3A_388 = arith.constant 0 : i32
    %dma_wait3A_389 = tpu.memref_slice %arg8[%dma_wait3A_375, %dma_wait3A_387, %dma_wait3A_388] : memref<3x32x768xf32, #tpu.memory_space<vmem>> -> memref<1x32x768xf32, #tpu.memory_space<vmem>>
    %dma_wait3A_390 = tpu.memref_squeeze %dma_wait3A_389 : memref<1x32x768xf32, #tpu.memory_space<vmem>> -> memref<32x768xf32, #tpu.memory_space<vmem>>
    %dma_wait3A_391 = arith.constant 0 : i32
    %dma_wait3A_392 = arith.constant 0 : i32
    %dma_wait3A_393 = tpu.memref_slice %dma_wait3A_390[%dma_wait3A_391, %dma_wait3A_392] : memref<32x768xf32, #tpu.memory_space<vmem>> -> memref<8x768xf32, #tpu.memory_space<vmem>>
    tpu.wait_dma2 semaphore(%arg15 : memref<!tpu.dma_semaphore, #tpu.memory_space<semaphore_mem>>) src(%dma_wait3A_393 : memref<8x768xf32, #tpu.memory_space<vmem>>) dst(%dma_wait3A_386 : memref<8x768xf32, #tpu.memory_space<hbm>>)
    %dma_wait3A_394 = arith.constant 0 : i32
    %dma_wait3A_395 = arith.constant 0 : i32
    %dma_wait3A_396 = arith.constant 0 : i32
    %dma_wait3A_397 = tpu.memref_slice %arg8[%dma_wait3A_394, %dma_wait3A_395, %dma_wait3A_396] : memref<3x32x768xf32, #tpu.memory_space<vmem>> -> memref<1x32x768xf32, #tpu.memory_space<vmem>>
    %dma_wait3A_398 = tpu.memref_squeeze %dma_wait3A_397 : memref<1x32x768xf32, #tpu.memory_space<vmem>> -> memref<32x768xf32, #tpu.memory_space<vmem>>
    %dma_wait3A_399 = arith.constant 8 : i32
    %dma_wait3A_400 = arith.constant 0 : i32
    %dma_wait3A_401 = tpu.memref_slice %dma_wait3A_398[%dma_wait3A_399, %dma_wait3A_400] : memref<32x768xf32, #tpu.memory_space<vmem>> -> memref<8x768xf32, #tpu.memory_space<vmem>>
    %dma_wait3A_402 = arith.constant 0 : i32
    %dma_wait3A_403 = tpu.memref_slice %arg5[%add3A_309, %dma_wait3A_402] : memref<8192x768xf32, #tpu.memory_space<hbm>> -> memref<8x768xf32, #tpu.memory_space<hbm>>
    %dma_wait3A_404 = arith.constant 0 : i32
    %dma_wait3A_405 = tpu.memref_slice %arg5[%add3A_309, %dma_wait3A_404] : memref<8192x768xf32, #tpu.memory_space<hbm>> -> memref<8x768xf32, #tpu.memory_space<hbm>>
    %dma_wait3A_406 = arith.constant 0 : i32
    %dma_wait3A_407 = arith.constant 0 : i32
    %dma_wait3A_408 = tpu.memref_slice %arg8[%dma_wait3A_394, %dma_wait3A_406, %dma_wait3A_407] : memref<3x32x768xf32, #tpu.memory_space<vmem>> -> memref<1x32x768xf32, #tpu.memory_space<vmem>>
    %dma_wait3A_409 = tpu.memref_squeeze %dma_wait3A_408 : memref<1x32x768xf32, #tpu.memory_space<vmem>> -> memref<32x768xf32, #tpu.memory_space<vmem>>
    %dma_wait3A_410 = arith.constant 8 : i32
    %dma_wait3A_411 = arith.constant 0 : i32
    %dma_wait3A_412 = tpu.memref_slice %dma_wait3A_409[%dma_wait3A_410, %dma_wait3A_411] : memref<32x768xf32, #tpu.memory_space<vmem>> -> memref<8x768xf32, #tpu.memory_space<vmem>>
    tpu.wait_dma2 semaphore(%arg15 : memref<!tpu.dma_semaphore, #tpu.memory_space<semaphore_mem>>) src(%dma_wait3A_412 : memref<8x768xf32, #tpu.memory_space<vmem>>) dst(%dma_wait3A_405 : memref<8x768xf32, #tpu.memory_space<hbm>>)
    %dma_wait3A_413 = arith.constant 0 : i32
    %dma_wait3A_414 = arith.constant 0 : i32
    %dma_wait3A_415 = arith.constant 0 : i32
    %dma_wait3A_416 = tpu.memref_slice %arg8[%dma_wait3A_413, %dma_wait3A_414, %dma_wait3A_415] : memref<3x32x768xf32, #tpu.memory_space<vmem>> -> memref<1x32x768xf32, #tpu.memory_space<vmem>>
    %dma_wait3A_417 = tpu.memref_squeeze %dma_wait3A_416 : memref<1x32x768xf32, #tpu.memory_space<vmem>> -> memref<32x768xf32, #tpu.memory_space<vmem>>
    %dma_wait3A_418 = arith.constant 16 : i32
    %dma_wait3A_419 = arith.constant 0 : i32
    %dma_wait3A_420 = tpu.memref_slice %dma_wait3A_417[%dma_wait3A_418, %dma_wait3A_419] : memref<32x768xf32, #tpu.memory_space<vmem>> -> memref<8x768xf32, #tpu.memory_space<vmem>>
    %dma_wait3A_421 = arith.constant 0 : i32
    %dma_wait3A_422 = tpu.memref_slice %arg5[%add3A_332, %dma_wait3A_421] : memref<8192x768xf32, #tpu.memory_space<hbm>> -> memref<8x768xf32, #tpu.memory_space<hbm>>
    %dma_wait3A_423 = arith.constant 0 : i32
    %dma_wait3A_424 = tpu.memref_slice %arg5[%add3A_332, %dma_wait3A_423] : memref<8192x768xf32, #tpu.memory_space<hbm>> -> memref<8x768xf32, #tpu.memory_space<hbm>>
    %dma_wait3A_425 = arith.constant 0 : i32
    %dma_wait3A_426 = arith.constant 0 : i32
    %dma_wait3A_427 = tpu.memref_slice %arg8[%dma_wait3A_413, %dma_wait3A_425, %dma_wait3A_426] : memref<3x32x768xf32, #tpu.memory_space<vmem>> -> memref<1x32x768xf32, #tpu.memory_space<vmem>>
    %dma_wait3A_428 = tpu.memref_squeeze %dma_wait3A_427 : memref<1x32x768xf32, #tpu.memory_space<vmem>> -> memref<32x768xf32, #tpu.memory_space<vmem>>
    %dma_wait3A_429 = arith.constant 16 : i32
    %dma_wait3A_430 = arith.constant 0 : i32
    %dma_wait3A_431 = tpu.memref_slice %dma_wait3A_428[%dma_wait3A_429, %dma_wait3A_430] : memref<32x768xf32, #tpu.memory_space<vmem>> -> memref<8x768xf32, #tpu.memory_space<vmem>>
    tpu.wait_dma2 semaphore(%arg15 : memref<!tpu.dma_semaphore, #tpu.memory_space<semaphore_mem>>) src(%dma_wait3A_431 : memref<8x768xf32, #tpu.memory_space<vmem>>) dst(%dma_wait3A_424 : memref<8x768xf32, #tpu.memory_space<hbm>>)
    %dma_wait3A_432 = arith.constant 0 : i32
    %dma_wait3A_433 = arith.constant 0 : i32
    %dma_wait3A_434 = arith.constant 0 : i32
    %dma_wait3A_435 = tpu.memref_slice %arg8[%dma_wait3A_432, %dma_wait3A_433, %dma_wait3A_434] : memref<3x32x768xf32, #tpu.memory_space<vmem>> -> memref<1x32x768xf32, #tpu.memory_space<vmem>>
    %dma_wait3A_436 = tpu.memref_squeeze %dma_wait3A_435 : memref<1x32x768xf32, #tpu.memory_space<vmem>> -> memref<32x768xf32, #tpu.memory_space<vmem>>
    %dma_wait3A_437 = arith.constant 24 : i32
    %dma_wait3A_438 = arith.constant 0 : i32
    %dma_wait3A_439 = tpu.memref_slice %dma_wait3A_436[%dma_wait3A_437, %dma_wait3A_438] : memref<32x768xf32, #tpu.memory_space<vmem>> -> memref<8x768xf32, #tpu.memory_space<vmem>>
    %dma_wait3A_440 = arith.constant 0 : i32
    %dma_wait3A_441 = tpu.memref_slice %arg5[%add3A_355, %dma_wait3A_440] : memref<8192x768xf32, #tpu.memory_space<hbm>> -> memref<8x768xf32, #tpu.memory_space<hbm>>
    %dma_wait3A_442 = arith.constant 0 : i32
    %dma_wait3A_443 = tpu.memref_slice %arg5[%add3A_355, %dma_wait3A_442] : memref<8192x768xf32, #tpu.memory_space<hbm>> -> memref<8x768xf32, #tpu.memory_space<hbm>>
    %dma_wait3A_444 = arith.constant 0 : i32
    %dma_wait3A_445 = arith.constant 0 : i32
    %dma_wait3A_446 = tpu.memref_slice %arg8[%dma_wait3A_432, %dma_wait3A_444, %dma_wait3A_445] : memref<3x32x768xf32, #tpu.memory_space<vmem>> -> memref<1x32x768xf32, #tpu.memory_space<vmem>>
    %dma_wait3A_447 = tpu.memref_squeeze %dma_wait3A_446 : memref<1x32x768xf32, #tpu.memory_space<vmem>> -> memref<32x768xf32, #tpu.memory_space<vmem>>
    %dma_wait3A_448 = arith.constant 24 : i32
    %dma_wait3A_449 = arith.constant 0 : i32
    %dma_wait3A_450 = tpu.memref_slice %dma_wait3A_447[%dma_wait3A_448, %dma_wait3A_449] : memref<32x768xf32, #tpu.memory_space<vmem>> -> memref<8x768xf32, #tpu.memory_space<vmem>>
    tpu.wait_dma2 semaphore(%arg15 : memref<!tpu.dma_semaphore, #tpu.memory_space<semaphore_mem>>) src(%dma_wait3A_450 : memref<8x768xf32, #tpu.memory_space<vmem>>) dst(%dma_wait3A_443 : memref<8x768xf32, #tpu.memory_space<hbm>>)
    %dma_start3A_451 = arith.constant 0 : i32
    %dma_start3A_452 = arith.constant 0 : i32
    %dma_start3A_453 = arith.constant 0 : i32
    %dma_start3A_454 = tpu.memref_slice %arg8[%dma_start3A_451, %dma_start3A_452, %dma_start3A_453] : memref<3x32x768xf32, #tpu.memory_space<vmem>> -> memref<1x32x768xf32, #tpu.memory_space<vmem>>
    %dma_start3A_455 = tpu.memref_squeeze %dma_start3A_454 : memref<1x32x768xf32, #tpu.memory_space<vmem>> -> memref<32x768xf32, #tpu.memory_space<vmem>>
    %dma_start3A_456 = arith.constant 96 : i32
    %dma_start3A_457 = tpu.memref_slice %arg7[%dma_start3A_456] : memref<256xi32, #tpu.memory_space<vmem>> -> memref<32xi32, #tpu.memory_space<vmem>>
    %dma_start3A_458 = arith.constant 0 : i32
    %dma_start3A_459 = arith.constant 0 : i32
    %dma_start3A_460 = tpu.memref_slice %arg3[%dma_start3A_458, %dma_start3A_459] : memref<100000x768xf32, #tpu.memory_space<hbm>> -> memref<100000x768xf32, #tpu.memory_space<hbm>>
    tpu.enqueue_indirect_dma source(%dma_start3A_460 : memref<100000x768xf32, #tpu.memory_space<hbm>>) target(%dma_start3A_455 : memref<32x768xf32, #tpu.memory_space<vmem>>) offsets(%dma_start3A_457 : memref<32xi32, #tpu.memory_space<vmem>>) semaphore(%arg12 : memref<!tpu.dma_semaphore, #tpu.memory_space<semaphore_mem>>)
    %dma_wait3A_461 = arith.constant 1 : i32
    %dma_wait3A_462 = arith.constant 0 : i32
    %dma_wait3A_463 = arith.constant 0 : i32
    %dma_wait3A_464 = tpu.memref_slice %arg8[%dma_wait3A_461, %dma_wait3A_462, %dma_wait3A_463] : memref<3x32x768xf32, #tpu.memory_space<vmem>> -> memref<1x32x768xf32, #tpu.memory_space<vmem>>
    %dma_wait3A_465 = tpu.memref_squeeze %dma_wait3A_464 : memref<1x32x768xf32, #tpu.memory_space<vmem>> -> memref<32x768xf32, #tpu.memory_space<vmem>>
    %dma_wait3A_466 = arith.constant 32 : i32
    %dma_wait3A_467 = tpu.memref_slice %arg7[%dma_wait3A_466] : memref<256xi32, #tpu.memory_space<vmem>> -> memref<32xi32, #tpu.memory_space<vmem>>
    %dma_wait3A_468 = arith.constant 0 : i32
    %dma_wait3A_469 = arith.constant 0 : i32
    %dma_wait3A_470 = tpu.memref_slice %arg3[%dma_wait3A_468, %dma_wait3A_469] : memref<100000x768xf32, #tpu.memory_space<hbm>> -> memref<100000x768xf32, #tpu.memory_space<hbm>>
    tpu.wait_indirect_dma semaphore(%arg13 : memref<!tpu.dma_semaphore, #tpu.memory_space<semaphore_mem>>) src(%dma_wait3A_470 : memref<100000x768xf32, #tpu.memory_space<hbm>>) dst(%dma_wait3A_465 : memref<32x768xf32, #tpu.memory_space<vmem>>)
    %parallel_loop3A_471 = arith.constant 0 : i32
    %parallel_loop3A_472 = arith.constant 384 : i32
    %parallel_loop3A_473 = arith.constant 1 : i32
    %parallel_loop3A_474 = arith.constant 1 : i32
    scf.for %parallel_loop3A_1775 = %parallel_loop3A_471 to %parallel_loop3A_472 step %parallel_loop3A_473  : i32 {
      %parallel_loop3A_1776 = arith.constant 8 : i32
      %parallel_loop3A_1777 = arith.divsi %parallel_loop3A_1775, %parallel_loop3A_1776 : i32
      %parallel_loop3A_1778 = arith.constant 0 : i32
      %parallel_loop3A_1779 = arith.cmpi sgt, %parallel_loop3A_1775, %parallel_loop3A_1778 : i32
      %parallel_loop3A_1780 = arith.extui %parallel_loop3A_1779 : i1 to i32
      %parallel_loop3A_1781 = arith.constant 0 : i32
      %parallel_loop3A_1782 = arith.cmpi slt, %parallel_loop3A_1775, %parallel_loop3A_1781 : i32
      %parallel_loop3A_1783 = arith.extui %parallel_loop3A_1782 : i1 to i32
      %parallel_loop3A_1784 = arith.subi %parallel_loop3A_1780, %parallel_loop3A_1783 : i32
      %parallel_loop3A_1785 = arith.constant 0 : i32
      %parallel_loop3A_1786 = arith.cmpi sgt, %parallel_loop3A_1776, %parallel_loop3A_1785 : i32
      %parallel_loop3A_1787 = arith.extui %parallel_loop3A_1786 : i1 to i32
      %parallel_loop3A_1788 = arith.constant 0 : i32
      %parallel_loop3A_1789 = arith.cmpi slt, %parallel_loop3A_1776, %parallel_loop3A_1788 : i32
      %parallel_loop3A_1790 = arith.extui %parallel_loop3A_1789 : i1 to i32
      %parallel_loop3A_1791 = arith.subi %parallel_loop3A_1787, %parallel_loop3A_1790 : i32
      %parallel_loop3A_1792 = arith.cmpi ne, %parallel_loop3A_1784, %parallel_loop3A_1791 : i32
      %parallel_loop3A_1793 = arith.remsi %parallel_loop3A_1775, %parallel_loop3A_1776 : i32
      %parallel_loop3A_1794 = arith.constant 0 : i32
      %parallel_loop3A_1795 = arith.cmpi ne, %parallel_loop3A_1793, %parallel_loop3A_1794 : i32
      %parallel_loop3A_1796 = arith.andi %parallel_loop3A_1792, %parallel_loop3A_1795 : i1
      %parallel_loop3A_1797 = arith.constant 1 : i32
      %parallel_loop3A_1798 = arith.subi %parallel_loop3A_1777, %parallel_loop3A_1797 : i32
      %parallel_loop3A_1799 = arith.select %parallel_loop3A_1796, %parallel_loop3A_1798, %parallel_loop3A_1777 : i32
      %parallel_loop3A_1800 = arith.constant 8 : i32
      %parallel_loop3A_1801 = arith.remsi %parallel_loop3A_1775, %parallel_loop3A_1800 : i32
      %parallel_loop3A_1802 = arith.constant 16 : i32
      %parallel_loop3A_1803 = arith.muli %parallel_loop3A_1799, %parallel_loop3A_1802 : i32
      %parallel_loop3A_1804 = arith.constant 8 : i32
      %parallel_loop3A_1805 = arith.addi %parallel_loop3A_1804, %parallel_loop3A_1801 : i32
      %parallel_loop3A_1806 = arith.index_cast %parallel_loop3A_1805 : i32 to index
      %parallel_loop3A_1807 = arith.index_cast %parallel_loop3A_1803 : i32 to index
      %parallel_loop3A_1808 = tpu.vector_load %arg9[%parallel_loop3A_1806, %parallel_loop3A_1807] {strides = array<i32>} : memref<64x768xf32, #tpu.memory_space<vmem>>, vector<1x16xf32>,
      %parallel_loop3A_1809 = vector.shape_cast %parallel_loop3A_1808 : vector<1x16xf32> to vector<16xf32>
      %parallel_loop3A_1810 = arith.constant 0 : i32
      %parallel_loop3A_1811 = arith.addi %parallel_loop3A_1810, %parallel_loop3A_1801 : i32
      %parallel_loop3A_1812 = arith.constant 0 : i32
      %parallel_loop3A_1813 = arith.constant 0 : i32
      %parallel_loop3A_1814 = tpu.memref_slice %arg8[%parallel_loop3A_474, %parallel_loop3A_1812, %parallel_loop3A_1813] : memref<3x32x768xf32, #tpu.memory_space<vmem>> -> memref<1x32x768xf32, #tpu.memory_space<vmem>>
      %parallel_loop3A_1815 = tpu.memref_squeeze %parallel_loop3A_1814 : memref<1x32x768xf32, #tpu.memory_space<vmem>> -> memref<32x768xf32, #tpu.memory_space<vmem>>
      %parallel_loop3A_1816 = arith.index_cast %parallel_loop3A_1811 : i32 to index
      %parallel_loop3A_1817 = arith.index_cast %parallel_loop3A_1803 : i32 to index
      %parallel_loop3A_1818 = tpu.vector_load %parallel_loop3A_1815[%parallel_loop3A_1816, %parallel_loop3A_1817] {strides = array<i32>} : memref<32x768xf32, #tpu.memory_space<vmem>>, vector<1x16xf32>,
      %parallel_loop3A_1819 = vector.shape_cast %parallel_loop3A_1818 : vector<1x16xf32> to vector<16xf32>
      %parallel_loop3A_1820 = arith.constant 27.7128124 : f32
      %parallel_loop3A_1821 = vector.broadcast %parallel_loop3A_1820 : f32 to vector<16xf32>
      %parallel_loop3A_1822 = arith.mulf %parallel_loop3A_1819, %parallel_loop3A_1821 : vector<16xf32>
      %parallel_loop3A_1823 = arith.addf %parallel_loop3A_1822, %parallel_loop3A_1809 : vector<16xf32>
      %parallel_loop3A_1824 = arith.constant 0 : i32
      %parallel_loop3A_1825 = arith.addi %parallel_loop3A_1824, %parallel_loop3A_1801 : i32
      %parallel_loop3A_1826 = arith.constant 0 : i32
      %parallel_loop3A_1827 = arith.constant 0 : i32
      %parallel_loop3A_1828 = tpu.memref_slice %arg8[%parallel_loop3A_474, %parallel_loop3A_1826, %parallel_loop3A_1827] : memref<3x32x768xf32, #tpu.memory_space<vmem>> -> memref<1x32x768xf32, #tpu.memory_space<vmem>>
      %parallel_loop3A_1829 = tpu.memref_squeeze %parallel_loop3A_1828 : memref<1x32x768xf32, #tpu.memory_space<vmem>> -> memref<32x768xf32, #tpu.memory_space<vmem>>
      %parallel_loop3A_1830 = arith.index_cast %parallel_loop3A_1825 : i32 to index
      %parallel_loop3A_1831 = arith.index_cast %parallel_loop3A_1803 : i32 to index
      %parallel_loop3A_1832 = tpu.vector_load %parallel_loop3A_1829[%parallel_loop3A_1830, %parallel_loop3A_1831] {strides = array<i32>} : memref<32x768xf32, #tpu.memory_space<vmem>>, vector<1x16xf32>,
      %parallel_loop3A_1833 = vector.shape_cast %parallel_loop3A_1832 : vector<1x16xf32> to vector<16xf32>
      %parallel_loop3A_1834 = vector.shape_cast %parallel_loop3A_1823 : vector<16xf32> to vector<1x16xf32>
      tpu.vector_store %parallel_loop3A_1829[%parallel_loop3A_1830, %parallel_loop3A_1831], %parallel_loop3A_1834 {strides = array<i32>} : memref<32x768xf32, #tpu.memory_space<vmem>>, vector<1x16xf32>,
      %parallel_loop3A_1835 = arith.constant 8 : i32
      %parallel_loop3A_1836 = arith.addi %parallel_loop3A_1835, %parallel_loop3A_1801 : i32
      %parallel_loop3A_1837 = arith.constant 0 : i32
      %parallel_loop3A_1838 = arith.constant 0 : i32
      %parallel_loop3A_1839 = tpu.memref_slice %arg8[%parallel_loop3A_474, %parallel_loop3A_1837, %parallel_loop3A_1838] : memref<3x32x768xf32, #tpu.memory_space<vmem>> -> memref<1x32x768xf32, #tpu.memory_space<vmem>>
      %parallel_loop3A_1840 = tpu.memref_squeeze %parallel_loop3A_1839 : memref<1x32x768xf32, #tpu.memory_space<vmem>> -> memref<32x768xf32, #tpu.memory_space<vmem>>
      %parallel_loop3A_1841 = arith.index_cast %parallel_loop3A_1836 : i32 to index
      %parallel_loop3A_1842 = arith.index_cast %parallel_loop3A_1803 : i32 to index
      %parallel_loop3A_1843 = tpu.vector_load %parallel_loop3A_1840[%parallel_loop3A_1841, %parallel_loop3A_1842] {strides = array<i32>} : memref<32x768xf32, #tpu.memory_space<vmem>>, vector<1x16xf32>,
      %parallel_loop3A_1844 = vector.shape_cast %parallel_loop3A_1843 : vector<1x16xf32> to vector<16xf32>
      %parallel_loop3A_1845 = arith.constant 27.7128124 : f32
      %parallel_loop3A_1846 = vector.broadcast %parallel_loop3A_1845 : f32 to vector<16xf32>
      %parallel_loop3A_1847 = arith.mulf %parallel_loop3A_1844, %parallel_loop3A_1846 : vector<16xf32>
      %parallel_loop3A_1848 = arith.addf %parallel_loop3A_1847, %parallel_loop3A_1809 : vector<16xf32>
      %parallel_loop3A_1849 = arith.constant 8 : i32
      %parallel_loop3A_1850 = arith.addi %parallel_loop3A_1849, %parallel_loop3A_1801 : i32
      %parallel_loop3A_1851 = arith.constant 0 : i32
      %parallel_loop3A_1852 = arith.constant 0 : i32
      %parallel_loop3A_1853 = tpu.memref_slice %arg8[%parallel_loop3A_474, %parallel_loop3A_1851, %parallel_loop3A_1852] : memref<3x32x768xf32, #tpu.memory_space<vmem>> -> memref<1x32x768xf32, #tpu.memory_space<vmem>>
      %parallel_loop3A_1854 = tpu.memref_squeeze %parallel_loop3A_1853 : memref<1x32x768xf32, #tpu.memory_space<vmem>> -> memref<32x768xf32, #tpu.memory_space<vmem>>
      %parallel_loop3A_1855 = arith.index_cast %parallel_loop3A_1850 : i32 to index
      %parallel_loop3A_1856 = arith.index_cast %parallel_loop3A_1803 : i32 to index
      %parallel_loop3A_1857 = tpu.vector_load %parallel_loop3A_1854[%parallel_loop3A_1855, %parallel_loop3A_1856] {strides = array<i32>} : memref<32x768xf32, #tpu.memory_space<vmem>>, vector<1x16xf32>,
      %parallel_loop3A_1858 = vector.shape_cast %parallel_loop3A_1857 : vector<1x16xf32> to vector<16xf32>
      %parallel_loop3A_1859 = vector.shape_cast %parallel_loop3A_1848 : vector<16xf32> to vector<1x16xf32>
      tpu.vector_store %parallel_loop3A_1854[%parallel_loop3A_1855, %parallel_loop3A_1856], %parallel_loop3A_1859 {strides = array<i32>} : memref<32x768xf32, #tpu.memory_space<vmem>>, vector<1x16xf32>,
      %parallel_loop3A_1860 = arith.constant 16 : i32
      %parallel_loop3A_1861 = arith.addi %parallel_loop3A_1860, %parallel_loop3A_1801 : i32
      %parallel_loop3A_1862 = arith.constant 0 : i32
      %parallel_loop3A_1863 = arith.constant 0 : i32
      %parallel_loop3A_1864 = tpu.memref_slice %arg8[%parallel_loop3A_474, %parallel_loop3A_1862, %parallel_loop3A_1863] : memref<3x32x768xf32, #tpu.memory_space<vmem>> -> memref<1x32x768xf32, #tpu.memory_space<vmem>>
      %parallel_loop3A_1865 = tpu.memref_squeeze %parallel_loop3A_1864 : memref<1x32x768xf32, #tpu.memory_space<vmem>> -> memref<32x768xf32, #tpu.memory_space<vmem>>
      %parallel_loop3A_1866 = arith.index_cast %parallel_loop3A_1861 : i32 to index
      %parallel_loop3A_1867 = arith.index_cast %parallel_loop3A_1803 : i32 to index
      %parallel_loop3A_1868 = tpu.vector_load %parallel_loop3A_1865[%parallel_loop3A_1866, %parallel_loop3A_1867] {strides = array<i32>} : memref<32x768xf32, #tpu.memory_space<vmem>>, vector<1x16xf32>,
      %parallel_loop3A_1869 = vector.shape_cast %parallel_loop3A_1868 : vector<1x16xf32> to vector<16xf32>
      %parallel_loop3A_1870 = arith.constant 27.7128124 : f32
      %parallel_loop3A_1871 = vector.broadcast %parallel_loop3A_1870 : f32 to vector<16xf32>
      %parallel_loop3A_1872 = arith.mulf %parallel_loop3A_1869, %parallel_loop3A_1871 : vector<16xf32>
      %parallel_loop3A_1873 = arith.addf %parallel_loop3A_1872, %parallel_loop3A_1809 : vector<16xf32>
      %parallel_loop3A_1874 = arith.constant 16 : i32
      %parallel_loop3A_1875 = arith.addi %parallel_loop3A_1874, %parallel_loop3A_1801 : i32
      %parallel_loop3A_1876 = arith.constant 0 : i32
      %parallel_loop3A_1877 = arith.constant 0 : i32
      %parallel_loop3A_1878 = tpu.memref_slice %arg8[%parallel_loop3A_474, %parallel_loop3A_1876, %parallel_loop3A_1877] : memref<3x32x768xf32, #tpu.memory_space<vmem>> -> memref<1x32x768xf32, #tpu.memory_space<vmem>>
      %parallel_loop3A_1879 = tpu.memref_squeeze %parallel_loop3A_1878 : memref<1x32x768xf32, #tpu.memory_space<vmem>> -> memref<32x768xf32, #tpu.memory_space<vmem>>
      %parallel_loop3A_1880 = arith.index_cast %parallel_loop3A_1875 : i32 to index
      %parallel_loop3A_1881 = arith.index_cast %parallel_loop3A_1803 : i32 to index
      %parallel_loop3A_1882 = tpu.vector_load %parallel_loop3A_1879[%parallel_loop3A_1880, %parallel_loop3A_1881] {strides = array<i32>} : memref<32x768xf32, #tpu.memory_space<vmem>>, vector<1x16xf32>,
      %parallel_loop3A_1883 = vector.shape_cast %parallel_loop3A_1882 : vector<1x16xf32> to vector<16xf32>
      %parallel_loop3A_1884 = vector.shape_cast %parallel_loop3A_1873 : vector<16xf32> to vector<1x16xf32>
      tpu.vector_store %parallel_loop3A_1879[%parallel_loop3A_1880, %parallel_loop3A_1881], %parallel_loop3A_1884 {strides = array<i32>} : memref<32x768xf32, #tpu.memory_space<vmem>>, vector<1x16xf32>,
      %parallel_loop3A_1885 = arith.constant 24 : i32
      %parallel_loop3A_1886 = arith.addi %parallel_loop3A_1885, %parallel_loop3A_1801 : i32
      %parallel_loop3A_1887 = arith.constant 0 : i32
      %parallel_loop3A_1888 = arith.constant 0 : i32
      %parallel_loop3A_1889 = tpu.memref_slice %arg8[%parallel_loop3A_474, %parallel_loop3A_1887, %parallel_loop3A_1888] : memref<3x32x768xf32, #tpu.memory_space<vmem>> -> memref<1x32x768xf32, #tpu.memory_space<vmem>>
      %parallel_loop3A_1890 = tpu.memref_squeeze %parallel_loop3A_1889 : memref<1x32x768xf32, #tpu.memory_space<vmem>> -> memref<32x768xf32, #tpu.memory_space<vmem>>
      %parallel_loop3A_1891 = arith.index_cast %parallel_loop3A_1886 : i32 to index
      %parallel_loop3A_1892 = arith.index_cast %parallel_loop3A_1803 : i32 to index
      %parallel_loop3A_1893 = tpu.vector_load %parallel_loop3A_1890[%parallel_loop3A_1891, %parallel_loop3A_1892] {strides = array<i32>} : memref<32x768xf32, #tpu.memory_space<vmem>>, vector<1x16xf32>,
      %parallel_loop3A_1894 = vector.shape_cast %parallel_loop3A_1893 : vector<1x16xf32> to vector<16xf32>
      %parallel_loop3A_1895 = arith.constant 27.7128124 : f32
      %parallel_loop3A_1896 = vector.broadcast %parallel_loop3A_1895 : f32 to vector<16xf32>
      %parallel_loop3A_1897 = arith.mulf %parallel_loop3A_1894, %parallel_loop3A_1896 : vector<16xf32>
      %parallel_loop3A_1898 = arith.addf %parallel_loop3A_1897, %parallel_loop3A_1809 : vector<16xf32>
      %parallel_loop3A_1899 = arith.constant 24 : i32
      %parallel_loop3A_1900 = arith.addi %parallel_loop3A_1899, %parallel_loop3A_1801 : i32
      %parallel_loop3A_1901 = arith.constant 0 : i32
      %parallel_loop3A_1902 = arith.constant 0 : i32
      %parallel_loop3A_1903 = tpu.memref_slice %arg8[%parallel_loop3A_474, %parallel_loop3A_1901, %parallel_loop3A_1902] : memref<3x32x768xf32, #tpu.memory_space<vmem>> -> memref<1x32x768xf32, #tpu.memory_space<vmem>>
      %parallel_loop3A_1904 = tpu.memref_squeeze %parallel_loop3A_1903 : memref<1x32x768xf32, #tpu.memory_space<vmem>> -> memref<32x768xf32, #tpu.memory_space<vmem>>
      %parallel_loop3A_1905 = arith.index_cast %parallel_loop3A_1900 : i32 to index
      %parallel_loop3A_1906 = arith.index_cast %parallel_loop3A_1803 : i32 to index
      %parallel_loop3A_1907 = tpu.vector_load %parallel_loop3A_1904[%parallel_loop3A_1905, %parallel_loop3A_1906] {strides = array<i32>} : memref<32x768xf32, #tpu.memory_space<vmem>>, vector<1x16xf32>,
      %parallel_loop3A_1908 = vector.shape_cast %parallel_loop3A_1907 : vector<1x16xf32> to vector<16xf32>
      %parallel_loop3A_1909 = vector.shape_cast %parallel_loop3A_1898 : vector<16xf32> to vector<1x16xf32>
      tpu.vector_store %parallel_loop3A_1904[%parallel_loop3A_1905, %parallel_loop3A_1906], %parallel_loop3A_1909 {strides = array<i32>} : memref<32x768xf32, #tpu.memory_space<vmem>>, vector<1x16xf32>,
    } {sc.loop_unroll_factor = 4 : i64, sc.parallel_access}
    %add3A_475 = arith.constant 0 : i32
    %add3A_476 = arith.addi %add3A_475, %mul3A_2 : i32
    %add3A_477 = arith.constant 8 : i32
    %add3A_478 = arith.addi %add3A_476, %add3A_477 : i32
    %dma_start3A_479 = arith.constant 1 : i32
    %dma_start3A_480 = arith.constant 0 : i32
    %dma_start3A_481 = arith.constant 0 : i32
    %dma_start3A_482 = tpu.memref_slice %arg8[%dma_start3A_479, %dma_start3A_480, %dma_start3A_481] : memref<3x32x768xf32, #tpu.memory_space<vmem>> -> memref<1x32x768xf32, #tpu.memory_space<vmem>>
    %dma_start3A_483 = tpu.memref_squeeze %dma_start3A_482 : memref<1x32x768xf32, #tpu.memory_space<vmem>> -> memref<32x768xf32, #tpu.memory_space<vmem>>
    %dma_start3A_484 = arith.constant 0 : i32
    %dma_start3A_485 = arith.constant 0 : i32
    %dma_start3A_486 = tpu.memref_slice %dma_start3A_483[%dma_start3A_484, %dma_start3A_485] : memref<32x768xf32, #tpu.memory_space<vmem>> -> memref<8x768xf32, #tpu.memory_space<vmem>>
    %dma_start3A_487 = arith.constant 0 : i32
    %dma_start3A_488 = tpu.memref_slice %arg5[%add3A_478, %dma_start3A_487] : memref<8192x768xf32, #tpu.memory_space<hbm>> -> memref<8x768xf32, #tpu.memory_space<hbm>>
    %dma_start3A_489 = arith.constant 0 : i32
    %dma_start3A_490 = tpu.memref_slice %arg5[%add3A_478, %dma_start3A_489] : memref<8192x768xf32, #tpu.memory_space<hbm>> -> memref<8x768xf32, #tpu.memory_space<hbm>>
    %dma_start3A_491 = arith.constant 0 : i32
    %dma_start3A_492 = arith.constant 0 : i32
    %dma_start3A_493 = tpu.memref_slice %arg8[%dma_start3A_479, %dma_start3A_491, %dma_start3A_492] : memref<3x32x768xf32, #tpu.memory_space<vmem>> -> memref<1x32x768xf32, #tpu.memory_space<vmem>>
    %dma_start3A_494 = tpu.memref_squeeze %dma_start3A_493 : memref<1x32x768xf32, #tpu.memory_space<vmem>> -> memref<32x768xf32, #tpu.memory_space<vmem>>
    %dma_start3A_495 = arith.constant 0 : i32
    %dma_start3A_496 = arith.constant 0 : i32
    %dma_start3A_497 = tpu.memref_slice %dma_start3A_494[%dma_start3A_495, %dma_start3A_496] : memref<32x768xf32, #tpu.memory_space<vmem>> -> memref<8x768xf32, #tpu.memory_space<vmem>>
    tpu.enqueue_dma source(%dma_start3A_497 : memref<8x768xf32, #tpu.memory_space<vmem>>) target(%dma_start3A_490 : memref<8x768xf32, #tpu.memory_space<hbm>>) target_semaphore(%arg16 : memref<!tpu.dma_semaphore, #tpu.memory_space<semaphore_mem>>)
    %add3A_498 = arith.constant 2048 : i32
    %add3A_499 = arith.addi %add3A_498, %mul3A_2 : i32
    %add3A_500 = arith.constant 8 : i32
    %add3A_501 = arith.addi %add3A_499, %add3A_500 : i32
    %dma_start3A_502 = arith.constant 1 : i32
    %dma_start3A_503 = arith.constant 0 : i32
    %dma_start3A_504 = arith.constant 0 : i32
    %dma_start3A_505 = tpu.memref_slice %arg8[%dma_start3A_502, %dma_start3A_503, %dma_start3A_504] : memref<3x32x768xf32, #tpu.memory_space<vmem>> -> memref<1x32x768xf32, #tpu.memory_space<vmem>>
    %dma_start3A_506 = tpu.memref_squeeze %dma_start3A_505 : memref<1x32x768xf32, #tpu.memory_space<vmem>> -> memref<32x768xf32, #tpu.memory_space<vmem>>
    %dma_start3A_507 = arith.constant 8 : i32
    %dma_start3A_508 = arith.constant 0 : i32
    %dma_start3A_509 = tpu.memref_slice %dma_start3A_506[%dma_start3A_507, %dma_start3A_508] : memref<32x768xf32, #tpu.memory_space<vmem>> -> memref<8x768xf32, #tpu.memory_space<vmem>>
    %dma_start3A_510 = arith.constant 0 : i32
    %dma_start3A_511 = tpu.memref_slice %arg5[%add3A_501, %dma_start3A_510] : memref<8192x768xf32, #tpu.memory_space<hbm>> -> memref<8x768xf32, #tpu.memory_space<hbm>>
    %dma_start3A_512 = arith.constant 0 : i32
    %dma_start3A_513 = tpu.memref_slice %arg5[%add3A_501, %dma_start3A_512] : memref<8192x768xf32, #tpu.memory_space<hbm>> -> memref<8x768xf32, #tpu.memory_space<hbm>>
    %dma_start3A_514 = arith.constant 0 : i32
    %dma_start3A_515 = arith.constant 0 : i32
    %dma_start3A_516 = tpu.memref_slice %arg8[%dma_start3A_502, %dma_start3A_514, %dma_start3A_515] : memref<3x32x768xf32, #tpu.memory_space<vmem>> -> memref<1x32x768xf32, #tpu.memory_space<vmem>>
    %dma_start3A_517 = tpu.memref_squeeze %dma_start3A_516 : memref<1x32x768xf32, #tpu.memory_space<vmem>> -> memref<32x768xf32, #tpu.memory_space<vmem>>
    %dma_start3A_518 = arith.constant 8 : i32
    %dma_start3A_519 = arith.constant 0 : i32
    %dma_start3A_520 = tpu.memref_slice %dma_start3A_517[%dma_start3A_518, %dma_start3A_519] : memref<32x768xf32, #tpu.memory_space<vmem>> -> memref<8x768xf32, #tpu.memory_space<vmem>>
    tpu.enqueue_dma source(%dma_start3A_520 : memref<8x768xf32, #tpu.memory_space<vmem>>) target(%dma_start3A_513 : memref<8x768xf32, #tpu.memory_space<hbm>>) target_semaphore(%arg16 : memref<!tpu.dma_semaphore, #tpu.memory_space<semaphore_mem>>)
    %add3A_521 = arith.constant 4096 : i32
    %add3A_522 = arith.addi %add3A_521, %mul3A_2 : i32
    %add3A_523 = arith.constant 8 : i32
    %add3A_524 = arith.addi %add3A_522, %add3A_523 : i32
    %dma_start3A_525 = arith.constant 1 : i32
    %dma_start3A_526 = arith.constant 0 : i32
    %dma_start3A_527 = arith.constant 0 : i32
    %dma_start3A_528 = tpu.memref_slice %arg8[%dma_start3A_525, %dma_start3A_526, %dma_start3A_527] : memref<3x32x768xf32, #tpu.memory_space<vmem>> -> memref<1x32x768xf32, #tpu.memory_space<vmem>>
    %dma_start3A_529 = tpu.memref_squeeze %dma_start3A_528 : memref<1x32x768xf32, #tpu.memory_space<vmem>> -> memref<32x768xf32, #tpu.memory_space<vmem>>
    %dma_start3A_530 = arith.constant 16 : i32
    %dma_start3A_531 = arith.constant 0 : i32
    %dma_start3A_532 = tpu.memref_slice %dma_start3A_529[%dma_start3A_530, %dma_start3A_531] : memref<32x768xf32, #tpu.memory_space<vmem>> -> memref<8x768xf32, #tpu.memory_space<vmem>>
    %dma_start3A_533 = arith.constant 0 : i32
    %dma_start3A_534 = tpu.memref_slice %arg5[%add3A_524, %dma_start3A_533] : memref<8192x768xf32, #tpu.memory_space<hbm>> -> memref<8x768xf32, #tpu.memory_space<hbm>>
    %dma_start3A_535 = arith.constant 0 : i32
    %dma_start3A_536 = tpu.memref_slice %arg5[%add3A_524, %dma_start3A_535] : memref<8192x768xf32, #tpu.memory_space<hbm>> -> memref<8x768xf32, #tpu.memory_space<hbm>>
    %dma_start3A_537 = arith.constant 0 : i32
    %dma_start3A_538 = arith.constant 0 : i32
    %dma_start3A_539 = tpu.memref_slice %arg8[%dma_start3A_525, %dma_start3A_537, %dma_start3A_538] : memref<3x32x768xf32, #tpu.memory_space<vmem>> -> memref<1x32x768xf32, #tpu.memory_space<vmem>>
    %dma_start3A_540 = tpu.memref_squeeze %dma_start3A_539 : memref<1x32x768xf32, #tpu.memory_space<vmem>> -> memref<32x768xf32, #tpu.memory_space<vmem>>
    %dma_start3A_541 = arith.constant 16 : i32
    %dma_start3A_542 = arith.constant 0 : i32
    %dma_start3A_543 = tpu.memref_slice %dma_start3A_540[%dma_start3A_541, %dma_start3A_542] : memref<32x768xf32, #tpu.memory_space<vmem>> -> memref<8x768xf32, #tpu.memory_space<vmem>>
    tpu.enqueue_dma source(%dma_start3A_543 : memref<8x768xf32, #tpu.memory_space<vmem>>) target(%dma_start3A_536 : memref<8x768xf32, #tpu.memory_space<hbm>>) target_semaphore(%arg16 : memref<!tpu.dma_semaphore, #tpu.memory_space<semaphore_mem>>)
    %add3A_544 = arith.constant 6144 : i32
    %add3A_545 = arith.addi %add3A_544, %mul3A_2 : i32
    %add3A_546 = arith.constant 8 : i32
    %add3A_547 = arith.addi %add3A_545, %add3A_546 : i32
    %dma_start3A_548 = arith.constant 1 : i32
    %dma_start3A_549 = arith.constant 0 : i32
    %dma_start3A_550 = arith.constant 0 : i32
    %dma_start3A_551 = tpu.memref_slice %arg8[%dma_start3A_548, %dma_start3A_549, %dma_start3A_550] : memref<3x32x768xf32, #tpu.memory_space<vmem>> -> memref<1x32x768xf32, #tpu.memory_space<vmem>>
    %dma_start3A_552 = tpu.memref_squeeze %dma_start3A_551 : memref<1x32x768xf32, #tpu.memory_space<vmem>> -> memref<32x768xf32, #tpu.memory_space<vmem>>
    %dma_start3A_553 = arith.constant 24 : i32
    %dma_start3A_554 = arith.constant 0 : i32
    %dma_start3A_555 = tpu.memref_slice %dma_start3A_552[%dma_start3A_553, %dma_start3A_554] : memref<32x768xf32, #tpu.memory_space<vmem>> -> memref<8x768xf32, #tpu.memory_space<vmem>>
    %dma_start3A_556 = arith.constant 0 : i32
    %dma_start3A_557 = tpu.memref_slice %arg5[%add3A_547, %dma_start3A_556] : memref<8192x768xf32, #tpu.memory_space<hbm>> -> memref<8x768xf32, #tpu.memory_space<hbm>>
    %dma_start3A_558 = arith.constant 0 : i32
    %dma_start3A_559 = tpu.memref_slice %arg5[%add3A_547, %dma_start3A_558] : memref<8192x768xf32, #tpu.memory_space<hbm>> -> memref<8x768xf32, #tpu.memory_space<hbm>>
    %dma_start3A_560 = arith.constant 0 : i32
    %dma_start3A_561 = arith.constant 0 : i32
    %dma_start3A_562 = tpu.memref_slice %arg8[%dma_start3A_548, %dma_start3A_560, %dma_start3A_561] : memref<3x32x768xf32, #tpu.memory_space<vmem>> -> memref<1x32x768xf32, #tpu.memory_space<vmem>>
    %dma_start3A_563 = tpu.memref_squeeze %dma_start3A_562 : memref<1x32x768xf32, #tpu.memory_space<vmem>> -> memref<32x768xf32, #tpu.memory_space<vmem>>
    %dma_start3A_564 = arith.constant 24 : i32
    %dma_start3A_565 = arith.constant 0 : i32
    %dma_start3A_566 = tpu.memref_slice %dma_start3A_563[%dma_start3A_564, %dma_start3A_565] : memref<32x768xf32, #tpu.memory_space<vmem>> -> memref<8x768xf32, #tpu.memory_space<vmem>>
    tpu.enqueue_dma source(%dma_start3A_566 : memref<8x768xf32, #tpu.memory_space<vmem>>) target(%dma_start3A_559 : memref<8x768xf32, #tpu.memory_space<hbm>>) target_semaphore(%arg16 : memref<!tpu.dma_semaphore, #tpu.memory_space<semaphore_mem>>)
    %dma_wait3A_567 = arith.constant 1 : i32
    %dma_wait3A_568 = arith.constant 0 : i32
    %dma_wait3A_569 = arith.constant 0 : i32
    %dma_wait3A_570 = tpu.memref_slice %arg8[%dma_wait3A_567, %dma_wait3A_568, %dma_wait3A_569] : memref<3x32x768xf32, #tpu.memory_space<vmem>> -> memref<1x32x768xf32, #tpu.memory_space<vmem>>
    %dma_wait3A_571 = tpu.memref_squeeze %dma_wait3A_570 : memref<1x32x768xf32, #tpu.memory_space<vmem>> -> memref<32x768xf32, #tpu.memory_space<vmem>>
    %dma_wait3A_572 = arith.constant 0 : i32
    %dma_wait3A_573 = arith.constant 0 : i32
    %dma_wait3A_574 = tpu.memref_slice %dma_wait3A_571[%dma_wait3A_572, %dma_wait3A_573] : memref<32x768xf32, #tpu.memory_space<vmem>> -> memref<8x768xf32, #tpu.memory_space<vmem>>
    %dma_wait3A_575 = arith.constant 0 : i32
    %dma_wait3A_576 = tpu.memref_slice %arg5[%add3A_478, %dma_wait3A_575] : memref<8192x768xf32, #tpu.memory_space<hbm>> -> memref<8x768xf32, #tpu.memory_space<hbm>>
    %dma_wait3A_577 = arith.constant 0 : i32
    %dma_wait3A_578 = tpu.memref_slice %arg5[%add3A_478, %dma_wait3A_577] : memref<8192x768xf32, #tpu.memory_space<hbm>> -> memref<8x768xf32, #tpu.memory_space<hbm>>
    %dma_wait3A_579 = arith.constant 0 : i32
    %dma_wait3A_580 = arith.constant 0 : i32
    %dma_wait3A_581 = tpu.memref_slice %arg8[%dma_wait3A_567, %dma_wait3A_579, %dma_wait3A_580] : memref<3x32x768xf32, #tpu.memory_space<vmem>> -> memref<1x32x768xf32, #tpu.memory_space<vmem>>
    %dma_wait3A_582 = tpu.memref_squeeze %dma_wait3A_581 : memref<1x32x768xf32, #tpu.memory_space<vmem>> -> memref<32x768xf32, #tpu.memory_space<vmem>>
    %dma_wait3A_583 = arith.constant 0 : i32
    %dma_wait3A_584 = arith.constant 0 : i32
    %dma_wait3A_585 = tpu.memref_slice %dma_wait3A_582[%dma_wait3A_583, %dma_wait3A_584] : memref<32x768xf32, #tpu.memory_space<vmem>> -> memref<8x768xf32, #tpu.memory_space<vmem>>
    tpu.wait_dma2 semaphore(%arg16 : memref<!tpu.dma_semaphore, #tpu.memory_space<semaphore_mem>>) src(%dma_wait3A_585 : memref<8x768xf32, #tpu.memory_space<vmem>>) dst(%dma_wait3A_578 : memref<8x768xf32, #tpu.memory_space<hbm>>)
    %dma_wait3A_586 = arith.constant 1 : i32
    %dma_wait3A_587 = arith.constant 0 : i32
    %dma_wait3A_588 = arith.constant 0 : i32
    %dma_wait3A_589 = tpu.memref_slice %arg8[%dma_wait3A_586, %dma_wait3A_587, %dma_wait3A_588] : memref<3x32x768xf32, #tpu.memory_space<vmem>> -> memref<1x32x768xf32, #tpu.memory_space<vmem>>
    %dma_wait3A_590 = tpu.memref_squeeze %dma_wait3A_589 : memref<1x32x768xf32, #tpu.memory_space<vmem>> -> memref<32x768xf32, #tpu.memory_space<vmem>>
    %dma_wait3A_591 = arith.constant 8 : i32
    %dma_wait3A_592 = arith.constant 0 : i32
    %dma_wait3A_593 = tpu.memref_slice %dma_wait3A_590[%dma_wait3A_591, %dma_wait3A_592] : memref<32x768xf32, #tpu.memory_space<vmem>> -> memref<8x768xf32, #tpu.memory_space<vmem>>
    %dma_wait3A_594 = arith.constant 0 : i32
    %dma_wait3A_595 = tpu.memref_slice %arg5[%add3A_501, %dma_wait3A_594] : memref<8192x768xf32, #tpu.memory_space<hbm>> -> memref<8x768xf32, #tpu.memory_space<hbm>>
    %dma_wait3A_596 = arith.constant 0 : i32
    %dma_wait3A_597 = tpu.memref_slice %arg5[%add3A_501, %dma_wait3A_596] : memref<8192x768xf32, #tpu.memory_space<hbm>> -> memref<8x768xf32, #tpu.memory_space<hbm>>
    %dma_wait3A_598 = arith.constant 0 : i32
    %dma_wait3A_599 = arith.constant 0 : i32
    %dma_wait3A_600 = tpu.memref_slice %arg8[%dma_wait3A_586, %dma_wait3A_598, %dma_wait3A_599] : memref<3x32x768xf32, #tpu.memory_space<vmem>> -> memref<1x32x768xf32, #tpu.memory_space<vmem>>
    %dma_wait3A_601 = tpu.memref_squeeze %dma_wait3A_600 : memref<1x32x768xf32, #tpu.memory_space<vmem>> -> memref<32x768xf32, #tpu.memory_space<vmem>>
    %dma_wait3A_602 = arith.constant 8 : i32
    %dma_wait3A_603 = arith.constant 0 : i32
    %dma_wait3A_604 = tpu.memref_slice %dma_wait3A_601[%dma_wait3A_602, %dma_wait3A_603] : memref<32x768xf32, #tpu.memory_space<vmem>> -> memref<8x768xf32, #tpu.memory_space<vmem>>
    tpu.wait_dma2 semaphore(%arg16 : memref<!tpu.dma_semaphore, #tpu.memory_space<semaphore_mem>>) src(%dma_wait3A_604 : memref<8x768xf32, #tpu.memory_space<vmem>>) dst(%dma_wait3A_597 : memref<8x768xf32, #tpu.memory_space<hbm>>)
    %dma_wait3A_605 = arith.constant 1 : i32
    %dma_wait3A_606 = arith.constant 0 : i32
    %dma_wait3A_607 = arith.constant 0 : i32
    %dma_wait3A_608 = tpu.memref_slice %arg8[%dma_wait3A_605, %dma_wait3A_606, %dma_wait3A_607] : memref<3x32x768xf32, #tpu.memory_space<vmem>> -> memref<1x32x768xf32, #tpu.memory_space<vmem>>
    %dma_wait3A_609 = tpu.memref_squeeze %dma_wait3A_608 : memref<1x32x768xf32, #tpu.memory_space<vmem>> -> memref<32x768xf32, #tpu.memory_space<vmem>>
    %dma_wait3A_610 = arith.constant 16 : i32
    %dma_wait3A_611 = arith.constant 0 : i32
    %dma_wait3A_612 = tpu.memref_slice %dma_wait3A_609[%dma_wait3A_610, %dma_wait3A_611] : memref<32x768xf32, #tpu.memory_space<vmem>> -> memref<8x768xf32, #tpu.memory_space<vmem>>
    %dma_wait3A_613 = arith.constant 0 : i32
    %dma_wait3A_614 = tpu.memref_slice %arg5[%add3A_524, %dma_wait3A_613] : memref<8192x768xf32, #tpu.memory_space<hbm>> -> memref<8x768xf32, #tpu.memory_space<hbm>>
    %dma_wait3A_615 = arith.constant 0 : i32
    %dma_wait3A_616 = tpu.memref_slice %arg5[%add3A_524, %dma_wait3A_615] : memref<8192x768xf32, #tpu.memory_space<hbm>> -> memref<8x768xf32, #tpu.memory_space<hbm>>
    %dma_wait3A_617 = arith.constant 0 : i32
    %dma_wait3A_618 = arith.constant 0 : i32
    %dma_wait3A_619 = tpu.memref_slice %arg8[%dma_wait3A_605, %dma_wait3A_617, %dma_wait3A_618] : memref<3x32x768xf32, #tpu.memory_space<vmem>> -> memref<1x32x768xf32, #tpu.memory_space<vmem>>
    %dma_wait3A_620 = tpu.memref_squeeze %dma_wait3A_619 : memref<1x32x768xf32, #tpu.memory_space<vmem>> -> memref<32x768xf32, #tpu.memory_space<vmem>>
    %dma_wait3A_621 = arith.constant 16 : i32
    %dma_wait3A_622 = arith.constant 0 : i32
    %dma_wait3A_623 = tpu.memref_slice %dma_wait3A_620[%dma_wait3A_621, %dma_wait3A_622] : memref<32x768xf32, #tpu.memory_space<vmem>> -> memref<8x768xf32, #tpu.memory_space<vmem>>
    tpu.wait_dma2 semaphore(%arg16 : memref<!tpu.dma_semaphore, #tpu.memory_space<semaphore_mem>>) src(%dma_wait3A_623 : memref<8x768xf32, #tpu.memory_space<vmem>>) dst(%dma_wait3A_616 : memref<8x768xf32, #tpu.memory_space<hbm>>)
    %dma_wait3A_624 = arith.constant 1 : i32
    %dma_wait3A_625 = arith.constant 0 : i32
    %dma_wait3A_626 = arith.constant 0 : i32
    %dma_wait3A_627 = tpu.memref_slice %arg8[%dma_wait3A_624, %dma_wait3A_625, %dma_wait3A_626] : memref<3x32x768xf32, #tpu.memory_space<vmem>> -> memref<1x32x768xf32, #tpu.memory_space<vmem>>
    %dma_wait3A_628 = tpu.memref_squeeze %dma_wait3A_627 : memref<1x32x768xf32, #tpu.memory_space<vmem>> -> memref<32x768xf32, #tpu.memory_space<vmem>>
    %dma_wait3A_629 = arith.constant 24 : i32
    %dma_wait3A_630 = arith.constant 0 : i32
    %dma_wait3A_631 = tpu.memref_slice %dma_wait3A_628[%dma_wait3A_629, %dma_wait3A_630] : memref<32x768xf32, #tpu.memory_space<vmem>> -> memref<8x768xf32, #tpu.memory_space<vmem>>
    %dma_wait3A_632 = arith.constant 0 : i32
    %dma_wait3A_633 = tpu.memref_slice %arg5[%add3A_547, %dma_wait3A_632] : memref<8192x768xf32, #tpu.memory_space<hbm>> -> memref<8x768xf32, #tpu.memory_space<hbm>>
    %dma_wait3A_634 = arith.constant 0 : i32
    %dma_wait3A_635 = tpu.memref_slice %arg5[%add3A_547, %dma_wait3A_634] : memref<8192x768xf32, #tpu.memory_space<hbm>> -> memref<8x768xf32, #tpu.memory_space<hbm>>
    %dma_wait3A_636 = arith.constant 0 : i32
    %dma_wait3A_637 = arith.constant 0 : i32
    %dma_wait3A_638 = tpu.memref_slice %arg8[%dma_wait3A_624, %dma_wait3A_636, %dma_wait3A_637] : memref<3x32x768xf32, #tpu.memory_space<vmem>> -> memref<1x32x768xf32, #tpu.memory_space<vmem>>
    %dma_wait3A_639 = tpu.memref_squeeze %dma_wait3A_638 : memref<1x32x768xf32, #tpu.memory_space<vmem>> -> memref<32x768xf32, #tpu.memory_space<vmem>>
    %dma_wait3A_640 = arith.constant 24 : i32
    %dma_wait3A_641 = arith.constant 0 : i32
    %dma_wait3A_642 = tpu.memref_slice %dma_wait3A_639[%dma_wait3A_640, %dma_wait3A_641] : memref<32x768xf32, #tpu.memory_space<vmem>> -> memref<8x768xf32, #tpu.memory_space<vmem>>
    tpu.wait_dma2 semaphore(%arg16 : memref<!tpu.dma_semaphore, #tpu.memory_space<semaphore_mem>>) src(%dma_wait3A_642 : memref<8x768xf32, #tpu.memory_space<vmem>>) dst(%dma_wait3A_635 : memref<8x768xf32, #tpu.memory_space<hbm>>)
    %dma_start3A_643 = arith.constant 1 : i32
    %dma_start3A_644 = arith.constant 0 : i32
    %dma_start3A_645 = arith.constant 0 : i32
    %dma_start3A_646 = tpu.memref_slice %arg8[%dma_start3A_643, %dma_start3A_644, %dma_start3A_645] : memref<3x32x768xf32, #tpu.memory_space<vmem>> -> memref<1x32x768xf32, #tpu.memory_space<vmem>>
    %dma_start3A_647 = tpu.memref_squeeze %dma_start3A_646 : memref<1x32x768xf32, #tpu.memory_space<vmem>> -> memref<32x768xf32, #tpu.memory_space<vmem>>
    %dma_start3A_648 = arith.constant 128 : i32
    %dma_start3A_649 = tpu.memref_slice %arg7[%dma_start3A_648] : memref<256xi32, #tpu.memory_space<vmem>> -> memref<32xi32, #tpu.memory_space<vmem>>
    %dma_start3A_650 = arith.constant 0 : i32
    %dma_start3A_651 = arith.constant 0 : i32
    %dma_start3A_652 = tpu.memref_slice %arg3[%dma_start3A_650, %dma_start3A_651] : memref<100000x768xf32, #tpu.memory_space<hbm>> -> memref<100000x768xf32, #tpu.memory_space<hbm>>
    tpu.enqueue_indirect_dma source(%dma_start3A_652 : memref<100000x768xf32, #tpu.memory_space<hbm>>) target(%dma_start3A_647 : memref<32x768xf32, #tpu.memory_space<vmem>>) offsets(%dma_start3A_649 : memref<32xi32, #tpu.memory_space<vmem>>) semaphore(%arg13 : memref<!tpu.dma_semaphore, #tpu.memory_space<semaphore_mem>>)
    %dma_wait3A_653 = arith.constant 2 : i32
    %dma_wait3A_654 = arith.constant 0 : i32
    %dma_wait3A_655 = arith.constant 0 : i32
    %dma_wait3A_656 = tpu.memref_slice %arg8[%dma_wait3A_653, %dma_wait3A_654, %dma_wait3A_655] : memref<3x32x768xf32, #tpu.memory_space<vmem>> -> memref<1x32x768xf32, #tpu.memory_space<vmem>>
    %dma_wait3A_657 = tpu.memref_squeeze %dma_wait3A_656 : memref<1x32x768xf32, #tpu.memory_space<vmem>> -> memref<32x768xf32, #tpu.memory_space<vmem>>
    %dma_wait3A_658 = arith.constant 64 : i32
    %dma_wait3A_659 = tpu.memref_slice %arg7[%dma_wait3A_658] : memref<256xi32, #tpu.memory_space<vmem>> -> memref<32xi32, #tpu.memory_space<vmem>>
    %dma_wait3A_660 = arith.constant 0 : i32
    %dma_wait3A_661 = arith.constant 0 : i32
    %dma_wait3A_662 = tpu.memref_slice %arg3[%dma_wait3A_660, %dma_wait3A_661] : memref<100000x768xf32, #tpu.memory_space<hbm>> -> memref<100000x768xf32, #tpu.memory_space<hbm>>
    tpu.wait_indirect_dma semaphore(%arg14 : memref<!tpu.dma_semaphore, #tpu.memory_space<semaphore_mem>>) src(%dma_wait3A_662 : memref<100000x768xf32, #tpu.memory_space<hbm>>) dst(%dma_wait3A_657 : memref<32x768xf32, #tpu.memory_space<vmem>>)
    %parallel_loop3A_663 = arith.constant 0 : i32
    %parallel_loop3A_664 = arith.constant 384 : i32
    %parallel_loop3A_665 = arith.constant 1 : i32
    %parallel_loop3A_666 = arith.constant 2 : i32
    scf.for %parallel_loop3A_1775 = %parallel_loop3A_663 to %parallel_loop3A_664 step %parallel_loop3A_665  : i32 {
      %parallel_loop3A_1776 = arith.constant 8 : i32
      %parallel_loop3A_1777 = arith.divsi %parallel_loop3A_1775, %parallel_loop3A_1776 : i32
      %parallel_loop3A_1778 = arith.constant 0 : i32
      %parallel_loop3A_1779 = arith.cmpi sgt, %parallel_loop3A_1775, %parallel_loop3A_1778 : i32
      %parallel_loop3A_1780 = arith.extui %parallel_loop3A_1779 : i1 to i32
      %parallel_loop3A_1781 = arith.constant 0 : i32
      %parallel_loop3A_1782 = arith.cmpi slt, %parallel_loop3A_1775, %parallel_loop3A_1781 : i32
      %parallel_loop3A_1783 = arith.extui %parallel_loop3A_1782 : i1 to i32
      %parallel_loop3A_1784 = arith.subi %parallel_loop3A_1780, %parallel_loop3A_1783 : i32
      %parallel_loop3A_1785 = arith.constant 0 : i32
      %parallel_loop3A_1786 = arith.cmpi sgt, %parallel_loop3A_1776, %parallel_loop3A_1785 : i32
      %parallel_loop3A_1787 = arith.extui %parallel_loop3A_1786 : i1 to i32
      %parallel_loop3A_1788 = arith.constant 0 : i32
      %parallel_loop3A_1789 = arith.cmpi slt, %parallel_loop3A_1776, %parallel_loop3A_1788 : i32
      %parallel_loop3A_1790 = arith.extui %parallel_loop3A_1789 : i1 to i32
      %parallel_loop3A_1791 = arith.subi %parallel_loop3A_1787, %parallel_loop3A_1790 : i32
      %parallel_loop3A_1792 = arith.cmpi ne, %parallel_loop3A_1784, %parallel_loop3A_1791 : i32
      %parallel_loop3A_1793 = arith.remsi %parallel_loop3A_1775, %parallel_loop3A_1776 : i32
      %parallel_loop3A_1794 = arith.constant 0 : i32
      %parallel_loop3A_1795 = arith.cmpi ne, %parallel_loop3A_1793, %parallel_loop3A_1794 : i32
      %parallel_loop3A_1796 = arith.andi %parallel_loop3A_1792, %parallel_loop3A_1795 : i1
      %parallel_loop3A_1797 = arith.constant 1 : i32
      %parallel_loop3A_1798 = arith.subi %parallel_loop3A_1777, %parallel_loop3A_1797 : i32
      %parallel_loop3A_1799 = arith.select %parallel_loop3A_1796, %parallel_loop3A_1798, %parallel_loop3A_1777 : i32
      %parallel_loop3A_1800 = arith.constant 8 : i32
      %parallel_loop3A_1801 = arith.remsi %parallel_loop3A_1775, %parallel_loop3A_1800 : i32
      %parallel_loop3A_1802 = arith.constant 16 : i32
      %parallel_loop3A_1803 = arith.muli %parallel_loop3A_1799, %parallel_loop3A_1802 : i32
      %parallel_loop3A_1804 = arith.constant 16 : i32
      %parallel_loop3A_1805 = arith.addi %parallel_loop3A_1804, %parallel_loop3A_1801 : i32
      %parallel_loop3A_1806 = arith.index_cast %parallel_loop3A_1805 : i32 to index
      %parallel_loop3A_1807 = arith.index_cast %parallel_loop3A_1803 : i32 to index
      %parallel_loop3A_1808 = tpu.vector_load %arg9[%parallel_loop3A_1806, %parallel_loop3A_1807] {strides = array<i32>} : memref<64x768xf32, #tpu.memory_space<vmem>>, vector<1x16xf32>,
      %parallel_loop3A_1809 = vector.shape_cast %parallel_loop3A_1808 : vector<1x16xf32> to vector<16xf32>
      %parallel_loop3A_1810 = arith.constant 0 : i32
      %parallel_loop3A_1811 = arith.addi %parallel_loop3A_1810, %parallel_loop3A_1801 : i32
      %parallel_loop3A_1812 = arith.constant 0 : i32
      %parallel_loop3A_1813 = arith.constant 0 : i32
      %parallel_loop3A_1814 = tpu.memref_slice %arg8[%parallel_loop3A_666, %parallel_loop3A_1812, %parallel_loop3A_1813] : memref<3x32x768xf32, #tpu.memory_space<vmem>> -> memref<1x32x768xf32, #tpu.memory_space<vmem>>
      %parallel_loop3A_1815 = tpu.memref_squeeze %parallel_loop3A_1814 : memref<1x32x768xf32, #tpu.memory_space<vmem>> -> memref<32x768xf32, #tpu.memory_space<vmem>>
      %parallel_loop3A_1816 = arith.index_cast %parallel_loop3A_1811 : i32 to index
      %parallel_loop3A_1817 = arith.index_cast %parallel_loop3A_1803 : i32 to index
      %parallel_loop3A_1818 = tpu.vector_load %parallel_loop3A_1815[%parallel_loop3A_1816, %parallel_loop3A_1817] {strides = array<i32>} : memref<32x768xf32, #tpu.memory_space<vmem>>, vector<1x16xf32>,
      %parallel_loop3A_1819 = vector.shape_cast %parallel_loop3A_1818 : vector<1x16xf32> to vector<16xf32>
      %parallel_loop3A_1820 = arith.constant 27.7128124 : f32
      %parallel_loop3A_1821 = vector.broadcast %parallel_loop3A_1820 : f32 to vector<16xf32>
      %parallel_loop3A_1822 = arith.mulf %parallel_loop3A_1819, %parallel_loop3A_1821 : vector<16xf32>
      %parallel_loop3A_1823 = arith.addf %parallel_loop3A_1822, %parallel_loop3A_1809 : vector<16xf32>
      %parallel_loop3A_1824 = arith.constant 0 : i32
      %parallel_loop3A_1825 = arith.addi %parallel_loop3A_1824, %parallel_loop3A_1801 : i32
      %parallel_loop3A_1826 = arith.constant 0 : i32
      %parallel_loop3A_1827 = arith.constant 0 : i32
      %parallel_loop3A_1828 = tpu.memref_slice %arg8[%parallel_loop3A_666, %parallel_loop3A_1826, %parallel_loop3A_1827] : memref<3x32x768xf32, #tpu.memory_space<vmem>> -> memref<1x32x768xf32, #tpu.memory_space<vmem>>
      %parallel_loop3A_1829 = tpu.memref_squeeze %parallel_loop3A_1828 : memref<1x32x768xf32, #tpu.memory_space<vmem>> -> memref<32x768xf32, #tpu.memory_space<vmem>>
      %parallel_loop3A_1830 = arith.index_cast %parallel_loop3A_1825 : i32 to index
      %parallel_loop3A_1831 = arith.index_cast %parallel_loop3A_1803 : i32 to index
      %parallel_loop3A_1832 = tpu.vector_load %parallel_loop3A_1829[%parallel_loop3A_1830, %parallel_loop3A_1831] {strides = array<i32>} : memref<32x768xf32, #tpu.memory_space<vmem>>, vector<1x16xf32>,
      %parallel_loop3A_1833 = vector.shape_cast %parallel_loop3A_1832 : vector<1x16xf32> to vector<16xf32>
      %parallel_loop3A_1834 = vector.shape_cast %parallel_loop3A_1823 : vector<16xf32> to vector<1x16xf32>
      tpu.vector_store %parallel_loop3A_1829[%parallel_loop3A_1830, %parallel_loop3A_1831], %parallel_loop3A_1834 {strides = array<i32>} : memref<32x768xf32, #tpu.memory_space<vmem>>, vector<1x16xf32>,
      %parallel_loop3A_1835 = arith.constant 8 : i32
      %parallel_loop3A_1836 = arith.addi %parallel_loop3A_1835, %parallel_loop3A_1801 : i32
      %parallel_loop3A_1837 = arith.constant 0 : i32
      %parallel_loop3A_1838 = arith.constant 0 : i32
      %parallel_loop3A_1839 = tpu.memref_slice %arg8[%parallel_loop3A_666, %parallel_loop3A_1837, %parallel_loop3A_1838] : memref<3x32x768xf32, #tpu.memory_space<vmem>> -> memref<1x32x768xf32, #tpu.memory_space<vmem>>
      %parallel_loop3A_1840 = tpu.memref_squeeze %parallel_loop3A_1839 : memref<1x32x768xf32, #tpu.memory_space<vmem>> -> memref<32x768xf32, #tpu.memory_space<vmem>>
      %parallel_loop3A_1841 = arith.index_cast %parallel_loop3A_1836 : i32 to index
      %parallel_loop3A_1842 = arith.index_cast %parallel_loop3A_1803 : i32 to index
      %parallel_loop3A_1843 = tpu.vector_load %parallel_loop3A_1840[%parallel_loop3A_1841, %parallel_loop3A_1842] {strides = array<i32>} : memref<32x768xf32, #tpu.memory_space<vmem>>, vector<1x16xf32>,
      %parallel_loop3A_1844 = vector.shape_cast %parallel_loop3A_1843 : vector<1x16xf32> to vector<16xf32>
      %parallel_loop3A_1845 = arith.constant 27.7128124 : f32
      %parallel_loop3A_1846 = vector.broadcast %parallel_loop3A_1845 : f32 to vector<16xf32>
      %parallel_loop3A_1847 = arith.mulf %parallel_loop3A_1844, %parallel_loop3A_1846 : vector<16xf32>
      %parallel_loop3A_1848 = arith.addf %parallel_loop3A_1847, %parallel_loop3A_1809 : vector<16xf32>
      %parallel_loop3A_1849 = arith.constant 8 : i32
      %parallel_loop3A_1850 = arith.addi %parallel_loop3A_1849, %parallel_loop3A_1801 : i32
      %parallel_loop3A_1851 = arith.constant 0 : i32
      %parallel_loop3A_1852 = arith.constant 0 : i32
      %parallel_loop3A_1853 = tpu.memref_slice %arg8[%parallel_loop3A_666, %parallel_loop3A_1851, %parallel_loop3A_1852] : memref<3x32x768xf32, #tpu.memory_space<vmem>> -> memref<1x32x768xf32, #tpu.memory_space<vmem>>
      %parallel_loop3A_1854 = tpu.memref_squeeze %parallel_loop3A_1853 : memref<1x32x768xf32, #tpu.memory_space<vmem>> -> memref<32x768xf32, #tpu.memory_space<vmem>>
      %parallel_loop3A_1855 = arith.index_cast %parallel_loop3A_1850 : i32 to index
      %parallel_loop3A_1856 = arith.index_cast %parallel_loop3A_1803 : i32 to index
      %parallel_loop3A_1857 = tpu.vector_load %parallel_loop3A_1854[%parallel_loop3A_1855, %parallel_loop3A_1856] {strides = array<i32>} : memref<32x768xf32, #tpu.memory_space<vmem>>, vector<1x16xf32>,
      %parallel_loop3A_1858 = vector.shape_cast %parallel_loop3A_1857 : vector<1x16xf32> to vector<16xf32>
      %parallel_loop3A_1859 = vector.shape_cast %parallel_loop3A_1848 : vector<16xf32> to vector<1x16xf32>
      tpu.vector_store %parallel_loop3A_1854[%parallel_loop3A_1855, %parallel_loop3A_1856], %parallel_loop3A_1859 {strides = array<i32>} : memref<32x768xf32, #tpu.memory_space<vmem>>, vector<1x16xf32>,
      %parallel_loop3A_1860 = arith.constant 16 : i32
      %parallel_loop3A_1861 = arith.addi %parallel_loop3A_1860, %parallel_loop3A_1801 : i32
      %parallel_loop3A_1862 = arith.constant 0 : i32
      %parallel_loop3A_1863 = arith.constant 0 : i32
      %parallel_loop3A_1864 = tpu.memref_slice %arg8[%parallel_loop3A_666, %parallel_loop3A_1862, %parallel_loop3A_1863] : memref<3x32x768xf32, #tpu.memory_space<vmem>> -> memref<1x32x768xf32, #tpu.memory_space<vmem>>
      %parallel_loop3A_1865 = tpu.memref_squeeze %parallel_loop3A_1864 : memref<1x32x768xf32, #tpu.memory_space<vmem>> -> memref<32x768xf32, #tpu.memory_space<vmem>>
      %parallel_loop3A_1866 = arith.index_cast %parallel_loop3A_1861 : i32 to index
      %parallel_loop3A_1867 = arith.index_cast %parallel_loop3A_1803 : i32 to index
      %parallel_loop3A_1868 = tpu.vector_load %parallel_loop3A_1865[%parallel_loop3A_1866, %parallel_loop3A_1867] {strides = array<i32>} : memref<32x768xf32, #tpu.memory_space<vmem>>, vector<1x16xf32>,
      %parallel_loop3A_1869 = vector.shape_cast %parallel_loop3A_1868 : vector<1x16xf32> to vector<16xf32>
      %parallel_loop3A_1870 = arith.constant 27.7128124 : f32
      %parallel_loop3A_1871 = vector.broadcast %parallel_loop3A_1870 : f32 to vector<16xf32>
      %parallel_loop3A_1872 = arith.mulf %parallel_loop3A_1869, %parallel_loop3A_1871 : vector<16xf32>
      %parallel_loop3A_1873 = arith.addf %parallel_loop3A_1872, %parallel_loop3A_1809 : vector<16xf32>
      %parallel_loop3A_1874 = arith.constant 16 : i32
      %parallel_loop3A_1875 = arith.addi %parallel_loop3A_1874, %parallel_loop3A_1801 : i32
      %parallel_loop3A_1876 = arith.constant 0 : i32
      %parallel_loop3A_1877 = arith.constant 0 : i32
      %parallel_loop3A_1878 = tpu.memref_slice %arg8[%parallel_loop3A_666, %parallel_loop3A_1876, %parallel_loop3A_1877] : memref<3x32x768xf32, #tpu.memory_space<vmem>> -> memref<1x32x768xf32, #tpu.memory_space<vmem>>
      %parallel_loop3A_1879 = tpu.memref_squeeze %parallel_loop3A_1878 : memref<1x32x768xf32, #tpu.memory_space<vmem>> -> memref<32x768xf32, #tpu.memory_space<vmem>>
      %parallel_loop3A_1880 = arith.index_cast %parallel_loop3A_1875 : i32 to index
      %parallel_loop3A_1881 = arith.index_cast %parallel_loop3A_1803 : i32 to index
      %parallel_loop3A_1882 = tpu.vector_load %parallel_loop3A_1879[%parallel_loop3A_1880, %parallel_loop3A_1881] {strides = array<i32>} : memref<32x768xf32, #tpu.memory_space<vmem>>, vector<1x16xf32>,
      %parallel_loop3A_1883 = vector.shape_cast %parallel_loop3A_1882 : vector<1x16xf32> to vector<16xf32>
      %parallel_loop3A_1884 = vector.shape_cast %parallel_loop3A_1873 : vector<16xf32> to vector<1x16xf32>
      tpu.vector_store %parallel_loop3A_1879[%parallel_loop3A_1880, %parallel_loop3A_1881], %parallel_loop3A_1884 {strides = array<i32>} : memref<32x768xf32, #tpu.memory_space<vmem>>, vector<1x16xf32>,
      %parallel_loop3A_1885 = arith.constant 24 : i32
      %parallel_loop3A_1886 = arith.addi %parallel_loop3A_1885, %parallel_loop3A_1801 : i32
      %parallel_loop3A_1887 = arith.constant 0 : i32
      %parallel_loop3A_1888 = arith.constant 0 : i32
      %parallel_loop3A_1889 = tpu.memref_slice %arg8[%parallel_loop3A_666, %parallel_loop3A_1887, %parallel_loop3A_1888] : memref<3x32x768xf32, #tpu.memory_space<vmem>> -> memref<1x32x768xf32, #tpu.memory_space<vmem>>
      %parallel_loop3A_1890 = tpu.memref_squeeze %parallel_loop3A_1889 : memref<1x32x768xf32, #tpu.memory_space<vmem>> -> memref<32x768xf32, #tpu.memory_space<vmem>>
      %parallel_loop3A_1891 = arith.index_cast %parallel_loop3A_1886 : i32 to index
      %parallel_loop3A_1892 = arith.index_cast %parallel_loop3A_1803 : i32 to index
      %parallel_loop3A_1893 = tpu.vector_load %parallel_loop3A_1890[%parallel_loop3A_1891, %parallel_loop3A_1892] {strides = array<i32>} : memref<32x768xf32, #tpu.memory_space<vmem>>, vector<1x16xf32>,
      %parallel_loop3A_1894 = vector.shape_cast %parallel_loop3A_1893 : vector<1x16xf32> to vector<16xf32>
      %parallel_loop3A_1895 = arith.constant 27.7128124 : f32
      %parallel_loop3A_1896 = vector.broadcast %parallel_loop3A_1895 : f32 to vector<16xf32>
      %parallel_loop3A_1897 = arith.mulf %parallel_loop3A_1894, %parallel_loop3A_1896 : vector<16xf32>
      %parallel_loop3A_1898 = arith.addf %parallel_loop3A_1897, %parallel_loop3A_1809 : vector<16xf32>
      %parallel_loop3A_1899 = arith.constant 24 : i32
      %parallel_loop3A_1900 = arith.addi %parallel_loop3A_1899, %parallel_loop3A_1801 : i32
      %parallel_loop3A_1901 = arith.constant 0 : i32
      %parallel_loop3A_1902 = arith.constant 0 : i32
      %parallel_loop3A_1903 = tpu.memref_slice %arg8[%parallel_loop3A_666, %parallel_loop3A_1901, %parallel_loop3A_1902] : memref<3x32x768xf32, #tpu.memory_space<vmem>> -> memref<1x32x768xf32, #tpu.memory_space<vmem>>
      %parallel_loop3A_1904 = tpu.memref_squeeze %parallel_loop3A_1903 : memref<1x32x768xf32, #tpu.memory_space<vmem>> -> memref<32x768xf32, #tpu.memory_space<vmem>>
      %parallel_loop3A_1905 = arith.index_cast %parallel_loop3A_1900 : i32 to index
      %parallel_loop3A_1906 = arith.index_cast %parallel_loop3A_1803 : i32 to index
      %parallel_loop3A_1907 = tpu.vector_load %parallel_loop3A_1904[%parallel_loop3A_1905, %parallel_loop3A_1906] {strides = array<i32>} : memref<32x768xf32, #tpu.memory_space<vmem>>, vector<1x16xf32>,
      %parallel_loop3A_1908 = vector.shape_cast %parallel_loop3A_1907 : vector<1x16xf32> to vector<16xf32>
      %parallel_loop3A_1909 = vector.shape_cast %parallel_loop3A_1898 : vector<16xf32> to vector<1x16xf32>
      tpu.vector_store %parallel_loop3A_1904[%parallel_loop3A_1905, %parallel_loop3A_1906], %parallel_loop3A_1909 {strides = array<i32>} : memref<32x768xf32, #tpu.memory_space<vmem>>, vector<1x16xf32>,
    } {sc.loop_unroll_factor = 4 : i64, sc.parallel_access}
    %add3A_667 = arith.constant 0 : i32
    %add3A_668 = arith.addi %add3A_667, %mul3A_2 : i32
    %add3A_669 = arith.constant 16 : i32
    %add3A_670 = arith.addi %add3A_668, %add3A_669 : i32
    %dma_start3A_671 = arith.constant 2 : i32
    %dma_start3A_672 = arith.constant 0 : i32
    %dma_start3A_673 = arith.constant 0 : i32
    %dma_start3A_674 = tpu.memref_slice %arg8[%dma_start3A_671, %dma_start3A_672, %dma_start3A_673] : memref<3x32x768xf32, #tpu.memory_space<vmem>> -> memref<1x32x768xf32, #tpu.memory_space<vmem>>
    %dma_start3A_675 = tpu.memref_squeeze %dma_start3A_674 : memref<1x32x768xf32, #tpu.memory_space<vmem>> -> memref<32x768xf32, #tpu.memory_space<vmem>>
    %dma_start3A_676 = arith.constant 0 : i32
    %dma_start3A_677 = arith.constant 0 : i32
    %dma_start3A_678 = tpu.memref_slice %dma_start3A_675[%dma_start3A_676, %dma_start3A_677] : memref<32x768xf32, #tpu.memory_space<vmem>> -> memref<8x768xf32, #tpu.memory_space<vmem>>
    %dma_start3A_679 = arith.constant 0 : i32
    %dma_start3A_680 = tpu.memref_slice %arg5[%add3A_670, %dma_start3A_679] : memref<8192x768xf32, #tpu.memory_space<hbm>> -> memref<8x768xf32, #tpu.memory_space<hbm>>
    %dma_start3A_681 = arith.constant 0 : i32
    %dma_start3A_682 = tpu.memref_slice %arg5[%add3A_670, %dma_start3A_681] : memref<8192x768xf32, #tpu.memory_space<hbm>> -> memref<8x768xf32, #tpu.memory_space<hbm>>
    %dma_start3A_683 = arith.constant 0 : i32
    %dma_start3A_684 = arith.constant 0 : i32
    %dma_start3A_685 = tpu.memref_slice %arg8[%dma_start3A_671, %dma_start3A_683, %dma_start3A_684] : memref<3x32x768xf32, #tpu.memory_space<vmem>> -> memref<1x32x768xf32, #tpu.memory_space<vmem>>
    %dma_start3A_686 = tpu.memref_squeeze %dma_start3A_685 : memref<1x32x768xf32, #tpu.memory_space<vmem>> -> memref<32x768xf32, #tpu.memory_space<vmem>>
    %dma_start3A_687 = arith.constant 0 : i32
    %dma_start3A_688 = arith.constant 0 : i32
    %dma_start3A_689 = tpu.memref_slice %dma_start3A_686[%dma_start3A_687, %dma_start3A_688] : memref<32x768xf32, #tpu.memory_space<vmem>> -> memref<8x768xf32, #tpu.memory_space<vmem>>
    tpu.enqueue_dma source(%dma_start3A_689 : memref<8x768xf32, #tpu.memory_space<vmem>>) target(%dma_start3A_682 : memref<8x768xf32, #tpu.memory_space<hbm>>) target_semaphore(%arg17 : memref<!tpu.dma_semaphore, #tpu.memory_space<semaphore_mem>>)
    %add3A_690 = arith.constant 2048 : i32
    %add3A_691 = arith.addi %add3A_690, %mul3A_2 : i32
    %add3A_692 = arith.constant 16 : i32
    %add3A_693 = arith.addi %add3A_691, %add3A_692 : i32
    %dma_start3A_694 = arith.constant 2 : i32
    %dma_start3A_695 = arith.constant 0 : i32
    %dma_start3A_696 = arith.constant 0 : i32
    %dma_start3A_697 = tpu.memref_slice %arg8[%dma_start3A_694, %dma_start3A_695, %dma_start3A_696] : memref<3x32x768xf32, #tpu.memory_space<vmem>> -> memref<1x32x768xf32, #tpu.memory_space<vmem>>
    %dma_start3A_698 = tpu.memref_squeeze %dma_start3A_697 : memref<1x32x768xf32, #tpu.memory_space<vmem>> -> memref<32x768xf32, #tpu.memory_space<vmem>>
    %dma_start3A_699 = arith.constant 8 : i32
    %dma_start3A_700 = arith.constant 0 : i32
    %dma_start3A_701 = tpu.memref_slice %dma_start3A_698[%dma_start3A_699, %dma_start3A_700] : memref<32x768xf32, #tpu.memory_space<vmem>> -> memref<8x768xf32, #tpu.memory_space<vmem>>
    %dma_start3A_702 = arith.constant 0 : i32
    %dma_start3A_703 = tpu.memref_slice %arg5[%add3A_693, %dma_start3A_702] : memref<8192x768xf32, #tpu.memory_space<hbm>> -> memref<8x768xf32, #tpu.memory_space<hbm>>
    %dma_start3A_704 = arith.constant 0 : i32
    %dma_start3A_705 = tpu.memref_slice %arg5[%add3A_693, %dma_start3A_704] : memref<8192x768xf32, #tpu.memory_space<hbm>> -> memref<8x768xf32, #tpu.memory_space<hbm>>
    %dma_start3A_706 = arith.constant 0 : i32
    %dma_start3A_707 = arith.constant 0 : i32
    %dma_start3A_708 = tpu.memref_slice %arg8[%dma_start3A_694, %dma_start3A_706, %dma_start3A_707] : memref<3x32x768xf32, #tpu.memory_space<vmem>> -> memref<1x32x768xf32, #tpu.memory_space<vmem>>
    %dma_start3A_709 = tpu.memref_squeeze %dma_start3A_708 : memref<1x32x768xf32, #tpu.memory_space<vmem>> -> memref<32x768xf32, #tpu.memory_space<vmem>>
    %dma_start3A_710 = arith.constant 8 : i32
    %dma_start3A_711 = arith.constant 0 : i32
    %dma_start3A_712 = tpu.memref_slice %dma_start3A_709[%dma_start3A_710, %dma_start3A_711] : memref<32x768xf32, #tpu.memory_space<vmem>> -> memref<8x768xf32, #tpu.memory_space<vmem>>
    tpu.enqueue_dma source(%dma_start3A_712 : memref<8x768xf32, #tpu.memory_space<vmem>>) target(%dma_start3A_705 : memref<8x768xf32, #tpu.memory_space<hbm>>) target_semaphore(%arg17 : memref<!tpu.dma_semaphore, #tpu.memory_space<semaphore_mem>>)
    %add3A_713 = arith.constant 4096 : i32
    %add3A_714 = arith.addi %add3A_713, %mul3A_2 : i32
    %add3A_715 = arith.constant 16 : i32
    %add3A_716 = arith.addi %add3A_714, %add3A_715 : i32
    %dma_start3A_717 = arith.constant 2 : i32
    %dma_start3A_718 = arith.constant 0 : i32
    %dma_start3A_719 = arith.constant 0 : i32
    %dma_start3A_720 = tpu.memref_slice %arg8[%dma_start3A_717, %dma_start3A_718, %dma_start3A_719] : memref<3x32x768xf32, #tpu.memory_space<vmem>> -> memref<1x32x768xf32, #tpu.memory_space<vmem>>
    %dma_start3A_721 = tpu.memref_squeeze %dma_start3A_720 : memref<1x32x768xf32, #tpu.memory_space<vmem>> -> memref<32x768xf32, #tpu.memory_space<vmem>>
    %dma_start3A_722 = arith.constant 16 : i32
    %dma_start3A_723 = arith.constant 0 : i32
    %dma_start3A_724 = tpu.memref_slice %dma_start3A_721[%dma_start3A_722, %dma_start3A_723] : memref<32x768xf32, #tpu.memory_space<vmem>> -> memref<8x768xf32, #tpu.memory_space<vmem>>
    %dma_start3A_725 = arith.constant 0 : i32
    %dma_start3A_726 = tpu.memref_slice %arg5[%add3A_716, %dma_start3A_725] : memref<8192x768xf32, #tpu.memory_space<hbm>> -> memref<8x768xf32, #tpu.memory_space<hbm>>
    %dma_start3A_727 = arith.constant 0 : i32
    %dma_start3A_728 = tpu.memref_slice %arg5[%add3A_716, %dma_start3A_727] : memref<8192x768xf32, #tpu.memory_space<hbm>> -> memref<8x768xf32, #tpu.memory_space<hbm>>
    %dma_start3A_729 = arith.constant 0 : i32
    %dma_start3A_730 = arith.constant 0 : i32
    %dma_start3A_731 = tpu.memref_slice %arg8[%dma_start3A_717, %dma_start3A_729, %dma_start3A_730] : memref<3x32x768xf32, #tpu.memory_space<vmem>> -> memref<1x32x768xf32, #tpu.memory_space<vmem>>
    %dma_start3A_732 = tpu.memref_squeeze %dma_start3A_731 : memref<1x32x768xf32, #tpu.memory_space<vmem>> -> memref<32x768xf32, #tpu.memory_space<vmem>>
    %dma_start3A_733 = arith.constant 16 : i32
    %dma_start3A_734 = arith.constant 0 : i32
    %dma_start3A_735 = tpu.memref_slice %dma_start3A_732[%dma_start3A_733, %dma_start3A_734] : memref<32x768xf32, #tpu.memory_space<vmem>> -> memref<8x768xf32, #tpu.memory_space<vmem>>
    tpu.enqueue_dma source(%dma_start3A_735 : memref<8x768xf32, #tpu.memory_space<vmem>>) target(%dma_start3A_728 : memref<8x768xf32, #tpu.memory_space<hbm>>) target_semaphore(%arg17 : memref<!tpu.dma_semaphore, #tpu.memory_space<semaphore_mem>>)
    %add3A_736 = arith.constant 6144 : i32
    %add3A_737 = arith.addi %add3A_736, %mul3A_2 : i32
    %add3A_738 = arith.constant 16 : i32
    %add3A_739 = arith.addi %add3A_737, %add3A_738 : i32
    %dma_start3A_740 = arith.constant 2 : i32
    %dma_start3A_741 = arith.constant 0 : i32
    %dma_start3A_742 = arith.constant 0 : i32
    %dma_start3A_743 = tpu.memref_slice %arg8[%dma_start3A_740, %dma_start3A_741, %dma_start3A_742] : memref<3x32x768xf32, #tpu.memory_space<vmem>> -> memref<1x32x768xf32, #tpu.memory_space<vmem>>
    %dma_start3A_744 = tpu.memref_squeeze %dma_start3A_743 : memref<1x32x768xf32, #tpu.memory_space<vmem>> -> memref<32x768xf32, #tpu.memory_space<vmem>>
    %dma_start3A_745 = arith.constant 24 : i32
    %dma_start3A_746 = arith.constant 0 : i32
    %dma_start3A_747 = tpu.memref_slice %dma_start3A_744[%dma_start3A_745, %dma_start3A_746] : memref<32x768xf32, #tpu.memory_space<vmem>> -> memref<8x768xf32, #tpu.memory_space<vmem>>
    %dma_start3A_748 = arith.constant 0 : i32
    %dma_start3A_749 = tpu.memref_slice %arg5[%add3A_739, %dma_start3A_748] : memref<8192x768xf32, #tpu.memory_space<hbm>> -> memref<8x768xf32, #tpu.memory_space<hbm>>
    %dma_start3A_750 = arith.constant 0 : i32
    %dma_start3A_751 = tpu.memref_slice %arg5[%add3A_739, %dma_start3A_750] : memref<8192x768xf32, #tpu.memory_space<hbm>> -> memref<8x768xf32, #tpu.memory_space<hbm>>
    %dma_start3A_752 = arith.constant 0 : i32
    %dma_start3A_753 = arith.constant 0 : i32
    %dma_start3A_754 = tpu.memref_slice %arg8[%dma_start3A_740, %dma_start3A_752, %dma_start3A_753] : memref<3x32x768xf32, #tpu.memory_space<vmem>> -> memref<1x32x768xf32, #tpu.memory_space<vmem>>
    %dma_start3A_755 = tpu.memref_squeeze %dma_start3A_754 : memref<1x32x768xf32, #tpu.memory_space<vmem>> -> memref<32x768xf32, #tpu.memory_space<vmem>>
    %dma_start3A_756 = arith.constant 24 : i32
    %dma_start3A_757 = arith.constant 0 : i32
    %dma_start3A_758 = tpu.memref_slice %dma_start3A_755[%dma_start3A_756, %dma_start3A_757] : memref<32x768xf32, #tpu.memory_space<vmem>> -> memref<8x768xf32, #tpu.memory_space<vmem>>
    tpu.enqueue_dma source(%dma_start3A_758 : memref<8x768xf32, #tpu.memory_space<vmem>>) target(%dma_start3A_751 : memref<8x768xf32, #tpu.memory_space<hbm>>) target_semaphore(%arg17 : memref<!tpu.dma_semaphore, #tpu.memory_space<semaphore_mem>>)
    %dma_wait3A_759 = arith.constant 2 : i32
    %dma_wait3A_760 = arith.constant 0 : i32
    %dma_wait3A_761 = arith.constant 0 : i32
    %dma_wait3A_762 = tpu.memref_slice %arg8[%dma_wait3A_759, %dma_wait3A_760, %dma_wait3A_761] : memref<3x32x768xf32, #tpu.memory_space<vmem>> -> memref<1x32x768xf32, #tpu.memory_space<vmem>>
    %dma_wait3A_763 = tpu.memref_squeeze %dma_wait3A_762 : memref<1x32x768xf32, #tpu.memory_space<vmem>> -> memref<32x768xf32, #tpu.memory_space<vmem>>
    %dma_wait3A_764 = arith.constant 0 : i32
    %dma_wait3A_765 = arith.constant 0 : i32
    %dma_wait3A_766 = tpu.memref_slice %dma_wait3A_763[%dma_wait3A_764, %dma_wait3A_765] : memref<32x768xf32, #tpu.memory_space<vmem>> -> memref<8x768xf32, #tpu.memory_space<vmem>>
    %dma_wait3A_767 = arith.constant 0 : i32
    %dma_wait3A_768 = tpu.memref_slice %arg5[%add3A_670, %dma_wait3A_767] : memref<8192x768xf32, #tpu.memory_space<hbm>> -> memref<8x768xf32, #tpu.memory_space<hbm>>
    %dma_wait3A_769 = arith.constant 0 : i32
    %dma_wait3A_770 = tpu.memref_slice %arg5[%add3A_670, %dma_wait3A_769] : memref<8192x768xf32, #tpu.memory_space<hbm>> -> memref<8x768xf32, #tpu.memory_space<hbm>>
    %dma_wait3A_771 = arith.constant 0 : i32
    %dma_wait3A_772 = arith.constant 0 : i32
    %dma_wait3A_773 = tpu.memref_slice %arg8[%dma_wait3A_759, %dma_wait3A_771, %dma_wait3A_772] : memref<3x32x768xf32, #tpu.memory_space<vmem>> -> memref<1x32x768xf32, #tpu.memory_space<vmem>>
    %dma_wait3A_774 = tpu.memref_squeeze %dma_wait3A_773 : memref<1x32x768xf32, #tpu.memory_space<vmem>> -> memref<32x768xf32, #tpu.memory_space<vmem>>
    %dma_wait3A_775 = arith.constant 0 : i32
    %dma_wait3A_776 = arith.constant 0 : i32
    %dma_wait3A_777 = tpu.memref_slice %dma_wait3A_774[%dma_wait3A_775, %dma_wait3A_776] : memref<32x768xf32, #tpu.memory_space<vmem>> -> memref<8x768xf32, #tpu.memory_space<vmem>>
    tpu.wait_dma2 semaphore(%arg17 : memref<!tpu.dma_semaphore, #tpu.memory_space<semaphore_mem>>) src(%dma_wait3A_777 : memref<8x768xf32, #tpu.memory_space<vmem>>) dst(%dma_wait3A_770 : memref<8x768xf32, #tpu.memory_space<hbm>>)
    %dma_wait3A_778 = arith.constant 2 : i32
    %dma_wait3A_779 = arith.constant 0 : i32
    %dma_wait3A_780 = arith.constant 0 : i32
    %dma_wait3A_781 = tpu.memref_slice %arg8[%dma_wait3A_778, %dma_wait3A_779, %dma_wait3A_780] : memref<3x32x768xf32, #tpu.memory_space<vmem>> -> memref<1x32x768xf32, #tpu.memory_space<vmem>>
    %dma_wait3A_782 = tpu.memref_squeeze %dma_wait3A_781 : memref<1x32x768xf32, #tpu.memory_space<vmem>> -> memref<32x768xf32, #tpu.memory_space<vmem>>
    %dma_wait3A_783 = arith.constant 8 : i32
    %dma_wait3A_784 = arith.constant 0 : i32
    %dma_wait3A_785 = tpu.memref_slice %dma_wait3A_782[%dma_wait3A_783, %dma_wait3A_784] : memref<32x768xf32, #tpu.memory_space<vmem>> -> memref<8x768xf32, #tpu.memory_space<vmem>>
    %dma_wait3A_786 = arith.constant 0 : i32
    %dma_wait3A_787 = tpu.memref_slice %arg5[%add3A_693, %dma_wait3A_786] : memref<8192x768xf32, #tpu.memory_space<hbm>> -> memref<8x768xf32, #tpu.memory_space<hbm>>
    %dma_wait3A_788 = arith.constant 0 : i32
    %dma_wait3A_789 = tpu.memref_slice %arg5[%add3A_693, %dma_wait3A_788] : memref<8192x768xf32, #tpu.memory_space<hbm>> -> memref<8x768xf32, #tpu.memory_space<hbm>>
    %dma_wait3A_790 = arith.constant 0 : i32
    %dma_wait3A_791 = arith.constant 0 : i32
    %dma_wait3A_792 = tpu.memref_slice %arg8[%dma_wait3A_778, %dma_wait3A_790, %dma_wait3A_791] : memref<3x32x768xf32, #tpu.memory_space<vmem>> -> memref<1x32x768xf32, #tpu.memory_space<vmem>>
    %dma_wait3A_793 = tpu.memref_squeeze %dma_wait3A_792 : memref<1x32x768xf32, #tpu.memory_space<vmem>> -> memref<32x768xf32, #tpu.memory_space<vmem>>
    %dma_wait3A_794 = arith.constant 8 : i32
    %dma_wait3A_795 = arith.constant 0 : i32
    %dma_wait3A_796 = tpu.memref_slice %dma_wait3A_793[%dma_wait3A_794, %dma_wait3A_795] : memref<32x768xf32, #tpu.memory_space<vmem>> -> memref<8x768xf32, #tpu.memory_space<vmem>>
    tpu.wait_dma2 semaphore(%arg17 : memref<!tpu.dma_semaphore, #tpu.memory_space<semaphore_mem>>) src(%dma_wait3A_796 : memref<8x768xf32, #tpu.memory_space<vmem>>) dst(%dma_wait3A_789 : memref<8x768xf32, #tpu.memory_space<hbm>>)
    %dma_wait3A_797 = arith.constant 2 : i32
    %dma_wait3A_798 = arith.constant 0 : i32
    %dma_wait3A_799 = arith.constant 0 : i32
    %dma_wait3A_800 = tpu.memref_slice %arg8[%dma_wait3A_797, %dma_wait3A_798, %dma_wait3A_799] : memref<3x32x768xf32, #tpu.memory_space<vmem>> -> memref<1x32x768xf32, #tpu.memory_space<vmem>>
    %dma_wait3A_801 = tpu.memref_squeeze %dma_wait3A_800 : memref<1x32x768xf32, #tpu.memory_space<vmem>> -> memref<32x768xf32, #tpu.memory_space<vmem>>
    %dma_wait3A_802 = arith.constant 16 : i32
    %dma_wait3A_803 = arith.constant 0 : i32
    %dma_wait3A_804 = tpu.memref_slice %dma_wait3A_801[%dma_wait3A_802, %dma_wait3A_803] : memref<32x768xf32, #tpu.memory_space<vmem>> -> memref<8x768xf32, #tpu.memory_space<vmem>>
    %dma_wait3A_805 = arith.constant 0 : i32
    %dma_wait3A_806 = tpu.memref_slice %arg5[%add3A_716, %dma_wait3A_805] : memref<8192x768xf32, #tpu.memory_space<hbm>> -> memref<8x768xf32, #tpu.memory_space<hbm>>
    %dma_wait3A_807 = arith.constant 0 : i32
    %dma_wait3A_808 = tpu.memref_slice %arg5[%add3A_716, %dma_wait3A_807] : memref<8192x768xf32, #tpu.memory_space<hbm>> -> memref<8x768xf32, #tpu.memory_space<hbm>>
    %dma_wait3A_809 = arith.constant 0 : i32
    %dma_wait3A_810 = arith.constant 0 : i32
    %dma_wait3A_811 = tpu.memref_slice %arg8[%dma_wait3A_797, %dma_wait3A_809, %dma_wait3A_810] : memref<3x32x768xf32, #tpu.memory_space<vmem>> -> memref<1x32x768xf32, #tpu.memory_space<vmem>>
    %dma_wait3A_812 = tpu.memref_squeeze %dma_wait3A_811 : memref<1x32x768xf32, #tpu.memory_space<vmem>> -> memref<32x768xf32, #tpu.memory_space<vmem>>
    %dma_wait3A_813 = arith.constant 16 : i32
    %dma_wait3A_814 = arith.constant 0 : i32
    %dma_wait3A_815 = tpu.memref_slice %dma_wait3A_812[%dma_wait3A_813, %dma_wait3A_814] : memref<32x768xf32, #tpu.memory_space<vmem>> -> memref<8x768xf32, #tpu.memory_space<vmem>>
    tpu.wait_dma2 semaphore(%arg17 : memref<!tpu.dma_semaphore, #tpu.memory_space<semaphore_mem>>) src(%dma_wait3A_815 : memref<8x768xf32, #tpu.memory_space<vmem>>) dst(%dma_wait3A_808 : memref<8x768xf32, #tpu.memory_space<hbm>>)
    %dma_wait3A_816 = arith.constant 2 : i32
    %dma_wait3A_817 = arith.constant 0 : i32
    %dma_wait3A_818 = arith.constant 0 : i32
    %dma_wait3A_819 = tpu.memref_slice %arg8[%dma_wait3A_816, %dma_wait3A_817, %dma_wait3A_818] : memref<3x32x768xf32, #tpu.memory_space<vmem>> -> memref<1x32x768xf32, #tpu.memory_space<vmem>>
    %dma_wait3A_820 = tpu.memref_squeeze %dma_wait3A_819 : memref<1x32x768xf32, #tpu.memory_space<vmem>> -> memref<32x768xf32, #tpu.memory_space<vmem>>
    %dma_wait3A_821 = arith.constant 24 : i32
    %dma_wait3A_822 = arith.constant 0 : i32
    %dma_wait3A_823 = tpu.memref_slice %dma_wait3A_820[%dma_wait3A_821, %dma_wait3A_822] : memref<32x768xf32, #tpu.memory_space<vmem>> -> memref<8x768xf32, #tpu.memory_space<vmem>>
    %dma_wait3A_824 = arith.constant 0 : i32
    %dma_wait3A_825 = tpu.memref_slice %arg5[%add3A_739, %dma_wait3A_824] : memref<8192x768xf32, #tpu.memory_space<hbm>> -> memref<8x768xf32, #tpu.memory_space<hbm>>
    %dma_wait3A_826 = arith.constant 0 : i32
    %dma_wait3A_827 = tpu.memref_slice %arg5[%add3A_739, %dma_wait3A_826] : memref<8192x768xf32, #tpu.memory_space<hbm>> -> memref<8x768xf32, #tpu.memory_space<hbm>>
    %dma_wait3A_828 = arith.constant 0 : i32
    %dma_wait3A_829 = arith.constant 0 : i32
    %dma_wait3A_830 = tpu.memref_slice %arg8[%dma_wait3A_816, %dma_wait3A_828, %dma_wait3A_829] : memref<3x32x768xf32, #tpu.memory_space<vmem>> -> memref<1x32x768xf32, #tpu.memory_space<vmem>>
    %dma_wait3A_831 = tpu.memref_squeeze %dma_wait3A_830 : memref<1x32x768xf32, #tpu.memory_space<vmem>> -> memref<32x768xf32, #tpu.memory_space<vmem>>
    %dma_wait3A_832 = arith.constant 24 : i32
    %dma_wait3A_833 = arith.constant 0 : i32
    %dma_wait3A_834 = tpu.memref_slice %dma_wait3A_831[%dma_wait3A_832, %dma_wait3A_833] : memref<32x768xf32, #tpu.memory_space<vmem>> -> memref<8x768xf32, #tpu.memory_space<vmem>>
    tpu.wait_dma2 semaphore(%arg17 : memref<!tpu.dma_semaphore, #tpu.memory_space<semaphore_mem>>) src(%dma_wait3A_834 : memref<8x768xf32, #tpu.memory_space<vmem>>) dst(%dma_wait3A_827 : memref<8x768xf32, #tpu.memory_space<hbm>>)
    %dma_start3A_835 = arith.constant 2 : i32
    %dma_start3A_836 = arith.constant 0 : i32
    %dma_start3A_837 = arith.constant 0 : i32
    %dma_start3A_838 = tpu.memref_slice %arg8[%dma_start3A_835, %dma_start3A_836, %dma_start3A_837] : memref<3x32x768xf32, #tpu.memory_space<vmem>> -> memref<1x32x768xf32, #tpu.memory_space<vmem>>
    %dma_start3A_839 = tpu.memref_squeeze %dma_start3A_838 : memref<1x32x768xf32, #tpu.memory_space<vmem>> -> memref<32x768xf32, #tpu.memory_space<vmem>>
    %dma_start3A_840 = arith.constant 160 : i32
    %dma_start3A_841 = tpu.memref_slice %arg7[%dma_start3A_840] : memref<256xi32, #tpu.memory_space<vmem>> -> memref<32xi32, #tpu.memory_space<vmem>>
    %dma_start3A_842 = arith.constant 0 : i32
    %dma_start3A_843 = arith.constant 0 : i32
    %dma_start3A_844 = tpu.memref_slice %arg3[%dma_start3A_842, %dma_start3A_843] : memref<100000x768xf32, #tpu.memory_space<hbm>> -> memref<100000x768xf32, #tpu.memory_space<hbm>>
    tpu.enqueue_indirect_dma source(%dma_start3A_844 : memref<100000x768xf32, #tpu.memory_space<hbm>>) target(%dma_start3A_839 : memref<32x768xf32, #tpu.memory_space<vmem>>) offsets(%dma_start3A_841 : memref<32xi32, #tpu.memory_space<vmem>>) semaphore(%arg14 : memref<!tpu.dma_semaphore, #tpu.memory_space<semaphore_mem>>)
    %dma_wait3A_845 = arith.constant 0 : i32
    %dma_wait3A_846 = arith.constant 0 : i32
    %dma_wait3A_847 = arith.constant 0 : i32
    %dma_wait3A_848 = tpu.memref_slice %arg8[%dma_wait3A_845, %dma_wait3A_846, %dma_wait3A_847] : memref<3x32x768xf32, #tpu.memory_space<vmem>> -> memref<1x32x768xf32, #tpu.memory_space<vmem>>
    %dma_wait3A_849 = tpu.memref_squeeze %dma_wait3A_848 : memref<1x32x768xf32, #tpu.memory_space<vmem>> -> memref<32x768xf32, #tpu.memory_space<vmem>>
    %dma_wait3A_850 = arith.constant 96 : i32
    %dma_wait3A_851 = tpu.memref_slice %arg7[%dma_wait3A_850] : memref<256xi32, #tpu.memory_space<vmem>> -> memref<32xi32, #tpu.memory_space<vmem>>
    %dma_wait3A_852 = arith.constant 0 : i32
    %dma_wait3A_853 = arith.constant 0 : i32
    %dma_wait3A_854 = tpu.memref_slice %arg3[%dma_wait3A_852, %dma_wait3A_853] : memref<100000x768xf32, #tpu.memory_space<hbm>> -> memref<100000x768xf32, #tpu.memory_space<hbm>>
    tpu.wait_indirect_dma semaphore(%arg12 : memref<!tpu.dma_semaphore, #tpu.memory_space<semaphore_mem>>) src(%dma_wait3A_854 : memref<100000x768xf32, #tpu.memory_space<hbm>>) dst(%dma_wait3A_849 : memref<32x768xf32, #tpu.memory_space<vmem>>)
    %parallel_loop3A_855 = arith.constant 0 : i32
    %parallel_loop3A_856 = arith.constant 384 : i32
    %parallel_loop3A_857 = arith.constant 1 : i32
    %parallel_loop3A_858 = arith.constant 0 : i32
    scf.for %parallel_loop3A_1775 = %parallel_loop3A_855 to %parallel_loop3A_856 step %parallel_loop3A_857  : i32 {
      %parallel_loop3A_1776 = arith.constant 8 : i32
      %parallel_loop3A_1777 = arith.divsi %parallel_loop3A_1775, %parallel_loop3A_1776 : i32
      %parallel_loop3A_1778 = arith.constant 0 : i32
      %parallel_loop3A_1779 = arith.cmpi sgt, %parallel_loop3A_1775, %parallel_loop3A_1778 : i32
      %parallel_loop3A_1780 = arith.extui %parallel_loop3A_1779 : i1 to i32
      %parallel_loop3A_1781 = arith.constant 0 : i32
      %parallel_loop3A_1782 = arith.cmpi slt, %parallel_loop3A_1775, %parallel_loop3A_1781 : i32
      %parallel_loop3A_1783 = arith.extui %parallel_loop3A_1782 : i1 to i32
      %parallel_loop3A_1784 = arith.subi %parallel_loop3A_1780, %parallel_loop3A_1783 : i32
      %parallel_loop3A_1785 = arith.constant 0 : i32
      %parallel_loop3A_1786 = arith.cmpi sgt, %parallel_loop3A_1776, %parallel_loop3A_1785 : i32
      %parallel_loop3A_1787 = arith.extui %parallel_loop3A_1786 : i1 to i32
      %parallel_loop3A_1788 = arith.constant 0 : i32
      %parallel_loop3A_1789 = arith.cmpi slt, %parallel_loop3A_1776, %parallel_loop3A_1788 : i32
      %parallel_loop3A_1790 = arith.extui %parallel_loop3A_1789 : i1 to i32
      %parallel_loop3A_1791 = arith.subi %parallel_loop3A_1787, %parallel_loop3A_1790 : i32
      %parallel_loop3A_1792 = arith.cmpi ne, %parallel_loop3A_1784, %parallel_loop3A_1791 : i32
      %parallel_loop3A_1793 = arith.remsi %parallel_loop3A_1775, %parallel_loop3A_1776 : i32
      %parallel_loop3A_1794 = arith.constant 0 : i32
      %parallel_loop3A_1795 = arith.cmpi ne, %parallel_loop3A_1793, %parallel_loop3A_1794 : i32
      %parallel_loop3A_1796 = arith.andi %parallel_loop3A_1792, %parallel_loop3A_1795 : i1
      %parallel_loop3A_1797 = arith.constant 1 : i32
      %parallel_loop3A_1798 = arith.subi %parallel_loop3A_1777, %parallel_loop3A_1797 : i32
      %parallel_loop3A_1799 = arith.select %parallel_loop3A_1796, %parallel_loop3A_1798, %parallel_loop3A_1777 : i32
      %parallel_loop3A_1800 = arith.constant 8 : i32
      %parallel_loop3A_1801 = arith.remsi %parallel_loop3A_1775, %parallel_loop3A_1800 : i32
      %parallel_loop3A_1802 = arith.constant 16 : i32
      %parallel_loop3A_1803 = arith.muli %parallel_loop3A_1799, %parallel_loop3A_1802 : i32
      %parallel_loop3A_1804 = arith.constant 24 : i32
      %parallel_loop3A_1805 = arith.addi %parallel_loop3A_1804, %parallel_loop3A_1801 : i32
      %parallel_loop3A_1806 = arith.index_cast %parallel_loop3A_1805 : i32 to index
      %parallel_loop3A_1807 = arith.index_cast %parallel_loop3A_1803 : i32 to index
      %parallel_loop3A_1808 = tpu.vector_load %arg9[%parallel_loop3A_1806, %parallel_loop3A_1807] {strides = array<i32>} : memref<64x768xf32, #tpu.memory_space<vmem>>, vector<1x16xf32>,
      %parallel_loop3A_1809 = vector.shape_cast %parallel_loop3A_1808 : vector<1x16xf32> to vector<16xf32>
      %parallel_loop3A_1810 = arith.constant 0 : i32
      %parallel_loop3A_1811 = arith.addi %parallel_loop3A_1810, %parallel_loop3A_1801 : i32
      %parallel_loop3A_1812 = arith.constant 0 : i32
      %parallel_loop3A_1813 = arith.constant 0 : i32
      %parallel_loop3A_1814 = tpu.memref_slice %arg8[%parallel_loop3A_858, %parallel_loop3A_1812, %parallel_loop3A_1813] : memref<3x32x768xf32, #tpu.memory_space<vmem>> -> memref<1x32x768xf32, #tpu.memory_space<vmem>>
      %parallel_loop3A_1815 = tpu.memref_squeeze %parallel_loop3A_1814 : memref<1x32x768xf32, #tpu.memory_space<vmem>> -> memref<32x768xf32, #tpu.memory_space<vmem>>
      %parallel_loop3A_1816 = arith.index_cast %parallel_loop3A_1811 : i32 to index
      %parallel_loop3A_1817 = arith.index_cast %parallel_loop3A_1803 : i32 to index
      %parallel_loop3A_1818 = tpu.vector_load %parallel_loop3A_1815[%parallel_loop3A_1816, %parallel_loop3A_1817] {strides = array<i32>} : memref<32x768xf32, #tpu.memory_space<vmem>>, vector<1x16xf32>,
      %parallel_loop3A_1819 = vector.shape_cast %parallel_loop3A_1818 : vector<1x16xf32> to vector<16xf32>
      %parallel_loop3A_1820 = arith.constant 27.7128124 : f32
      %parallel_loop3A_1821 = vector.broadcast %parallel_loop3A_1820 : f32 to vector<16xf32>
      %parallel_loop3A_1822 = arith.mulf %parallel_loop3A_1819, %parallel_loop3A_1821 : vector<16xf32>
      %parallel_loop3A_1823 = arith.addf %parallel_loop3A_1822, %parallel_loop3A_1809 : vector<16xf32>
      %parallel_loop3A_1824 = arith.constant 0 : i32
      %parallel_loop3A_1825 = arith.addi %parallel_loop3A_1824, %parallel_loop3A_1801 : i32
      %parallel_loop3A_1826 = arith.constant 0 : i32
      %parallel_loop3A_1827 = arith.constant 0 : i32
      %parallel_loop3A_1828 = tpu.memref_slice %arg8[%parallel_loop3A_858, %parallel_loop3A_1826, %parallel_loop3A_1827] : memref<3x32x768xf32, #tpu.memory_space<vmem>> -> memref<1x32x768xf32, #tpu.memory_space<vmem>>
      %parallel_loop3A_1829 = tpu.memref_squeeze %parallel_loop3A_1828 : memref<1x32x768xf32, #tpu.memory_space<vmem>> -> memref<32x768xf32, #tpu.memory_space<vmem>>
      %parallel_loop3A_1830 = arith.index_cast %parallel_loop3A_1825 : i32 to index
      %parallel_loop3A_1831 = arith.index_cast %parallel_loop3A_1803 : i32 to index
      %parallel_loop3A_1832 = tpu.vector_load %parallel_loop3A_1829[%parallel_loop3A_1830, %parallel_loop3A_1831] {strides = array<i32>} : memref<32x768xf32, #tpu.memory_space<vmem>>, vector<1x16xf32>,
      %parallel_loop3A_1833 = vector.shape_cast %parallel_loop3A_1832 : vector<1x16xf32> to vector<16xf32>
      %parallel_loop3A_1834 = vector.shape_cast %parallel_loop3A_1823 : vector<16xf32> to vector<1x16xf32>
      tpu.vector_store %parallel_loop3A_1829[%parallel_loop3A_1830, %parallel_loop3A_1831], %parallel_loop3A_1834 {strides = array<i32>} : memref<32x768xf32, #tpu.memory_space<vmem>>, vector<1x16xf32>,
      %parallel_loop3A_1835 = arith.constant 8 : i32
      %parallel_loop3A_1836 = arith.addi %parallel_loop3A_1835, %parallel_loop3A_1801 : i32
      %parallel_loop3A_1837 = arith.constant 0 : i32
      %parallel_loop3A_1838 = arith.constant 0 : i32
      %parallel_loop3A_1839 = tpu.memref_slice %arg8[%parallel_loop3A_858, %parallel_loop3A_1837, %parallel_loop3A_1838] : memref<3x32x768xf32, #tpu.memory_space<vmem>> -> memref<1x32x768xf32, #tpu.memory_space<vmem>>
      %parallel_loop3A_1840 = tpu.memref_squeeze %parallel_loop3A_1839 : memref<1x32x768xf32, #tpu.memory_space<vmem>> -> memref<32x768xf32, #tpu.memory_space<vmem>>
      %parallel_loop3A_1841 = arith.index_cast %parallel_loop3A_1836 : i32 to index
      %parallel_loop3A_1842 = arith.index_cast %parallel_loop3A_1803 : i32 to index
      %parallel_loop3A_1843 = tpu.vector_load %parallel_loop3A_1840[%parallel_loop3A_1841, %parallel_loop3A_1842] {strides = array<i32>} : memref<32x768xf32, #tpu.memory_space<vmem>>, vector<1x16xf32>,
      %parallel_loop3A_1844 = vector.shape_cast %parallel_loop3A_1843 : vector<1x16xf32> to vector<16xf32>
      %parallel_loop3A_1845 = arith.constant 27.7128124 : f32
      %parallel_loop3A_1846 = vector.broadcast %parallel_loop3A_1845 : f32 to vector<16xf32>
      %parallel_loop3A_1847 = arith.mulf %parallel_loop3A_1844, %parallel_loop3A_1846 : vector<16xf32>
      %parallel_loop3A_1848 = arith.addf %parallel_loop3A_1847, %parallel_loop3A_1809 : vector<16xf32>
      %parallel_loop3A_1849 = arith.constant 8 : i32
      %parallel_loop3A_1850 = arith.addi %parallel_loop3A_1849, %parallel_loop3A_1801 : i32
      %parallel_loop3A_1851 = arith.constant 0 : i32
      %parallel_loop3A_1852 = arith.constant 0 : i32
      %parallel_loop3A_1853 = tpu.memref_slice %arg8[%parallel_loop3A_858, %parallel_loop3A_1851, %parallel_loop3A_1852] : memref<3x32x768xf32, #tpu.memory_space<vmem>> -> memref<1x32x768xf32, #tpu.memory_space<vmem>>
      %parallel_loop3A_1854 = tpu.memref_squeeze %parallel_loop3A_1853 : memref<1x32x768xf32, #tpu.memory_space<vmem>> -> memref<32x768xf32, #tpu.memory_space<vmem>>
      %parallel_loop3A_1855 = arith.index_cast %parallel_loop3A_1850 : i32 to index
      %parallel_loop3A_1856 = arith.index_cast %parallel_loop3A_1803 : i32 to index
      %parallel_loop3A_1857 = tpu.vector_load %parallel_loop3A_1854[%parallel_loop3A_1855, %parallel_loop3A_1856] {strides = array<i32>} : memref<32x768xf32, #tpu.memory_space<vmem>>, vector<1x16xf32>,
      %parallel_loop3A_1858 = vector.shape_cast %parallel_loop3A_1857 : vector<1x16xf32> to vector<16xf32>
      %parallel_loop3A_1859 = vector.shape_cast %parallel_loop3A_1848 : vector<16xf32> to vector<1x16xf32>
      tpu.vector_store %parallel_loop3A_1854[%parallel_loop3A_1855, %parallel_loop3A_1856], %parallel_loop3A_1859 {strides = array<i32>} : memref<32x768xf32, #tpu.memory_space<vmem>>, vector<1x16xf32>,
      %parallel_loop3A_1860 = arith.constant 16 : i32
      %parallel_loop3A_1861 = arith.addi %parallel_loop3A_1860, %parallel_loop3A_1801 : i32
      %parallel_loop3A_1862 = arith.constant 0 : i32
      %parallel_loop3A_1863 = arith.constant 0 : i32
      %parallel_loop3A_1864 = tpu.memref_slice %arg8[%parallel_loop3A_858, %parallel_loop3A_1862, %parallel_loop3A_1863] : memref<3x32x768xf32, #tpu.memory_space<vmem>> -> memref<1x32x768xf32, #tpu.memory_space<vmem>>
      %parallel_loop3A_1865 = tpu.memref_squeeze %parallel_loop3A_1864 : memref<1x32x768xf32, #tpu.memory_space<vmem>> -> memref<32x768xf32, #tpu.memory_space<vmem>>
      %parallel_loop3A_1866 = arith.index_cast %parallel_loop3A_1861 : i32 to index
      %parallel_loop3A_1867 = arith.index_cast %parallel_loop3A_1803 : i32 to index
      %parallel_loop3A_1868 = tpu.vector_load %parallel_loop3A_1865[%parallel_loop3A_1866, %parallel_loop3A_1867] {strides = array<i32>} : memref<32x768xf32, #tpu.memory_space<vmem>>, vector<1x16xf32>,
      %parallel_loop3A_1869 = vector.shape_cast %parallel_loop3A_1868 : vector<1x16xf32> to vector<16xf32>
      %parallel_loop3A_1870 = arith.constant 27.7128124 : f32
      %parallel_loop3A_1871 = vector.broadcast %parallel_loop3A_1870 : f32 to vector<16xf32>
      %parallel_loop3A_1872 = arith.mulf %parallel_loop3A_1869, %parallel_loop3A_1871 : vector<16xf32>
      %parallel_loop3A_1873 = arith.addf %parallel_loop3A_1872, %parallel_loop3A_1809 : vector<16xf32>
      %parallel_loop3A_1874 = arith.constant 16 : i32
      %parallel_loop3A_1875 = arith.addi %parallel_loop3A_1874, %parallel_loop3A_1801 : i32
      %parallel_loop3A_1876 = arith.constant 0 : i32
      %parallel_loop3A_1877 = arith.constant 0 : i32
      %parallel_loop3A_1878 = tpu.memref_slice %arg8[%parallel_loop3A_858, %parallel_loop3A_1876, %parallel_loop3A_1877] : memref<3x32x768xf32, #tpu.memory_space<vmem>> -> memref<1x32x768xf32, #tpu.memory_space<vmem>>
      %parallel_loop3A_1879 = tpu.memref_squeeze %parallel_loop3A_1878 : memref<1x32x768xf32, #tpu.memory_space<vmem>> -> memref<32x768xf32, #tpu.memory_space<vmem>>
      %parallel_loop3A_1880 = arith.index_cast %parallel_loop3A_1875 : i32 to index
      %parallel_loop3A_1881 = arith.index_cast %parallel_loop3A_1803 : i32 to index
      %parallel_loop3A_1882 = tpu.vector_load %parallel_loop3A_1879[%parallel_loop3A_1880, %parallel_loop3A_1881] {strides = array<i32>} : memref<32x768xf32, #tpu.memory_space<vmem>>, vector<1x16xf32>,
      %parallel_loop3A_1883 = vector.shape_cast %parallel_loop3A_1882 : vector<1x16xf32> to vector<16xf32>
      %parallel_loop3A_1884 = vector.shape_cast %parallel_loop3A_1873 : vector<16xf32> to vector<1x16xf32>
      tpu.vector_store %parallel_loop3A_1879[%parallel_loop3A_1880, %parallel_loop3A_1881], %parallel_loop3A_1884 {strides = array<i32>} : memref<32x768xf32, #tpu.memory_space<vmem>>, vector<1x16xf32>,
      %parallel_loop3A_1885 = arith.constant 24 : i32
      %parallel_loop3A_1886 = arith.addi %parallel_loop3A_1885, %parallel_loop3A_1801 : i32
      %parallel_loop3A_1887 = arith.constant 0 : i32
      %parallel_loop3A_1888 = arith.constant 0 : i32
      %parallel_loop3A_1889 = tpu.memref_slice %arg8[%parallel_loop3A_858, %parallel_loop3A_1887, %parallel_loop3A_1888] : memref<3x32x768xf32, #tpu.memory_space<vmem>> -> memref<1x32x768xf32, #tpu.memory_space<vmem>>
      %parallel_loop3A_1890 = tpu.memref_squeeze %parallel_loop3A_1889 : memref<1x32x768xf32, #tpu.memory_space<vmem>> -> memref<32x768xf32, #tpu.memory_space<vmem>>
      %parallel_loop3A_1891 = arith.index_cast %parallel_loop3A_1886 : i32 to index
      %parallel_loop3A_1892 = arith.index_cast %parallel_loop3A_1803 : i32 to index
      %parallel_loop3A_1893 = tpu.vector_load %parallel_loop3A_1890[%parallel_loop3A_1891, %parallel_loop3A_1892] {strides = array<i32>} : memref<32x768xf32, #tpu.memory_space<vmem>>, vector<1x16xf32>,
      %parallel_loop3A_1894 = vector.shape_cast %parallel_loop3A_1893 : vector<1x16xf32> to vector<16xf32>
      %parallel_loop3A_1895 = arith.constant 27.7128124 : f32
      %parallel_loop3A_1896 = vector.broadcast %parallel_loop3A_1895 : f32 to vector<16xf32>
      %parallel_loop3A_1897 = arith.mulf %parallel_loop3A_1894, %parallel_loop3A_1896 : vector<16xf32>
      %parallel_loop3A_1898 = arith.addf %parallel_loop3A_1897, %parallel_loop3A_1809 : vector<16xf32>
      %parallel_loop3A_1899 = arith.constant 24 : i32
      %parallel_loop3A_1900 = arith.addi %parallel_loop3A_1899, %parallel_loop3A_1801 : i32
      %parallel_loop3A_1901 = arith.constant 0 : i32
      %parallel_loop3A_1902 = arith.constant 0 : i32
      %parallel_loop3A_1903 = tpu.memref_slice %arg8[%parallel_loop3A_858, %parallel_loop3A_1901, %parallel_loop3A_1902] : memref<3x32x768xf32, #tpu.memory_space<vmem>> -> memref<1x32x768xf32, #tpu.memory_space<vmem>>
      %parallel_loop3A_1904 = tpu.memref_squeeze %parallel_loop3A_1903 : memref<1x32x768xf32, #tpu.memory_space<vmem>> -> memref<32x768xf32, #tpu.memory_space<vmem>>
      %parallel_loop3A_1905 = arith.index_cast %parallel_loop3A_1900 : i32 to index
      %parallel_loop3A_1906 = arith.index_cast %parallel_loop3A_1803 : i32 to index
      %parallel_loop3A_1907 = tpu.vector_load %parallel_loop3A_1904[%parallel_loop3A_1905, %parallel_loop3A_1906] {strides = array<i32>} : memref<32x768xf32, #tpu.memory_space<vmem>>, vector<1x16xf32>,
      %parallel_loop3A_1908 = vector.shape_cast %parallel_loop3A_1907 : vector<1x16xf32> to vector<16xf32>
      %parallel_loop3A_1909 = vector.shape_cast %parallel_loop3A_1898 : vector<16xf32> to vector<1x16xf32>
      tpu.vector_store %parallel_loop3A_1904[%parallel_loop3A_1905, %parallel_loop3A_1906], %parallel_loop3A_1909 {strides = array<i32>} : memref<32x768xf32, #tpu.memory_space<vmem>>, vector<1x16xf32>,
    } {sc.loop_unroll_factor = 4 : i64, sc.parallel_access}
    %add3A_859 = arith.constant 0 : i32
    %add3A_860 = arith.addi %add3A_859, %mul3A_2 : i32
    %add3A_861 = arith.constant 24 : i32
    %add3A_862 = arith.addi %add3A_860, %add3A_861 : i32
    %dma_start3A_863 = arith.constant 0 : i32
    %dma_start3A_864 = arith.constant 0 : i32
    %dma_start3A_865 = arith.constant 0 : i32
    %dma_start3A_866 = tpu.memref_slice %arg8[%dma_start3A_863, %dma_start3A_864, %dma_start3A_865] : memref<3x32x768xf32, #tpu.memory_space<vmem>> -> memref<1x32x768xf32, #tpu.memory_space<vmem>>
    %dma_start3A_867 = tpu.memref_squeeze %dma_start3A_866 : memref<1x32x768xf32, #tpu.memory_space<vmem>> -> memref<32x768xf32, #tpu.memory_space<vmem>>
    %dma_start3A_868 = arith.constant 0 : i32
    %dma_start3A_869 = arith.constant 0 : i32
    %dma_start3A_870 = tpu.memref_slice %dma_start3A_867[%dma_start3A_868, %dma_start3A_869] : memref<32x768xf32, #tpu.memory_space<vmem>> -> memref<8x768xf32, #tpu.memory_space<vmem>>
    %dma_start3A_871 = arith.constant 0 : i32
    %dma_start3A_872 = tpu.memref_slice %arg5[%add3A_862, %dma_start3A_871] : memref<8192x768xf32, #tpu.memory_space<hbm>> -> memref<8x768xf32, #tpu.memory_space<hbm>>
    %dma_start3A_873 = arith.constant 0 : i32
    %dma_start3A_874 = tpu.memref_slice %arg5[%add3A_862, %dma_start3A_873] : memref<8192x768xf32, #tpu.memory_space<hbm>> -> memref<8x768xf32, #tpu.memory_space<hbm>>
    %dma_start3A_875 = arith.constant 0 : i32
    %dma_start3A_876 = arith.constant 0 : i32
    %dma_start3A_877 = tpu.memref_slice %arg8[%dma_start3A_863, %dma_start3A_875, %dma_start3A_876] : memref<3x32x768xf32, #tpu.memory_space<vmem>> -> memref<1x32x768xf32, #tpu.memory_space<vmem>>
    %dma_start3A_878 = tpu.memref_squeeze %dma_start3A_877 : memref<1x32x768xf32, #tpu.memory_space<vmem>> -> memref<32x768xf32, #tpu.memory_space<vmem>>
    %dma_start3A_879 = arith.constant 0 : i32
    %dma_start3A_880 = arith.constant 0 : i32
    %dma_start3A_881 = tpu.memref_slice %dma_start3A_878[%dma_start3A_879, %dma_start3A_880] : memref<32x768xf32, #tpu.memory_space<vmem>> -> memref<8x768xf32, #tpu.memory_space<vmem>>
    tpu.enqueue_dma source(%dma_start3A_881 : memref<8x768xf32, #tpu.memory_space<vmem>>) target(%dma_start3A_874 : memref<8x768xf32, #tpu.memory_space<hbm>>) target_semaphore(%arg15 : memref<!tpu.dma_semaphore, #tpu.memory_space<semaphore_mem>>)
    %add3A_882 = arith.constant 2048 : i32
    %add3A_883 = arith.addi %add3A_882, %mul3A_2 : i32
    %add3A_884 = arith.constant 24 : i32
    %add3A_885 = arith.addi %add3A_883, %add3A_884 : i32
    %dma_start3A_886 = arith.constant 0 : i32
    %dma_start3A_887 = arith.constant 0 : i32
    %dma_start3A_888 = arith.constant 0 : i32
    %dma_start3A_889 = tpu.memref_slice %arg8[%dma_start3A_886, %dma_start3A_887, %dma_start3A_888] : memref<3x32x768xf32, #tpu.memory_space<vmem>> -> memref<1x32x768xf32, #tpu.memory_space<vmem>>
    %dma_start3A_890 = tpu.memref_squeeze %dma_start3A_889 : memref<1x32x768xf32, #tpu.memory_space<vmem>> -> memref<32x768xf32, #tpu.memory_space<vmem>>
    %dma_start3A_891 = arith.constant 8 : i32
    %dma_start3A_892 = arith.constant 0 : i32
    %dma_start3A_893 = tpu.memref_slice %dma_start3A_890[%dma_start3A_891, %dma_start3A_892] : memref<32x768xf32, #tpu.memory_space<vmem>> -> memref<8x768xf32, #tpu.memory_space<vmem>>
    %dma_start3A_894 = arith.constant 0 : i32
    %dma_start3A_895 = tpu.memref_slice %arg5[%add3A_885, %dma_start3A_894] : memref<8192x768xf32, #tpu.memory_space<hbm>> -> memref<8x768xf32, #tpu.memory_space<hbm>>
    %dma_start3A_896 = arith.constant 0 : i32
    %dma_start3A_897 = tpu.memref_slice %arg5[%add3A_885, %dma_start3A_896] : memref<8192x768xf32, #tpu.memory_space<hbm>> -> memref<8x768xf32, #tpu.memory_space<hbm>>
    %dma_start3A_898 = arith.constant 0 : i32
    %dma_start3A_899 = arith.constant 0 : i32
    %dma_start3A_900 = tpu.memref_slice %arg8[%dma_start3A_886, %dma_start3A_898, %dma_start3A_899] : memref<3x32x768xf32, #tpu.memory_space<vmem>> -> memref<1x32x768xf32, #tpu.memory_space<vmem>>
    %dma_start3A_901 = tpu.memref_squeeze %dma_start3A_900 : memref<1x32x768xf32, #tpu.memory_space<vmem>> -> memref<32x768xf32, #tpu.memory_space<vmem>>
    %dma_start3A_902 = arith.constant 8 : i32
    %dma_start3A_903 = arith.constant 0 : i32
    %dma_start3A_904 = tpu.memref_slice %dma_start3A_901[%dma_start3A_902, %dma_start3A_903] : memref<32x768xf32, #tpu.memory_space<vmem>> -> memref<8x768xf32, #tpu.memory_space<vmem>>
    tpu.enqueue_dma source(%dma_start3A_904 : memref<8x768xf32, #tpu.memory_space<vmem>>) target(%dma_start3A_897 : memref<8x768xf32, #tpu.memory_space<hbm>>) target_semaphore(%arg15 : memref<!tpu.dma_semaphore, #tpu.memory_space<semaphore_mem>>)
    %add3A_905 = arith.constant 4096 : i32
    %add3A_906 = arith.addi %add3A_905, %mul3A_2 : i32
    %add3A_907 = arith.constant 24 : i32
    %add3A_908 = arith.addi %add3A_906, %add3A_907 : i32
    %dma_start3A_909 = arith.constant 0 : i32
    %dma_start3A_910 = arith.constant 0 : i32
    %dma_start3A_911 = arith.constant 0 : i32
    %dma_start3A_912 = tpu.memref_slice %arg8[%dma_start3A_909, %dma_start3A_910, %dma_start3A_911] : memref<3x32x768xf32, #tpu.memory_space<vmem>> -> memref<1x32x768xf32, #tpu.memory_space<vmem>>
    %dma_start3A_913 = tpu.memref_squeeze %dma_start3A_912 : memref<1x32x768xf32, #tpu.memory_space<vmem>> -> memref<32x768xf32, #tpu.memory_space<vmem>>
    %dma_start3A_914 = arith.constant 16 : i32
    %dma_start3A_915 = arith.constant 0 : i32
    %dma_start3A_916 = tpu.memref_slice %dma_start3A_913[%dma_start3A_914, %dma_start3A_915] : memref<32x768xf32, #tpu.memory_space<vmem>> -> memref<8x768xf32, #tpu.memory_space<vmem>>
    %dma_start3A_917 = arith.constant 0 : i32
    %dma_start3A_918 = tpu.memref_slice %arg5[%add3A_908, %dma_start3A_917] : memref<8192x768xf32, #tpu.memory_space<hbm>> -> memref<8x768xf32, #tpu.memory_space<hbm>>
    %dma_start3A_919 = arith.constant 0 : i32
    %dma_start3A_920 = tpu.memref_slice %arg5[%add3A_908, %dma_start3A_919] : memref<8192x768xf32, #tpu.memory_space<hbm>> -> memref<8x768xf32, #tpu.memory_space<hbm>>
    %dma_start3A_921 = arith.constant 0 : i32
    %dma_start3A_922 = arith.constant 0 : i32
    %dma_start3A_923 = tpu.memref_slice %arg8[%dma_start3A_909, %dma_start3A_921, %dma_start3A_922] : memref<3x32x768xf32, #tpu.memory_space<vmem>> -> memref<1x32x768xf32, #tpu.memory_space<vmem>>
    %dma_start3A_924 = tpu.memref_squeeze %dma_start3A_923 : memref<1x32x768xf32, #tpu.memory_space<vmem>> -> memref<32x768xf32, #tpu.memory_space<vmem>>
    %dma_start3A_925 = arith.constant 16 : i32
    %dma_start3A_926 = arith.constant 0 : i32
    %dma_start3A_927 = tpu.memref_slice %dma_start3A_924[%dma_start3A_925, %dma_start3A_926] : memref<32x768xf32, #tpu.memory_space<vmem>> -> memref<8x768xf32, #tpu.memory_space<vmem>>
    tpu.enqueue_dma source(%dma_start3A_927 : memref<8x768xf32, #tpu.memory_space<vmem>>) target(%dma_start3A_920 : memref<8x768xf32, #tpu.memory_space<hbm>>) target_semaphore(%arg15 : memref<!tpu.dma_semaphore, #tpu.memory_space<semaphore_mem>>)
    %add3A_928 = arith.constant 6144 : i32
    %add3A_929 = arith.addi %add3A_928, %mul3A_2 : i32
    %add3A_930 = arith.constant 24 : i32
    %add3A_931 = arith.addi %add3A_929, %add3A_930 : i32
    %dma_start3A_932 = arith.constant 0 : i32
    %dma_start3A_933 = arith.constant 0 : i32
    %dma_start3A_934 = arith.constant 0 : i32
    %dma_start3A_935 = tpu.memref_slice %arg8[%dma_start3A_932, %dma_start3A_933, %dma_start3A_934] : memref<3x32x768xf32, #tpu.memory_space<vmem>> -> memref<1x32x768xf32, #tpu.memory_space<vmem>>
    %dma_start3A_936 = tpu.memref_squeeze %dma_start3A_935 : memref<1x32x768xf32, #tpu.memory_space<vmem>> -> memref<32x768xf32, #tpu.memory_space<vmem>>
    %dma_start3A_937 = arith.constant 24 : i32
    %dma_start3A_938 = arith.constant 0 : i32
    %dma_start3A_939 = tpu.memref_slice %dma_start3A_936[%dma_start3A_937, %dma_start3A_938] : memref<32x768xf32, #tpu.memory_space<vmem>> -> memref<8x768xf32, #tpu.memory_space<vmem>>
    %dma_start3A_940 = arith.constant 0 : i32
    %dma_start3A_941 = tpu.memref_slice %arg5[%add3A_931, %dma_start3A_940] : memref<8192x768xf32, #tpu.memory_space<hbm>> -> memref<8x768xf32, #tpu.memory_space<hbm>>
    %dma_start3A_942 = arith.constant 0 : i32
    %dma_start3A_943 = tpu.memref_slice %arg5[%add3A_931, %dma_start3A_942] : memref<8192x768xf32, #tpu.memory_space<hbm>> -> memref<8x768xf32, #tpu.memory_space<hbm>>
    %dma_start3A_944 = arith.constant 0 : i32
    %dma_start3A_945 = arith.constant 0 : i32
    %dma_start3A_946 = tpu.memref_slice %arg8[%dma_start3A_932, %dma_start3A_944, %dma_start3A_945] : memref<3x32x768xf32, #tpu.memory_space<vmem>> -> memref<1x32x768xf32, #tpu.memory_space<vmem>>
    %dma_start3A_947 = tpu.memref_squeeze %dma_start3A_946 : memref<1x32x768xf32, #tpu.memory_space<vmem>> -> memref<32x768xf32, #tpu.memory_space<vmem>>
    %dma_start3A_948 = arith.constant 24 : i32
    %dma_start3A_949 = arith.constant 0 : i32
    %dma_start3A_950 = tpu.memref_slice %dma_start3A_947[%dma_start3A_948, %dma_start3A_949] : memref<32x768xf32, #tpu.memory_space<vmem>> -> memref<8x768xf32, #tpu.memory_space<vmem>>
    tpu.enqueue_dma source(%dma_start3A_950 : memref<8x768xf32, #tpu.memory_space<vmem>>) target(%dma_start3A_943 : memref<8x768xf32, #tpu.memory_space<hbm>>) target_semaphore(%arg15 : memref<!tpu.dma_semaphore, #tpu.memory_space<semaphore_mem>>)
    %dma_wait3A_951 = arith.constant 0 : i32
    %dma_wait3A_952 = arith.constant 0 : i32
    %dma_wait3A_953 = arith.constant 0 : i32
    %dma_wait3A_954 = tpu.memref_slice %arg8[%dma_wait3A_951, %dma_wait3A_952, %dma_wait3A_953] : memref<3x32x768xf32, #tpu.memory_space<vmem>> -> memref<1x32x768xf32, #tpu.memory_space<vmem>>
    %dma_wait3A_955 = tpu.memref_squeeze %dma_wait3A_954 : memref<1x32x768xf32, #tpu.memory_space<vmem>> -> memref<32x768xf32, #tpu.memory_space<vmem>>
    %dma_wait3A_956 = arith.constant 0 : i32
    %dma_wait3A_957 = arith.constant 0 : i32
    %dma_wait3A_958 = tpu.memref_slice %dma_wait3A_955[%dma_wait3A_956, %dma_wait3A_957] : memref<32x768xf32, #tpu.memory_space<vmem>> -> memref<8x768xf32, #tpu.memory_space<vmem>>
    %dma_wait3A_959 = arith.constant 0 : i32
    %dma_wait3A_960 = tpu.memref_slice %arg5[%add3A_862, %dma_wait3A_959] : memref<8192x768xf32, #tpu.memory_space<hbm>> -> memref<8x768xf32, #tpu.memory_space<hbm>>
    %dma_wait3A_961 = arith.constant 0 : i32
    %dma_wait3A_962 = tpu.memref_slice %arg5[%add3A_862, %dma_wait3A_961] : memref<8192x768xf32, #tpu.memory_space<hbm>> -> memref<8x768xf32, #tpu.memory_space<hbm>>
    %dma_wait3A_963 = arith.constant 0 : i32
    %dma_wait3A_964 = arith.constant 0 : i32
    %dma_wait3A_965 = tpu.memref_slice %arg8[%dma_wait3A_951, %dma_wait3A_963, %dma_wait3A_964] : memref<3x32x768xf32, #tpu.memory_space<vmem>> -> memref<1x32x768xf32, #tpu.memory_space<vmem>>
    %dma_wait3A_966 = tpu.memref_squeeze %dma_wait3A_965 : memref<1x32x768xf32, #tpu.memory_space<vmem>> -> memref<32x768xf32, #tpu.memory_space<vmem>>
    %dma_wait3A_967 = arith.constant 0 : i32
    %dma_wait3A_968 = arith.constant 0 : i32
    %dma_wait3A_969 = tpu.memref_slice %dma_wait3A_966[%dma_wait3A_967, %dma_wait3A_968] : memref<32x768xf32, #tpu.memory_space<vmem>> -> memref<8x768xf32, #tpu.memory_space<vmem>>
    tpu.wait_dma2 semaphore(%arg15 : memref<!tpu.dma_semaphore, #tpu.memory_space<semaphore_mem>>) src(%dma_wait3A_969 : memref<8x768xf32, #tpu.memory_space<vmem>>) dst(%dma_wait3A_962 : memref<8x768xf32, #tpu.memory_space<hbm>>)
    %dma_wait3A_970 = arith.constant 0 : i32
    %dma_wait3A_971 = arith.constant 0 : i32
    %dma_wait3A_972 = arith.constant 0 : i32
    %dma_wait3A_973 = tpu.memref_slice %arg8[%dma_wait3A_970, %dma_wait3A_971, %dma_wait3A_972] : memref<3x32x768xf32, #tpu.memory_space<vmem>> -> memref<1x32x768xf32, #tpu.memory_space<vmem>>
    %dma_wait3A_974 = tpu.memref_squeeze %dma_wait3A_973 : memref<1x32x768xf32, #tpu.memory_space<vmem>> -> memref<32x768xf32, #tpu.memory_space<vmem>>
    %dma_wait3A_975 = arith.constant 8 : i32
    %dma_wait3A_976 = arith.constant 0 : i32
    %dma_wait3A_977 = tpu.memref_slice %dma_wait3A_974[%dma_wait3A_975, %dma_wait3A_976] : memref<32x768xf32, #tpu.memory_space<vmem>> -> memref<8x768xf32, #tpu.memory_space<vmem>>
    %dma_wait3A_978 = arith.constant 0 : i32
    %dma_wait3A_979 = tpu.memref_slice %arg5[%add3A_885, %dma_wait3A_978] : memref<8192x768xf32, #tpu.memory_space<hbm>> -> memref<8x768xf32, #tpu.memory_space<hbm>>
    %dma_wait3A_980 = arith.constant 0 : i32
    %dma_wait3A_981 = tpu.memref_slice %arg5[%add3A_885, %dma_wait3A_980] : memref<8192x768xf32, #tpu.memory_space<hbm>> -> memref<8x768xf32, #tpu.memory_space<hbm>>
    %dma_wait3A_982 = arith.constant 0 : i32
    %dma_wait3A_983 = arith.constant 0 : i32
    %dma_wait3A_984 = tpu.memref_slice %arg8[%dma_wait3A_970, %dma_wait3A_982, %dma_wait3A_983] : memref<3x32x768xf32, #tpu.memory_space<vmem>> -> memref<1x32x768xf32, #tpu.memory_space<vmem>>
    %dma_wait3A_985 = tpu.memref_squeeze %dma_wait3A_984 : memref<1x32x768xf32, #tpu.memory_space<vmem>> -> memref<32x768xf32, #tpu.memory_space<vmem>>
    %dma_wait3A_986 = arith.constant 8 : i32
    %dma_wait3A_987 = arith.constant 0 : i32
    %dma_wait3A_988 = tpu.memref_slice %dma_wait3A_985[%dma_wait3A_986, %dma_wait3A_987] : memref<32x768xf32, #tpu.memory_space<vmem>> -> memref<8x768xf32, #tpu.memory_space<vmem>>
    tpu.wait_dma2 semaphore(%arg15 : memref<!tpu.dma_semaphore, #tpu.memory_space<semaphore_mem>>) src(%dma_wait3A_988 : memref<8x768xf32, #tpu.memory_space<vmem>>) dst(%dma_wait3A_981 : memref<8x768xf32, #tpu.memory_space<hbm>>)
    %dma_wait3A_989 = arith.constant 0 : i32
    %dma_wait3A_990 = arith.constant 0 : i32
    %dma_wait3A_991 = arith.constant 0 : i32
    %dma_wait3A_992 = tpu.memref_slice %arg8[%dma_wait3A_989, %dma_wait3A_990, %dma_wait3A_991] : memref<3x32x768xf32, #tpu.memory_space<vmem>> -> memref<1x32x768xf32, #tpu.memory_space<vmem>>
    %dma_wait3A_993 = tpu.memref_squeeze %dma_wait3A_992 : memref<1x32x768xf32, #tpu.memory_space<vmem>> -> memref<32x768xf32, #tpu.memory_space<vmem>>
    %dma_wait3A_994 = arith.constant 16 : i32
    %dma_wait3A_995 = arith.constant 0 : i32
    %dma_wait3A_996 = tpu.memref_slice %dma_wait3A_993[%dma_wait3A_994, %dma_wait3A_995] : memref<32x768xf32, #tpu.memory_space<vmem>> -> memref<8x768xf32, #tpu.memory_space<vmem>>
    %dma_wait3A_997 = arith.constant 0 : i32
    %dma_wait3A_998 = tpu.memref_slice %arg5[%add3A_908, %dma_wait3A_997] : memref<8192x768xf32, #tpu.memory_space<hbm>> -> memref<8x768xf32, #tpu.memory_space<hbm>>
    %dma_wait3A_999 = arith.constant 0 : i32
    %dma_wait3A_1000 = tpu.memref_slice %arg5[%add3A_908, %dma_wait3A_999] : memref<8192x768xf32, #tpu.memory_space<hbm>> -> memref<8x768xf32, #tpu.memory_space<hbm>>
    %dma_wait3A_1001 = arith.constant 0 : i32
    %dma_wait3A_1002 = arith.constant 0 : i32
    %dma_wait3A_1003 = tpu.memref_slice %arg8[%dma_wait3A_989, %dma_wait3A_1001, %dma_wait3A_1002] : memref<3x32x768xf32, #tpu.memory_space<vmem>> -> memref<1x32x768xf32, #tpu.memory_space<vmem>>
    %dma_wait3A_1004 = tpu.memref_squeeze %dma_wait3A_1003 : memref<1x32x768xf32, #tpu.memory_space<vmem>> -> memref<32x768xf32, #tpu.memory_space<vmem>>
    %dma_wait3A_1005 = arith.constant 16 : i32
    %dma_wait3A_1006 = arith.constant 0 : i32
    %dma_wait3A_1007 = tpu.memref_slice %dma_wait3A_1004[%dma_wait3A_1005, %dma_wait3A_1006] : memref<32x768xf32, #tpu.memory_space<vmem>> -> memref<8x768xf32, #tpu.memory_space<vmem>>
    tpu.wait_dma2 semaphore(%arg15 : memref<!tpu.dma_semaphore, #tpu.memory_space<semaphore_mem>>) src(%dma_wait3A_1007 : memref<8x768xf32, #tpu.memory_space<vmem>>) dst(%dma_wait3A_1000 : memref<8x768xf32, #tpu.memory_space<hbm>>)
    %dma_wait3A_1008 = arith.constant 0 : i32
    %dma_wait3A_1009 = arith.constant 0 : i32
    %dma_wait3A_1010 = arith.constant 0 : i32
    %dma_wait3A_1011 = tpu.memref_slice %arg8[%dma_wait3A_1008, %dma_wait3A_1009, %dma_wait3A_1010] : memref<3x32x768xf32, #tpu.memory_space<vmem>> -> memref<1x32x768xf32, #tpu.memory_space<vmem>>
    %dma_wait3A_1012 = tpu.memref_squeeze %dma_wait3A_1011 : memref<1x32x768xf32, #tpu.memory_space<vmem>> -> memref<32x768xf32, #tpu.memory_space<vmem>>
    %dma_wait3A_1013 = arith.constant 24 : i32
    %dma_wait3A_1014 = arith.constant 0 : i32
    %dma_wait3A_1015 = tpu.memref_slice %dma_wait3A_1012[%dma_wait3A_1013, %dma_wait3A_1014] : memref<32x768xf32, #tpu.memory_space<vmem>> -> memref<8x768xf32, #tpu.memory_space<vmem>>
    %dma_wait3A_1016 = arith.constant 0 : i32
    %dma_wait3A_1017 = tpu.memref_slice %arg5[%add3A_931, %dma_wait3A_1016] : memref<8192x768xf32, #tpu.memory_space<hbm>> -> memref<8x768xf32, #tpu.memory_space<hbm>>
    %dma_wait3A_1018 = arith.constant 0 : i32
    %dma_wait3A_1019 = tpu.memref_slice %arg5[%add3A_931, %dma_wait3A_1018] : memref<8192x768xf32, #tpu.memory_space<hbm>> -> memref<8x768xf32, #tpu.memory_space<hbm>>
    %dma_wait3A_1020 = arith.constant 0 : i32
    %dma_wait3A_1021 = arith.constant 0 : i32
    %dma_wait3A_1022 = tpu.memref_slice %arg8[%dma_wait3A_1008, %dma_wait3A_1020, %dma_wait3A_1021] : memref<3x32x768xf32, #tpu.memory_space<vmem>> -> memref<1x32x768xf32, #tpu.memory_space<vmem>>
    %dma_wait3A_1023 = tpu.memref_squeeze %dma_wait3A_1022 : memref<1x32x768xf32, #tpu.memory_space<vmem>> -> memref<32x768xf32, #tpu.memory_space<vmem>>
    %dma_wait3A_1024 = arith.constant 24 : i32
    %dma_wait3A_1025 = arith.constant 0 : i32
    %dma_wait3A_1026 = tpu.memref_slice %dma_wait3A_1023[%dma_wait3A_1024, %dma_wait3A_1025] : memref<32x768xf32, #tpu.memory_space<vmem>> -> memref<8x768xf32, #tpu.memory_space<vmem>>
    tpu.wait_dma2 semaphore(%arg15 : memref<!tpu.dma_semaphore, #tpu.memory_space<semaphore_mem>>) src(%dma_wait3A_1026 : memref<8x768xf32, #tpu.memory_space<vmem>>) dst(%dma_wait3A_1019 : memref<8x768xf32, #tpu.memory_space<hbm>>)
    %dma_start3A_1027 = arith.constant 0 : i32
    %dma_start3A_1028 = arith.constant 0 : i32
    %dma_start3A_1029 = arith.constant 0 : i32
    %dma_start3A_1030 = tpu.memref_slice %arg8[%dma_start3A_1027, %dma_start3A_1028, %dma_start3A_1029] : memref<3x32x768xf32, #tpu.memory_space<vmem>> -> memref<1x32x768xf32, #tpu.memory_space<vmem>>
    %dma_start3A_1031 = tpu.memref_squeeze %dma_start3A_1030 : memref<1x32x768xf32, #tpu.memory_space<vmem>> -> memref<32x768xf32, #tpu.memory_space<vmem>>
    %dma_start3A_1032 = arith.constant 192 : i32
    %dma_start3A_1033 = tpu.memref_slice %arg7[%dma_start3A_1032] : memref<256xi32, #tpu.memory_space<vmem>> -> memref<32xi32, #tpu.memory_space<vmem>>
    %dma_start3A_1034 = arith.constant 0 : i32
    %dma_start3A_1035 = arith.constant 0 : i32
    %dma_start3A_1036 = tpu.memref_slice %arg3[%dma_start3A_1034, %dma_start3A_1035] : memref<100000x768xf32, #tpu.memory_space<hbm>> -> memref<100000x768xf32, #tpu.memory_space<hbm>>
    tpu.enqueue_indirect_dma source(%dma_start3A_1036 : memref<100000x768xf32, #tpu.memory_space<hbm>>) target(%dma_start3A_1031 : memref<32x768xf32, #tpu.memory_space<vmem>>) offsets(%dma_start3A_1033 : memref<32xi32, #tpu.memory_space<vmem>>) semaphore(%arg12 : memref<!tpu.dma_semaphore, #tpu.memory_space<semaphore_mem>>)
    %dma_wait3A_1037 = arith.constant 1 : i32
    %dma_wait3A_1038 = arith.constant 0 : i32
    %dma_wait3A_1039 = arith.constant 0 : i32
    %dma_wait3A_1040 = tpu.memref_slice %arg8[%dma_wait3A_1037, %dma_wait3A_1038, %dma_wait3A_1039] : memref<3x32x768xf32, #tpu.memory_space<vmem>> -> memref<1x32x768xf32, #tpu.memory_space<vmem>>
    %dma_wait3A_1041 = tpu.memref_squeeze %dma_wait3A_1040 : memref<1x32x768xf32, #tpu.memory_space<vmem>> -> memref<32x768xf32, #tpu.memory_space<vmem>>
    %dma_wait3A_1042 = arith.constant 128 : i32
    %dma_wait3A_1043 = tpu.memref_slice %arg7[%dma_wait3A_1042] : memref<256xi32, #tpu.memory_space<vmem>> -> memref<32xi32, #tpu.memory_space<vmem>>
    %dma_wait3A_1044 = arith.constant 0 : i32
    %dma_wait3A_1045 = arith.constant 0 : i32
    %dma_wait3A_1046 = tpu.memref_slice %arg3[%dma_wait3A_1044, %dma_wait3A_1045] : memref<100000x768xf32, #tpu.memory_space<hbm>> -> memref<100000x768xf32, #tpu.memory_space<hbm>>
    tpu.wait_indirect_dma semaphore(%arg13 : memref<!tpu.dma_semaphore, #tpu.memory_space<semaphore_mem>>) src(%dma_wait3A_1046 : memref<100000x768xf32, #tpu.memory_space<hbm>>) dst(%dma_wait3A_1041 : memref<32x768xf32, #tpu.memory_space<vmem>>)
    %parallel_loop3A_1047 = arith.constant 0 : i32
    %parallel_loop3A_1048 = arith.constant 384 : i32
    %parallel_loop3A_1049 = arith.constant 1 : i32
    %parallel_loop3A_1050 = arith.constant 1 : i32
    scf.for %parallel_loop3A_1775 = %parallel_loop3A_1047 to %parallel_loop3A_1048 step %parallel_loop3A_1049  : i32 {
      %parallel_loop3A_1776 = arith.constant 8 : i32
      %parallel_loop3A_1777 = arith.divsi %parallel_loop3A_1775, %parallel_loop3A_1776 : i32
      %parallel_loop3A_1778 = arith.constant 0 : i32
      %parallel_loop3A_1779 = arith.cmpi sgt, %parallel_loop3A_1775, %parallel_loop3A_1778 : i32
      %parallel_loop3A_1780 = arith.extui %parallel_loop3A_1779 : i1 to i32
      %parallel_loop3A_1781 = arith.constant 0 : i32
      %parallel_loop3A_1782 = arith.cmpi slt, %parallel_loop3A_1775, %parallel_loop3A_1781 : i32
      %parallel_loop3A_1783 = arith.extui %parallel_loop3A_1782 : i1 to i32
      %parallel_loop3A_1784 = arith.subi %parallel_loop3A_1780, %parallel_loop3A_1783 : i32
      %parallel_loop3A_1785 = arith.constant 0 : i32
      %parallel_loop3A_1786 = arith.cmpi sgt, %parallel_loop3A_1776, %parallel_loop3A_1785 : i32
      %parallel_loop3A_1787 = arith.extui %parallel_loop3A_1786 : i1 to i32
      %parallel_loop3A_1788 = arith.constant 0 : i32
      %parallel_loop3A_1789 = arith.cmpi slt, %parallel_loop3A_1776, %parallel_loop3A_1788 : i32
      %parallel_loop3A_1790 = arith.extui %parallel_loop3A_1789 : i1 to i32
      %parallel_loop3A_1791 = arith.subi %parallel_loop3A_1787, %parallel_loop3A_1790 : i32
      %parallel_loop3A_1792 = arith.cmpi ne, %parallel_loop3A_1784, %parallel_loop3A_1791 : i32
      %parallel_loop3A_1793 = arith.remsi %parallel_loop3A_1775, %parallel_loop3A_1776 : i32
      %parallel_loop3A_1794 = arith.constant 0 : i32
      %parallel_loop3A_1795 = arith.cmpi ne, %parallel_loop3A_1793, %parallel_loop3A_1794 : i32
      %parallel_loop3A_1796 = arith.andi %parallel_loop3A_1792, %parallel_loop3A_1795 : i1
      %parallel_loop3A_1797 = arith.constant 1 : i32
      %parallel_loop3A_1798 = arith.subi %parallel_loop3A_1777, %parallel_loop3A_1797 : i32
      %parallel_loop3A_1799 = arith.select %parallel_loop3A_1796, %parallel_loop3A_1798, %parallel_loop3A_1777 : i32
      %parallel_loop3A_1800 = arith.constant 8 : i32
      %parallel_loop3A_1801 = arith.remsi %parallel_loop3A_1775, %parallel_loop3A_1800 : i32
      %parallel_loop3A_1802 = arith.constant 16 : i32
      %parallel_loop3A_1803 = arith.muli %parallel_loop3A_1799, %parallel_loop3A_1802 : i32
      %parallel_loop3A_1804 = arith.constant 32 : i32
      %parallel_loop3A_1805 = arith.addi %parallel_loop3A_1804, %parallel_loop3A_1801 : i32
      %parallel_loop3A_1806 = arith.index_cast %parallel_loop3A_1805 : i32 to index
      %parallel_loop3A_1807 = arith.index_cast %parallel_loop3A_1803 : i32 to index
      %parallel_loop3A_1808 = tpu.vector_load %arg9[%parallel_loop3A_1806, %parallel_loop3A_1807] {strides = array<i32>} : memref<64x768xf32, #tpu.memory_space<vmem>>, vector<1x16xf32>,
      %parallel_loop3A_1809 = vector.shape_cast %parallel_loop3A_1808 : vector<1x16xf32> to vector<16xf32>
      %parallel_loop3A_1810 = arith.constant 0 : i32
      %parallel_loop3A_1811 = arith.addi %parallel_loop3A_1810, %parallel_loop3A_1801 : i32
      %parallel_loop3A_1812 = arith.constant 0 : i32
      %parallel_loop3A_1813 = arith.constant 0 : i32
      %parallel_loop3A_1814 = tpu.memref_slice %arg8[%parallel_loop3A_1050, %parallel_loop3A_1812, %parallel_loop3A_1813] : memref<3x32x768xf32, #tpu.memory_space<vmem>> -> memref<1x32x768xf32, #tpu.memory_space<vmem>>
      %parallel_loop3A_1815 = tpu.memref_squeeze %parallel_loop3A_1814 : memref<1x32x768xf32, #tpu.memory_space<vmem>> -> memref<32x768xf32, #tpu.memory_space<vmem>>
      %parallel_loop3A_1816 = arith.index_cast %parallel_loop3A_1811 : i32 to index
      %parallel_loop3A_1817 = arith.index_cast %parallel_loop3A_1803 : i32 to index
      %parallel_loop3A_1818 = tpu.vector_load %parallel_loop3A_1815[%parallel_loop3A_1816, %parallel_loop3A_1817] {strides = array<i32>} : memref<32x768xf32, #tpu.memory_space<vmem>>, vector<1x16xf32>,
      %parallel_loop3A_1819 = vector.shape_cast %parallel_loop3A_1818 : vector<1x16xf32> to vector<16xf32>
      %parallel_loop3A_1820 = arith.constant 27.7128124 : f32
      %parallel_loop3A_1821 = vector.broadcast %parallel_loop3A_1820 : f32 to vector<16xf32>
      %parallel_loop3A_1822 = arith.mulf %parallel_loop3A_1819, %parallel_loop3A_1821 : vector<16xf32>
      %parallel_loop3A_1823 = arith.addf %parallel_loop3A_1822, %parallel_loop3A_1809 : vector<16xf32>
      %parallel_loop3A_1824 = arith.constant 0 : i32
      %parallel_loop3A_1825 = arith.addi %parallel_loop3A_1824, %parallel_loop3A_1801 : i32
      %parallel_loop3A_1826 = arith.constant 0 : i32
      %parallel_loop3A_1827 = arith.constant 0 : i32
      %parallel_loop3A_1828 = tpu.memref_slice %arg8[%parallel_loop3A_1050, %parallel_loop3A_1826, %parallel_loop3A_1827] : memref<3x32x768xf32, #tpu.memory_space<vmem>> -> memref<1x32x768xf32, #tpu.memory_space<vmem>>
      %parallel_loop3A_1829 = tpu.memref_squeeze %parallel_loop3A_1828 : memref<1x32x768xf32, #tpu.memory_space<vmem>> -> memref<32x768xf32, #tpu.memory_space<vmem>>
      %parallel_loop3A_1830 = arith.index_cast %parallel_loop3A_1825 : i32 to index
      %parallel_loop3A_1831 = arith.index_cast %parallel_loop3A_1803 : i32 to index
      %parallel_loop3A_1832 = tpu.vector_load %parallel_loop3A_1829[%parallel_loop3A_1830, %parallel_loop3A_1831] {strides = array<i32>} : memref<32x768xf32, #tpu.memory_space<vmem>>, vector<1x16xf32>,
      %parallel_loop3A_1833 = vector.shape_cast %parallel_loop3A_1832 : vector<1x16xf32> to vector<16xf32>
      %parallel_loop3A_1834 = vector.shape_cast %parallel_loop3A_1823 : vector<16xf32> to vector<1x16xf32>
      tpu.vector_store %parallel_loop3A_1829[%parallel_loop3A_1830, %parallel_loop3A_1831], %parallel_loop3A_1834 {strides = array<i32>} : memref<32x768xf32, #tpu.memory_space<vmem>>, vector<1x16xf32>,
      %parallel_loop3A_1835 = arith.constant 8 : i32
      %parallel_loop3A_1836 = arith.addi %parallel_loop3A_1835, %parallel_loop3A_1801 : i32
      %parallel_loop3A_1837 = arith.constant 0 : i32
      %parallel_loop3A_1838 = arith.constant 0 : i32
      %parallel_loop3A_1839 = tpu.memref_slice %arg8[%parallel_loop3A_1050, %parallel_loop3A_1837, %parallel_loop3A_1838] : memref<3x32x768xf32, #tpu.memory_space<vmem>> -> memref<1x32x768xf32, #tpu.memory_space<vmem>>
      %parallel_loop3A_1840 = tpu.memref_squeeze %parallel_loop3A_1839 : memref<1x32x768xf32, #tpu.memory_space<vmem>> -> memref<32x768xf32, #tpu.memory_space<vmem>>
      %parallel_loop3A_1841 = arith.index_cast %parallel_loop3A_1836 : i32 to index
      %parallel_loop3A_1842 = arith.index_cast %parallel_loop3A_1803 : i32 to index
      %parallel_loop3A_1843 = tpu.vector_load %parallel_loop3A_1840[%parallel_loop3A_1841, %parallel_loop3A_1842] {strides = array<i32>} : memref<32x768xf32, #tpu.memory_space<vmem>>, vector<1x16xf32>,
      %parallel_loop3A_1844 = vector.shape_cast %parallel_loop3A_1843 : vector<1x16xf32> to vector<16xf32>
      %parallel_loop3A_1845 = arith.constant 27.7128124 : f32
      %parallel_loop3A_1846 = vector.broadcast %parallel_loop3A_1845 : f32 to vector<16xf32>
      %parallel_loop3A_1847 = arith.mulf %parallel_loop3A_1844, %parallel_loop3A_1846 : vector<16xf32>
      %parallel_loop3A_1848 = arith.addf %parallel_loop3A_1847, %parallel_loop3A_1809 : vector<16xf32>
      %parallel_loop3A_1849 = arith.constant 8 : i32
      %parallel_loop3A_1850 = arith.addi %parallel_loop3A_1849, %parallel_loop3A_1801 : i32
      %parallel_loop3A_1851 = arith.constant 0 : i32
      %parallel_loop3A_1852 = arith.constant 0 : i32
      %parallel_loop3A_1853 = tpu.memref_slice %arg8[%parallel_loop3A_1050, %parallel_loop3A_1851, %parallel_loop3A_1852] : memref<3x32x768xf32, #tpu.memory_space<vmem>> -> memref<1x32x768xf32, #tpu.memory_space<vmem>>
      %parallel_loop3A_1854 = tpu.memref_squeeze %parallel_loop3A_1853 : memref<1x32x768xf32, #tpu.memory_space<vmem>> -> memref<32x768xf32, #tpu.memory_space<vmem>>
      %parallel_loop3A_1855 = arith.index_cast %parallel_loop3A_1850 : i32 to index
      %parallel_loop3A_1856 = arith.index_cast %parallel_loop3A_1803 : i32 to index
      %parallel_loop3A_1857 = tpu.vector_load %parallel_loop3A_1854[%parallel_loop3A_1855, %parallel_loop3A_1856] {strides = array<i32>} : memref<32x768xf32, #tpu.memory_space<vmem>>, vector<1x16xf32>,
      %parallel_loop3A_1858 = vector.shape_cast %parallel_loop3A_1857 : vector<1x16xf32> to vector<16xf32>
      %parallel_loop3A_1859 = vector.shape_cast %parallel_loop3A_1848 : vector<16xf32> to vector<1x16xf32>
      tpu.vector_store %parallel_loop3A_1854[%parallel_loop3A_1855, %parallel_loop3A_1856], %parallel_loop3A_1859 {strides = array<i32>} : memref<32x768xf32, #tpu.memory_space<vmem>>, vector<1x16xf32>,
      %parallel_loop3A_1860 = arith.constant 16 : i32
      %parallel_loop3A_1861 = arith.addi %parallel_loop3A_1860, %parallel_loop3A_1801 : i32
      %parallel_loop3A_1862 = arith.constant 0 : i32
      %parallel_loop3A_1863 = arith.constant 0 : i32
      %parallel_loop3A_1864 = tpu.memref_slice %arg8[%parallel_loop3A_1050, %parallel_loop3A_1862, %parallel_loop3A_1863] : memref<3x32x768xf32, #tpu.memory_space<vmem>> -> memref<1x32x768xf32, #tpu.memory_space<vmem>>
      %parallel_loop3A_1865 = tpu.memref_squeeze %parallel_loop3A_1864 : memref<1x32x768xf32, #tpu.memory_space<vmem>> -> memref<32x768xf32, #tpu.memory_space<vmem>>
      %parallel_loop3A_1866 = arith.index_cast %parallel_loop3A_1861 : i32 to index
      %parallel_loop3A_1867 = arith.index_cast %parallel_loop3A_1803 : i32 to index
      %parallel_loop3A_1868 = tpu.vector_load %parallel_loop3A_1865[%parallel_loop3A_1866, %parallel_loop3A_1867] {strides = array<i32>} : memref<32x768xf32, #tpu.memory_space<vmem>>, vector<1x16xf32>,
      %parallel_loop3A_1869 = vector.shape_cast %parallel_loop3A_1868 : vector<1x16xf32> to vector<16xf32>
      %parallel_loop3A_1870 = arith.constant 27.7128124 : f32
      %parallel_loop3A_1871 = vector.broadcast %parallel_loop3A_1870 : f32 to vector<16xf32>
      %parallel_loop3A_1872 = arith.mulf %parallel_loop3A_1869, %parallel_loop3A_1871 : vector<16xf32>
      %parallel_loop3A_1873 = arith.addf %parallel_loop3A_1872, %parallel_loop3A_1809 : vector<16xf32>
      %parallel_loop3A_1874 = arith.constant 16 : i32
      %parallel_loop3A_1875 = arith.addi %parallel_loop3A_1874, %parallel_loop3A_1801 : i32
      %parallel_loop3A_1876 = arith.constant 0 : i32
      %parallel_loop3A_1877 = arith.constant 0 : i32
      %parallel_loop3A_1878 = tpu.memref_slice %arg8[%parallel_loop3A_1050, %parallel_loop3A_1876, %parallel_loop3A_1877] : memref<3x32x768xf32, #tpu.memory_space<vmem>> -> memref<1x32x768xf32, #tpu.memory_space<vmem>>
      %parallel_loop3A_1879 = tpu.memref_squeeze %parallel_loop3A_1878 : memref<1x32x768xf32, #tpu.memory_space<vmem>> -> memref<32x768xf32, #tpu.memory_space<vmem>>
      %parallel_loop3A_1880 = arith.index_cast %parallel_loop3A_1875 : i32 to index
      %parallel_loop3A_1881 = arith.index_cast %parallel_loop3A_1803 : i32 to index
      %parallel_loop3A_1882 = tpu.vector_load %parallel_loop3A_1879[%parallel_loop3A_1880, %parallel_loop3A_1881] {strides = array<i32>} : memref<32x768xf32, #tpu.memory_space<vmem>>, vector<1x16xf32>,
      %parallel_loop3A_1883 = vector.shape_cast %parallel_loop3A_1882 : vector<1x16xf32> to vector<16xf32>
      %parallel_loop3A_1884 = vector.shape_cast %parallel_loop3A_1873 : vector<16xf32> to vector<1x16xf32>
      tpu.vector_store %parallel_loop3A_1879[%parallel_loop3A_1880, %parallel_loop3A_1881], %parallel_loop3A_1884 {strides = array<i32>} : memref<32x768xf32, #tpu.memory_space<vmem>>, vector<1x16xf32>,
      %parallel_loop3A_1885 = arith.constant 24 : i32
      %parallel_loop3A_1886 = arith.addi %parallel_loop3A_1885, %parallel_loop3A_1801 : i32
      %parallel_loop3A_1887 = arith.constant 0 : i32
      %parallel_loop3A_1888 = arith.constant 0 : i32
      %parallel_loop3A_1889 = tpu.memref_slice %arg8[%parallel_loop3A_1050, %parallel_loop3A_1887, %parallel_loop3A_1888] : memref<3x32x768xf32, #tpu.memory_space<vmem>> -> memref<1x32x768xf32, #tpu.memory_space<vmem>>
      %parallel_loop3A_1890 = tpu.memref_squeeze %parallel_loop3A_1889 : memref<1x32x768xf32, #tpu.memory_space<vmem>> -> memref<32x768xf32, #tpu.memory_space<vmem>>
      %parallel_loop3A_1891 = arith.index_cast %parallel_loop3A_1886 : i32 to index
      %parallel_loop3A_1892 = arith.index_cast %parallel_loop3A_1803 : i32 to index
      %parallel_loop3A_1893 = tpu.vector_load %parallel_loop3A_1890[%parallel_loop3A_1891, %parallel_loop3A_1892] {strides = array<i32>} : memref<32x768xf32, #tpu.memory_space<vmem>>, vector<1x16xf32>,
      %parallel_loop3A_1894 = vector.shape_cast %parallel_loop3A_1893 : vector<1x16xf32> to vector<16xf32>
      %parallel_loop3A_1895 = arith.constant 27.7128124 : f32
      %parallel_loop3A_1896 = vector.broadcast %parallel_loop3A_1895 : f32 to vector<16xf32>
      %parallel_loop3A_1897 = arith.mulf %parallel_loop3A_1894, %parallel_loop3A_1896 : vector<16xf32>
      %parallel_loop3A_1898 = arith.addf %parallel_loop3A_1897, %parallel_loop3A_1809 : vector<16xf32>
      %parallel_loop3A_1899 = arith.constant 24 : i32
      %parallel_loop3A_1900 = arith.addi %parallel_loop3A_1899, %parallel_loop3A_1801 : i32
      %parallel_loop3A_1901 = arith.constant 0 : i32
      %parallel_loop3A_1902 = arith.constant 0 : i32
      %parallel_loop3A_1903 = tpu.memref_slice %arg8[%parallel_loop3A_1050, %parallel_loop3A_1901, %parallel_loop3A_1902] : memref<3x32x768xf32, #tpu.memory_space<vmem>> -> memref<1x32x768xf32, #tpu.memory_space<vmem>>
      %parallel_loop3A_1904 = tpu.memref_squeeze %parallel_loop3A_1903 : memref<1x32x768xf32, #tpu.memory_space<vmem>> -> memref<32x768xf32, #tpu.memory_space<vmem>>
      %parallel_loop3A_1905 = arith.index_cast %parallel_loop3A_1900 : i32 to index
      %parallel_loop3A_1906 = arith.index_cast %parallel_loop3A_1803 : i32 to index
      %parallel_loop3A_1907 = tpu.vector_load %parallel_loop3A_1904[%parallel_loop3A_1905, %parallel_loop3A_1906] {strides = array<i32>} : memref<32x768xf32, #tpu.memory_space<vmem>>, vector<1x16xf32>,
      %parallel_loop3A_1908 = vector.shape_cast %parallel_loop3A_1907 : vector<1x16xf32> to vector<16xf32>
      %parallel_loop3A_1909 = vector.shape_cast %parallel_loop3A_1898 : vector<16xf32> to vector<1x16xf32>
      tpu.vector_store %parallel_loop3A_1904[%parallel_loop3A_1905, %parallel_loop3A_1906], %parallel_loop3A_1909 {strides = array<i32>} : memref<32x768xf32, #tpu.memory_space<vmem>>, vector<1x16xf32>,
    } {sc.loop_unroll_factor = 4 : i64, sc.parallel_access}
    %add3A_1051 = arith.constant 0 : i32
    %add3A_1052 = arith.addi %add3A_1051, %mul3A_2 : i32
    %add3A_1053 = arith.constant 32 : i32
    %add3A_1054 = arith.addi %add3A_1052, %add3A_1053 : i32
    %dma_start3A_1055 = arith.constant 1 : i32
    %dma_start3A_1056 = arith.constant 0 : i32
    %dma_start3A_1057 = arith.constant 0 : i32
    %dma_start3A_1058 = tpu.memref_slice %arg8[%dma_start3A_1055, %dma_start3A_1056, %dma_start3A_1057] : memref<3x32x768xf32, #tpu.memory_space<vmem>> -> memref<1x32x768xf32, #tpu.memory_space<vmem>>
    %dma_start3A_1059 = tpu.memref_squeeze %dma_start3A_1058 : memref<1x32x768xf32, #tpu.memory_space<vmem>> -> memref<32x768xf32, #tpu.memory_space<vmem>>
    %dma_start3A_1060 = arith.constant 0 : i32
    %dma_start3A_1061 = arith.constant 0 : i32
    %dma_start3A_1062 = tpu.memref_slice %dma_start3A_1059[%dma_start3A_1060, %dma_start3A_1061] : memref<32x768xf32, #tpu.memory_space<vmem>> -> memref<8x768xf32, #tpu.memory_space<vmem>>
    %dma_start3A_1063 = arith.constant 0 : i32
    %dma_start3A_1064 = tpu.memref_slice %arg5[%add3A_1054, %dma_start3A_1063] : memref<8192x768xf32, #tpu.memory_space<hbm>> -> memref<8x768xf32, #tpu.memory_space<hbm>>
    %dma_start3A_1065 = arith.constant 0 : i32
    %dma_start3A_1066 = tpu.memref_slice %arg5[%add3A_1054, %dma_start3A_1065] : memref<8192x768xf32, #tpu.memory_space<hbm>> -> memref<8x768xf32, #tpu.memory_space<hbm>>
    %dma_start3A_1067 = arith.constant 0 : i32
    %dma_start3A_1068 = arith.constant 0 : i32
    %dma_start3A_1069 = tpu.memref_slice %arg8[%dma_start3A_1055, %dma_start3A_1067, %dma_start3A_1068] : memref<3x32x768xf32, #tpu.memory_space<vmem>> -> memref<1x32x768xf32, #tpu.memory_space<vmem>>
    %dma_start3A_1070 = tpu.memref_squeeze %dma_start3A_1069 : memref<1x32x768xf32, #tpu.memory_space<vmem>> -> memref<32x768xf32, #tpu.memory_space<vmem>>
    %dma_start3A_1071 = arith.constant 0 : i32
    %dma_start3A_1072 = arith.constant 0 : i32
    %dma_start3A_1073 = tpu.memref_slice %dma_start3A_1070[%dma_start3A_1071, %dma_start3A_1072] : memref<32x768xf32, #tpu.memory_space<vmem>> -> memref<8x768xf32, #tpu.memory_space<vmem>>
    tpu.enqueue_dma source(%dma_start3A_1073 : memref<8x768xf32, #tpu.memory_space<vmem>>) target(%dma_start3A_1066 : memref<8x768xf32, #tpu.memory_space<hbm>>) target_semaphore(%arg16 : memref<!tpu.dma_semaphore, #tpu.memory_space<semaphore_mem>>)
    %add3A_1074 = arith.constant 2048 : i32
    %add3A_1075 = arith.addi %add3A_1074, %mul3A_2 : i32
    %add3A_1076 = arith.constant 32 : i32
    %add3A_1077 = arith.addi %add3A_1075, %add3A_1076 : i32
    %dma_start3A_1078 = arith.constant 1 : i32
    %dma_start3A_1079 = arith.constant 0 : i32
    %dma_start3A_1080 = arith.constant 0 : i32
    %dma_start3A_1081 = tpu.memref_slice %arg8[%dma_start3A_1078, %dma_start3A_1079, %dma_start3A_1080] : memref<3x32x768xf32, #tpu.memory_space<vmem>> -> memref<1x32x768xf32, #tpu.memory_space<vmem>>
    %dma_start3A_1082 = tpu.memref_squeeze %dma_start3A_1081 : memref<1x32x768xf32, #tpu.memory_space<vmem>> -> memref<32x768xf32, #tpu.memory_space<vmem>>
    %dma_start3A_1083 = arith.constant 8 : i32
    %dma_start3A_1084 = arith.constant 0 : i32
    %dma_start3A_1085 = tpu.memref_slice %dma_start3A_1082[%dma_start3A_1083, %dma_start3A_1084] : memref<32x768xf32, #tpu.memory_space<vmem>> -> memref<8x768xf32, #tpu.memory_space<vmem>>
    %dma_start3A_1086 = arith.constant 0 : i32
    %dma_start3A_1087 = tpu.memref_slice %arg5[%add3A_1077, %dma_start3A_1086] : memref<8192x768xf32, #tpu.memory_space<hbm>> -> memref<8x768xf32, #tpu.memory_space<hbm>>
    %dma_start3A_1088 = arith.constant 0 : i32
    %dma_start3A_1089 = tpu.memref_slice %arg5[%add3A_1077, %dma_start3A_1088] : memref<8192x768xf32, #tpu.memory_space<hbm>> -> memref<8x768xf32, #tpu.memory_space<hbm>>
    %dma_start3A_1090 = arith.constant 0 : i32
    %dma_start3A_1091 = arith.constant 0 : i32
    %dma_start3A_1092 = tpu.memref_slice %arg8[%dma_start3A_1078, %dma_start3A_1090, %dma_start3A_1091] : memref<3x32x768xf32, #tpu.memory_space<vmem>> -> memref<1x32x768xf32, #tpu.memory_space<vmem>>
    %dma_start3A_1093 = tpu.memref_squeeze %dma_start3A_1092 : memref<1x32x768xf32, #tpu.memory_space<vmem>> -> memref<32x768xf32, #tpu.memory_space<vmem>>
    %dma_start3A_1094 = arith.constant 8 : i32
    %dma_start3A_1095 = arith.constant 0 : i32
    %dma_start3A_1096 = tpu.memref_slice %dma_start3A_1093[%dma_start3A_1094, %dma_start3A_1095] : memref<32x768xf32, #tpu.memory_space<vmem>> -> memref<8x768xf32, #tpu.memory_space<vmem>>
    tpu.enqueue_dma source(%dma_start3A_1096 : memref<8x768xf32, #tpu.memory_space<vmem>>) target(%dma_start3A_1089 : memref<8x768xf32, #tpu.memory_space<hbm>>) target_semaphore(%arg16 : memref<!tpu.dma_semaphore, #tpu.memory_space<semaphore_mem>>)
    %add3A_1097 = arith.constant 4096 : i32
    %add3A_1098 = arith.addi %add3A_1097, %mul3A_2 : i32
    %add3A_1099 = arith.constant 32 : i32
    %add3A_1100 = arith.addi %add3A_1098, %add3A_1099 : i32
    %dma_start3A_1101 = arith.constant 1 : i32
    %dma_start3A_1102 = arith.constant 0 : i32
    %dma_start3A_1103 = arith.constant 0 : i32
    %dma_start3A_1104 = tpu.memref_slice %arg8[%dma_start3A_1101, %dma_start3A_1102, %dma_start3A_1103] : memref<3x32x768xf32, #tpu.memory_space<vmem>> -> memref<1x32x768xf32, #tpu.memory_space<vmem>>
    %dma_start3A_1105 = tpu.memref_squeeze %dma_start3A_1104 : memref<1x32x768xf32, #tpu.memory_space<vmem>> -> memref<32x768xf32, #tpu.memory_space<vmem>>
    %dma_start3A_1106 = arith.constant 16 : i32
    %dma_start3A_1107 = arith.constant 0 : i32
    %dma_start3A_1108 = tpu.memref_slice %dma_start3A_1105[%dma_start3A_1106, %dma_start3A_1107] : memref<32x768xf32, #tpu.memory_space<vmem>> -> memref<8x768xf32, #tpu.memory_space<vmem>>
    %dma_start3A_1109 = arith.constant 0 : i32
    %dma_start3A_1110 = tpu.memref_slice %arg5[%add3A_1100, %dma_start3A_1109] : memref<8192x768xf32, #tpu.memory_space<hbm>> -> memref<8x768xf32, #tpu.memory_space<hbm>>
    %dma_start3A_1111 = arith.constant 0 : i32
    %dma_start3A_1112 = tpu.memref_slice %arg5[%add3A_1100, %dma_start3A_1111] : memref<8192x768xf32, #tpu.memory_space<hbm>> -> memref<8x768xf32, #tpu.memory_space<hbm>>
    %dma_start3A_1113 = arith.constant 0 : i32
    %dma_start3A_1114 = arith.constant 0 : i32
    %dma_start3A_1115 = tpu.memref_slice %arg8[%dma_start3A_1101, %dma_start3A_1113, %dma_start3A_1114] : memref<3x32x768xf32, #tpu.memory_space<vmem>> -> memref<1x32x768xf32, #tpu.memory_space<vmem>>
    %dma_start3A_1116 = tpu.memref_squeeze %dma_start3A_1115 : memref<1x32x768xf32, #tpu.memory_space<vmem>> -> memref<32x768xf32, #tpu.memory_space<vmem>>
    %dma_start3A_1117 = arith.constant 16 : i32
    %dma_start3A_1118 = arith.constant 0 : i32
    %dma_start3A_1119 = tpu.memref_slice %dma_start3A_1116[%dma_start3A_1117, %dma_start3A_1118] : memref<32x768xf32, #tpu.memory_space<vmem>> -> memref<8x768xf32, #tpu.memory_space<vmem>>
    tpu.enqueue_dma source(%dma_start3A_1119 : memref<8x768xf32, #tpu.memory_space<vmem>>) target(%dma_start3A_1112 : memref<8x768xf32, #tpu.memory_space<hbm>>) target_semaphore(%arg16 : memref<!tpu.dma_semaphore, #tpu.memory_space<semaphore_mem>>)
    %add3A_1120 = arith.constant 6144 : i32
    %add3A_1121 = arith.addi %add3A_1120, %mul3A_2 : i32
    %add3A_1122 = arith.constant 32 : i32
    %add3A_1123 = arith.addi %add3A_1121, %add3A_1122 : i32
    %dma_start3A_1124 = arith.constant 1 : i32
    %dma_start3A_1125 = arith.constant 0 : i32
    %dma_start3A_1126 = arith.constant 0 : i32
    %dma_start3A_1127 = tpu.memref_slice %arg8[%dma_start3A_1124, %dma_start3A_1125, %dma_start3A_1126] : memref<3x32x768xf32, #tpu.memory_space<vmem>> -> memref<1x32x768xf32, #tpu.memory_space<vmem>>
    %dma_start3A_1128 = tpu.memref_squeeze %dma_start3A_1127 : memref<1x32x768xf32, #tpu.memory_space<vmem>> -> memref<32x768xf32, #tpu.memory_space<vmem>>
    %dma_start3A_1129 = arith.constant 24 : i32
    %dma_start3A_1130 = arith.constant 0 : i32
    %dma_start3A_1131 = tpu.memref_slice %dma_start3A_1128[%dma_start3A_1129, %dma_start3A_1130] : memref<32x768xf32, #tpu.memory_space<vmem>> -> memref<8x768xf32, #tpu.memory_space<vmem>>
    %dma_start3A_1132 = arith.constant 0 : i32
    %dma_start3A_1133 = tpu.memref_slice %arg5[%add3A_1123, %dma_start3A_1132] : memref<8192x768xf32, #tpu.memory_space<hbm>> -> memref<8x768xf32, #tpu.memory_space<hbm>>
    %dma_start3A_1134 = arith.constant 0 : i32
    %dma_start3A_1135 = tpu.memref_slice %arg5[%add3A_1123, %dma_start3A_1134] : memref<8192x768xf32, #tpu.memory_space<hbm>> -> memref<8x768xf32, #tpu.memory_space<hbm>>
    %dma_start3A_1136 = arith.constant 0 : i32
    %dma_start3A_1137 = arith.constant 0 : i32
    %dma_start3A_1138 = tpu.memref_slice %arg8[%dma_start3A_1124, %dma_start3A_1136, %dma_start3A_1137] : memref<3x32x768xf32, #tpu.memory_space<vmem>> -> memref<1x32x768xf32, #tpu.memory_space<vmem>>
    %dma_start3A_1139 = tpu.memref_squeeze %dma_start3A_1138 : memref<1x32x768xf32, #tpu.memory_space<vmem>> -> memref<32x768xf32, #tpu.memory_space<vmem>>
    %dma_start3A_1140 = arith.constant 24 : i32
    %dma_start3A_1141 = arith.constant 0 : i32
    %dma_start3A_1142 = tpu.memref_slice %dma_start3A_1139[%dma_start3A_1140, %dma_start3A_1141] : memref<32x768xf32, #tpu.memory_space<vmem>> -> memref<8x768xf32, #tpu.memory_space<vmem>>
    tpu.enqueue_dma source(%dma_start3A_1142 : memref<8x768xf32, #tpu.memory_space<vmem>>) target(%dma_start3A_1135 : memref<8x768xf32, #tpu.memory_space<hbm>>) target_semaphore(%arg16 : memref<!tpu.dma_semaphore, #tpu.memory_space<semaphore_mem>>)
    %dma_wait3A_1143 = arith.constant 1 : i32
    %dma_wait3A_1144 = arith.constant 0 : i32
    %dma_wait3A_1145 = arith.constant 0 : i32
    %dma_wait3A_1146 = tpu.memref_slice %arg8[%dma_wait3A_1143, %dma_wait3A_1144, %dma_wait3A_1145] : memref<3x32x768xf32, #tpu.memory_space<vmem>> -> memref<1x32x768xf32, #tpu.memory_space<vmem>>
    %dma_wait3A_1147 = tpu.memref_squeeze %dma_wait3A_1146 : memref<1x32x768xf32, #tpu.memory_space<vmem>> -> memref<32x768xf32, #tpu.memory_space<vmem>>
    %dma_wait3A_1148 = arith.constant 0 : i32
    %dma_wait3A_1149 = arith.constant 0 : i32
    %dma_wait3A_1150 = tpu.memref_slice %dma_wait3A_1147[%dma_wait3A_1148, %dma_wait3A_1149] : memref<32x768xf32, #tpu.memory_space<vmem>> -> memref<8x768xf32, #tpu.memory_space<vmem>>
    %dma_wait3A_1151 = arith.constant 0 : i32
    %dma_wait3A_1152 = tpu.memref_slice %arg5[%add3A_1054, %dma_wait3A_1151] : memref<8192x768xf32, #tpu.memory_space<hbm>> -> memref<8x768xf32, #tpu.memory_space<hbm>>
    %dma_wait3A_1153 = arith.constant 0 : i32
    %dma_wait3A_1154 = tpu.memref_slice %arg5[%add3A_1054, %dma_wait3A_1153] : memref<8192x768xf32, #tpu.memory_space<hbm>> -> memref<8x768xf32, #tpu.memory_space<hbm>>
    %dma_wait3A_1155 = arith.constant 0 : i32
    %dma_wait3A_1156 = arith.constant 0 : i32
    %dma_wait3A_1157 = tpu.memref_slice %arg8[%dma_wait3A_1143, %dma_wait3A_1155, %dma_wait3A_1156] : memref<3x32x768xf32, #tpu.memory_space<vmem>> -> memref<1x32x768xf32, #tpu.memory_space<vmem>>
    %dma_wait3A_1158 = tpu.memref_squeeze %dma_wait3A_1157 : memref<1x32x768xf32, #tpu.memory_space<vmem>> -> memref<32x768xf32, #tpu.memory_space<vmem>>
    %dma_wait3A_1159 = arith.constant 0 : i32
    %dma_wait3A_1160 = arith.constant 0 : i32
    %dma_wait3A_1161 = tpu.memref_slice %dma_wait3A_1158[%dma_wait3A_1159, %dma_wait3A_1160] : memref<32x768xf32, #tpu.memory_space<vmem>> -> memref<8x768xf32, #tpu.memory_space<vmem>>
    tpu.wait_dma2 semaphore(%arg16 : memref<!tpu.dma_semaphore, #tpu.memory_space<semaphore_mem>>) src(%dma_wait3A_1161 : memref<8x768xf32, #tpu.memory_space<vmem>>) dst(%dma_wait3A_1154 : memref<8x768xf32, #tpu.memory_space<hbm>>)
    %dma_wait3A_1162 = arith.constant 1 : i32
    %dma_wait3A_1163 = arith.constant 0 : i32
    %dma_wait3A_1164 = arith.constant 0 : i32
    %dma_wait3A_1165 = tpu.memref_slice %arg8[%dma_wait3A_1162, %dma_wait3A_1163, %dma_wait3A_1164] : memref<3x32x768xf32, #tpu.memory_space<vmem>> -> memref<1x32x768xf32, #tpu.memory_space<vmem>>
    %dma_wait3A_1166 = tpu.memref_squeeze %dma_wait3A_1165 : memref<1x32x768xf32, #tpu.memory_space<vmem>> -> memref<32x768xf32, #tpu.memory_space<vmem>>
    %dma_wait3A_1167 = arith.constant 8 : i32
    %dma_wait3A_1168 = arith.constant 0 : i32
    %dma_wait3A_1169 = tpu.memref_slice %dma_wait3A_1166[%dma_wait3A_1167, %dma_wait3A_1168] : memref<32x768xf32, #tpu.memory_space<vmem>> -> memref<8x768xf32, #tpu.memory_space<vmem>>
    %dma_wait3A_1170 = arith.constant 0 : i32
    %dma_wait3A_1171 = tpu.memref_slice %arg5[%add3A_1077, %dma_wait3A_1170] : memref<8192x768xf32, #tpu.memory_space<hbm>> -> memref<8x768xf32, #tpu.memory_space<hbm>>
    %dma_wait3A_1172 = arith.constant 0 : i32
    %dma_wait3A_1173 = tpu.memref_slice %arg5[%add3A_1077, %dma_wait3A_1172] : memref<8192x768xf32, #tpu.memory_space<hbm>> -> memref<8x768xf32, #tpu.memory_space<hbm>>
    %dma_wait3A_1174 = arith.constant 0 : i32
    %dma_wait3A_1175 = arith.constant 0 : i32
    %dma_wait3A_1176 = tpu.memref_slice %arg8[%dma_wait3A_1162, %dma_wait3A_1174, %dma_wait3A_1175] : memref<3x32x768xf32, #tpu.memory_space<vmem>> -> memref<1x32x768xf32, #tpu.memory_space<vmem>>
    %dma_wait3A_1177 = tpu.memref_squeeze %dma_wait3A_1176 : memref<1x32x768xf32, #tpu.memory_space<vmem>> -> memref<32x768xf32, #tpu.memory_space<vmem>>
    %dma_wait3A_1178 = arith.constant 8 : i32
    %dma_wait3A_1179 = arith.constant 0 : i32
    %dma_wait3A_1180 = tpu.memref_slice %dma_wait3A_1177[%dma_wait3A_1178, %dma_wait3A_1179] : memref<32x768xf32, #tpu.memory_space<vmem>> -> memref<8x768xf32, #tpu.memory_space<vmem>>
    tpu.wait_dma2 semaphore(%arg16 : memref<!tpu.dma_semaphore, #tpu.memory_space<semaphore_mem>>) src(%dma_wait3A_1180 : memref<8x768xf32, #tpu.memory_space<vmem>>) dst(%dma_wait3A_1173 : memref<8x768xf32, #tpu.memory_space<hbm>>)
    %dma_wait3A_1181 = arith.constant 1 : i32
    %dma_wait3A_1182 = arith.constant 0 : i32
    %dma_wait3A_1183 = arith.constant 0 : i32
    %dma_wait3A_1184 = tpu.memref_slice %arg8[%dma_wait3A_1181, %dma_wait3A_1182, %dma_wait3A_1183] : memref<3x32x768xf32, #tpu.memory_space<vmem>> -> memref<1x32x768xf32, #tpu.memory_space<vmem>>
    %dma_wait3A_1185 = tpu.memref_squeeze %dma_wait3A_1184 : memref<1x32x768xf32, #tpu.memory_space<vmem>> -> memref<32x768xf32, #tpu.memory_space<vmem>>
    %dma_wait3A_1186 = arith.constant 16 : i32
    %dma_wait3A_1187 = arith.constant 0 : i32
    %dma_wait3A_1188 = tpu.memref_slice %dma_wait3A_1185[%dma_wait3A_1186, %dma_wait3A_1187] : memref<32x768xf32, #tpu.memory_space<vmem>> -> memref<8x768xf32, #tpu.memory_space<vmem>>
    %dma_wait3A_1189 = arith.constant 0 : i32
    %dma_wait3A_1190 = tpu.memref_slice %arg5[%add3A_1100, %dma_wait3A_1189] : memref<8192x768xf32, #tpu.memory_space<hbm>> -> memref<8x768xf32, #tpu.memory_space<hbm>>
    %dma_wait3A_1191 = arith.constant 0 : i32
    %dma_wait3A_1192 = tpu.memref_slice %arg5[%add3A_1100, %dma_wait3A_1191] : memref<8192x768xf32, #tpu.memory_space<hbm>> -> memref<8x768xf32, #tpu.memory_space<hbm>>
    %dma_wait3A_1193 = arith.constant 0 : i32
    %dma_wait3A_1194 = arith.constant 0 : i32
    %dma_wait3A_1195 = tpu.memref_slice %arg8[%dma_wait3A_1181, %dma_wait3A_1193, %dma_wait3A_1194] : memref<3x32x768xf32, #tpu.memory_space<vmem>> -> memref<1x32x768xf32, #tpu.memory_space<vmem>>
    %dma_wait3A_1196 = tpu.memref_squeeze %dma_wait3A_1195 : memref<1x32x768xf32, #tpu.memory_space<vmem>> -> memref<32x768xf32, #tpu.memory_space<vmem>>
    %dma_wait3A_1197 = arith.constant 16 : i32
    %dma_wait3A_1198 = arith.constant 0 : i32
    %dma_wait3A_1199 = tpu.memref_slice %dma_wait3A_1196[%dma_wait3A_1197, %dma_wait3A_1198] : memref<32x768xf32, #tpu.memory_space<vmem>> -> memref<8x768xf32, #tpu.memory_space<vmem>>
    tpu.wait_dma2 semaphore(%arg16 : memref<!tpu.dma_semaphore, #tpu.memory_space<semaphore_mem>>) src(%dma_wait3A_1199 : memref<8x768xf32, #tpu.memory_space<vmem>>) dst(%dma_wait3A_1192 : memref<8x768xf32, #tpu.memory_space<hbm>>)
    %dma_wait3A_1200 = arith.constant 1 : i32
    %dma_wait3A_1201 = arith.constant 0 : i32
    %dma_wait3A_1202 = arith.constant 0 : i32
    %dma_wait3A_1203 = tpu.memref_slice %arg8[%dma_wait3A_1200, %dma_wait3A_1201, %dma_wait3A_1202] : memref<3x32x768xf32, #tpu.memory_space<vmem>> -> memref<1x32x768xf32, #tpu.memory_space<vmem>>
    %dma_wait3A_1204 = tpu.memref_squeeze %dma_wait3A_1203 : memref<1x32x768xf32, #tpu.memory_space<vmem>> -> memref<32x768xf32, #tpu.memory_space<vmem>>
    %dma_wait3A_1205 = arith.constant 24 : i32
    %dma_wait3A_1206 = arith.constant 0 : i32
    %dma_wait3A_1207 = tpu.memref_slice %dma_wait3A_1204[%dma_wait3A_1205, %dma_wait3A_1206] : memref<32x768xf32, #tpu.memory_space<vmem>> -> memref<8x768xf32, #tpu.memory_space<vmem>>
    %dma_wait3A_1208 = arith.constant 0 : i32
    %dma_wait3A_1209 = tpu.memref_slice %arg5[%add3A_1123, %dma_wait3A_1208] : memref<8192x768xf32, #tpu.memory_space<hbm>> -> memref<8x768xf32, #tpu.memory_space<hbm>>
    %dma_wait3A_1210 = arith.constant 0 : i32
    %dma_wait3A_1211 = tpu.memref_slice %arg5[%add3A_1123, %dma_wait3A_1210] : memref<8192x768xf32, #tpu.memory_space<hbm>> -> memref<8x768xf32, #tpu.memory_space<hbm>>
    %dma_wait3A_1212 = arith.constant 0 : i32
    %dma_wait3A_1213 = arith.constant 0 : i32
    %dma_wait3A_1214 = tpu.memref_slice %arg8[%dma_wait3A_1200, %dma_wait3A_1212, %dma_wait3A_1213] : memref<3x32x768xf32, #tpu.memory_space<vmem>> -> memref<1x32x768xf32, #tpu.memory_space<vmem>>
    %dma_wait3A_1215 = tpu.memref_squeeze %dma_wait3A_1214 : memref<1x32x768xf32, #tpu.memory_space<vmem>> -> memref<32x768xf32, #tpu.memory_space<vmem>>
    %dma_wait3A_1216 = arith.constant 24 : i32
    %dma_wait3A_1217 = arith.constant 0 : i32
    %dma_wait3A_1218 = tpu.memref_slice %dma_wait3A_1215[%dma_wait3A_1216, %dma_wait3A_1217] : memref<32x768xf32, #tpu.memory_space<vmem>> -> memref<8x768xf32, #tpu.memory_space<vmem>>
    tpu.wait_dma2 semaphore(%arg16 : memref<!tpu.dma_semaphore, #tpu.memory_space<semaphore_mem>>) src(%dma_wait3A_1218 : memref<8x768xf32, #tpu.memory_space<vmem>>) dst(%dma_wait3A_1211 : memref<8x768xf32, #tpu.memory_space<hbm>>)
    %dma_start3A_1219 = arith.constant 1 : i32
    %dma_start3A_1220 = arith.constant 0 : i32
    %dma_start3A_1221 = arith.constant 0 : i32
    %dma_start3A_1222 = tpu.memref_slice %arg8[%dma_start3A_1219, %dma_start3A_1220, %dma_start3A_1221] : memref<3x32x768xf32, #tpu.memory_space<vmem>> -> memref<1x32x768xf32, #tpu.memory_space<vmem>>
    %dma_start3A_1223 = tpu.memref_squeeze %dma_start3A_1222 : memref<1x32x768xf32, #tpu.memory_space<vmem>> -> memref<32x768xf32, #tpu.memory_space<vmem>>
    %dma_start3A_1224 = arith.constant 224 : i32
    %dma_start3A_1225 = tpu.memref_slice %arg7[%dma_start3A_1224] : memref<256xi32, #tpu.memory_space<vmem>> -> memref<32xi32, #tpu.memory_space<vmem>>
    %dma_start3A_1226 = arith.constant 0 : i32
    %dma_start3A_1227 = arith.constant 0 : i32
    %dma_start3A_1228 = tpu.memref_slice %arg3[%dma_start3A_1226, %dma_start3A_1227] : memref<100000x768xf32, #tpu.memory_space<hbm>> -> memref<100000x768xf32, #tpu.memory_space<hbm>>
    tpu.enqueue_indirect_dma source(%dma_start3A_1228 : memref<100000x768xf32, #tpu.memory_space<hbm>>) target(%dma_start3A_1223 : memref<32x768xf32, #tpu.memory_space<vmem>>) offsets(%dma_start3A_1225 : memref<32xi32, #tpu.memory_space<vmem>>) semaphore(%arg13 : memref<!tpu.dma_semaphore, #tpu.memory_space<semaphore_mem>>)
    %dma_wait3A_1229 = arith.constant 2 : i32
    %dma_wait3A_1230 = arith.constant 0 : i32
    %dma_wait3A_1231 = arith.constant 0 : i32
    %dma_wait3A_1232 = tpu.memref_slice %arg8[%dma_wait3A_1229, %dma_wait3A_1230, %dma_wait3A_1231] : memref<3x32x768xf32, #tpu.memory_space<vmem>> -> memref<1x32x768xf32, #tpu.memory_space<vmem>>
    %dma_wait3A_1233 = tpu.memref_squeeze %dma_wait3A_1232 : memref<1x32x768xf32, #tpu.memory_space<vmem>> -> memref<32x768xf32, #tpu.memory_space<vmem>>
    %dma_wait3A_1234 = arith.constant 160 : i32
    %dma_wait3A_1235 = tpu.memref_slice %arg7[%dma_wait3A_1234] : memref<256xi32, #tpu.memory_space<vmem>> -> memref<32xi32, #tpu.memory_space<vmem>>
    %dma_wait3A_1236 = arith.constant 0 : i32
    %dma_wait3A_1237 = arith.constant 0 : i32
    %dma_wait3A_1238 = tpu.memref_slice %arg3[%dma_wait3A_1236, %dma_wait3A_1237] : memref<100000x768xf32, #tpu.memory_space<hbm>> -> memref<100000x768xf32, #tpu.memory_space<hbm>>
    tpu.wait_indirect_dma semaphore(%arg14 : memref<!tpu.dma_semaphore, #tpu.memory_space<semaphore_mem>>) src(%dma_wait3A_1238 : memref<100000x768xf32, #tpu.memory_space<hbm>>) dst(%dma_wait3A_1233 : memref<32x768xf32, #tpu.memory_space<vmem>>)
    %parallel_loop3A_1239 = arith.constant 0 : i32
    %parallel_loop3A_1240 = arith.constant 384 : i32
    %parallel_loop3A_1241 = arith.constant 1 : i32
    %parallel_loop3A_1242 = arith.constant 2 : i32
    scf.for %parallel_loop3A_1775 = %parallel_loop3A_1239 to %parallel_loop3A_1240 step %parallel_loop3A_1241  : i32 {
      %parallel_loop3A_1776 = arith.constant 8 : i32
      %parallel_loop3A_1777 = arith.divsi %parallel_loop3A_1775, %parallel_loop3A_1776 : i32
      %parallel_loop3A_1778 = arith.constant 0 : i32
      %parallel_loop3A_1779 = arith.cmpi sgt, %parallel_loop3A_1775, %parallel_loop3A_1778 : i32
      %parallel_loop3A_1780 = arith.extui %parallel_loop3A_1779 : i1 to i32
      %parallel_loop3A_1781 = arith.constant 0 : i32
      %parallel_loop3A_1782 = arith.cmpi slt, %parallel_loop3A_1775, %parallel_loop3A_1781 : i32
      %parallel_loop3A_1783 = arith.extui %parallel_loop3A_1782 : i1 to i32
      %parallel_loop3A_1784 = arith.subi %parallel_loop3A_1780, %parallel_loop3A_1783 : i32
      %parallel_loop3A_1785 = arith.constant 0 : i32
      %parallel_loop3A_1786 = arith.cmpi sgt, %parallel_loop3A_1776, %parallel_loop3A_1785 : i32
      %parallel_loop3A_1787 = arith.extui %parallel_loop3A_1786 : i1 to i32
      %parallel_loop3A_1788 = arith.constant 0 : i32
      %parallel_loop3A_1789 = arith.cmpi slt, %parallel_loop3A_1776, %parallel_loop3A_1788 : i32
      %parallel_loop3A_1790 = arith.extui %parallel_loop3A_1789 : i1 to i32
      %parallel_loop3A_1791 = arith.subi %parallel_loop3A_1787, %parallel_loop3A_1790 : i32
      %parallel_loop3A_1792 = arith.cmpi ne, %parallel_loop3A_1784, %parallel_loop3A_1791 : i32
      %parallel_loop3A_1793 = arith.remsi %parallel_loop3A_1775, %parallel_loop3A_1776 : i32
      %parallel_loop3A_1794 = arith.constant 0 : i32
      %parallel_loop3A_1795 = arith.cmpi ne, %parallel_loop3A_1793, %parallel_loop3A_1794 : i32
      %parallel_loop3A_1796 = arith.andi %parallel_loop3A_1792, %parallel_loop3A_1795 : i1
      %parallel_loop3A_1797 = arith.constant 1 : i32
      %parallel_loop3A_1798 = arith.subi %parallel_loop3A_1777, %parallel_loop3A_1797 : i32
      %parallel_loop3A_1799 = arith.select %parallel_loop3A_1796, %parallel_loop3A_1798, %parallel_loop3A_1777 : i32
      %parallel_loop3A_1800 = arith.constant 8 : i32
      %parallel_loop3A_1801 = arith.remsi %parallel_loop3A_1775, %parallel_loop3A_1800 : i32
      %parallel_loop3A_1802 = arith.constant 16 : i32
      %parallel_loop3A_1803 = arith.muli %parallel_loop3A_1799, %parallel_loop3A_1802 : i32
      %parallel_loop3A_1804 = arith.constant 40 : i32
      %parallel_loop3A_1805 = arith.addi %parallel_loop3A_1804, %parallel_loop3A_1801 : i32
      %parallel_loop3A_1806 = arith.index_cast %parallel_loop3A_1805 : i32 to index
      %parallel_loop3A_1807 = arith.index_cast %parallel_loop3A_1803 : i32 to index
      %parallel_loop3A_1808 = tpu.vector_load %arg9[%parallel_loop3A_1806, %parallel_loop3A_1807] {strides = array<i32>} : memref<64x768xf32, #tpu.memory_space<vmem>>, vector<1x16xf32>,
      %parallel_loop3A_1809 = vector.shape_cast %parallel_loop3A_1808 : vector<1x16xf32> to vector<16xf32>
      %parallel_loop3A_1810 = arith.constant 0 : i32
      %parallel_loop3A_1811 = arith.addi %parallel_loop3A_1810, %parallel_loop3A_1801 : i32
      %parallel_loop3A_1812 = arith.constant 0 : i32
      %parallel_loop3A_1813 = arith.constant 0 : i32
      %parallel_loop3A_1814 = tpu.memref_slice %arg8[%parallel_loop3A_1242, %parallel_loop3A_1812, %parallel_loop3A_1813] : memref<3x32x768xf32, #tpu.memory_space<vmem>> -> memref<1x32x768xf32, #tpu.memory_space<vmem>>
      %parallel_loop3A_1815 = tpu.memref_squeeze %parallel_loop3A_1814 : memref<1x32x768xf32, #tpu.memory_space<vmem>> -> memref<32x768xf32, #tpu.memory_space<vmem>>
      %parallel_loop3A_1816 = arith.index_cast %parallel_loop3A_1811 : i32 to index
      %parallel_loop3A_1817 = arith.index_cast %parallel_loop3A_1803 : i32 to index
      %parallel_loop3A_1818 = tpu.vector_load %parallel_loop3A_1815[%parallel_loop3A_1816, %parallel_loop3A_1817] {strides = array<i32>} : memref<32x768xf32, #tpu.memory_space<vmem>>, vector<1x16xf32>,
      %parallel_loop3A_1819 = vector.shape_cast %parallel_loop3A_1818 : vector<1x16xf32> to vector<16xf32>
      %parallel_loop3A_1820 = arith.constant 27.7128124 : f32
      %parallel_loop3A_1821 = vector.broadcast %parallel_loop3A_1820 : f32 to vector<16xf32>
      %parallel_loop3A_1822 = arith.mulf %parallel_loop3A_1819, %parallel_loop3A_1821 : vector<16xf32>
      %parallel_loop3A_1823 = arith.addf %parallel_loop3A_1822, %parallel_loop3A_1809 : vector<16xf32>
      %parallel_loop3A_1824 = arith.constant 0 : i32
      %parallel_loop3A_1825 = arith.addi %parallel_loop3A_1824, %parallel_loop3A_1801 : i32
      %parallel_loop3A_1826 = arith.constant 0 : i32
      %parallel_loop3A_1827 = arith.constant 0 : i32
      %parallel_loop3A_1828 = tpu.memref_slice %arg8[%parallel_loop3A_1242, %parallel_loop3A_1826, %parallel_loop3A_1827] : memref<3x32x768xf32, #tpu.memory_space<vmem>> -> memref<1x32x768xf32, #tpu.memory_space<vmem>>
      %parallel_loop3A_1829 = tpu.memref_squeeze %parallel_loop3A_1828 : memref<1x32x768xf32, #tpu.memory_space<vmem>> -> memref<32x768xf32, #tpu.memory_space<vmem>>
      %parallel_loop3A_1830 = arith.index_cast %parallel_loop3A_1825 : i32 to index
      %parallel_loop3A_1831 = arith.index_cast %parallel_loop3A_1803 : i32 to index
      %parallel_loop3A_1832 = tpu.vector_load %parallel_loop3A_1829[%parallel_loop3A_1830, %parallel_loop3A_1831] {strides = array<i32>} : memref<32x768xf32, #tpu.memory_space<vmem>>, vector<1x16xf32>,
      %parallel_loop3A_1833 = vector.shape_cast %parallel_loop3A_1832 : vector<1x16xf32> to vector<16xf32>
      %parallel_loop3A_1834 = vector.shape_cast %parallel_loop3A_1823 : vector<16xf32> to vector<1x16xf32>
      tpu.vector_store %parallel_loop3A_1829[%parallel_loop3A_1830, %parallel_loop3A_1831], %parallel_loop3A_1834 {strides = array<i32>} : memref<32x768xf32, #tpu.memory_space<vmem>>, vector<1x16xf32>,
      %parallel_loop3A_1835 = arith.constant 8 : i32
      %parallel_loop3A_1836 = arith.addi %parallel_loop3A_1835, %parallel_loop3A_1801 : i32
      %parallel_loop3A_1837 = arith.constant 0 : i32
      %parallel_loop3A_1838 = arith.constant 0 : i32
      %parallel_loop3A_1839 = tpu.memref_slice %arg8[%parallel_loop3A_1242, %parallel_loop3A_1837, %parallel_loop3A_1838] : memref<3x32x768xf32, #tpu.memory_space<vmem>> -> memref<1x32x768xf32, #tpu.memory_space<vmem>>
      %parallel_loop3A_1840 = tpu.memref_squeeze %parallel_loop3A_1839 : memref<1x32x768xf32, #tpu.memory_space<vmem>> -> memref<32x768xf32, #tpu.memory_space<vmem>>
      %parallel_loop3A_1841 = arith.index_cast %parallel_loop3A_1836 : i32 to index
      %parallel_loop3A_1842 = arith.index_cast %parallel_loop3A_1803 : i32 to index
      %parallel_loop3A_1843 = tpu.vector_load %parallel_loop3A_1840[%parallel_loop3A_1841, %parallel_loop3A_1842] {strides = array<i32>} : memref<32x768xf32, #tpu.memory_space<vmem>>, vector<1x16xf32>,
      %parallel_loop3A_1844 = vector.shape_cast %parallel_loop3A_1843 : vector<1x16xf32> to vector<16xf32>
      %parallel_loop3A_1845 = arith.constant 27.7128124 : f32
      %parallel_loop3A_1846 = vector.broadcast %parallel_loop3A_1845 : f32 to vector<16xf32>
      %parallel_loop3A_1847 = arith.mulf %parallel_loop3A_1844, %parallel_loop3A_1846 : vector<16xf32>
      %parallel_loop3A_1848 = arith.addf %parallel_loop3A_1847, %parallel_loop3A_1809 : vector<16xf32>
      %parallel_loop3A_1849 = arith.constant 8 : i32
      %parallel_loop3A_1850 = arith.addi %parallel_loop3A_1849, %parallel_loop3A_1801 : i32
      %parallel_loop3A_1851 = arith.constant 0 : i32
      %parallel_loop3A_1852 = arith.constant 0 : i32
      %parallel_loop3A_1853 = tpu.memref_slice %arg8[%parallel_loop3A_1242, %parallel_loop3A_1851, %parallel_loop3A_1852] : memref<3x32x768xf32, #tpu.memory_space<vmem>> -> memref<1x32x768xf32, #tpu.memory_space<vmem>>
      %parallel_loop3A_1854 = tpu.memref_squeeze %parallel_loop3A_1853 : memref<1x32x768xf32, #tpu.memory_space<vmem>> -> memref<32x768xf32, #tpu.memory_space<vmem>>
      %parallel_loop3A_1855 = arith.index_cast %parallel_loop3A_1850 : i32 to index
      %parallel_loop3A_1856 = arith.index_cast %parallel_loop3A_1803 : i32 to index
      %parallel_loop3A_1857 = tpu.vector_load %parallel_loop3A_1854[%parallel_loop3A_1855, %parallel_loop3A_1856] {strides = array<i32>} : memref<32x768xf32, #tpu.memory_space<vmem>>, vector<1x16xf32>,
      %parallel_loop3A_1858 = vector.shape_cast %parallel_loop3A_1857 : vector<1x16xf32> to vector<16xf32>
      %parallel_loop3A_1859 = vector.shape_cast %parallel_loop3A_1848 : vector<16xf32> to vector<1x16xf32>
      tpu.vector_store %parallel_loop3A_1854[%parallel_loop3A_1855, %parallel_loop3A_1856], %parallel_loop3A_1859 {strides = array<i32>} : memref<32x768xf32, #tpu.memory_space<vmem>>, vector<1x16xf32>,
      %parallel_loop3A_1860 = arith.constant 16 : i32
      %parallel_loop3A_1861 = arith.addi %parallel_loop3A_1860, %parallel_loop3A_1801 : i32
      %parallel_loop3A_1862 = arith.constant 0 : i32
      %parallel_loop3A_1863 = arith.constant 0 : i32
      %parallel_loop3A_1864 = tpu.memref_slice %arg8[%parallel_loop3A_1242, %parallel_loop3A_1862, %parallel_loop3A_1863] : memref<3x32x768xf32, #tpu.memory_space<vmem>> -> memref<1x32x768xf32, #tpu.memory_space<vmem>>
      %parallel_loop3A_1865 = tpu.memref_squeeze %parallel_loop3A_1864 : memref<1x32x768xf32, #tpu.memory_space<vmem>> -> memref<32x768xf32, #tpu.memory_space<vmem>>
      %parallel_loop3A_1866 = arith.index_cast %parallel_loop3A_1861 : i32 to index
      %parallel_loop3A_1867 = arith.index_cast %parallel_loop3A_1803 : i32 to index
      %parallel_loop3A_1868 = tpu.vector_load %parallel_loop3A_1865[%parallel_loop3A_1866, %parallel_loop3A_1867] {strides = array<i32>} : memref<32x768xf32, #tpu.memory_space<vmem>>, vector<1x16xf32>,
      %parallel_loop3A_1869 = vector.shape_cast %parallel_loop3A_1868 : vector<1x16xf32> to vector<16xf32>
      %parallel_loop3A_1870 = arith.constant 27.7128124 : f32
      %parallel_loop3A_1871 = vector.broadcast %parallel_loop3A_1870 : f32 to vector<16xf32>
      %parallel_loop3A_1872 = arith.mulf %parallel_loop3A_1869, %parallel_loop3A_1871 : vector<16xf32>
      %parallel_loop3A_1873 = arith.addf %parallel_loop3A_1872, %parallel_loop3A_1809 : vector<16xf32>
      %parallel_loop3A_1874 = arith.constant 16 : i32
      %parallel_loop3A_1875 = arith.addi %parallel_loop3A_1874, %parallel_loop3A_1801 : i32
      %parallel_loop3A_1876 = arith.constant 0 : i32
      %parallel_loop3A_1877 = arith.constant 0 : i32
      %parallel_loop3A_1878 = tpu.memref_slice %arg8[%parallel_loop3A_1242, %parallel_loop3A_1876, %parallel_loop3A_1877] : memref<3x32x768xf32, #tpu.memory_space<vmem>> -> memref<1x32x768xf32, #tpu.memory_space<vmem>>
      %parallel_loop3A_1879 = tpu.memref_squeeze %parallel_loop3A_1878 : memref<1x32x768xf32, #tpu.memory_space<vmem>> -> memref<32x768xf32, #tpu.memory_space<vmem>>
      %parallel_loop3A_1880 = arith.index_cast %parallel_loop3A_1875 : i32 to index
      %parallel_loop3A_1881 = arith.index_cast %parallel_loop3A_1803 : i32 to index
      %parallel_loop3A_1882 = tpu.vector_load %parallel_loop3A_1879[%parallel_loop3A_1880, %parallel_loop3A_1881] {strides = array<i32>} : memref<32x768xf32, #tpu.memory_space<vmem>>, vector<1x16xf32>,
      %parallel_loop3A_1883 = vector.shape_cast %parallel_loop3A_1882 : vector<1x16xf32> to vector<16xf32>
      %parallel_loop3A_1884 = vector.shape_cast %parallel_loop3A_1873 : vector<16xf32> to vector<1x16xf32>
      tpu.vector_store %parallel_loop3A_1879[%parallel_loop3A_1880, %parallel_loop3A_1881], %parallel_loop3A_1884 {strides = array<i32>} : memref<32x768xf32, #tpu.memory_space<vmem>>, vector<1x16xf32>,
      %parallel_loop3A_1885 = arith.constant 24 : i32
      %parallel_loop3A_1886 = arith.addi %parallel_loop3A_1885, %parallel_loop3A_1801 : i32
      %parallel_loop3A_1887 = arith.constant 0 : i32
      %parallel_loop3A_1888 = arith.constant 0 : i32
      %parallel_loop3A_1889 = tpu.memref_slice %arg8[%parallel_loop3A_1242, %parallel_loop3A_1887, %parallel_loop3A_1888] : memref<3x32x768xf32, #tpu.memory_space<vmem>> -> memref<1x32x768xf32, #tpu.memory_space<vmem>>
      %parallel_loop3A_1890 = tpu.memref_squeeze %parallel_loop3A_1889 : memref<1x32x768xf32, #tpu.memory_space<vmem>> -> memref<32x768xf32, #tpu.memory_space<vmem>>
      %parallel_loop3A_1891 = arith.index_cast %parallel_loop3A_1886 : i32 to index
      %parallel_loop3A_1892 = arith.index_cast %parallel_loop3A_1803 : i32 to index
      %parallel_loop3A_1893 = tpu.vector_load %parallel_loop3A_1890[%parallel_loop3A_1891, %parallel_loop3A_1892] {strides = array<i32>} : memref<32x768xf32, #tpu.memory_space<vmem>>, vector<1x16xf32>,
      %parallel_loop3A_1894 = vector.shape_cast %parallel_loop3A_1893 : vector<1x16xf32> to vector<16xf32>
      %parallel_loop3A_1895 = arith.constant 27.7128124 : f32
      %parallel_loop3A_1896 = vector.broadcast %parallel_loop3A_1895 : f32 to vector<16xf32>
      %parallel_loop3A_1897 = arith.mulf %parallel_loop3A_1894, %parallel_loop3A_1896 : vector<16xf32>
      %parallel_loop3A_1898 = arith.addf %parallel_loop3A_1897, %parallel_loop3A_1809 : vector<16xf32>
      %parallel_loop3A_1899 = arith.constant 24 : i32
      %parallel_loop3A_1900 = arith.addi %parallel_loop3A_1899, %parallel_loop3A_1801 : i32
      %parallel_loop3A_1901 = arith.constant 0 : i32
      %parallel_loop3A_1902 = arith.constant 0 : i32
      %parallel_loop3A_1903 = tpu.memref_slice %arg8[%parallel_loop3A_1242, %parallel_loop3A_1901, %parallel_loop3A_1902] : memref<3x32x768xf32, #tpu.memory_space<vmem>> -> memref<1x32x768xf32, #tpu.memory_space<vmem>>
      %parallel_loop3A_1904 = tpu.memref_squeeze %parallel_loop3A_1903 : memref<1x32x768xf32, #tpu.memory_space<vmem>> -> memref<32x768xf32, #tpu.memory_space<vmem>>
      %parallel_loop3A_1905 = arith.index_cast %parallel_loop3A_1900 : i32 to index
      %parallel_loop3A_1906 = arith.index_cast %parallel_loop3A_1803 : i32 to index
      %parallel_loop3A_1907 = tpu.vector_load %parallel_loop3A_1904[%parallel_loop3A_1905, %parallel_loop3A_1906] {strides = array<i32>} : memref<32x768xf32, #tpu.memory_space<vmem>>, vector<1x16xf32>,
      %parallel_loop3A_1908 = vector.shape_cast %parallel_loop3A_1907 : vector<1x16xf32> to vector<16xf32>
      %parallel_loop3A_1909 = vector.shape_cast %parallel_loop3A_1898 : vector<16xf32> to vector<1x16xf32>
      tpu.vector_store %parallel_loop3A_1904[%parallel_loop3A_1905, %parallel_loop3A_1906], %parallel_loop3A_1909 {strides = array<i32>} : memref<32x768xf32, #tpu.memory_space<vmem>>, vector<1x16xf32>,
    } {sc.loop_unroll_factor = 4 : i64, sc.parallel_access}
    %add3A_1243 = arith.constant 0 : i32
    %add3A_1244 = arith.addi %add3A_1243, %mul3A_2 : i32
    %add3A_1245 = arith.constant 40 : i32
    %add3A_1246 = arith.addi %add3A_1244, %add3A_1245 : i32
    %dma_start3A_1247 = arith.constant 2 : i32
    %dma_start3A_1248 = arith.constant 0 : i32
    %dma_start3A_1249 = arith.constant 0 : i32
    %dma_start3A_1250 = tpu.memref_slice %arg8[%dma_start3A_1247, %dma_start3A_1248, %dma_start3A_1249] : memref<3x32x768xf32, #tpu.memory_space<vmem>> -> memref<1x32x768xf32, #tpu.memory_space<vmem>>
    %dma_start3A_1251 = tpu.memref_squeeze %dma_start3A_1250 : memref<1x32x768xf32, #tpu.memory_space<vmem>> -> memref<32x768xf32, #tpu.memory_space<vmem>>
    %dma_start3A_1252 = arith.constant 0 : i32
    %dma_start3A_1253 = arith.constant 0 : i32
    %dma_start3A_1254 = tpu.memref_slice %dma_start3A_1251[%dma_start3A_1252, %dma_start3A_1253] : memref<32x768xf32, #tpu.memory_space<vmem>> -> memref<8x768xf32, #tpu.memory_space<vmem>>
    %dma_start3A_1255 = arith.constant 0 : i32
    %dma_start3A_1256 = tpu.memref_slice %arg5[%add3A_1246, %dma_start3A_1255] : memref<8192x768xf32, #tpu.memory_space<hbm>> -> memref<8x768xf32, #tpu.memory_space<hbm>>
    %dma_start3A_1257 = arith.constant 0 : i32
    %dma_start3A_1258 = tpu.memref_slice %arg5[%add3A_1246, %dma_start3A_1257] : memref<8192x768xf32, #tpu.memory_space<hbm>> -> memref<8x768xf32, #tpu.memory_space<hbm>>
    %dma_start3A_1259 = arith.constant 0 : i32
    %dma_start3A_1260 = arith.constant 0 : i32
    %dma_start3A_1261 = tpu.memref_slice %arg8[%dma_start3A_1247, %dma_start3A_1259, %dma_start3A_1260] : memref<3x32x768xf32, #tpu.memory_space<vmem>> -> memref<1x32x768xf32, #tpu.memory_space<vmem>>
    %dma_start3A_1262 = tpu.memref_squeeze %dma_start3A_1261 : memref<1x32x768xf32, #tpu.memory_space<vmem>> -> memref<32x768xf32, #tpu.memory_space<vmem>>
    %dma_start3A_1263 = arith.constant 0 : i32
    %dma_start3A_1264 = arith.constant 0 : i32
    %dma_start3A_1265 = tpu.memref_slice %dma_start3A_1262[%dma_start3A_1263, %dma_start3A_1264] : memref<32x768xf32, #tpu.memory_space<vmem>> -> memref<8x768xf32, #tpu.memory_space<vmem>>
    tpu.enqueue_dma source(%dma_start3A_1265 : memref<8x768xf32, #tpu.memory_space<vmem>>) target(%dma_start3A_1258 : memref<8x768xf32, #tpu.memory_space<hbm>>) target_semaphore(%arg17 : memref<!tpu.dma_semaphore, #tpu.memory_space<semaphore_mem>>)
    %add3A_1266 = arith.constant 2048 : i32
    %add3A_1267 = arith.addi %add3A_1266, %mul3A_2 : i32
    %add3A_1268 = arith.constant 40 : i32
    %add3A_1269 = arith.addi %add3A_1267, %add3A_1268 : i32
    %dma_start3A_1270 = arith.constant 2 : i32
    %dma_start3A_1271 = arith.constant 0 : i32
    %dma_start3A_1272 = arith.constant 0 : i32
    %dma_start3A_1273 = tpu.memref_slice %arg8[%dma_start3A_1270, %dma_start3A_1271, %dma_start3A_1272] : memref<3x32x768xf32, #tpu.memory_space<vmem>> -> memref<1x32x768xf32, #tpu.memory_space<vmem>>
    %dma_start3A_1274 = tpu.memref_squeeze %dma_start3A_1273 : memref<1x32x768xf32, #tpu.memory_space<vmem>> -> memref<32x768xf32, #tpu.memory_space<vmem>>
    %dma_start3A_1275 = arith.constant 8 : i32
    %dma_start3A_1276 = arith.constant 0 : i32
    %dma_start3A_1277 = tpu.memref_slice %dma_start3A_1274[%dma_start3A_1275, %dma_start3A_1276] : memref<32x768xf32, #tpu.memory_space<vmem>> -> memref<8x768xf32, #tpu.memory_space<vmem>>
    %dma_start3A_1278 = arith.constant 0 : i32
    %dma_start3A_1279 = tpu.memref_slice %arg5[%add3A_1269, %dma_start3A_1278] : memref<8192x768xf32, #tpu.memory_space<hbm>> -> memref<8x768xf32, #tpu.memory_space<hbm>>
    %dma_start3A_1280 = arith.constant 0 : i32
    %dma_start3A_1281 = tpu.memref_slice %arg5[%add3A_1269, %dma_start3A_1280] : memref<8192x768xf32, #tpu.memory_space<hbm>> -> memref<8x768xf32, #tpu.memory_space<hbm>>
    %dma_start3A_1282 = arith.constant 0 : i32
    %dma_start3A_1283 = arith.constant 0 : i32
    %dma_start3A_1284 = tpu.memref_slice %arg8[%dma_start3A_1270, %dma_start3A_1282, %dma_start3A_1283] : memref<3x32x768xf32, #tpu.memory_space<vmem>> -> memref<1x32x768xf32, #tpu.memory_space<vmem>>
    %dma_start3A_1285 = tpu.memref_squeeze %dma_start3A_1284 : memref<1x32x768xf32, #tpu.memory_space<vmem>> -> memref<32x768xf32, #tpu.memory_space<vmem>>
    %dma_start3A_1286 = arith.constant 8 : i32
    %dma_start3A_1287 = arith.constant 0 : i32
    %dma_start3A_1288 = tpu.memref_slice %dma_start3A_1285[%dma_start3A_1286, %dma_start3A_1287] : memref<32x768xf32, #tpu.memory_space<vmem>> -> memref<8x768xf32, #tpu.memory_space<vmem>>
    tpu.enqueue_dma source(%dma_start3A_1288 : memref<8x768xf32, #tpu.memory_space<vmem>>) target(%dma_start3A_1281 : memref<8x768xf32, #tpu.memory_space<hbm>>) target_semaphore(%arg17 : memref<!tpu.dma_semaphore, #tpu.memory_space<semaphore_mem>>)
    %add3A_1289 = arith.constant 4096 : i32
    %add3A_1290 = arith.addi %add3A_1289, %mul3A_2 : i32
    %add3A_1291 = arith.constant 40 : i32
    %add3A_1292 = arith.addi %add3A_1290, %add3A_1291 : i32
    %dma_start3A_1293 = arith.constant 2 : i32
    %dma_start3A_1294 = arith.constant 0 : i32
    %dma_start3A_1295 = arith.constant 0 : i32
    %dma_start3A_1296 = tpu.memref_slice %arg8[%dma_start3A_1293, %dma_start3A_1294, %dma_start3A_1295] : memref<3x32x768xf32, #tpu.memory_space<vmem>> -> memref<1x32x768xf32, #tpu.memory_space<vmem>>
    %dma_start3A_1297 = tpu.memref_squeeze %dma_start3A_1296 : memref<1x32x768xf32, #tpu.memory_space<vmem>> -> memref<32x768xf32, #tpu.memory_space<vmem>>
    %dma_start3A_1298 = arith.constant 16 : i32
    %dma_start3A_1299 = arith.constant 0 : i32
    %dma_start3A_1300 = tpu.memref_slice %dma_start3A_1297[%dma_start3A_1298, %dma_start3A_1299] : memref<32x768xf32, #tpu.memory_space<vmem>> -> memref<8x768xf32, #tpu.memory_space<vmem>>
    %dma_start3A_1301 = arith.constant 0 : i32
    %dma_start3A_1302 = tpu.memref_slice %arg5[%add3A_1292, %dma_start3A_1301] : memref<8192x768xf32, #tpu.memory_space<hbm>> -> memref<8x768xf32, #tpu.memory_space<hbm>>
    %dma_start3A_1303 = arith.constant 0 : i32
    %dma_start3A_1304 = tpu.memref_slice %arg5[%add3A_1292, %dma_start3A_1303] : memref<8192x768xf32, #tpu.memory_space<hbm>> -> memref<8x768xf32, #tpu.memory_space<hbm>>
    %dma_start3A_1305 = arith.constant 0 : i32
    %dma_start3A_1306 = arith.constant 0 : i32
    %dma_start3A_1307 = tpu.memref_slice %arg8[%dma_start3A_1293, %dma_start3A_1305, %dma_start3A_1306] : memref<3x32x768xf32, #tpu.memory_space<vmem>> -> memref<1x32x768xf32, #tpu.memory_space<vmem>>
    %dma_start3A_1308 = tpu.memref_squeeze %dma_start3A_1307 : memref<1x32x768xf32, #tpu.memory_space<vmem>> -> memref<32x768xf32, #tpu.memory_space<vmem>>
    %dma_start3A_1309 = arith.constant 16 : i32
    %dma_start3A_1310 = arith.constant 0 : i32
    %dma_start3A_1311 = tpu.memref_slice %dma_start3A_1308[%dma_start3A_1309, %dma_start3A_1310] : memref<32x768xf32, #tpu.memory_space<vmem>> -> memref<8x768xf32, #tpu.memory_space<vmem>>
    tpu.enqueue_dma source(%dma_start3A_1311 : memref<8x768xf32, #tpu.memory_space<vmem>>) target(%dma_start3A_1304 : memref<8x768xf32, #tpu.memory_space<hbm>>) target_semaphore(%arg17 : memref<!tpu.dma_semaphore, #tpu.memory_space<semaphore_mem>>)
    %add3A_1312 = arith.constant 6144 : i32
    %add3A_1313 = arith.addi %add3A_1312, %mul3A_2 : i32
    %add3A_1314 = arith.constant 40 : i32
    %add3A_1315 = arith.addi %add3A_1313, %add3A_1314 : i32
    %dma_start3A_1316 = arith.constant 2 : i32
    %dma_start3A_1317 = arith.constant 0 : i32
    %dma_start3A_1318 = arith.constant 0 : i32
    %dma_start3A_1319 = tpu.memref_slice %arg8[%dma_start3A_1316, %dma_start3A_1317, %dma_start3A_1318] : memref<3x32x768xf32, #tpu.memory_space<vmem>> -> memref<1x32x768xf32, #tpu.memory_space<vmem>>
    %dma_start3A_1320 = tpu.memref_squeeze %dma_start3A_1319 : memref<1x32x768xf32, #tpu.memory_space<vmem>> -> memref<32x768xf32, #tpu.memory_space<vmem>>
    %dma_start3A_1321 = arith.constant 24 : i32
    %dma_start3A_1322 = arith.constant 0 : i32
    %dma_start3A_1323 = tpu.memref_slice %dma_start3A_1320[%dma_start3A_1321, %dma_start3A_1322] : memref<32x768xf32, #tpu.memory_space<vmem>> -> memref<8x768xf32, #tpu.memory_space<vmem>>
    %dma_start3A_1324 = arith.constant 0 : i32
    %dma_start3A_1325 = tpu.memref_slice %arg5[%add3A_1315, %dma_start3A_1324] : memref<8192x768xf32, #tpu.memory_space<hbm>> -> memref<8x768xf32, #tpu.memory_space<hbm>>
    %dma_start3A_1326 = arith.constant 0 : i32
    %dma_start3A_1327 = tpu.memref_slice %arg5[%add3A_1315, %dma_start3A_1326] : memref<8192x768xf32, #tpu.memory_space<hbm>> -> memref<8x768xf32, #tpu.memory_space<hbm>>
    %dma_start3A_1328 = arith.constant 0 : i32
    %dma_start3A_1329 = arith.constant 0 : i32
    %dma_start3A_1330 = tpu.memref_slice %arg8[%dma_start3A_1316, %dma_start3A_1328, %dma_start3A_1329] : memref<3x32x768xf32, #tpu.memory_space<vmem>> -> memref<1x32x768xf32, #tpu.memory_space<vmem>>
    %dma_start3A_1331 = tpu.memref_squeeze %dma_start3A_1330 : memref<1x32x768xf32, #tpu.memory_space<vmem>> -> memref<32x768xf32, #tpu.memory_space<vmem>>
    %dma_start3A_1332 = arith.constant 24 : i32
    %dma_start3A_1333 = arith.constant 0 : i32
    %dma_start3A_1334 = tpu.memref_slice %dma_start3A_1331[%dma_start3A_1332, %dma_start3A_1333] : memref<32x768xf32, #tpu.memory_space<vmem>> -> memref<8x768xf32, #tpu.memory_space<vmem>>
    tpu.enqueue_dma source(%dma_start3A_1334 : memref<8x768xf32, #tpu.memory_space<vmem>>) target(%dma_start3A_1327 : memref<8x768xf32, #tpu.memory_space<hbm>>) target_semaphore(%arg17 : memref<!tpu.dma_semaphore, #tpu.memory_space<semaphore_mem>>)
    %dma_wait3A_1335 = arith.constant 0 : i32
    %dma_wait3A_1336 = arith.constant 0 : i32
    %dma_wait3A_1337 = arith.constant 0 : i32
    %dma_wait3A_1338 = tpu.memref_slice %arg8[%dma_wait3A_1335, %dma_wait3A_1336, %dma_wait3A_1337] : memref<3x32x768xf32, #tpu.memory_space<vmem>> -> memref<1x32x768xf32, #tpu.memory_space<vmem>>
    %dma_wait3A_1339 = tpu.memref_squeeze %dma_wait3A_1338 : memref<1x32x768xf32, #tpu.memory_space<vmem>> -> memref<32x768xf32, #tpu.memory_space<vmem>>
    %dma_wait3A_1340 = arith.constant 192 : i32
    %dma_wait3A_1341 = tpu.memref_slice %arg7[%dma_wait3A_1340] : memref<256xi32, #tpu.memory_space<vmem>> -> memref<32xi32, #tpu.memory_space<vmem>>
    %dma_wait3A_1342 = arith.constant 0 : i32
    %dma_wait3A_1343 = arith.constant 0 : i32
    %dma_wait3A_1344 = tpu.memref_slice %arg3[%dma_wait3A_1342, %dma_wait3A_1343] : memref<100000x768xf32, #tpu.memory_space<hbm>> -> memref<100000x768xf32, #tpu.memory_space<hbm>>
    tpu.wait_indirect_dma semaphore(%arg12 : memref<!tpu.dma_semaphore, #tpu.memory_space<semaphore_mem>>) src(%dma_wait3A_1344 : memref<100000x768xf32, #tpu.memory_space<hbm>>) dst(%dma_wait3A_1339 : memref<32x768xf32, #tpu.memory_space<vmem>>)
    %parallel_loop3A_1345 = arith.constant 0 : i32
    %parallel_loop3A_1346 = arith.constant 384 : i32
    %parallel_loop3A_1347 = arith.constant 1 : i32
    %parallel_loop3A_1348 = arith.constant 0 : i32
    scf.for %parallel_loop3A_1775 = %parallel_loop3A_1345 to %parallel_loop3A_1346 step %parallel_loop3A_1347  : i32 {
      %parallel_loop3A_1776 = arith.constant 8 : i32
      %parallel_loop3A_1777 = arith.divsi %parallel_loop3A_1775, %parallel_loop3A_1776 : i32
      %parallel_loop3A_1778 = arith.constant 0 : i32
      %parallel_loop3A_1779 = arith.cmpi sgt, %parallel_loop3A_1775, %parallel_loop3A_1778 : i32
      %parallel_loop3A_1780 = arith.extui %parallel_loop3A_1779 : i1 to i32
      %parallel_loop3A_1781 = arith.constant 0 : i32
      %parallel_loop3A_1782 = arith.cmpi slt, %parallel_loop3A_1775, %parallel_loop3A_1781 : i32
      %parallel_loop3A_1783 = arith.extui %parallel_loop3A_1782 : i1 to i32
      %parallel_loop3A_1784 = arith.subi %parallel_loop3A_1780, %parallel_loop3A_1783 : i32
      %parallel_loop3A_1785 = arith.constant 0 : i32
      %parallel_loop3A_1786 = arith.cmpi sgt, %parallel_loop3A_1776, %parallel_loop3A_1785 : i32
      %parallel_loop3A_1787 = arith.extui %parallel_loop3A_1786 : i1 to i32
      %parallel_loop3A_1788 = arith.constant 0 : i32
      %parallel_loop3A_1789 = arith.cmpi slt, %parallel_loop3A_1776, %parallel_loop3A_1788 : i32
      %parallel_loop3A_1790 = arith.extui %parallel_loop3A_1789 : i1 to i32
      %parallel_loop3A_1791 = arith.subi %parallel_loop3A_1787, %parallel_loop3A_1790 : i32
      %parallel_loop3A_1792 = arith.cmpi ne, %parallel_loop3A_1784, %parallel_loop3A_1791 : i32
      %parallel_loop3A_1793 = arith.remsi %parallel_loop3A_1775, %parallel_loop3A_1776 : i32
      %parallel_loop3A_1794 = arith.constant 0 : i32
      %parallel_loop3A_1795 = arith.cmpi ne, %parallel_loop3A_1793, %parallel_loop3A_1794 : i32
      %parallel_loop3A_1796 = arith.andi %parallel_loop3A_1792, %parallel_loop3A_1795 : i1
      %parallel_loop3A_1797 = arith.constant 1 : i32
      %parallel_loop3A_1798 = arith.subi %parallel_loop3A_1777, %parallel_loop3A_1797 : i32
      %parallel_loop3A_1799 = arith.select %parallel_loop3A_1796, %parallel_loop3A_1798, %parallel_loop3A_1777 : i32
      %parallel_loop3A_1800 = arith.constant 8 : i32
      %parallel_loop3A_1801 = arith.remsi %parallel_loop3A_1775, %parallel_loop3A_1800 : i32
      %parallel_loop3A_1802 = arith.constant 16 : i32
      %parallel_loop3A_1803 = arith.muli %parallel_loop3A_1799, %parallel_loop3A_1802 : i32
      %parallel_loop3A_1804 = arith.constant 48 : i32
      %parallel_loop3A_1805 = arith.addi %parallel_loop3A_1804, %parallel_loop3A_1801 : i32
      %parallel_loop3A_1806 = arith.index_cast %parallel_loop3A_1805 : i32 to index
      %parallel_loop3A_1807 = arith.index_cast %parallel_loop3A_1803 : i32 to index
      %parallel_loop3A_1808 = tpu.vector_load %arg9[%parallel_loop3A_1806, %parallel_loop3A_1807] {strides = array<i32>} : memref<64x768xf32, #tpu.memory_space<vmem>>, vector<1x16xf32>,
      %parallel_loop3A_1809 = vector.shape_cast %parallel_loop3A_1808 : vector<1x16xf32> to vector<16xf32>
      %parallel_loop3A_1810 = arith.constant 0 : i32
      %parallel_loop3A_1811 = arith.addi %parallel_loop3A_1810, %parallel_loop3A_1801 : i32
      %parallel_loop3A_1812 = arith.constant 0 : i32
      %parallel_loop3A_1813 = arith.constant 0 : i32
      %parallel_loop3A_1814 = tpu.memref_slice %arg8[%parallel_loop3A_1348, %parallel_loop3A_1812, %parallel_loop3A_1813] : memref<3x32x768xf32, #tpu.memory_space<vmem>> -> memref<1x32x768xf32, #tpu.memory_space<vmem>>
      %parallel_loop3A_1815 = tpu.memref_squeeze %parallel_loop3A_1814 : memref<1x32x768xf32, #tpu.memory_space<vmem>> -> memref<32x768xf32, #tpu.memory_space<vmem>>
      %parallel_loop3A_1816 = arith.index_cast %parallel_loop3A_1811 : i32 to index
      %parallel_loop3A_1817 = arith.index_cast %parallel_loop3A_1803 : i32 to index
      %parallel_loop3A_1818 = tpu.vector_load %parallel_loop3A_1815[%parallel_loop3A_1816, %parallel_loop3A_1817] {strides = array<i32>} : memref<32x768xf32, #tpu.memory_space<vmem>>, vector<1x16xf32>,
      %parallel_loop3A_1819 = vector.shape_cast %parallel_loop3A_1818 : vector<1x16xf32> to vector<16xf32>
      %parallel_loop3A_1820 = arith.constant 27.7128124 : f32
      %parallel_loop3A_1821 = vector.broadcast %parallel_loop3A_1820 : f32 to vector<16xf32>
      %parallel_loop3A_1822 = arith.mulf %parallel_loop3A_1819, %parallel_loop3A_1821 : vector<16xf32>
      %parallel_loop3A_1823 = arith.addf %parallel_loop3A_1822, %parallel_loop3A_1809 : vector<16xf32>
      %parallel_loop3A_1824 = arith.constant 0 : i32
      %parallel_loop3A_1825 = arith.addi %parallel_loop3A_1824, %parallel_loop3A_1801 : i32
      %parallel_loop3A_1826 = arith.constant 0 : i32
      %parallel_loop3A_1827 = arith.constant 0 : i32
      %parallel_loop3A_1828 = tpu.memref_slice %arg8[%parallel_loop3A_1348, %parallel_loop3A_1826, %parallel_loop3A_1827] : memref<3x32x768xf32, #tpu.memory_space<vmem>> -> memref<1x32x768xf32, #tpu.memory_space<vmem>>
      %parallel_loop3A_1829 = tpu.memref_squeeze %parallel_loop3A_1828 : memref<1x32x768xf32, #tpu.memory_space<vmem>> -> memref<32x768xf32, #tpu.memory_space<vmem>>
      %parallel_loop3A_1830 = arith.index_cast %parallel_loop3A_1825 : i32 to index
      %parallel_loop3A_1831 = arith.index_cast %parallel_loop3A_1803 : i32 to index
      %parallel_loop3A_1832 = tpu.vector_load %parallel_loop3A_1829[%parallel_loop3A_1830, %parallel_loop3A_1831] {strides = array<i32>} : memref<32x768xf32, #tpu.memory_space<vmem>>, vector<1x16xf32>,
      %parallel_loop3A_1833 = vector.shape_cast %parallel_loop3A_1832 : vector<1x16xf32> to vector<16xf32>
      %parallel_loop3A_1834 = vector.shape_cast %parallel_loop3A_1823 : vector<16xf32> to vector<1x16xf32>
      tpu.vector_store %parallel_loop3A_1829[%parallel_loop3A_1830, %parallel_loop3A_1831], %parallel_loop3A_1834 {strides = array<i32>} : memref<32x768xf32, #tpu.memory_space<vmem>>, vector<1x16xf32>,
      %parallel_loop3A_1835 = arith.constant 8 : i32
      %parallel_loop3A_1836 = arith.addi %parallel_loop3A_1835, %parallel_loop3A_1801 : i32
      %parallel_loop3A_1837 = arith.constant 0 : i32
      %parallel_loop3A_1838 = arith.constant 0 : i32
      %parallel_loop3A_1839 = tpu.memref_slice %arg8[%parallel_loop3A_1348, %parallel_loop3A_1837, %parallel_loop3A_1838] : memref<3x32x768xf32, #tpu.memory_space<vmem>> -> memref<1x32x768xf32, #tpu.memory_space<vmem>>
      %parallel_loop3A_1840 = tpu.memref_squeeze %parallel_loop3A_1839 : memref<1x32x768xf32, #tpu.memory_space<vmem>> -> memref<32x768xf32, #tpu.memory_space<vmem>>
      %parallel_loop3A_1841 = arith.index_cast %parallel_loop3A_1836 : i32 to index
      %parallel_loop3A_1842 = arith.index_cast %parallel_loop3A_1803 : i32 to index
      %parallel_loop3A_1843 = tpu.vector_load %parallel_loop3A_1840[%parallel_loop3A_1841, %parallel_loop3A_1842] {strides = array<i32>} : memref<32x768xf32, #tpu.memory_space<vmem>>, vector<1x16xf32>,
      %parallel_loop3A_1844 = vector.shape_cast %parallel_loop3A_1843 : vector<1x16xf32> to vector<16xf32>
      %parallel_loop3A_1845 = arith.constant 27.7128124 : f32
      %parallel_loop3A_1846 = vector.broadcast %parallel_loop3A_1845 : f32 to vector<16xf32>
      %parallel_loop3A_1847 = arith.mulf %parallel_loop3A_1844, %parallel_loop3A_1846 : vector<16xf32>
      %parallel_loop3A_1848 = arith.addf %parallel_loop3A_1847, %parallel_loop3A_1809 : vector<16xf32>
      %parallel_loop3A_1849 = arith.constant 8 : i32
      %parallel_loop3A_1850 = arith.addi %parallel_loop3A_1849, %parallel_loop3A_1801 : i32
      %parallel_loop3A_1851 = arith.constant 0 : i32
      %parallel_loop3A_1852 = arith.constant 0 : i32
      %parallel_loop3A_1853 = tpu.memref_slice %arg8[%parallel_loop3A_1348, %parallel_loop3A_1851, %parallel_loop3A_1852] : memref<3x32x768xf32, #tpu.memory_space<vmem>> -> memref<1x32x768xf32, #tpu.memory_space<vmem>>
      %parallel_loop3A_1854 = tpu.memref_squeeze %parallel_loop3A_1853 : memref<1x32x768xf32, #tpu.memory_space<vmem>> -> memref<32x768xf32, #tpu.memory_space<vmem>>
      %parallel_loop3A_1855 = arith.index_cast %parallel_loop3A_1850 : i32 to index
      %parallel_loop3A_1856 = arith.index_cast %parallel_loop3A_1803 : i32 to index
      %parallel_loop3A_1857 = tpu.vector_load %parallel_loop3A_1854[%parallel_loop3A_1855, %parallel_loop3A_1856] {strides = array<i32>} : memref<32x768xf32, #tpu.memory_space<vmem>>, vector<1x16xf32>,
      %parallel_loop3A_1858 = vector.shape_cast %parallel_loop3A_1857 : vector<1x16xf32> to vector<16xf32>
      %parallel_loop3A_1859 = vector.shape_cast %parallel_loop3A_1848 : vector<16xf32> to vector<1x16xf32>
      tpu.vector_store %parallel_loop3A_1854[%parallel_loop3A_1855, %parallel_loop3A_1856], %parallel_loop3A_1859 {strides = array<i32>} : memref<32x768xf32, #tpu.memory_space<vmem>>, vector<1x16xf32>,
      %parallel_loop3A_1860 = arith.constant 16 : i32
      %parallel_loop3A_1861 = arith.addi %parallel_loop3A_1860, %parallel_loop3A_1801 : i32
      %parallel_loop3A_1862 = arith.constant 0 : i32
      %parallel_loop3A_1863 = arith.constant 0 : i32
      %parallel_loop3A_1864 = tpu.memref_slice %arg8[%parallel_loop3A_1348, %parallel_loop3A_1862, %parallel_loop3A_1863] : memref<3x32x768xf32, #tpu.memory_space<vmem>> -> memref<1x32x768xf32, #tpu.memory_space<vmem>>
      %parallel_loop3A_1865 = tpu.memref_squeeze %parallel_loop3A_1864 : memref<1x32x768xf32, #tpu.memory_space<vmem>> -> memref<32x768xf32, #tpu.memory_space<vmem>>
      %parallel_loop3A_1866 = arith.index_cast %parallel_loop3A_1861 : i32 to index
      %parallel_loop3A_1867 = arith.index_cast %parallel_loop3A_1803 : i32 to index
      %parallel_loop3A_1868 = tpu.vector_load %parallel_loop3A_1865[%parallel_loop3A_1866, %parallel_loop3A_1867] {strides = array<i32>} : memref<32x768xf32, #tpu.memory_space<vmem>>, vector<1x16xf32>,
      %parallel_loop3A_1869 = vector.shape_cast %parallel_loop3A_1868 : vector<1x16xf32> to vector<16xf32>
      %parallel_loop3A_1870 = arith.constant 27.7128124 : f32
      %parallel_loop3A_1871 = vector.broadcast %parallel_loop3A_1870 : f32 to vector<16xf32>
      %parallel_loop3A_1872 = arith.mulf %parallel_loop3A_1869, %parallel_loop3A_1871 : vector<16xf32>
      %parallel_loop3A_1873 = arith.addf %parallel_loop3A_1872, %parallel_loop3A_1809 : vector<16xf32>
      %parallel_loop3A_1874 = arith.constant 16 : i32
      %parallel_loop3A_1875 = arith.addi %parallel_loop3A_1874, %parallel_loop3A_1801 : i32
      %parallel_loop3A_1876 = arith.constant 0 : i32
      %parallel_loop3A_1877 = arith.constant 0 : i32
      %parallel_loop3A_1878 = tpu.memref_slice %arg8[%parallel_loop3A_1348, %parallel_loop3A_1876, %parallel_loop3A_1877] : memref<3x32x768xf32, #tpu.memory_space<vmem>> -> memref<1x32x768xf32, #tpu.memory_space<vmem>>
      %parallel_loop3A_1879 = tpu.memref_squeeze %parallel_loop3A_1878 : memref<1x32x768xf32, #tpu.memory_space<vmem>> -> memref<32x768xf32, #tpu.memory_space<vmem>>
      %parallel_loop3A_1880 = arith.index_cast %parallel_loop3A_1875 : i32 to index
      %parallel_loop3A_1881 = arith.index_cast %parallel_loop3A_1803 : i32 to index
      %parallel_loop3A_1882 = tpu.vector_load %parallel_loop3A_1879[%parallel_loop3A_1880, %parallel_loop3A_1881] {strides = array<i32>} : memref<32x768xf32, #tpu.memory_space<vmem>>, vector<1x16xf32>,
      %parallel_loop3A_1883 = vector.shape_cast %parallel_loop3A_1882 : vector<1x16xf32> to vector<16xf32>
      %parallel_loop3A_1884 = vector.shape_cast %parallel_loop3A_1873 : vector<16xf32> to vector<1x16xf32>
      tpu.vector_store %parallel_loop3A_1879[%parallel_loop3A_1880, %parallel_loop3A_1881], %parallel_loop3A_1884 {strides = array<i32>} : memref<32x768xf32, #tpu.memory_space<vmem>>, vector<1x16xf32>,
      %parallel_loop3A_1885 = arith.constant 24 : i32
      %parallel_loop3A_1886 = arith.addi %parallel_loop3A_1885, %parallel_loop3A_1801 : i32
      %parallel_loop3A_1887 = arith.constant 0 : i32
      %parallel_loop3A_1888 = arith.constant 0 : i32
      %parallel_loop3A_1889 = tpu.memref_slice %arg8[%parallel_loop3A_1348, %parallel_loop3A_1887, %parallel_loop3A_1888] : memref<3x32x768xf32, #tpu.memory_space<vmem>> -> memref<1x32x768xf32, #tpu.memory_space<vmem>>
      %parallel_loop3A_1890 = tpu.memref_squeeze %parallel_loop3A_1889 : memref<1x32x768xf32, #tpu.memory_space<vmem>> -> memref<32x768xf32, #tpu.memory_space<vmem>>
      %parallel_loop3A_1891 = arith.index_cast %parallel_loop3A_1886 : i32 to index
      %parallel_loop3A_1892 = arith.index_cast %parallel_loop3A_1803 : i32 to index
      %parallel_loop3A_1893 = tpu.vector_load %parallel_loop3A_1890[%parallel_loop3A_1891, %parallel_loop3A_1892] {strides = array<i32>} : memref<32x768xf32, #tpu.memory_space<vmem>>, vector<1x16xf32>,
      %parallel_loop3A_1894 = vector.shape_cast %parallel_loop3A_1893 : vector<1x16xf32> to vector<16xf32>
      %parallel_loop3A_1895 = arith.constant 27.7128124 : f32
      %parallel_loop3A_1896 = vector.broadcast %parallel_loop3A_1895 : f32 to vector<16xf32>
      %parallel_loop3A_1897 = arith.mulf %parallel_loop3A_1894, %parallel_loop3A_1896 : vector<16xf32>
      %parallel_loop3A_1898 = arith.addf %parallel_loop3A_1897, %parallel_loop3A_1809 : vector<16xf32>
      %parallel_loop3A_1899 = arith.constant 24 : i32
      %parallel_loop3A_1900 = arith.addi %parallel_loop3A_1899, %parallel_loop3A_1801 : i32
      %parallel_loop3A_1901 = arith.constant 0 : i32
      %parallel_loop3A_1902 = arith.constant 0 : i32
      %parallel_loop3A_1903 = tpu.memref_slice %arg8[%parallel_loop3A_1348, %parallel_loop3A_1901, %parallel_loop3A_1902] : memref<3x32x768xf32, #tpu.memory_space<vmem>> -> memref<1x32x768xf32, #tpu.memory_space<vmem>>
      %parallel_loop3A_1904 = tpu.memref_squeeze %parallel_loop3A_1903 : memref<1x32x768xf32, #tpu.memory_space<vmem>> -> memref<32x768xf32, #tpu.memory_space<vmem>>
      %parallel_loop3A_1905 = arith.index_cast %parallel_loop3A_1900 : i32 to index
      %parallel_loop3A_1906 = arith.index_cast %parallel_loop3A_1803 : i32 to index
      %parallel_loop3A_1907 = tpu.vector_load %parallel_loop3A_1904[%parallel_loop3A_1905, %parallel_loop3A_1906] {strides = array<i32>} : memref<32x768xf32, #tpu.memory_space<vmem>>, vector<1x16xf32>,
      %parallel_loop3A_1908 = vector.shape_cast %parallel_loop3A_1907 : vector<1x16xf32> to vector<16xf32>
      %parallel_loop3A_1909 = vector.shape_cast %parallel_loop3A_1898 : vector<16xf32> to vector<1x16xf32>
      tpu.vector_store %parallel_loop3A_1904[%parallel_loop3A_1905, %parallel_loop3A_1906], %parallel_loop3A_1909 {strides = array<i32>} : memref<32x768xf32, #tpu.memory_space<vmem>>, vector<1x16xf32>,
    } {sc.loop_unroll_factor = 4 : i64, sc.parallel_access}
    %add3A_1349 = arith.constant 0 : i32
    %add3A_1350 = arith.addi %add3A_1349, %mul3A_2 : i32
    %add3A_1351 = arith.constant 48 : i32
    %add3A_1352 = arith.addi %add3A_1350, %add3A_1351 : i32
    %dma_start3A_1353 = arith.constant 0 : i32
    %dma_start3A_1354 = arith.constant 0 : i32
    %dma_start3A_1355 = arith.constant 0 : i32
    %dma_start3A_1356 = tpu.memref_slice %arg8[%dma_start3A_1353, %dma_start3A_1354, %dma_start3A_1355] : memref<3x32x768xf32, #tpu.memory_space<vmem>> -> memref<1x32x768xf32, #tpu.memory_space<vmem>>
    %dma_start3A_1357 = tpu.memref_squeeze %dma_start3A_1356 : memref<1x32x768xf32, #tpu.memory_space<vmem>> -> memref<32x768xf32, #tpu.memory_space<vmem>>
    %dma_start3A_1358 = arith.constant 0 : i32
    %dma_start3A_1359 = arith.constant 0 : i32
    %dma_start3A_1360 = tpu.memref_slice %dma_start3A_1357[%dma_start3A_1358, %dma_start3A_1359] : memref<32x768xf32, #tpu.memory_space<vmem>> -> memref<8x768xf32, #tpu.memory_space<vmem>>
    %dma_start3A_1361 = arith.constant 0 : i32
    %dma_start3A_1362 = tpu.memref_slice %arg5[%add3A_1352, %dma_start3A_1361] : memref<8192x768xf32, #tpu.memory_space<hbm>> -> memref<8x768xf32, #tpu.memory_space<hbm>>
    %dma_start3A_1363 = arith.constant 0 : i32
    %dma_start3A_1364 = tpu.memref_slice %arg5[%add3A_1352, %dma_start3A_1363] : memref<8192x768xf32, #tpu.memory_space<hbm>> -> memref<8x768xf32, #tpu.memory_space<hbm>>
    %dma_start3A_1365 = arith.constant 0 : i32
    %dma_start3A_1366 = arith.constant 0 : i32
    %dma_start3A_1367 = tpu.memref_slice %arg8[%dma_start3A_1353, %dma_start3A_1365, %dma_start3A_1366] : memref<3x32x768xf32, #tpu.memory_space<vmem>> -> memref<1x32x768xf32, #tpu.memory_space<vmem>>
    %dma_start3A_1368 = tpu.memref_squeeze %dma_start3A_1367 : memref<1x32x768xf32, #tpu.memory_space<vmem>> -> memref<32x768xf32, #tpu.memory_space<vmem>>
    %dma_start3A_1369 = arith.constant 0 : i32
    %dma_start3A_1370 = arith.constant 0 : i32
    %dma_start3A_1371 = tpu.memref_slice %dma_start3A_1368[%dma_start3A_1369, %dma_start3A_1370] : memref<32x768xf32, #tpu.memory_space<vmem>> -> memref<8x768xf32, #tpu.memory_space<vmem>>
    tpu.enqueue_dma source(%dma_start3A_1371 : memref<8x768xf32, #tpu.memory_space<vmem>>) target(%dma_start3A_1364 : memref<8x768xf32, #tpu.memory_space<hbm>>) target_semaphore(%arg15 : memref<!tpu.dma_semaphore, #tpu.memory_space<semaphore_mem>>)
    %add3A_1372 = arith.constant 2048 : i32
    %add3A_1373 = arith.addi %add3A_1372, %mul3A_2 : i32
    %add3A_1374 = arith.constant 48 : i32
    %add3A_1375 = arith.addi %add3A_1373, %add3A_1374 : i32
    %dma_start3A_1376 = arith.constant 0 : i32
    %dma_start3A_1377 = arith.constant 0 : i32
    %dma_start3A_1378 = arith.constant 0 : i32
    %dma_start3A_1379 = tpu.memref_slice %arg8[%dma_start3A_1376, %dma_start3A_1377, %dma_start3A_1378] : memref<3x32x768xf32, #tpu.memory_space<vmem>> -> memref<1x32x768xf32, #tpu.memory_space<vmem>>
    %dma_start3A_1380 = tpu.memref_squeeze %dma_start3A_1379 : memref<1x32x768xf32, #tpu.memory_space<vmem>> -> memref<32x768xf32, #tpu.memory_space<vmem>>
    %dma_start3A_1381 = arith.constant 8 : i32
    %dma_start3A_1382 = arith.constant 0 : i32
    %dma_start3A_1383 = tpu.memref_slice %dma_start3A_1380[%dma_start3A_1381, %dma_start3A_1382] : memref<32x768xf32, #tpu.memory_space<vmem>> -> memref<8x768xf32, #tpu.memory_space<vmem>>
    %dma_start3A_1384 = arith.constant 0 : i32
    %dma_start3A_1385 = tpu.memref_slice %arg5[%add3A_1375, %dma_start3A_1384] : memref<8192x768xf32, #tpu.memory_space<hbm>> -> memref<8x768xf32, #tpu.memory_space<hbm>>
    %dma_start3A_1386 = arith.constant 0 : i32
    %dma_start3A_1387 = tpu.memref_slice %arg5[%add3A_1375, %dma_start3A_1386] : memref<8192x768xf32, #tpu.memory_space<hbm>> -> memref<8x768xf32, #tpu.memory_space<hbm>>
    %dma_start3A_1388 = arith.constant 0 : i32
    %dma_start3A_1389 = arith.constant 0 : i32
    %dma_start3A_1390 = tpu.memref_slice %arg8[%dma_start3A_1376, %dma_start3A_1388, %dma_start3A_1389] : memref<3x32x768xf32, #tpu.memory_space<vmem>> -> memref<1x32x768xf32, #tpu.memory_space<vmem>>
    %dma_start3A_1391 = tpu.memref_squeeze %dma_start3A_1390 : memref<1x32x768xf32, #tpu.memory_space<vmem>> -> memref<32x768xf32, #tpu.memory_space<vmem>>
    %dma_start3A_1392 = arith.constant 8 : i32
    %dma_start3A_1393 = arith.constant 0 : i32
    %dma_start3A_1394 = tpu.memref_slice %dma_start3A_1391[%dma_start3A_1392, %dma_start3A_1393] : memref<32x768xf32, #tpu.memory_space<vmem>> -> memref<8x768xf32, #tpu.memory_space<vmem>>
    tpu.enqueue_dma source(%dma_start3A_1394 : memref<8x768xf32, #tpu.memory_space<vmem>>) target(%dma_start3A_1387 : memref<8x768xf32, #tpu.memory_space<hbm>>) target_semaphore(%arg15 : memref<!tpu.dma_semaphore, #tpu.memory_space<semaphore_mem>>)
    %add3A_1395 = arith.constant 4096 : i32
    %add3A_1396 = arith.addi %add3A_1395, %mul3A_2 : i32
    %add3A_1397 = arith.constant 48 : i32
    %add3A_1398 = arith.addi %add3A_1396, %add3A_1397 : i32
    %dma_start3A_1399 = arith.constant 0 : i32
    %dma_start3A_1400 = arith.constant 0 : i32
    %dma_start3A_1401 = arith.constant 0 : i32
    %dma_start3A_1402 = tpu.memref_slice %arg8[%dma_start3A_1399, %dma_start3A_1400, %dma_start3A_1401] : memref<3x32x768xf32, #tpu.memory_space<vmem>> -> memref<1x32x768xf32, #tpu.memory_space<vmem>>
    %dma_start3A_1403 = tpu.memref_squeeze %dma_start3A_1402 : memref<1x32x768xf32, #tpu.memory_space<vmem>> -> memref<32x768xf32, #tpu.memory_space<vmem>>
    %dma_start3A_1404 = arith.constant 16 : i32
    %dma_start3A_1405 = arith.constant 0 : i32
    %dma_start3A_1406 = tpu.memref_slice %dma_start3A_1403[%dma_start3A_1404, %dma_start3A_1405] : memref<32x768xf32, #tpu.memory_space<vmem>> -> memref<8x768xf32, #tpu.memory_space<vmem>>
    %dma_start3A_1407 = arith.constant 0 : i32
    %dma_start3A_1408 = tpu.memref_slice %arg5[%add3A_1398, %dma_start3A_1407] : memref<8192x768xf32, #tpu.memory_space<hbm>> -> memref<8x768xf32, #tpu.memory_space<hbm>>
    %dma_start3A_1409 = arith.constant 0 : i32
    %dma_start3A_1410 = tpu.memref_slice %arg5[%add3A_1398, %dma_start3A_1409] : memref<8192x768xf32, #tpu.memory_space<hbm>> -> memref<8x768xf32, #tpu.memory_space<hbm>>
    %dma_start3A_1411 = arith.constant 0 : i32
    %dma_start3A_1412 = arith.constant 0 : i32
    %dma_start3A_1413 = tpu.memref_slice %arg8[%dma_start3A_1399, %dma_start3A_1411, %dma_start3A_1412] : memref<3x32x768xf32, #tpu.memory_space<vmem>> -> memref<1x32x768xf32, #tpu.memory_space<vmem>>
    %dma_start3A_1414 = tpu.memref_squeeze %dma_start3A_1413 : memref<1x32x768xf32, #tpu.memory_space<vmem>> -> memref<32x768xf32, #tpu.memory_space<vmem>>
    %dma_start3A_1415 = arith.constant 16 : i32
    %dma_start3A_1416 = arith.constant 0 : i32
    %dma_start3A_1417 = tpu.memref_slice %dma_start3A_1414[%dma_start3A_1415, %dma_start3A_1416] : memref<32x768xf32, #tpu.memory_space<vmem>> -> memref<8x768xf32, #tpu.memory_space<vmem>>
    tpu.enqueue_dma source(%dma_start3A_1417 : memref<8x768xf32, #tpu.memory_space<vmem>>) target(%dma_start3A_1410 : memref<8x768xf32, #tpu.memory_space<hbm>>) target_semaphore(%arg15 : memref<!tpu.dma_semaphore, #tpu.memory_space<semaphore_mem>>)
    %add3A_1418 = arith.constant 6144 : i32
    %add3A_1419 = arith.addi %add3A_1418, %mul3A_2 : i32
    %add3A_1420 = arith.constant 48 : i32
    %add3A_1421 = arith.addi %add3A_1419, %add3A_1420 : i32
    %dma_start3A_1422 = arith.constant 0 : i32
    %dma_start3A_1423 = arith.constant 0 : i32
    %dma_start3A_1424 = arith.constant 0 : i32
    %dma_start3A_1425 = tpu.memref_slice %arg8[%dma_start3A_1422, %dma_start3A_1423, %dma_start3A_1424] : memref<3x32x768xf32, #tpu.memory_space<vmem>> -> memref<1x32x768xf32, #tpu.memory_space<vmem>>
    %dma_start3A_1426 = tpu.memref_squeeze %dma_start3A_1425 : memref<1x32x768xf32, #tpu.memory_space<vmem>> -> memref<32x768xf32, #tpu.memory_space<vmem>>
    %dma_start3A_1427 = arith.constant 24 : i32
    %dma_start3A_1428 = arith.constant 0 : i32
    %dma_start3A_1429 = tpu.memref_slice %dma_start3A_1426[%dma_start3A_1427, %dma_start3A_1428] : memref<32x768xf32, #tpu.memory_space<vmem>> -> memref<8x768xf32, #tpu.memory_space<vmem>>
    %dma_start3A_1430 = arith.constant 0 : i32
    %dma_start3A_1431 = tpu.memref_slice %arg5[%add3A_1421, %dma_start3A_1430] : memref<8192x768xf32, #tpu.memory_space<hbm>> -> memref<8x768xf32, #tpu.memory_space<hbm>>
    %dma_start3A_1432 = arith.constant 0 : i32
    %dma_start3A_1433 = tpu.memref_slice %arg5[%add3A_1421, %dma_start3A_1432] : memref<8192x768xf32, #tpu.memory_space<hbm>> -> memref<8x768xf32, #tpu.memory_space<hbm>>
    %dma_start3A_1434 = arith.constant 0 : i32
    %dma_start3A_1435 = arith.constant 0 : i32
    %dma_start3A_1436 = tpu.memref_slice %arg8[%dma_start3A_1422, %dma_start3A_1434, %dma_start3A_1435] : memref<3x32x768xf32, #tpu.memory_space<vmem>> -> memref<1x32x768xf32, #tpu.memory_space<vmem>>
    %dma_start3A_1437 = tpu.memref_squeeze %dma_start3A_1436 : memref<1x32x768xf32, #tpu.memory_space<vmem>> -> memref<32x768xf32, #tpu.memory_space<vmem>>
    %dma_start3A_1438 = arith.constant 24 : i32
    %dma_start3A_1439 = arith.constant 0 : i32
    %dma_start3A_1440 = tpu.memref_slice %dma_start3A_1437[%dma_start3A_1438, %dma_start3A_1439] : memref<32x768xf32, #tpu.memory_space<vmem>> -> memref<8x768xf32, #tpu.memory_space<vmem>>
    tpu.enqueue_dma source(%dma_start3A_1440 : memref<8x768xf32, #tpu.memory_space<vmem>>) target(%dma_start3A_1433 : memref<8x768xf32, #tpu.memory_space<hbm>>) target_semaphore(%arg15 : memref<!tpu.dma_semaphore, #tpu.memory_space<semaphore_mem>>)
    %dma_wait3A_1441 = arith.constant 1 : i32
    %dma_wait3A_1442 = arith.constant 0 : i32
    %dma_wait3A_1443 = arith.constant 0 : i32
    %dma_wait3A_1444 = tpu.memref_slice %arg8[%dma_wait3A_1441, %dma_wait3A_1442, %dma_wait3A_1443] : memref<3x32x768xf32, #tpu.memory_space<vmem>> -> memref<1x32x768xf32, #tpu.memory_space<vmem>>
    %dma_wait3A_1445 = tpu.memref_squeeze %dma_wait3A_1444 : memref<1x32x768xf32, #tpu.memory_space<vmem>> -> memref<32x768xf32, #tpu.memory_space<vmem>>
    %dma_wait3A_1446 = arith.constant 224 : i32
    %dma_wait3A_1447 = tpu.memref_slice %arg7[%dma_wait3A_1446] : memref<256xi32, #tpu.memory_space<vmem>> -> memref<32xi32, #tpu.memory_space<vmem>>
    %dma_wait3A_1448 = arith.constant 0 : i32
    %dma_wait3A_1449 = arith.constant 0 : i32
    %dma_wait3A_1450 = tpu.memref_slice %arg3[%dma_wait3A_1448, %dma_wait3A_1449] : memref<100000x768xf32, #tpu.memory_space<hbm>> -> memref<100000x768xf32, #tpu.memory_space<hbm>>
    tpu.wait_indirect_dma semaphore(%arg13 : memref<!tpu.dma_semaphore, #tpu.memory_space<semaphore_mem>>) src(%dma_wait3A_1450 : memref<100000x768xf32, #tpu.memory_space<hbm>>) dst(%dma_wait3A_1445 : memref<32x768xf32, #tpu.memory_space<vmem>>)
    %parallel_loop3A_1451 = arith.constant 0 : i32
    %parallel_loop3A_1452 = arith.constant 384 : i32
    %parallel_loop3A_1453 = arith.constant 1 : i32
    %parallel_loop3A_1454 = arith.constant 1 : i32
    scf.for %parallel_loop3A_1775 = %parallel_loop3A_1451 to %parallel_loop3A_1452 step %parallel_loop3A_1453  : i32 {
      %parallel_loop3A_1776 = arith.constant 8 : i32
      %parallel_loop3A_1777 = arith.divsi %parallel_loop3A_1775, %parallel_loop3A_1776 : i32
      %parallel_loop3A_1778 = arith.constant 0 : i32
      %parallel_loop3A_1779 = arith.cmpi sgt, %parallel_loop3A_1775, %parallel_loop3A_1778 : i32
      %parallel_loop3A_1780 = arith.extui %parallel_loop3A_1779 : i1 to i32
      %parallel_loop3A_1781 = arith.constant 0 : i32
      %parallel_loop3A_1782 = arith.cmpi slt, %parallel_loop3A_1775, %parallel_loop3A_1781 : i32
      %parallel_loop3A_1783 = arith.extui %parallel_loop3A_1782 : i1 to i32
      %parallel_loop3A_1784 = arith.subi %parallel_loop3A_1780, %parallel_loop3A_1783 : i32
      %parallel_loop3A_1785 = arith.constant 0 : i32
      %parallel_loop3A_1786 = arith.cmpi sgt, %parallel_loop3A_1776, %parallel_loop3A_1785 : i32
      %parallel_loop3A_1787 = arith.extui %parallel_loop3A_1786 : i1 to i32
      %parallel_loop3A_1788 = arith.constant 0 : i32
      %parallel_loop3A_1789 = arith.cmpi slt, %parallel_loop3A_1776, %parallel_loop3A_1788 : i32
      %parallel_loop3A_1790 = arith.extui %parallel_loop3A_1789 : i1 to i32
      %parallel_loop3A_1791 = arith.subi %parallel_loop3A_1787, %parallel_loop3A_1790 : i32
      %parallel_loop3A_1792 = arith.cmpi ne, %parallel_loop3A_1784, %parallel_loop3A_1791 : i32
      %parallel_loop3A_1793 = arith.remsi %parallel_loop3A_1775, %parallel_loop3A_1776 : i32
      %parallel_loop3A_1794 = arith.constant 0 : i32
      %parallel_loop3A_1795 = arith.cmpi ne, %parallel_loop3A_1793, %parallel_loop3A_1794 : i32
      %parallel_loop3A_1796 = arith.andi %parallel_loop3A_1792, %parallel_loop3A_1795 : i1
      %parallel_loop3A_1797 = arith.constant 1 : i32
      %parallel_loop3A_1798 = arith.subi %parallel_loop3A_1777, %parallel_loop3A_1797 : i32
      %parallel_loop3A_1799 = arith.select %parallel_loop3A_1796, %parallel_loop3A_1798, %parallel_loop3A_1777 : i32
      %parallel_loop3A_1800 = arith.constant 8 : i32
      %parallel_loop3A_1801 = arith.remsi %parallel_loop3A_1775, %parallel_loop3A_1800 : i32
      %parallel_loop3A_1802 = arith.constant 16 : i32
      %parallel_loop3A_1803 = arith.muli %parallel_loop3A_1799, %parallel_loop3A_1802 : i32
      %parallel_loop3A_1804 = arith.constant 56 : i32
      %parallel_loop3A_1805 = arith.addi %parallel_loop3A_1804, %parallel_loop3A_1801 : i32
      %parallel_loop3A_1806 = arith.index_cast %parallel_loop3A_1805 : i32 to index
      %parallel_loop3A_1807 = arith.index_cast %parallel_loop3A_1803 : i32 to index
      %parallel_loop3A_1808 = tpu.vector_load %arg9[%parallel_loop3A_1806, %parallel_loop3A_1807] {strides = array<i32>} : memref<64x768xf32, #tpu.memory_space<vmem>>, vector<1x16xf32>,
      %parallel_loop3A_1809 = vector.shape_cast %parallel_loop3A_1808 : vector<1x16xf32> to vector<16xf32>
      %parallel_loop3A_1810 = arith.constant 0 : i32
      %parallel_loop3A_1811 = arith.addi %parallel_loop3A_1810, %parallel_loop3A_1801 : i32
      %parallel_loop3A_1812 = arith.constant 0 : i32
      %parallel_loop3A_1813 = arith.constant 0 : i32
      %parallel_loop3A_1814 = tpu.memref_slice %arg8[%parallel_loop3A_1454, %parallel_loop3A_1812, %parallel_loop3A_1813] : memref<3x32x768xf32, #tpu.memory_space<vmem>> -> memref<1x32x768xf32, #tpu.memory_space<vmem>>
      %parallel_loop3A_1815 = tpu.memref_squeeze %parallel_loop3A_1814 : memref<1x32x768xf32, #tpu.memory_space<vmem>> -> memref<32x768xf32, #tpu.memory_space<vmem>>
      %parallel_loop3A_1816 = arith.index_cast %parallel_loop3A_1811 : i32 to index
      %parallel_loop3A_1817 = arith.index_cast %parallel_loop3A_1803 : i32 to index
      %parallel_loop3A_1818 = tpu.vector_load %parallel_loop3A_1815[%parallel_loop3A_1816, %parallel_loop3A_1817] {strides = array<i32>} : memref<32x768xf32, #tpu.memory_space<vmem>>, vector<1x16xf32>,
      %parallel_loop3A_1819 = vector.shape_cast %parallel_loop3A_1818 : vector<1x16xf32> to vector<16xf32>
      %parallel_loop3A_1820 = arith.constant 27.7128124 : f32
      %parallel_loop3A_1821 = vector.broadcast %parallel_loop3A_1820 : f32 to vector<16xf32>
      %parallel_loop3A_1822 = arith.mulf %parallel_loop3A_1819, %parallel_loop3A_1821 : vector<16xf32>
      %parallel_loop3A_1823 = arith.addf %parallel_loop3A_1822, %parallel_loop3A_1809 : vector<16xf32>
      %parallel_loop3A_1824 = arith.constant 0 : i32
      %parallel_loop3A_1825 = arith.addi %parallel_loop3A_1824, %parallel_loop3A_1801 : i32
      %parallel_loop3A_1826 = arith.constant 0 : i32
      %parallel_loop3A_1827 = arith.constant 0 : i32
      %parallel_loop3A_1828 = tpu.memref_slice %arg8[%parallel_loop3A_1454, %parallel_loop3A_1826, %parallel_loop3A_1827] : memref<3x32x768xf32, #tpu.memory_space<vmem>> -> memref<1x32x768xf32, #tpu.memory_space<vmem>>
      %parallel_loop3A_1829 = tpu.memref_squeeze %parallel_loop3A_1828 : memref<1x32x768xf32, #tpu.memory_space<vmem>> -> memref<32x768xf32, #tpu.memory_space<vmem>>
      %parallel_loop3A_1830 = arith.index_cast %parallel_loop3A_1825 : i32 to index
      %parallel_loop3A_1831 = arith.index_cast %parallel_loop3A_1803 : i32 to index
      %parallel_loop3A_1832 = tpu.vector_load %parallel_loop3A_1829[%parallel_loop3A_1830, %parallel_loop3A_1831] {strides = array<i32>} : memref<32x768xf32, #tpu.memory_space<vmem>>, vector<1x16xf32>,
      %parallel_loop3A_1833 = vector.shape_cast %parallel_loop3A_1832 : vector<1x16xf32> to vector<16xf32>
      %parallel_loop3A_1834 = vector.shape_cast %parallel_loop3A_1823 : vector<16xf32> to vector<1x16xf32>
      tpu.vector_store %parallel_loop3A_1829[%parallel_loop3A_1830, %parallel_loop3A_1831], %parallel_loop3A_1834 {strides = array<i32>} : memref<32x768xf32, #tpu.memory_space<vmem>>, vector<1x16xf32>,
      %parallel_loop3A_1835 = arith.constant 8 : i32
      %parallel_loop3A_1836 = arith.addi %parallel_loop3A_1835, %parallel_loop3A_1801 : i32
      %parallel_loop3A_1837 = arith.constant 0 : i32
      %parallel_loop3A_1838 = arith.constant 0 : i32
      %parallel_loop3A_1839 = tpu.memref_slice %arg8[%parallel_loop3A_1454, %parallel_loop3A_1837, %parallel_loop3A_1838] : memref<3x32x768xf32, #tpu.memory_space<vmem>> -> memref<1x32x768xf32, #tpu.memory_space<vmem>>
      %parallel_loop3A_1840 = tpu.memref_squeeze %parallel_loop3A_1839 : memref<1x32x768xf32, #tpu.memory_space<vmem>> -> memref<32x768xf32, #tpu.memory_space<vmem>>
      %parallel_loop3A_1841 = arith.index_cast %parallel_loop3A_1836 : i32 to index
      %parallel_loop3A_1842 = arith.index_cast %parallel_loop3A_1803 : i32 to index
      %parallel_loop3A_1843 = tpu.vector_load %parallel_loop3A_1840[%parallel_loop3A_1841, %parallel_loop3A_1842] {strides = array<i32>} : memref<32x768xf32, #tpu.memory_space<vmem>>, vector<1x16xf32>,
      %parallel_loop3A_1844 = vector.shape_cast %parallel_loop3A_1843 : vector<1x16xf32> to vector<16xf32>
      %parallel_loop3A_1845 = arith.constant 27.7128124 : f32
      %parallel_loop3A_1846 = vector.broadcast %parallel_loop3A_1845 : f32 to vector<16xf32>
      %parallel_loop3A_1847 = arith.mulf %parallel_loop3A_1844, %parallel_loop3A_1846 : vector<16xf32>
      %parallel_loop3A_1848 = arith.addf %parallel_loop3A_1847, %parallel_loop3A_1809 : vector<16xf32>
      %parallel_loop3A_1849 = arith.constant 8 : i32
      %parallel_loop3A_1850 = arith.addi %parallel_loop3A_1849, %parallel_loop3A_1801 : i32
      %parallel_loop3A_1851 = arith.constant 0 : i32
      %parallel_loop3A_1852 = arith.constant 0 : i32
      %parallel_loop3A_1853 = tpu.memref_slice %arg8[%parallel_loop3A_1454, %parallel_loop3A_1851, %parallel_loop3A_1852] : memref<3x32x768xf32, #tpu.memory_space<vmem>> -> memref<1x32x768xf32, #tpu.memory_space<vmem>>
      %parallel_loop3A_1854 = tpu.memref_squeeze %parallel_loop3A_1853 : memref<1x32x768xf32, #tpu.memory_space<vmem>> -> memref<32x768xf32, #tpu.memory_space<vmem>>
      %parallel_loop3A_1855 = arith.index_cast %parallel_loop3A_1850 : i32 to index
      %parallel_loop3A_1856 = arith.index_cast %parallel_loop3A_1803 : i32 to index
      %parallel_loop3A_1857 = tpu.vector_load %parallel_loop3A_1854[%parallel_loop3A_1855, %parallel_loop3A_1856] {strides = array<i32>} : memref<32x768xf32, #tpu.memory_space<vmem>>, vector<1x16xf32>,
      %parallel_loop3A_1858 = vector.shape_cast %parallel_loop3A_1857 : vector<1x16xf32> to vector<16xf32>
      %parallel_loop3A_1859 = vector.shape_cast %parallel_loop3A_1848 : vector<16xf32> to vector<1x16xf32>
      tpu.vector_store %parallel_loop3A_1854[%parallel_loop3A_1855, %parallel_loop3A_1856], %parallel_loop3A_1859 {strides = array<i32>} : memref<32x768xf32, #tpu.memory_space<vmem>>, vector<1x16xf32>,
      %parallel_loop3A_1860 = arith.constant 16 : i32
      %parallel_loop3A_1861 = arith.addi %parallel_loop3A_1860, %parallel_loop3A_1801 : i32
      %parallel_loop3A_1862 = arith.constant 0 : i32
      %parallel_loop3A_1863 = arith.constant 0 : i32
      %parallel_loop3A_1864 = tpu.memref_slice %arg8[%parallel_loop3A_1454, %parallel_loop3A_1862, %parallel_loop3A_1863] : memref<3x32x768xf32, #tpu.memory_space<vmem>> -> memref<1x32x768xf32, #tpu.memory_space<vmem>>
      %parallel_loop3A_1865 = tpu.memref_squeeze %parallel_loop3A_1864 : memref<1x32x768xf32, #tpu.memory_space<vmem>> -> memref<32x768xf32, #tpu.memory_space<vmem>>
      %parallel_loop3A_1866 = arith.index_cast %parallel_loop3A_1861 : i32 to index
      %parallel_loop3A_1867 = arith.index_cast %parallel_loop3A_1803 : i32 to index
      %parallel_loop3A_1868 = tpu.vector_load %parallel_loop3A_1865[%parallel_loop3A_1866, %parallel_loop3A_1867] {strides = array<i32>} : memref<32x768xf32, #tpu.memory_space<vmem>>, vector<1x16xf32>,
      %parallel_loop3A_1869 = vector.shape_cast %parallel_loop3A_1868 : vector<1x16xf32> to vector<16xf32>
      %parallel_loop3A_1870 = arith.constant 27.7128124 : f32
      %parallel_loop3A_1871 = vector.broadcast %parallel_loop3A_1870 : f32 to vector<16xf32>
      %parallel_loop3A_1872 = arith.mulf %parallel_loop3A_1869, %parallel_loop3A_1871 : vector<16xf32>
      %parallel_loop3A_1873 = arith.addf %parallel_loop3A_1872, %parallel_loop3A_1809 : vector<16xf32>
      %parallel_loop3A_1874 = arith.constant 16 : i32
      %parallel_loop3A_1875 = arith.addi %parallel_loop3A_1874, %parallel_loop3A_1801 : i32
      %parallel_loop3A_1876 = arith.constant 0 : i32
      %parallel_loop3A_1877 = arith.constant 0 : i32
      %parallel_loop3A_1878 = tpu.memref_slice %arg8[%parallel_loop3A_1454, %parallel_loop3A_1876, %parallel_loop3A_1877] : memref<3x32x768xf32, #tpu.memory_space<vmem>> -> memref<1x32x768xf32, #tpu.memory_space<vmem>>
      %parallel_loop3A_1879 = tpu.memref_squeeze %parallel_loop3A_1878 : memref<1x32x768xf32, #tpu.memory_space<vmem>> -> memref<32x768xf32, #tpu.memory_space<vmem>>
      %parallel_loop3A_1880 = arith.index_cast %parallel_loop3A_1875 : i32 to index
      %parallel_loop3A_1881 = arith.index_cast %parallel_loop3A_1803 : i32 to index
      %parallel_loop3A_1882 = tpu.vector_load %parallel_loop3A_1879[%parallel_loop3A_1880, %parallel_loop3A_1881] {strides = array<i32>} : memref<32x768xf32, #tpu.memory_space<vmem>>, vector<1x16xf32>,
      %parallel_loop3A_1883 = vector.shape_cast %parallel_loop3A_1882 : vector<1x16xf32> to vector<16xf32>
      %parallel_loop3A_1884 = vector.shape_cast %parallel_loop3A_1873 : vector<16xf32> to vector<1x16xf32>
      tpu.vector_store %parallel_loop3A_1879[%parallel_loop3A_1880, %parallel_loop3A_1881], %parallel_loop3A_1884 {strides = array<i32>} : memref<32x768xf32, #tpu.memory_space<vmem>>, vector<1x16xf32>,
      %parallel_loop3A_1885 = arith.constant 24 : i32
      %parallel_loop3A_1886 = arith.addi %parallel_loop3A_1885, %parallel_loop3A_1801 : i32
      %parallel_loop3A_1887 = arith.constant 0 : i32
      %parallel_loop3A_1888 = arith.constant 0 : i32
      %parallel_loop3A_1889 = tpu.memref_slice %arg8[%parallel_loop3A_1454, %parallel_loop3A_1887, %parallel_loop3A_1888] : memref<3x32x768xf32, #tpu.memory_space<vmem>> -> memref<1x32x768xf32, #tpu.memory_space<vmem>>
      %parallel_loop3A_1890 = tpu.memref_squeeze %parallel_loop3A_1889 : memref<1x32x768xf32, #tpu.memory_space<vmem>> -> memref<32x768xf32, #tpu.memory_space<vmem>>
      %parallel_loop3A_1891 = arith.index_cast %parallel_loop3A_1886 : i32 to index
      %parallel_loop3A_1892 = arith.index_cast %parallel_loop3A_1803 : i32 to index
      %parallel_loop3A_1893 = tpu.vector_load %parallel_loop3A_1890[%parallel_loop3A_1891, %parallel_loop3A_1892] {strides = array<i32>} : memref<32x768xf32, #tpu.memory_space<vmem>>, vector<1x16xf32>,
      %parallel_loop3A_1894 = vector.shape_cast %parallel_loop3A_1893 : vector<1x16xf32> to vector<16xf32>
      %parallel_loop3A_1895 = arith.constant 27.7128124 : f32
      %parallel_loop3A_1896 = vector.broadcast %parallel_loop3A_1895 : f32 to vector<16xf32>
      %parallel_loop3A_1897 = arith.mulf %parallel_loop3A_1894, %parallel_loop3A_1896 : vector<16xf32>
      %parallel_loop3A_1898 = arith.addf %parallel_loop3A_1897, %parallel_loop3A_1809 : vector<16xf32>
      %parallel_loop3A_1899 = arith.constant 24 : i32
      %parallel_loop3A_1900 = arith.addi %parallel_loop3A_1899, %parallel_loop3A_1801 : i32
      %parallel_loop3A_1901 = arith.constant 0 : i32
      %parallel_loop3A_1902 = arith.constant 0 : i32
      %parallel_loop3A_1903 = tpu.memref_slice %arg8[%parallel_loop3A_1454, %parallel_loop3A_1901, %parallel_loop3A_1902] : memref<3x32x768xf32, #tpu.memory_space<vmem>> -> memref<1x32x768xf32, #tpu.memory_space<vmem>>
      %parallel_loop3A_1904 = tpu.memref_squeeze %parallel_loop3A_1903 : memref<1x32x768xf32, #tpu.memory_space<vmem>> -> memref<32x768xf32, #tpu.memory_space<vmem>>
      %parallel_loop3A_1905 = arith.index_cast %parallel_loop3A_1900 : i32 to index
      %parallel_loop3A_1906 = arith.index_cast %parallel_loop3A_1803 : i32 to index
      %parallel_loop3A_1907 = tpu.vector_load %parallel_loop3A_1904[%parallel_loop3A_1905, %parallel_loop3A_1906] {strides = array<i32>} : memref<32x768xf32, #tpu.memory_space<vmem>>, vector<1x16xf32>,
      %parallel_loop3A_1908 = vector.shape_cast %parallel_loop3A_1907 : vector<1x16xf32> to vector<16xf32>
      %parallel_loop3A_1909 = vector.shape_cast %parallel_loop3A_1898 : vector<16xf32> to vector<1x16xf32>
      tpu.vector_store %parallel_loop3A_1904[%parallel_loop3A_1905, %parallel_loop3A_1906], %parallel_loop3A_1909 {strides = array<i32>} : memref<32x768xf32, #tpu.memory_space<vmem>>, vector<1x16xf32>,
    } {sc.loop_unroll_factor = 4 : i64, sc.parallel_access}
    %add3A_1455 = arith.constant 0 : i32
    %add3A_1456 = arith.addi %add3A_1455, %mul3A_2 : i32
    %add3A_1457 = arith.constant 56 : i32
    %add3A_1458 = arith.addi %add3A_1456, %add3A_1457 : i32
    %dma_start3A_1459 = arith.constant 1 : i32
    %dma_start3A_1460 = arith.constant 0 : i32
    %dma_start3A_1461 = arith.constant 0 : i32
    %dma_start3A_1462 = tpu.memref_slice %arg8[%dma_start3A_1459, %dma_start3A_1460, %dma_start3A_1461] : memref<3x32x768xf32, #tpu.memory_space<vmem>> -> memref<1x32x768xf32, #tpu.memory_space<vmem>>
    %dma_start3A_1463 = tpu.memref_squeeze %dma_start3A_1462 : memref<1x32x768xf32, #tpu.memory_space<vmem>> -> memref<32x768xf32, #tpu.memory_space<vmem>>
    %dma_start3A_1464 = arith.constant 0 : i32
    %dma_start3A_1465 = arith.constant 0 : i32
    %dma_start3A_1466 = tpu.memref_slice %dma_start3A_1463[%dma_start3A_1464, %dma_start3A_1465] : memref<32x768xf32, #tpu.memory_space<vmem>> -> memref<8x768xf32, #tpu.memory_space<vmem>>
    %dma_start3A_1467 = arith.constant 0 : i32
    %dma_start3A_1468 = tpu.memref_slice %arg5[%add3A_1458, %dma_start3A_1467] : memref<8192x768xf32, #tpu.memory_space<hbm>> -> memref<8x768xf32, #tpu.memory_space<hbm>>
    %dma_start3A_1469 = arith.constant 0 : i32
    %dma_start3A_1470 = tpu.memref_slice %arg5[%add3A_1458, %dma_start3A_1469] : memref<8192x768xf32, #tpu.memory_space<hbm>> -> memref<8x768xf32, #tpu.memory_space<hbm>>
    %dma_start3A_1471 = arith.constant 0 : i32
    %dma_start3A_1472 = arith.constant 0 : i32
    %dma_start3A_1473 = tpu.memref_slice %arg8[%dma_start3A_1459, %dma_start3A_1471, %dma_start3A_1472] : memref<3x32x768xf32, #tpu.memory_space<vmem>> -> memref<1x32x768xf32, #tpu.memory_space<vmem>>
    %dma_start3A_1474 = tpu.memref_squeeze %dma_start3A_1473 : memref<1x32x768xf32, #tpu.memory_space<vmem>> -> memref<32x768xf32, #tpu.memory_space<vmem>>
    %dma_start3A_1475 = arith.constant 0 : i32
    %dma_start3A_1476 = arith.constant 0 : i32
    %dma_start3A_1477 = tpu.memref_slice %dma_start3A_1474[%dma_start3A_1475, %dma_start3A_1476] : memref<32x768xf32, #tpu.memory_space<vmem>> -> memref<8x768xf32, #tpu.memory_space<vmem>>
    tpu.enqueue_dma source(%dma_start3A_1477 : memref<8x768xf32, #tpu.memory_space<vmem>>) target(%dma_start3A_1470 : memref<8x768xf32, #tpu.memory_space<hbm>>) target_semaphore(%arg16 : memref<!tpu.dma_semaphore, #tpu.memory_space<semaphore_mem>>)
    %add3A_1478 = arith.constant 2048 : i32
    %add3A_1479 = arith.addi %add3A_1478, %mul3A_2 : i32
    %add3A_1480 = arith.constant 56 : i32
    %add3A_1481 = arith.addi %add3A_1479, %add3A_1480 : i32
    %dma_start3A_1482 = arith.constant 1 : i32
    %dma_start3A_1483 = arith.constant 0 : i32
    %dma_start3A_1484 = arith.constant 0 : i32
    %dma_start3A_1485 = tpu.memref_slice %arg8[%dma_start3A_1482, %dma_start3A_1483, %dma_start3A_1484] : memref<3x32x768xf32, #tpu.memory_space<vmem>> -> memref<1x32x768xf32, #tpu.memory_space<vmem>>
    %dma_start3A_1486 = tpu.memref_squeeze %dma_start3A_1485 : memref<1x32x768xf32, #tpu.memory_space<vmem>> -> memref<32x768xf32, #tpu.memory_space<vmem>>
    %dma_start3A_1487 = arith.constant 8 : i32
    %dma_start3A_1488 = arith.constant 0 : i32
    %dma_start3A_1489 = tpu.memref_slice %dma_start3A_1486[%dma_start3A_1487, %dma_start3A_1488] : memref<32x768xf32, #tpu.memory_space<vmem>> -> memref<8x768xf32, #tpu.memory_space<vmem>>
    %dma_start3A_1490 = arith.constant 0 : i32
    %dma_start3A_1491 = tpu.memref_slice %arg5[%add3A_1481, %dma_start3A_1490] : memref<8192x768xf32, #tpu.memory_space<hbm>> -> memref<8x768xf32, #tpu.memory_space<hbm>>
    %dma_start3A_1492 = arith.constant 0 : i32
    %dma_start3A_1493 = tpu.memref_slice %arg5[%add3A_1481, %dma_start3A_1492] : memref<8192x768xf32, #tpu.memory_space<hbm>> -> memref<8x768xf32, #tpu.memory_space<hbm>>
    %dma_start3A_1494 = arith.constant 0 : i32
    %dma_start3A_1495 = arith.constant 0 : i32
    %dma_start3A_1496 = tpu.memref_slice %arg8[%dma_start3A_1482, %dma_start3A_1494, %dma_start3A_1495] : memref<3x32x768xf32, #tpu.memory_space<vmem>> -> memref<1x32x768xf32, #tpu.memory_space<vmem>>
    %dma_start3A_1497 = tpu.memref_squeeze %dma_start3A_1496 : memref<1x32x768xf32, #tpu.memory_space<vmem>> -> memref<32x768xf32, #tpu.memory_space<vmem>>
    %dma_start3A_1498 = arith.constant 8 : i32
    %dma_start3A_1499 = arith.constant 0 : i32
    %dma_start3A_1500 = tpu.memref_slice %dma_start3A_1497[%dma_start3A_1498, %dma_start3A_1499] : memref<32x768xf32, #tpu.memory_space<vmem>> -> memref<8x768xf32, #tpu.memory_space<vmem>>
    tpu.enqueue_dma source(%dma_start3A_1500 : memref<8x768xf32, #tpu.memory_space<vmem>>) target(%dma_start3A_1493 : memref<8x768xf32, #tpu.memory_space<hbm>>) target_semaphore(%arg16 : memref<!tpu.dma_semaphore, #tpu.memory_space<semaphore_mem>>)
    %add3A_1501 = arith.constant 4096 : i32
    %add3A_1502 = arith.addi %add3A_1501, %mul3A_2 : i32
    %add3A_1503 = arith.constant 56 : i32
    %add3A_1504 = arith.addi %add3A_1502, %add3A_1503 : i32
    %dma_start3A_1505 = arith.constant 1 : i32
    %dma_start3A_1506 = arith.constant 0 : i32
    %dma_start3A_1507 = arith.constant 0 : i32
    %dma_start3A_1508 = tpu.memref_slice %arg8[%dma_start3A_1505, %dma_start3A_1506, %dma_start3A_1507] : memref<3x32x768xf32, #tpu.memory_space<vmem>> -> memref<1x32x768xf32, #tpu.memory_space<vmem>>
    %dma_start3A_1509 = tpu.memref_squeeze %dma_start3A_1508 : memref<1x32x768xf32, #tpu.memory_space<vmem>> -> memref<32x768xf32, #tpu.memory_space<vmem>>
    %dma_start3A_1510 = arith.constant 16 : i32
    %dma_start3A_1511 = arith.constant 0 : i32
    %dma_start3A_1512 = tpu.memref_slice %dma_start3A_1509[%dma_start3A_1510, %dma_start3A_1511] : memref<32x768xf32, #tpu.memory_space<vmem>> -> memref<8x768xf32, #tpu.memory_space<vmem>>
    %dma_start3A_1513 = arith.constant 0 : i32
    %dma_start3A_1514 = tpu.memref_slice %arg5[%add3A_1504, %dma_start3A_1513] : memref<8192x768xf32, #tpu.memory_space<hbm>> -> memref<8x768xf32, #tpu.memory_space<hbm>>
    %dma_start3A_1515 = arith.constant 0 : i32
    %dma_start3A_1516 = tpu.memref_slice %arg5[%add3A_1504, %dma_start3A_1515] : memref<8192x768xf32, #tpu.memory_space<hbm>> -> memref<8x768xf32, #tpu.memory_space<hbm>>
    %dma_start3A_1517 = arith.constant 0 : i32
    %dma_start3A_1518 = arith.constant 0 : i32
    %dma_start3A_1519 = tpu.memref_slice %arg8[%dma_start3A_1505, %dma_start3A_1517, %dma_start3A_1518] : memref<3x32x768xf32, #tpu.memory_space<vmem>> -> memref<1x32x768xf32, #tpu.memory_space<vmem>>
    %dma_start3A_1520 = tpu.memref_squeeze %dma_start3A_1519 : memref<1x32x768xf32, #tpu.memory_space<vmem>> -> memref<32x768xf32, #tpu.memory_space<vmem>>
    %dma_start3A_1521 = arith.constant 16 : i32
    %dma_start3A_1522 = arith.constant 0 : i32
    %dma_start3A_1523 = tpu.memref_slice %dma_start3A_1520[%dma_start3A_1521, %dma_start3A_1522] : memref<32x768xf32, #tpu.memory_space<vmem>> -> memref<8x768xf32, #tpu.memory_space<vmem>>
    tpu.enqueue_dma source(%dma_start3A_1523 : memref<8x768xf32, #tpu.memory_space<vmem>>) target(%dma_start3A_1516 : memref<8x768xf32, #tpu.memory_space<hbm>>) target_semaphore(%arg16 : memref<!tpu.dma_semaphore, #tpu.memory_space<semaphore_mem>>)
    %add3A_1524 = arith.constant 6144 : i32
    %add3A_1525 = arith.addi %add3A_1524, %mul3A_2 : i32
    %add3A_1526 = arith.constant 56 : i32
    %add3A_1527 = arith.addi %add3A_1525, %add3A_1526 : i32
    %dma_start3A_1528 = arith.constant 1 : i32
    %dma_start3A_1529 = arith.constant 0 : i32
    %dma_start3A_1530 = arith.constant 0 : i32
    %dma_start3A_1531 = tpu.memref_slice %arg8[%dma_start3A_1528, %dma_start3A_1529, %dma_start3A_1530] : memref<3x32x768xf32, #tpu.memory_space<vmem>> -> memref<1x32x768xf32, #tpu.memory_space<vmem>>
    %dma_start3A_1532 = tpu.memref_squeeze %dma_start3A_1531 : memref<1x32x768xf32, #tpu.memory_space<vmem>> -> memref<32x768xf32, #tpu.memory_space<vmem>>
    %dma_start3A_1533 = arith.constant 24 : i32
    %dma_start3A_1534 = arith.constant 0 : i32
    %dma_start3A_1535 = tpu.memref_slice %dma_start3A_1532[%dma_start3A_1533, %dma_start3A_1534] : memref<32x768xf32, #tpu.memory_space<vmem>> -> memref<8x768xf32, #tpu.memory_space<vmem>>
    %dma_start3A_1536 = arith.constant 0 : i32
    %dma_start3A_1537 = tpu.memref_slice %arg5[%add3A_1527, %dma_start3A_1536] : memref<8192x768xf32, #tpu.memory_space<hbm>> -> memref<8x768xf32, #tpu.memory_space<hbm>>
    %dma_start3A_1538 = arith.constant 0 : i32
    %dma_start3A_1539 = tpu.memref_slice %arg5[%add3A_1527, %dma_start3A_1538] : memref<8192x768xf32, #tpu.memory_space<hbm>> -> memref<8x768xf32, #tpu.memory_space<hbm>>
    %dma_start3A_1540 = arith.constant 0 : i32
    %dma_start3A_1541 = arith.constant 0 : i32
    %dma_start3A_1542 = tpu.memref_slice %arg8[%dma_start3A_1528, %dma_start3A_1540, %dma_start3A_1541] : memref<3x32x768xf32, #tpu.memory_space<vmem>> -> memref<1x32x768xf32, #tpu.memory_space<vmem>>
    %dma_start3A_1543 = tpu.memref_squeeze %dma_start3A_1542 : memref<1x32x768xf32, #tpu.memory_space<vmem>> -> memref<32x768xf32, #tpu.memory_space<vmem>>
    %dma_start3A_1544 = arith.constant 24 : i32
    %dma_start3A_1545 = arith.constant 0 : i32
    %dma_start3A_1546 = tpu.memref_slice %dma_start3A_1543[%dma_start3A_1544, %dma_start3A_1545] : memref<32x768xf32, #tpu.memory_space<vmem>> -> memref<8x768xf32, #tpu.memory_space<vmem>>
    tpu.enqueue_dma source(%dma_start3A_1546 : memref<8x768xf32, #tpu.memory_space<vmem>>) target(%dma_start3A_1539 : memref<8x768xf32, #tpu.memory_space<hbm>>) target_semaphore(%arg16 : memref<!tpu.dma_semaphore, #tpu.memory_space<semaphore_mem>>)
    %dma_wait3A_1547 = arith.constant 2 : i32
    %dma_wait3A_1548 = arith.constant 0 : i32
    %dma_wait3A_1549 = arith.constant 0 : i32
    %dma_wait3A_1550 = tpu.memref_slice %arg8[%dma_wait3A_1547, %dma_wait3A_1548, %dma_wait3A_1549] : memref<3x32x768xf32, #tpu.memory_space<vmem>> -> memref<1x32x768xf32, #tpu.memory_space<vmem>>
    %dma_wait3A_1551 = tpu.memref_squeeze %dma_wait3A_1550 : memref<1x32x768xf32, #tpu.memory_space<vmem>> -> memref<32x768xf32, #tpu.memory_space<vmem>>
    %dma_wait3A_1552 = arith.constant 0 : i32
    %dma_wait3A_1553 = arith.constant 0 : i32
    %dma_wait3A_1554 = tpu.memref_slice %dma_wait3A_1551[%dma_wait3A_1552, %dma_wait3A_1553] : memref<32x768xf32, #tpu.memory_space<vmem>> -> memref<8x768xf32, #tpu.memory_space<vmem>>
    %dma_wait3A_1555 = arith.constant 0 : i32
    %dma_wait3A_1556 = tpu.memref_slice %arg5[%add3A_1246, %dma_wait3A_1555] : memref<8192x768xf32, #tpu.memory_space<hbm>> -> memref<8x768xf32, #tpu.memory_space<hbm>>
    %dma_wait3A_1557 = arith.constant 0 : i32
    %dma_wait3A_1558 = tpu.memref_slice %arg5[%add3A_1246, %dma_wait3A_1557] : memref<8192x768xf32, #tpu.memory_space<hbm>> -> memref<8x768xf32, #tpu.memory_space<hbm>>
    %dma_wait3A_1559 = arith.constant 0 : i32
    %dma_wait3A_1560 = arith.constant 0 : i32
    %dma_wait3A_1561 = tpu.memref_slice %arg8[%dma_wait3A_1547, %dma_wait3A_1559, %dma_wait3A_1560] : memref<3x32x768xf32, #tpu.memory_space<vmem>> -> memref<1x32x768xf32, #tpu.memory_space<vmem>>
    %dma_wait3A_1562 = tpu.memref_squeeze %dma_wait3A_1561 : memref<1x32x768xf32, #tpu.memory_space<vmem>> -> memref<32x768xf32, #tpu.memory_space<vmem>>
    %dma_wait3A_1563 = arith.constant 0 : i32
    %dma_wait3A_1564 = arith.constant 0 : i32
    %dma_wait3A_1565 = tpu.memref_slice %dma_wait3A_1562[%dma_wait3A_1563, %dma_wait3A_1564] : memref<32x768xf32, #tpu.memory_space<vmem>> -> memref<8x768xf32, #tpu.memory_space<vmem>>
    tpu.wait_dma2 semaphore(%arg17 : memref<!tpu.dma_semaphore, #tpu.memory_space<semaphore_mem>>) src(%dma_wait3A_1565 : memref<8x768xf32, #tpu.memory_space<vmem>>) dst(%dma_wait3A_1558 : memref<8x768xf32, #tpu.memory_space<hbm>>)
    %dma_wait3A_1566 = arith.constant 2 : i32
    %dma_wait3A_1567 = arith.constant 0 : i32
    %dma_wait3A_1568 = arith.constant 0 : i32
    %dma_wait3A_1569 = tpu.memref_slice %arg8[%dma_wait3A_1566, %dma_wait3A_1567, %dma_wait3A_1568] : memref<3x32x768xf32, #tpu.memory_space<vmem>> -> memref<1x32x768xf32, #tpu.memory_space<vmem>>
    %dma_wait3A_1570 = tpu.memref_squeeze %dma_wait3A_1569 : memref<1x32x768xf32, #tpu.memory_space<vmem>> -> memref<32x768xf32, #tpu.memory_space<vmem>>
    %dma_wait3A_1571 = arith.constant 8 : i32
    %dma_wait3A_1572 = arith.constant 0 : i32
    %dma_wait3A_1573 = tpu.memref_slice %dma_wait3A_1570[%dma_wait3A_1571, %dma_wait3A_1572] : memref<32x768xf32, #tpu.memory_space<vmem>> -> memref<8x768xf32, #tpu.memory_space<vmem>>
    %dma_wait3A_1574 = arith.constant 0 : i32
    %dma_wait3A_1575 = tpu.memref_slice %arg5[%add3A_1269, %dma_wait3A_1574] : memref<8192x768xf32, #tpu.memory_space<hbm>> -> memref<8x768xf32, #tpu.memory_space<hbm>>
    %dma_wait3A_1576 = arith.constant 0 : i32
    %dma_wait3A_1577 = tpu.memref_slice %arg5[%add3A_1269, %dma_wait3A_1576] : memref<8192x768xf32, #tpu.memory_space<hbm>> -> memref<8x768xf32, #tpu.memory_space<hbm>>
    %dma_wait3A_1578 = arith.constant 0 : i32
    %dma_wait3A_1579 = arith.constant 0 : i32
    %dma_wait3A_1580 = tpu.memref_slice %arg8[%dma_wait3A_1566, %dma_wait3A_1578, %dma_wait3A_1579] : memref<3x32x768xf32, #tpu.memory_space<vmem>> -> memref<1x32x768xf32, #tpu.memory_space<vmem>>
    %dma_wait3A_1581 = tpu.memref_squeeze %dma_wait3A_1580 : memref<1x32x768xf32, #tpu.memory_space<vmem>> -> memref<32x768xf32, #tpu.memory_space<vmem>>
    %dma_wait3A_1582 = arith.constant 8 : i32
    %dma_wait3A_1583 = arith.constant 0 : i32
    %dma_wait3A_1584 = tpu.memref_slice %dma_wait3A_1581[%dma_wait3A_1582, %dma_wait3A_1583] : memref<32x768xf32, #tpu.memory_space<vmem>> -> memref<8x768xf32, #tpu.memory_space<vmem>>
    tpu.wait_dma2 semaphore(%arg17 : memref<!tpu.dma_semaphore, #tpu.memory_space<semaphore_mem>>) src(%dma_wait3A_1584 : memref<8x768xf32, #tpu.memory_space<vmem>>) dst(%dma_wait3A_1577 : memref<8x768xf32, #tpu.memory_space<hbm>>)
    %dma_wait3A_1585 = arith.constant 2 : i32
    %dma_wait3A_1586 = arith.constant 0 : i32
    %dma_wait3A_1587 = arith.constant 0 : i32
    %dma_wait3A_1588 = tpu.memref_slice %arg8[%dma_wait3A_1585, %dma_wait3A_1586, %dma_wait3A_1587] : memref<3x32x768xf32, #tpu.memory_space<vmem>> -> memref<1x32x768xf32, #tpu.memory_space<vmem>>
    %dma_wait3A_1589 = tpu.memref_squeeze %dma_wait3A_1588 : memref<1x32x768xf32, #tpu.memory_space<vmem>> -> memref<32x768xf32, #tpu.memory_space<vmem>>
    %dma_wait3A_1590 = arith.constant 16 : i32
    %dma_wait3A_1591 = arith.constant 0 : i32
    %dma_wait3A_1592 = tpu.memref_slice %dma_wait3A_1589[%dma_wait3A_1590, %dma_wait3A_1591] : memref<32x768xf32, #tpu.memory_space<vmem>> -> memref<8x768xf32, #tpu.memory_space<vmem>>
    %dma_wait3A_1593 = arith.constant 0 : i32
    %dma_wait3A_1594 = tpu.memref_slice %arg5[%add3A_1292, %dma_wait3A_1593] : memref<8192x768xf32, #tpu.memory_space<hbm>> -> memref<8x768xf32, #tpu.memory_space<hbm>>
    %dma_wait3A_1595 = arith.constant 0 : i32
    %dma_wait3A_1596 = tpu.memref_slice %arg5[%add3A_1292, %dma_wait3A_1595] : memref<8192x768xf32, #tpu.memory_space<hbm>> -> memref<8x768xf32, #tpu.memory_space<hbm>>
    %dma_wait3A_1597 = arith.constant 0 : i32
    %dma_wait3A_1598 = arith.constant 0 : i32
    %dma_wait3A_1599 = tpu.memref_slice %arg8[%dma_wait3A_1585, %dma_wait3A_1597, %dma_wait3A_1598] : memref<3x32x768xf32, #tpu.memory_space<vmem>> -> memref<1x32x768xf32, #tpu.memory_space<vmem>>
    %dma_wait3A_1600 = tpu.memref_squeeze %dma_wait3A_1599 : memref<1x32x768xf32, #tpu.memory_space<vmem>> -> memref<32x768xf32, #tpu.memory_space<vmem>>
    %dma_wait3A_1601 = arith.constant 16 : i32
    %dma_wait3A_1602 = arith.constant 0 : i32
    %dma_wait3A_1603 = tpu.memref_slice %dma_wait3A_1600[%dma_wait3A_1601, %dma_wait3A_1602] : memref<32x768xf32, #tpu.memory_space<vmem>> -> memref<8x768xf32, #tpu.memory_space<vmem>>
    tpu.wait_dma2 semaphore(%arg17 : memref<!tpu.dma_semaphore, #tpu.memory_space<semaphore_mem>>) src(%dma_wait3A_1603 : memref<8x768xf32, #tpu.memory_space<vmem>>) dst(%dma_wait3A_1596 : memref<8x768xf32, #tpu.memory_space<hbm>>)
    %dma_wait3A_1604 = arith.constant 2 : i32
    %dma_wait3A_1605 = arith.constant 0 : i32
    %dma_wait3A_1606 = arith.constant 0 : i32
    %dma_wait3A_1607 = tpu.memref_slice %arg8[%dma_wait3A_1604, %dma_wait3A_1605, %dma_wait3A_1606] : memref<3x32x768xf32, #tpu.memory_space<vmem>> -> memref<1x32x768xf32, #tpu.memory_space<vmem>>
    %dma_wait3A_1608 = tpu.memref_squeeze %dma_wait3A_1607 : memref<1x32x768xf32, #tpu.memory_space<vmem>> -> memref<32x768xf32, #tpu.memory_space<vmem>>
    %dma_wait3A_1609 = arith.constant 24 : i32
    %dma_wait3A_1610 = arith.constant 0 : i32
    %dma_wait3A_1611 = tpu.memref_slice %dma_wait3A_1608[%dma_wait3A_1609, %dma_wait3A_1610] : memref<32x768xf32, #tpu.memory_space<vmem>> -> memref<8x768xf32, #tpu.memory_space<vmem>>
    %dma_wait3A_1612 = arith.constant 0 : i32
    %dma_wait3A_1613 = tpu.memref_slice %arg5[%add3A_1315, %dma_wait3A_1612] : memref<8192x768xf32, #tpu.memory_space<hbm>> -> memref<8x768xf32, #tpu.memory_space<hbm>>
    %dma_wait3A_1614 = arith.constant 0 : i32
    %dma_wait3A_1615 = tpu.memref_slice %arg5[%add3A_1315, %dma_wait3A_1614] : memref<8192x768xf32, #tpu.memory_space<hbm>> -> memref<8x768xf32, #tpu.memory_space<hbm>>
    %dma_wait3A_1616 = arith.constant 0 : i32
    %dma_wait3A_1617 = arith.constant 0 : i32
    %dma_wait3A_1618 = tpu.memref_slice %arg8[%dma_wait3A_1604, %dma_wait3A_1616, %dma_wait3A_1617] : memref<3x32x768xf32, #tpu.memory_space<vmem>> -> memref<1x32x768xf32, #tpu.memory_space<vmem>>
    %dma_wait3A_1619 = tpu.memref_squeeze %dma_wait3A_1618 : memref<1x32x768xf32, #tpu.memory_space<vmem>> -> memref<32x768xf32, #tpu.memory_space<vmem>>
    %dma_wait3A_1620 = arith.constant 24 : i32
    %dma_wait3A_1621 = arith.constant 0 : i32
    %dma_wait3A_1622 = tpu.memref_slice %dma_wait3A_1619[%dma_wait3A_1620, %dma_wait3A_1621] : memref<32x768xf32, #tpu.memory_space<vmem>> -> memref<8x768xf32, #tpu.memory_space<vmem>>
    tpu.wait_dma2 semaphore(%arg17 : memref<!tpu.dma_semaphore, #tpu.memory_space<semaphore_mem>>) src(%dma_wait3A_1622 : memref<8x768xf32, #tpu.memory_space<vmem>>) dst(%dma_wait3A_1615 : memref<8x768xf32, #tpu.memory_space<hbm>>)
    %dma_wait3A_1623 = arith.constant 0 : i32
    %dma_wait3A_1624 = arith.constant 0 : i32
    %dma_wait3A_1625 = arith.constant 0 : i32
    %dma_wait3A_1626 = tpu.memref_slice %arg8[%dma_wait3A_1623, %dma_wait3A_1624, %dma_wait3A_1625] : memref<3x32x768xf32, #tpu.memory_space<vmem>> -> memref<1x32x768xf32, #tpu.memory_space<vmem>>
    %dma_wait3A_1627 = tpu.memref_squeeze %dma_wait3A_1626 : memref<1x32x768xf32, #tpu.memory_space<vmem>> -> memref<32x768xf32, #tpu.memory_space<vmem>>
    %dma_wait3A_1628 = arith.constant 0 : i32
    %dma_wait3A_1629 = arith.constant 0 : i32
    %dma_wait3A_1630 = tpu.memref_slice %dma_wait3A_1627[%dma_wait3A_1628, %dma_wait3A_1629] : memref<32x768xf32, #tpu.memory_space<vmem>> -> memref<8x768xf32, #tpu.memory_space<vmem>>
    %dma_wait3A_1631 = arith.constant 0 : i32
    %dma_wait3A_1632 = tpu.memref_slice %arg5[%add3A_1352, %dma_wait3A_1631] : memref<8192x768xf32, #tpu.memory_space<hbm>> -> memref<8x768xf32, #tpu.memory_space<hbm>>
    %dma_wait3A_1633 = arith.constant 0 : i32
    %dma_wait3A_1634 = tpu.memref_slice %arg5[%add3A_1352, %dma_wait3A_1633] : memref<8192x768xf32, #tpu.memory_space<hbm>> -> memref<8x768xf32, #tpu.memory_space<hbm>>
    %dma_wait3A_1635 = arith.constant 0 : i32
    %dma_wait3A_1636 = arith.constant 0 : i32
    %dma_wait3A_1637 = tpu.memref_slice %arg8[%dma_wait3A_1623, %dma_wait3A_1635, %dma_wait3A_1636] : memref<3x32x768xf32, #tpu.memory_space<vmem>> -> memref<1x32x768xf32, #tpu.memory_space<vmem>>
    %dma_wait3A_1638 = tpu.memref_squeeze %dma_wait3A_1637 : memref<1x32x768xf32, #tpu.memory_space<vmem>> -> memref<32x768xf32, #tpu.memory_space<vmem>>
    %dma_wait3A_1639 = arith.constant 0 : i32
    %dma_wait3A_1640 = arith.constant 0 : i32
    %dma_wait3A_1641 = tpu.memref_slice %dma_wait3A_1638[%dma_wait3A_1639, %dma_wait3A_1640] : memref<32x768xf32, #tpu.memory_space<vmem>> -> memref<8x768xf32, #tpu.memory_space<vmem>>
    tpu.wait_dma2 semaphore(%arg15 : memref<!tpu.dma_semaphore, #tpu.memory_space<semaphore_mem>>) src(%dma_wait3A_1641 : memref<8x768xf32, #tpu.memory_space<vmem>>) dst(%dma_wait3A_1634 : memref<8x768xf32, #tpu.memory_space<hbm>>)
    %dma_wait3A_1642 = arith.constant 0 : i32
    %dma_wait3A_1643 = arith.constant 0 : i32
    %dma_wait3A_1644 = arith.constant 0 : i32
    %dma_wait3A_1645 = tpu.memref_slice %arg8[%dma_wait3A_1642, %dma_wait3A_1643, %dma_wait3A_1644] : memref<3x32x768xf32, #tpu.memory_space<vmem>> -> memref<1x32x768xf32, #tpu.memory_space<vmem>>
    %dma_wait3A_1646 = tpu.memref_squeeze %dma_wait3A_1645 : memref<1x32x768xf32, #tpu.memory_space<vmem>> -> memref<32x768xf32, #tpu.memory_space<vmem>>
    %dma_wait3A_1647 = arith.constant 8 : i32
    %dma_wait3A_1648 = arith.constant 0 : i32
    %dma_wait3A_1649 = tpu.memref_slice %dma_wait3A_1646[%dma_wait3A_1647, %dma_wait3A_1648] : memref<32x768xf32, #tpu.memory_space<vmem>> -> memref<8x768xf32, #tpu.memory_space<vmem>>
    %dma_wait3A_1650 = arith.constant 0 : i32
    %dma_wait3A_1651 = tpu.memref_slice %arg5[%add3A_1375, %dma_wait3A_1650] : memref<8192x768xf32, #tpu.memory_space<hbm>> -> memref<8x768xf32, #tpu.memory_space<hbm>>
    %dma_wait3A_1652 = arith.constant 0 : i32
    %dma_wait3A_1653 = tpu.memref_slice %arg5[%add3A_1375, %dma_wait3A_1652] : memref<8192x768xf32, #tpu.memory_space<hbm>> -> memref<8x768xf32, #tpu.memory_space<hbm>>
    %dma_wait3A_1654 = arith.constant 0 : i32
    %dma_wait3A_1655 = arith.constant 0 : i32
    %dma_wait3A_1656 = tpu.memref_slice %arg8[%dma_wait3A_1642, %dma_wait3A_1654, %dma_wait3A_1655] : memref<3x32x768xf32, #tpu.memory_space<vmem>> -> memref<1x32x768xf32, #tpu.memory_space<vmem>>
    %dma_wait3A_1657 = tpu.memref_squeeze %dma_wait3A_1656 : memref<1x32x768xf32, #tpu.memory_space<vmem>> -> memref<32x768xf32, #tpu.memory_space<vmem>>
    %dma_wait3A_1658 = arith.constant 8 : i32
    %dma_wait3A_1659 = arith.constant 0 : i32
    %dma_wait3A_1660 = tpu.memref_slice %dma_wait3A_1657[%dma_wait3A_1658, %dma_wait3A_1659] : memref<32x768xf32, #tpu.memory_space<vmem>> -> memref<8x768xf32, #tpu.memory_space<vmem>>
    tpu.wait_dma2 semaphore(%arg15 : memref<!tpu.dma_semaphore, #tpu.memory_space<semaphore_mem>>) src(%dma_wait3A_1660 : memref<8x768xf32, #tpu.memory_space<vmem>>) dst(%dma_wait3A_1653 : memref<8x768xf32, #tpu.memory_space<hbm>>)
    %dma_wait3A_1661 = arith.constant 0 : i32
    %dma_wait3A_1662 = arith.constant 0 : i32
    %dma_wait3A_1663 = arith.constant 0 : i32
    %dma_wait3A_1664 = tpu.memref_slice %arg8[%dma_wait3A_1661, %dma_wait3A_1662, %dma_wait3A_1663] : memref<3x32x768xf32, #tpu.memory_space<vmem>> -> memref<1x32x768xf32, #tpu.memory_space<vmem>>
    %dma_wait3A_1665 = tpu.memref_squeeze %dma_wait3A_1664 : memref<1x32x768xf32, #tpu.memory_space<vmem>> -> memref<32x768xf32, #tpu.memory_space<vmem>>
    %dma_wait3A_1666 = arith.constant 16 : i32
    %dma_wait3A_1667 = arith.constant 0 : i32
    %dma_wait3A_1668 = tpu.memref_slice %dma_wait3A_1665[%dma_wait3A_1666, %dma_wait3A_1667] : memref<32x768xf32, #tpu.memory_space<vmem>> -> memref<8x768xf32, #tpu.memory_space<vmem>>
    %dma_wait3A_1669 = arith.constant 0 : i32
    %dma_wait3A_1670 = tpu.memref_slice %arg5[%add3A_1398, %dma_wait3A_1669] : memref<8192x768xf32, #tpu.memory_space<hbm>> -> memref<8x768xf32, #tpu.memory_space<hbm>>
    %dma_wait3A_1671 = arith.constant 0 : i32
    %dma_wait3A_1672 = tpu.memref_slice %arg5[%add3A_1398, %dma_wait3A_1671] : memref<8192x768xf32, #tpu.memory_space<hbm>> -> memref<8x768xf32, #tpu.memory_space<hbm>>
    %dma_wait3A_1673 = arith.constant 0 : i32
    %dma_wait3A_1674 = arith.constant 0 : i32
    %dma_wait3A_1675 = tpu.memref_slice %arg8[%dma_wait3A_1661, %dma_wait3A_1673, %dma_wait3A_1674] : memref<3x32x768xf32, #tpu.memory_space<vmem>> -> memref<1x32x768xf32, #tpu.memory_space<vmem>>
    %dma_wait3A_1676 = tpu.memref_squeeze %dma_wait3A_1675 : memref<1x32x768xf32, #tpu.memory_space<vmem>> -> memref<32x768xf32, #tpu.memory_space<vmem>>
    %dma_wait3A_1677 = arith.constant 16 : i32
    %dma_wait3A_1678 = arith.constant 0 : i32
    %dma_wait3A_1679 = tpu.memref_slice %dma_wait3A_1676[%dma_wait3A_1677, %dma_wait3A_1678] : memref<32x768xf32, #tpu.memory_space<vmem>> -> memref<8x768xf32, #tpu.memory_space<vmem>>
    tpu.wait_dma2 semaphore(%arg15 : memref<!tpu.dma_semaphore, #tpu.memory_space<semaphore_mem>>) src(%dma_wait3A_1679 : memref<8x768xf32, #tpu.memory_space<vmem>>) dst(%dma_wait3A_1672 : memref<8x768xf32, #tpu.memory_space<hbm>>)
    %dma_wait3A_1680 = arith.constant 0 : i32
    %dma_wait3A_1681 = arith.constant 0 : i32
    %dma_wait3A_1682 = arith.constant 0 : i32
    %dma_wait3A_1683 = tpu.memref_slice %arg8[%dma_wait3A_1680, %dma_wait3A_1681, %dma_wait3A_1682] : memref<3x32x768xf32, #tpu.memory_space<vmem>> -> memref<1x32x768xf32, #tpu.memory_space<vmem>>
    %dma_wait3A_1684 = tpu.memref_squeeze %dma_wait3A_1683 : memref<1x32x768xf32, #tpu.memory_space<vmem>> -> memref<32x768xf32, #tpu.memory_space<vmem>>
    %dma_wait3A_1685 = arith.constant 24 : i32
    %dma_wait3A_1686 = arith.constant 0 : i32
    %dma_wait3A_1687 = tpu.memref_slice %dma_wait3A_1684[%dma_wait3A_1685, %dma_wait3A_1686] : memref<32x768xf32, #tpu.memory_space<vmem>> -> memref<8x768xf32, #tpu.memory_space<vmem>>
    %dma_wait3A_1688 = arith.constant 0 : i32
    %dma_wait3A_1689 = tpu.memref_slice %arg5[%add3A_1421, %dma_wait3A_1688] : memref<8192x768xf32, #tpu.memory_space<hbm>> -> memref<8x768xf32, #tpu.memory_space<hbm>>
    %dma_wait3A_1690 = arith.constant 0 : i32
    %dma_wait3A_1691 = tpu.memref_slice %arg5[%add3A_1421, %dma_wait3A_1690] : memref<8192x768xf32, #tpu.memory_space<hbm>> -> memref<8x768xf32, #tpu.memory_space<hbm>>
    %dma_wait3A_1692 = arith.constant 0 : i32
    %dma_wait3A_1693 = arith.constant 0 : i32
    %dma_wait3A_1694 = tpu.memref_slice %arg8[%dma_wait3A_1680, %dma_wait3A_1692, %dma_wait3A_1693] : memref<3x32x768xf32, #tpu.memory_space<vmem>> -> memref<1x32x768xf32, #tpu.memory_space<vmem>>
    %dma_wait3A_1695 = tpu.memref_squeeze %dma_wait3A_1694 : memref<1x32x768xf32, #tpu.memory_space<vmem>> -> memref<32x768xf32, #tpu.memory_space<vmem>>
    %dma_wait3A_1696 = arith.constant 24 : i32
    %dma_wait3A_1697 = arith.constant 0 : i32
    %dma_wait3A_1698 = tpu.memref_slice %dma_wait3A_1695[%dma_wait3A_1696, %dma_wait3A_1697] : memref<32x768xf32, #tpu.memory_space<vmem>> -> memref<8x768xf32, #tpu.memory_space<vmem>>
    tpu.wait_dma2 semaphore(%arg15 : memref<!tpu.dma_semaphore, #tpu.memory_space<semaphore_mem>>) src(%dma_wait3A_1698 : memref<8x768xf32, #tpu.memory_space<vmem>>) dst(%dma_wait3A_1691 : memref<8x768xf32, #tpu.memory_space<hbm>>)
    %dma_wait3A_1699 = arith.constant 1 : i32
    %dma_wait3A_1700 = arith.constant 0 : i32
    %dma_wait3A_1701 = arith.constant 0 : i32
    %dma_wait3A_1702 = tpu.memref_slice %arg8[%dma_wait3A_1699, %dma_wait3A_1700, %dma_wait3A_1701] : memref<3x32x768xf32, #tpu.memory_space<vmem>> -> memref<1x32x768xf32, #tpu.memory_space<vmem>>
    %dma_wait3A_1703 = tpu.memref_squeeze %dma_wait3A_1702 : memref<1x32x768xf32, #tpu.memory_space<vmem>> -> memref<32x768xf32, #tpu.memory_space<vmem>>
    %dma_wait3A_1704 = arith.constant 0 : i32
    %dma_wait3A_1705 = arith.constant 0 : i32
    %dma_wait3A_1706 = tpu.memref_slice %dma_wait3A_1703[%dma_wait3A_1704, %dma_wait3A_1705] : memref<32x768xf32, #tpu.memory_space<vmem>> -> memref<8x768xf32, #tpu.memory_space<vmem>>
    %dma_wait3A_1707 = arith.constant 0 : i32
    %dma_wait3A_1708 = tpu.memref_slice %arg5[%add3A_1458, %dma_wait3A_1707] : memref<8192x768xf32, #tpu.memory_space<hbm>> -> memref<8x768xf32, #tpu.memory_space<hbm>>
    %dma_wait3A_1709 = arith.constant 0 : i32
    %dma_wait3A_1710 = tpu.memref_slice %arg5[%add3A_1458, %dma_wait3A_1709] : memref<8192x768xf32, #tpu.memory_space<hbm>> -> memref<8x768xf32, #tpu.memory_space<hbm>>
    %dma_wait3A_1711 = arith.constant 0 : i32
    %dma_wait3A_1712 = arith.constant 0 : i32
    %dma_wait3A_1713 = tpu.memref_slice %arg8[%dma_wait3A_1699, %dma_wait3A_1711, %dma_wait3A_1712] : memref<3x32x768xf32, #tpu.memory_space<vmem>> -> memref<1x32x768xf32, #tpu.memory_space<vmem>>
    %dma_wait3A_1714 = tpu.memref_squeeze %dma_wait3A_1713 : memref<1x32x768xf32, #tpu.memory_space<vmem>> -> memref<32x768xf32, #tpu.memory_space<vmem>>
    %dma_wait3A_1715 = arith.constant 0 : i32
    %dma_wait3A_1716 = arith.constant 0 : i32
    %dma_wait3A_1717 = tpu.memref_slice %dma_wait3A_1714[%dma_wait3A_1715, %dma_wait3A_1716] : memref<32x768xf32, #tpu.memory_space<vmem>> -> memref<8x768xf32, #tpu.memory_space<vmem>>
    tpu.wait_dma2 semaphore(%arg16 : memref<!tpu.dma_semaphore, #tpu.memory_space<semaphore_mem>>) src(%dma_wait3A_1717 : memref<8x768xf32, #tpu.memory_space<vmem>>) dst(%dma_wait3A_1710 : memref<8x768xf32, #tpu.memory_space<hbm>>)
    %dma_wait3A_1718 = arith.constant 1 : i32
    %dma_wait3A_1719 = arith.constant 0 : i32
    %dma_wait3A_1720 = arith.constant 0 : i32
    %dma_wait3A_1721 = tpu.memref_slice %arg8[%dma_wait3A_1718, %dma_wait3A_1719, %dma_wait3A_1720] : memref<3x32x768xf32, #tpu.memory_space<vmem>> -> memref<1x32x768xf32, #tpu.memory_space<vmem>>
    %dma_wait3A_1722 = tpu.memref_squeeze %dma_wait3A_1721 : memref<1x32x768xf32, #tpu.memory_space<vmem>> -> memref<32x768xf32, #tpu.memory_space<vmem>>
    %dma_wait3A_1723 = arith.constant 8 : i32
    %dma_wait3A_1724 = arith.constant 0 : i32
    %dma_wait3A_1725 = tpu.memref_slice %dma_wait3A_1722[%dma_wait3A_1723, %dma_wait3A_1724] : memref<32x768xf32, #tpu.memory_space<vmem>> -> memref<8x768xf32, #tpu.memory_space<vmem>>
    %dma_wait3A_1726 = arith.constant 0 : i32
    %dma_wait3A_1727 = tpu.memref_slice %arg5[%add3A_1481, %dma_wait3A_1726] : memref<8192x768xf32, #tpu.memory_space<hbm>> -> memref<8x768xf32, #tpu.memory_space<hbm>>
    %dma_wait3A_1728 = arith.constant 0 : i32
    %dma_wait3A_1729 = tpu.memref_slice %arg5[%add3A_1481, %dma_wait3A_1728] : memref<8192x768xf32, #tpu.memory_space<hbm>> -> memref<8x768xf32, #tpu.memory_space<hbm>>
    %dma_wait3A_1730 = arith.constant 0 : i32
    %dma_wait3A_1731 = arith.constant 0 : i32
    %dma_wait3A_1732 = tpu.memref_slice %arg8[%dma_wait3A_1718, %dma_wait3A_1730, %dma_wait3A_1731] : memref<3x32x768xf32, #tpu.memory_space<vmem>> -> memref<1x32x768xf32, #tpu.memory_space<vmem>>
    %dma_wait3A_1733 = tpu.memref_squeeze %dma_wait3A_1732 : memref<1x32x768xf32, #tpu.memory_space<vmem>> -> memref<32x768xf32, #tpu.memory_space<vmem>>
    %dma_wait3A_1734 = arith.constant 8 : i32
    %dma_wait3A_1735 = arith.constant 0 : i32
    %dma_wait3A_1736 = tpu.memref_slice %dma_wait3A_1733[%dma_wait3A_1734, %dma_wait3A_1735] : memref<32x768xf32, #tpu.memory_space<vmem>> -> memref<8x768xf32, #tpu.memory_space<vmem>>
    tpu.wait_dma2 semaphore(%arg16 : memref<!tpu.dma_semaphore, #tpu.memory_space<semaphore_mem>>) src(%dma_wait3A_1736 : memref<8x768xf32, #tpu.memory_space<vmem>>) dst(%dma_wait3A_1729 : memref<8x768xf32, #tpu.memory_space<hbm>>)
    %dma_wait3A_1737 = arith.constant 1 : i32
    %dma_wait3A_1738 = arith.constant 0 : i32
    %dma_wait3A_1739 = arith.constant 0 : i32
    %dma_wait3A_1740 = tpu.memref_slice %arg8[%dma_wait3A_1737, %dma_wait3A_1738, %dma_wait3A_1739] : memref<3x32x768xf32, #tpu.memory_space<vmem>> -> memref<1x32x768xf32, #tpu.memory_space<vmem>>
    %dma_wait3A_1741 = tpu.memref_squeeze %dma_wait3A_1740 : memref<1x32x768xf32, #tpu.memory_space<vmem>> -> memref<32x768xf32, #tpu.memory_space<vmem>>
    %dma_wait3A_1742 = arith.constant 16 : i32
    %dma_wait3A_1743 = arith.constant 0 : i32
    %dma_wait3A_1744 = tpu.memref_slice %dma_wait3A_1741[%dma_wait3A_1742, %dma_wait3A_1743] : memref<32x768xf32, #tpu.memory_space<vmem>> -> memref<8x768xf32, #tpu.memory_space<vmem>>
    %dma_wait3A_1745 = arith.constant 0 : i32
    %dma_wait3A_1746 = tpu.memref_slice %arg5[%add3A_1504, %dma_wait3A_1745] : memref<8192x768xf32, #tpu.memory_space<hbm>> -> memref<8x768xf32, #tpu.memory_space<hbm>>
    %dma_wait3A_1747 = arith.constant 0 : i32
    %dma_wait3A_1748 = tpu.memref_slice %arg5[%add3A_1504, %dma_wait3A_1747] : memref<8192x768xf32, #tpu.memory_space<hbm>> -> memref<8x768xf32, #tpu.memory_space<hbm>>
    %dma_wait3A_1749 = arith.constant 0 : i32
    %dma_wait3A_1750 = arith.constant 0 : i32
    %dma_wait3A_1751 = tpu.memref_slice %arg8[%dma_wait3A_1737, %dma_wait3A_1749, %dma_wait3A_1750] : memref<3x32x768xf32, #tpu.memory_space<vmem>> -> memref<1x32x768xf32, #tpu.memory_space<vmem>>
    %dma_wait3A_1752 = tpu.memref_squeeze %dma_wait3A_1751 : memref<1x32x768xf32, #tpu.memory_space<vmem>> -> memref<32x768xf32, #tpu.memory_space<vmem>>
    %dma_wait3A_1753 = arith.constant 16 : i32
    %dma_wait3A_1754 = arith.constant 0 : i32
    %dma_wait3A_1755 = tpu.memref_slice %dma_wait3A_1752[%dma_wait3A_1753, %dma_wait3A_1754] : memref<32x768xf32, #tpu.memory_space<vmem>> -> memref<8x768xf32, #tpu.memory_space<vmem>>
    tpu.wait_dma2 semaphore(%arg16 : memref<!tpu.dma_semaphore, #tpu.memory_space<semaphore_mem>>) src(%dma_wait3A_1755 : memref<8x768xf32, #tpu.memory_space<vmem>>) dst(%dma_wait3A_1748 : memref<8x768xf32, #tpu.memory_space<hbm>>)
    %dma_wait3A_1756 = arith.constant 1 : i32
    %dma_wait3A_1757 = arith.constant 0 : i32
    %dma_wait3A_1758 = arith.constant 0 : i32
    %dma_wait3A_1759 = tpu.memref_slice %arg8[%dma_wait3A_1756, %dma_wait3A_1757, %dma_wait3A_1758] : memref<3x32x768xf32, #tpu.memory_space<vmem>> -> memref<1x32x768xf32, #tpu.memory_space<vmem>>
    %dma_wait3A_1760 = tpu.memref_squeeze %dma_wait3A_1759 : memref<1x32x768xf32, #tpu.memory_space<vmem>> -> memref<32x768xf32, #tpu.memory_space<vmem>>
    %dma_wait3A_1761 = arith.constant 24 : i32
    %dma_wait3A_1762 = arith.constant 0 : i32
    %dma_wait3A_1763 = tpu.memref_slice %dma_wait3A_1760[%dma_wait3A_1761, %dma_wait3A_1762] : memref<32x768xf32, #tpu.memory_space<vmem>> -> memref<8x768xf32, #tpu.memory_space<vmem>>
    %dma_wait3A_1764 = arith.constant 0 : i32
    %dma_wait3A_1765 = tpu.memref_slice %arg5[%add3A_1527, %dma_wait3A_1764] : memref<8192x768xf32, #tpu.memory_space<hbm>> -> memref<8x768xf32, #tpu.memory_space<hbm>>
    %dma_wait3A_1766 = arith.constant 0 : i32
    %dma_wait3A_1767 = tpu.memref_slice %arg5[%add3A_1527, %dma_wait3A_1766] : memref<8192x768xf32, #tpu.memory_space<hbm>> -> memref<8x768xf32, #tpu.memory_space<hbm>>
    %dma_wait3A_1768 = arith.constant 0 : i32
    %dma_wait3A_1769 = arith.constant 0 : i32
    %dma_wait3A_1770 = tpu.memref_slice %arg8[%dma_wait3A_1756, %dma_wait3A_1768, %dma_wait3A_1769] : memref<3x32x768xf32, #tpu.memory_space<vmem>> -> memref<1x32x768xf32, #tpu.memory_space<vmem>>
    %dma_wait3A_1771 = tpu.memref_squeeze %dma_wait3A_1770 : memref<1x32x768xf32, #tpu.memory_space<vmem>> -> memref<32x768xf32, #tpu.memory_space<vmem>>
    %dma_wait3A_1772 = arith.constant 24 : i32
    %dma_wait3A_1773 = arith.constant 0 : i32
    %dma_wait3A_1774 = tpu.memref_slice %dma_wait3A_1771[%dma_wait3A_1772, %dma_wait3A_1773] : memref<32x768xf32, #tpu.memory_space<vmem>> -> memref<8x768xf32, #tpu.memory_space<vmem>>
    tpu.wait_dma2 semaphore(%arg16 : memref<!tpu.dma_semaphore, #tpu.memory_space<semaphore_mem>>) src(%dma_wait3A_1774 : memref<8x768xf32, #tpu.memory_space<vmem>>) dst(%dma_wait3A_1767 : memref<8x768xf32, #tpu.memory_space<hbm>>)
    return
  }
}

</mosaic_0001>

<sc_bundles>
// kernel: kernel.3.cloned.1.call-start
scs
__scs_entry_jumppad:
0x0: {  	(pc) =	sbr.rel $0x88, $3  }
0x1: {  	(tag) =	ssettag $0x0;
	lr =	simm.s32 $0x1  }
0x2: {  	[smem:$0x3F9E] =	sst lr;
	_ =	strace $0xD0000000  }
0x3: {  	_ = 	snop  }
0x4: {  	_ = 	snop  }
0x5: {  	_ = 	snop  }
0x6: {  	_ = 	snop  }
0x7: {  	_ = 	snop  }
__scs_overlays_trampoline_lowered:
0x8: {  	[smem:$0x3FAD] =	sst s0  }
0x9: {  	[smem:$0x3FAE] =	sst s1  }
0xa: {  	[smem:$0x3FAF] =	sst s2  }
0xb: {  	[smem:$0x3FB0] =	sst s3  }
0xc: {  	[smem:$0x3FB1] =	sst s4  }
0xd: {  	[smem:$0x3FB2] =	sst s5  }
0xe: {  	[smem:$0x3FB3] =	sst s6  }
0xf: {  	[smem:$0x3FB4] =	sst s7  }
0x10: {  	[smem:$0x3FB5] =	sst s8  }
0x11: {  	[smem:$0x3FB6] =	sst s9;
	s0 =	simm.s32 @!p0 $0x0  }
0x12: {  	s1 =	sld [smem:$0x3F9C];
	s0 =	simm.s32 @p0 $0x1  }
0x13: {  	[smem:$0x3FB7] =	sst s0;
	s0 =	simm.s32 @!p1 $0x0  }
0x14: {  	s2 =	sld [smem:$0x3F9B];
	s0 =	simm.s32 @p1 $0x1  }
0x15: {  	[smem:$0x3FB8] =	sst s0;
	s0 =	simm.s32 @!p2 $0x0  }
0x16: {  	s3 =	sld [smem:$0x3FDB];
	s0 =	simm.s32 @p2 $0x1  }
0x17: {  	s4 =	simm.s32 $0x1BF5;
	[smem:$0x3FBA] =	sst s0  }
0x18: {  	s0 =	sld [smem:$0x3F9D];
	_ =	swait.ge [sflag:s4], $0x0  }
0x19: {  	s7 =	sld [smem:$0x3F9E]  }
0x1a: {  	s8 =	sadd.s32 $0xFFFFE003, lr  }
0x1b: {  	s9 =	sadd.s32 $0xFFFFFEF7, lr;
	s5 =	simm.s32 $0xFFFFFFFF;
	p2 =	slt.u32 s8, $0xFFFFF086  }
0x1c: {  	p1 =	slt.u32 s9, $0xF7A;
	s5 =	simm.s32 @!p2 $0x0  }
0x1d: {  	s5 =	simm.s32 @p1 $0x1;
	p0 =	seq.s32 s7, s2  }
0x1e: {  	s7 =	smul.u32 @!p0 $0xF7A, s2;
	p2 =	seq.s32 @!p0 s5, $0x0  }
0x1f: {  	s9 =	smul.u32 $0xF7A, s1;
	s8 =	simm.s32 @!p0 $0x1BF5;
	p2 =	por !p2, p0  }
0x20: {  	[sflag:s8] =	ssyncset.s32 @!p0 $0xFFFFF086;
	s6 =	sadd.s32 @!p0 s3, s7;
	s7 =	simm.s32 @!p0 $0x108  }
0x21: {  	s3 =	sadd.s32 s3, s9;
	s6 =	sadd.s32 @!p0 $0x88, s6;
	s7 =	simm.s32 @p2 $0x1082  }
0x22: {  	[simem:s7], [sflag:s8] =	dma.local @!p0 [hbm:s6], $0xF7A  }
0x23: {  	s9 =	sor.u32 $0xD0000000, s2;
	s6 =	simm.s32 $0x108;
	_ =	swait.ge @!p0 [sflag:s8], $0x0  }
0x24: {  	s3 =	sadd.s32 $0x88, s3;
	s6 =	simm.s32 @!p1 $0x1082;
	[sflag:s4] =	ssyncset.s32 $0xFFFFF086  }
0x25: {  	[simem:s6], [sflag:s4] =	dma.local [hbm:s3], $0xF7A  }
0x26: {  	[smem:$0x3F9E] =	sst s1;
	(tag) =	ssettag s2;
	_ =	strace s9  }
0x27: {  	s1 =	sld [smem:$0x3FAE]  }
0x28: {  	s2 =	sld [smem:$0x3FAF]  }
0x29: {  	s4 =	sld [smem:$0x3FB1]  }
0x2a: {  	p0 =	seq.s32 s5, $0x0;
	s5 =	sld [smem:$0x3FB2]  }
0x2b: {  	s6 =	sld [smem:$0x3FB3]  }
0x2c: {  	s7 =	sld [smem:$0x3FB4]  }
0x2d: {  	s3 =	simm.s32 $0x108;
	s8 =	sld [smem:$0x3FB5]  }
0x2e: {  	s3 =	simm.s32 @!p0 $0x1082;
	s9 =	sld [smem:$0x3FB6]  }
0x2f: {  	lr =	sadd.s32 s0, s3;
	s0 =	sld [smem:$0x3FAD]  }
0x30: {  	s3 =	sld [smem:$0x3FB0]  }
0x31: {  	[smem:$0x3FB9] =	sst s10  }
0x32: {  	s10 =	sld [smem:$0x3FB7];
	_ =	sdelay $0x3  }
0x33: {  	p0 =	seq.s32 s10, $0x1;
	s10 =	sld [smem:$0x3FB9];
	_ =	sdelay $0x3  }
0x34: {  	[smem:$0x3FB9] =	sst s10  }
0x35: {  	s10 =	sld [smem:$0x3FB8];
	_ =	sdelay $0x3  }
0x36: {  	p1 =	seq.s32 s10, $0x1;
	s10 =	sld [smem:$0x3FB9];
	_ =	sdelay $0x3  }
0x37: {  	[smem:$0x3FB9] =	sst s10  }
0x38: {  	s10 =	sld [smem:$0x3FBA]  }
0x39: {  	_ = 	snop;
	(pc) =	sbr.ind lr, $3  }
0x3a: {  	_ = 	snop  }
0x3b: {  	_ = 	snop  }
0x3c: {  	p2 =	seq.s32 s10, $0x1;
	s10 =	sld [smem:$0x3FB9]  }
0x3d: {  	_ =	shalt  }
0x3e: {  	_ =	shalt  }
0x3f: {  	_ =	shalt  }
0x40: {  	_ =	shalt  }
0x41: {  	_ =	shalt  }
0x42: {  	_ =	shalt  }
0x43: {  	_ =	shalt  }
0x44: {  	_ =	shalt  }
0x45: {  	_ =	shalt  }
0x46: {  	_ =	shalt  }
0x47: {  	_ =	shalt  }
0x48: {  	_ =	shalt  }
0x49: {  	_ =	shalt  }
0x4a: {  	_ =	shalt  }
0x4b: {  	_ =	shalt  }
0x4c: {  	_ =	shalt  }
0x4d: {  	_ =	shalt  }
0x4e: {  	_ =	shalt  }
0x4f: {  	_ =	shalt  }
0x50: {  	_ =	shalt  }
0x51: {  	_ =	shalt  }
0x52: {  	_ =	shalt  }
0x53: {  	_ =	shalt  }
0x54: {  	_ =	shalt  }
0x55: {  	_ =	shalt  }
0x56: {  	_ =	shalt  }
0x57: {  	_ =	shalt  }
0x58: {  	_ =	shalt  }
0x59: {  	_ =	shalt  }
0x5a: {  	_ =	shalt  }
0x5b: {  	_ =	shalt  }
0x5c: {  	_ =	shalt  }
0x5d: {  	_ =	shalt  }
0x5e: {  	_ =	shalt  }
0x5f: {  	_ =	shalt  }
0x60: {  	_ =	shalt  }
0x61: {  	_ =	shalt  }
0x62: {  	_ =	shalt  }
0x63: {  	_ =	shalt  }
0x64: {  	_ =	shalt  }
0x65: {  	_ =	shalt  }
0x66: {  	_ =	shalt  }
0x67: {  	_ =	shalt  }
0x68: {  	_ =	shalt  }
0x69: {  	_ =	shalt  }
0x6a: {  	_ =	shalt  }
0x6b: {  	_ =	shalt  }
0x6c: {  	_ =	shalt  }
0x6d: {  	_ =	shalt  }
0x6e: {  	_ =	shalt  }
0x6f: {  	_ =	shalt  }
0x70: {  	_ =	shalt  }
0x71: {  	_ =	shalt  }
0x72: {  	_ =	shalt  }
0x73: {  	_ =	shalt  }
0x74: {  	_ =	shalt  }
0x75: {  	_ =	shalt  }
0x76: {  	_ =	shalt  }
0x77: {  	_ =	shalt  }
0x78: {  	_ =	shalt  }
0x79: {  	_ =	shalt  }
0x7a: {  	_ =	shalt  }
0x7b: {  	_ =	shalt  }
0x7c: {  	_ =	shalt  }
0x7d: {  	_ =	shalt  }
0x7e: {  	_ =	shalt  }
0x7f: {  	_ =	shalt  }
0x80: {  	_ =	shalt  }
0x81: {  	_ =	shalt  }
0x82: {  	_ =	shalt  }
0x83: {  	_ =	shalt  }
0x84: {  	_ =	shalt  }
0x85: {  	_ =	shalt  }
0x86: {  	_ =	shalt  }
0x87: {  	_ =	shalt  }
.Lfunc_end0:
.L_simem_size_0:
called_computation_lowered:
.L_overlay_start_0:
0x88: {  	s2 =	sld [smem:$0x3FD9]  }
0x89: {  	s3 =	sld [smem:$0x3FFE];
	_ =	sdelay $0x1  }
0x8a: {  	s1 =	srdreg.scid  }
0x8b: {  	s0 =	sand.u32 $0x1, s1  }
0x8c: {  	s17 =	sshll.u32 s0, $0xA;
	s2 =	sadd.s32 s3, s2  }
0x8d: {  	s2 =	sadd.s32 s2, s17  }
0x8e: {  	[smem:$0x3FC5] =	sst s2  }
0x8f: {  	_ = 	snop  }
0x90: {  	s2 =	sld [smem:$0x3FC8]  }
0x91: {  	s18 =	sld [smem:$0x3FC7]  }
0x92: {  	s4 =	sld [smem:$0x3FD0];
	(tm) =	ssettm $0x1  }
0x93: {  	s5 =	sld [smem:$0x3FFB];
	_ =	sdelay $0x3  }
0x94: {  	_ =	strace s5  }
0x95: {  	s5 =	sld [smem:$0x3FFC];
	_ =	sdelay $0x3  }
0x96: {  	_ =	strace s5  }
0x97: {  	s5 =	sld [smem:$0x3FFD];
	_ =	sdelay $0x3  }
0x98: {  	_ =	strace s5  }
0x99: {  	_ =	strace $0x8FFFFFFF  }
0x9a: {  	s19 =	sld [smem:$0x3FDB];
	_ =	sdelay $0x1  }
0x9b: {  	s6 =	simm.s32 $_scs_section_size  }
0x9c: {  	s7 =	simm.s32 $_size__tile_overlayer_lowered;
	s8 =	simm.s32 $_tile_overlayer_lowered  }
0x9d: {  	s22 =	simm.s32 $0x1BFF;
	s21 =	sshll.u32 s8, $0x1;
	s5 =	sadd.s32 s6, s19  }
0x9e: {  	s9 =	simm.s32 $0x0;
	s20 =	sshll.u32 s7, $0x1;
	s7 =	sadd.s32 s21, s5  }
0x9f: {  	[timem:s9], [sflag:s22] =	dma.local [hbm:s7], s20  }
0xa0: {  	_ =	swait.ge [sflag:s22], s20  }
0xa1: {  	s6 =	ssub.s32 $0x0, s20;
	[sflag:s22] =	ssyncset.done $0x0  }
0xa2: {  	[sflag:s22] =	ssyncadd.s32 s6;
	_ =	sdelay $0x1  }
0xa3: {  	s23 =	simm.s32 $0x1B8B  }
0xa4: {  	_ =	swait.ge [sflag:s23], $0x1  }
0xa5: {  	[sflag:s23] =	ssyncset.done $0x0  }
0xa6: {  	s25 =	simm.s32 $0x1B8E;
	s24 =	sld [smem:$0x3FFE];
	[sflag:s23] =	ssyncadd.s32 $0xFFFFFFFF  }
0xa7: {  	s26 =	simm.s32 $execute0_lowered;
	[smem:$0x3FD2] =	sst s25  }
0xa8: {  	s7 =	sshll.u32 s26, $0x1;
	_ =	strace $0x80000046;
	[dreg:$0x1] =	wrdreg $0xFFFFFFFF  }
0xa9: {  	s28 =	simm.s32 $_size_execute0_lowered;
	s5 =	sadd.s32 s5, s7;
	[dreg:$0x0] =	wrdreg $0x0  }
0xaa: {  	s7 =	sshll.u32 s28, $0x1;
	[dreg:$0x2] =	wrdreg s5  }
0xab: {  	[dreg:$0x3] =	wrdreg s7  }
0xac: {  	[dreg:$0x4] =	wrdreg $0xC0  }
0xad: {  	_ =	task [dreg:s9], $0x5FFFF  }
0xae: {  	[dreg:$0x1] =	wrdreg $0xFFFFFFFF  }
0xaf: {  	[dreg:$0x0] =	wrdreg $0x60  }
0xb0: {  	[dreg:$0x2] =	wrdreg s24  }
0xb1: {  	[dreg:$0x3] =	wrdreg s2  }
0xb2: {  	[dreg:$0x4] =	wrdreg s18  }
0xb3: {  	[dreg:$0x5] =	wrdreg s4  }
0xb4: {  	[dreg:$0x6] =	wrdreg $0x9  }
0xb5: {  	_ =	task.clear_ibuf [dreg:s9], $0x7FFFF;
	_ =	strace $0x90000046  }
0xb6: {  	s29 =	simm.s32 $0x9;
	_ =	strace $0x80000048  }
0xb7: {  	_ =	swait.ge [sflag:s29], $0x1  }
0xb8: {  	[sflag:s29] =	ssyncadd.s32 $0xFFFFFFFF  }
0xb9: {  	_ =	strace $0x90000048  }
0xba: {  	_ =	sfence  }
0xbb: {  	s30 =	sld [smem:$0x0];
	_ =	sdelay $0x2  }
0xbc: {  	s31 =	sshll.u32 s1, $0xD;
	s1 =	sshrl.u32 s1, $0x2  }
0xbd: {  	s3 =	sand.u32 $0x4000, s31;
	s1 =	sadd.s32 s1, s30  }
0xbe: {  	s0 =	sor.u32 s3, s0;
	s1 =	sshll.u32 s1, $0x11  }
0xbf: {  	s0 =	sor.u32 s1, s0  }
0xc0: {  	s0 =	sadd.s32 $0x8F2B, s0  }
0xc1: {  	[sflag:s0] =	ssyncadd.remote.s32 $0x1  }
0xc2: {  	_ =	sfence.sel $0xFFFF  }
0xc3: {  	[dreg:$0x0] =	wrdreg $0xFFFFFFFF;
	(pc) =	sbr.abs _section_cstart, $3  }
0xc4: {  	[dreg:$0x1] =	wrdreg $0xFFFFFFFF  }
0xc5: {  	_ =	task.clear_ibuf [dreg:s9], $0x2FFFF;
	_ =	strace $0x9FFFFFFF  }
0xc6: {  	(tm) =	ssettm $0x7FFFFFFF  }
0xc7: {  	_ =	shalt  }
tec
execute0_lowered:
.L_overlay_start_1:
0x0: {  	(tag) =	ssettag $0x1  }
0x1: {  	s0 =	rddreg [dreg:$0x0]  }
0x2: {  	s9 =	rddreg [dreg:$0x1];
	s1 =	srdreg.scid  }
0x3: {  	s2 =	rddreg [dreg:$0x2];
	s4 =	stileid.u32  }
0x4: {  	s3 =	rddreg [dreg:$0x3];
	s11 =	simm.s32 $0x0;
	s1 =	sand.u32 $0x1, s1  }
0x5: {  	s4 =	sshll.u32 s4, $0x4;
	[smem:$0x7FF] =	sst s11;
	s0 =	sadd.s32 $0x400, s0  }
0x6: {  	s22 =	sadd.s32 $0x100, s9;
	s23 =	sadd.s32 $0x200, s9;
	s5 =	sshll.u32 s1, $0x3  }
0x7: {  	s1 =	ssub.s32 $0x2, s1;
	_ =	strace $0x80000047;
	[dreg:$0x1f] =	wrdreg s22  }
0x8: {  	[smem:$0x7DC] =	sst s23;
	s4 =	sor.u32 s5, s4;
	s6 =	sshrl.u32 s1, $0x1  }
0x9: {  	s5 =	smul.u32 $0x300, s4;
	s18 =	sadd.s32 s0, s4;
	s19 =	sor.u32 $0x200, s4  }
0xa: {  	s1 =	ssub.s32 s1, s6;
	[dreg:$0x1b] =	wrdreg s18;
	s6 =	sadd.s32 s0, s19  }
0xb: {  	s17 =	sor.u32 $0x100, s4;
	s12 =	smax.u32 s1, $0x1;
	[dreg:$0x1d] =	wrdreg s6  }
0xc: {  	s20 =	sor.u32 $0x300, s4;
	s2 =	sadd.s32 s2, s5;
	[smem:$0x7EA] =	sst s12  }
0xd: {  	s24 =	smul.u32 $0x1800, s4;
	s4 =	sadd.s32 s3, s5;
	[dreg:$0x1a] =	wrdreg s2  }
0xe: {  	s7 =	smul.u32 $0x300, s17;
	s2 =	sadd.s32 s0, s17;
	[smem:$0x7FC] =	sst s4  }
0xf: {  	s8 =	smul.u32 $0x300, s19;
	s0 =	sadd.s32 s0, s20;
	[dreg:$0x1c] =	wrdreg s2  }
0x10: {  	s25 =	sadd.s32 s3, s7;
	[dreg:$0x1e] =	wrdreg s0  }
0x11: {  	s26 =	sadd.s32 s3, s8;
	[smem:$0x7DD] =	sst s25  }
0x12: {  	s28 =	sadd.s32 $0x300, s4;
	[smem:$0x7DE] =	sst s26  }
0x13: {  	s30 =	sadd.s32 $0x30300, s4;
	[smem:$0x7E0] =	sst s28  }
0x14: {  	s31 =	sadd.s32 $0x60300, s4;
	[smem:$0x7E1] =	sst s30  }
0x15: {  	s5 =	sadd.s32 $0x90300, s4;
	[smem:$0x7E2] =	sst s31  }
0x16: {  	s6 =	sadd.s32 $0x600, s4;
	[smem:$0x7E3] =	sst s5  }
0x17: {  	s13 =	sadd.s32 $0x30600, s4;
	[smem:$0x7E4] =	sst s6  }
0x18: {  	s14 =	sadd.s32 $0x60600, s4;
	[smem:$0x7EB] =	sst s13  }
0x19: {  	s15 =	sadd.s32 $0x90600, s4;
	[smem:$0x7EC] =	sst s14  }
0x1a: {  	s16 =	sadd.s32 $0x30900, s4;
	[smem:$0x7ED] =	sst s15  }
0x1b: {  	s17 =	sadd.s32 $0x60900, s4;
	[smem:$0x7EE] =	sst s16  }
0x1c: {  	s18 =	sadd.s32 $0x90900, s4;
	[smem:$0x7EF] =	sst s17  }
0x1d: {  	s19 =	sadd.s32 $0x30C00, s4;
	[smem:$0x7F0] =	sst s18  }
0x1e: {  	s21 =	smul.u32 $0x300, s20;
	s20 =	sadd.s32 $0x60C00, s4;
	[smem:$0x7F1] =	sst s19  }
0x1f: {  	s22 =	sadd.s32 $0x30F00, s4;
	[smem:$0x7F2] =	sst s20  }
0x20: {  	s23 =	sadd.s32 $0x60F00, s4;
	[smem:$0x7F4] =	sst s22  }
0x21: {  	s29 =	sshrl.u32 s24, $0x3;
	s24 =	sadd.s32 $0x90F00, s4;
	[smem:$0x7F5] =	sst s23  }
0x22: {  	s0 =	sadd.s32 s3, s21;
	[smem:$0x7F6] =	sst s24  }
0x23: {  	s21 =	sadd.s32 $0x90C00, s4;
	[smem:$0x7DF] =	sst s0  }
0x24: {  	s25 =	sadd.s32 $0x31200, s4;
	[smem:$0x7F3] =	sst s21  }
0x25: {  	s26 =	sadd.s32 $0x61200, s4;
	[smem:$0x7F7] =	sst s25  }
0x26: {  	s28 =	sadd.s32 $0x91200, s4;
	[smem:$0x7F8] =	sst s26  }
0x27: {  	s30 =	sadd.s32 $0x61500, s4;
	[smem:$0x7F9] =	sst s28  }
0x28: {  	s31 =	sadd.s32 $0x91500, s4;
	[smem:$0x7FB] =	sst s30  }
0x29: {  	s0 =	sadd.s32 s3, s29;
	s29 =	sadd.s32 $0x31500, s4;
	[smem:$0x7FD] =	sst s31  }
0x2a: {  	s7 =	sadd.s32 $0x900, s0;
	[smem:$0x7FA] =	sst s29  }
0x2b: {  	s8 =	sadd.s32 $0xC00, s0;
	[smem:$0x7E5] =	sst s7  }
0x2c: {  	s5 =	simm.s32 $0x7A00;
	s9 =	sadd.s32 $0xF00, s0;
	[smem:$0x7E6] =	sst s8  }
0x2d: {  	v2 =	vlaneseq.u32;
	s6 =	simm.s32 $0x9200;
	s10 =	sadd.s32 $0x1200, s0;
	[smem:$0x7E7] =	sst s9  }
0x2e: {  	vm0 =	vmmov $0xff;
	vm1 =	vmmov $0xffff;
	v1 =	vshrl.u32 v2, $0x3;
	s2 =	simm.s32 $0x0;
	s0 =	sadd.s32 $0x1500, s0;
	[smem:$0x7E8] =	sst s10  }
0x2f: {  	v0 =	vand.u32 $0x7, v2;
	v2 =	vor.u32 $0x8, v2;
	v1 =	vmul.u32 $0x8, v1;
	s4 =	simm.s32 $0x6200;
	[smem:$0x7E9] =	sst s0;
	s7 =	simm.s32 $0xAA00  }
.LBB2_1:
0x30: {  	[smem:$0x7DB] =	sst s2  }
0x31: {  	s0 =	rddreg [dreg:$0x1a];
	s1 =	simm.s32 $0x12200  }
0x32: {  	[tilespmem:s1], [sflag:$0x1] =	stream.linear.gather [hbm4b:s0+s11], $0xC000, $0x38;
	[tilespmem:$0x1E200] =	vst v63  }
0x33: {  	s12 =	rddreg [dreg:$0x1b]  }
0x34: {  	[tilespmem:s11], [sflag:$0x2] =	stream.linear.gather [hbm4b:s12+s11], $0x40, $0x38;
	[tilespmem:$0x1E200] =	vst v63  }
0x35: {  	s13 =	rddreg [dreg:$0x1c];
	s14 =	simm.s32 $0x40  }
0x36: {  	[tilespmem:s14], [sflag:$0x2] =	stream.linear.gather [hbm4b:s13+s11], $0x40, $0x38;
	[tilespmem:$0x1E200] =	vst v63  }
0x37: {  	s15 =	rddreg [dreg:$0x1d];
	s16 =	simm.s32 $0x80  }
0x38: {  	[tilespmem:s16], [sflag:$0x2] =	stream.linear.gather [hbm4b:s15+s11], $0x40, $0x38;
	[tilespmem:$0x1E200] =	vst v63  }
0x39: {  	s17 =	rddreg [dreg:$0x1e];
	s18 =	simm.s32 $0xC0;
	s19 =	simm.s32 $0x2  }
0x3a: {  	[tilespmem:s18], [sflag:$0x2] =	stream.linear.gather [hbm4b:s17+s11], $0x40, $0x38;
	[tilespmem:$0x1E200] =	vst v63  }
0x3b: {  	_ =	swait.ge [sflag:s19], $0x40  }
0x3c: {  	[sflag:s19] =	ssyncset.done $0x0  }
0x3d: {  	[sflag:s19] =	ssyncadd.s32 $0xFFFFFFC0  }
0x3e: {  	_ =	swait.ge [sflag:s19], $0x40  }
0x3f: {  	[sflag:s19] =	ssyncset.done $0x0  }
0x40: {  	[sflag:s19] =	ssyncadd.s32 $0xFFFFFFC0  }
0x41: {  	_ =	swait.ge [sflag:s19], $0x40  }
0x42: {  	[sflag:s19] =	ssyncset.done $0x0  }
0x43: {  	[sflag:s19] =	ssyncadd.s32 $0xFFFFFFC0  }
0x44: {  	_ =	swait.ge [sflag:s19], $0x40  }
0x45: {  	[sflag:s19] =	ssyncset.done $0x0  }
0x46: {  	[sflag:s19] =	ssyncadd.s32 $0xFFFFFFC0  }
0x47: {  	v3 =	vld [tilespmem:$0x0]  }
0x48: {  	v4 =	vld [tilespmem:$0x38]  }
0x49: {  	v5 =	vld [tilespmem:$0x80]  }
0x4a: {  	v6 =	vld [tilespmem:$0xB8]  }
0x4b: {  	v7 =	vld [tilespmem:$0x8]  }
0x4c: {  	v8 =	vld [tilespmem:$0x40]  }
0x4d: {  	v9 =	vld [tilespmem:$0x88]  }
0x4e: {  	v10 =	vld [tilespmem:$0xC0]  }
0x4f: {  	v11 =	vld [tilespmem:$0x10]  }
0x50: {  	v12 =	vld [tilespmem:$0x48]  }
0x51: {  	v13 =	vld [tilespmem:$0x90]  }
0x52: {  	v14 =	vld [tilespmem:$0xC8]  }
0x53: {  	v15 =	vld [tilespmem:$0x18]  }
0x54: {  	v16 =	vld [tilespmem:$0x50]  }
0x55: {  	v17 =	vld [tilespmem:$0x98]  }
0x56: {  	v18 =	vld [tilespmem:$0xD0]  }
0x57: {  	v19 =	vld [tilespmem:$0x20]  }
0x58: {  	v20 =	vld [tilespmem:$0x58]  }
0x59: {  	v21 =	vld [tilespmem:$0xA0]  }
0x5a: {  	v22 =	vld [tilespmem:$0xD8]  }
0x5b: {  	v23 =	vld [tilespmem:$0x28]  }
0x5c: {  	v5 =	vsel vm0, v5, v6;
	v6 =	vld [tilespmem:$0x60]  }
0x5d: {  	v3 =	vsel vm0, v3, v4;
	v4 =	vsel vm0, v15, v16;
	[tilespmem:$0x110] =	vst v5;
	v5 =	vsel vm0, v7, v8;
	v7 =	vld [tilespmem:$0xA8]  }
0x5e: {  	v8 =	vld [tilespmem:$0xE0];
	[tilespmem:$0x160] =	vst v4  }
0x5f: {  	[tilespmem:$0x120] =	vst v5;
	v5 =	vsel vm0, v9, v10;
	v9 =	vld [tilespmem:$0x30]  }
0x60: {  	v4 =	vsel vm0, v17, v18;
	[tilespmem:$0x100] =	vst v3;
	v10 =	vld [tilespmem:$0x68]  }
0x61: {  	[tilespmem:$0x170] =	vst v4;
	v4 =	vld [tilespmem:$0x38]  }
0x62: {  	[tilespmem:$0x130] =	vst v5;
	v5 =	vsel vm0, v11, v12;
	v11 =	vld [tilespmem:$0xE8];
	v12 =	vshrl.u32 v3, $0x3  }
0x63: {  	[tilespmem:$0x140] =	vst v5;
	v5 =	vsel vm0, v13, v14;
	v12 =	vmul.u32 $0x30, v12;
	v14 =	vld [tilespmem:$0x70]  }
0x64: {  	v3 =	vand.u32 $0x7, v3;
	v13 =	vsel vm0, v19, v20;
	[tilespmem:$0x150] =	vst v5;
	v5 =	vld [tilespmem:$0xB0]  }
0x65: {  	[tilespmem:$0x180] =	vst v13;
	v13 =	vsel vm0, v21, v22;
	v3 =	vor.u32 v3, v12;
	v12 =	vld [tilespmem:$0xB8]  }
0x66: {  	v6 =	vsel vm0, v23, v6;
	[tilespmem:$0x190] =	vst v13;
	v13 =	vld [tilespmem:$0xF0];
	v15 =	vperm.xlane v3, v0  }
0x67: {  	[tilespmem:$0x1A0] =	vst v6;
	v6 =	vsel vm0, v7, v8  }
0x68: {  	[tilespmem:$0x1B0] =	vst v6;
	v6 =	vsel vm0, v9, v10;
	v7 =	vadd.s32 v1, v15  }
0x69: {  	[tilespmem:$0x1C0] =	vst v6;
	v4 =	vsel vm0, v4, v14  }
0x6a: {  	v5 =	vsel vm0, v5, v11;
	[tilespmem:$0x1E0] =	vst v4  }
0x6b: {  	s1 =	rddreg [dreg:$0x1f];
	[tilespmem:$0x1D0] =	vst v5;
	v4 =	vsel vm0, v12, v13  }
0x6c: {  	s20 =	simm.s32 $0x200;
	s0 =	rddreg [dreg:$0x1];
	v3 =	vperm.xlane v3, v2;
	[tilespmem:$0x1F0] =	vst v4  }
0x6d: {  	[tilespmem:s20], [sflag:$0x3] =	stream.indirect_vreg.gather [hbm4b:s0+s11], $0x80, v7, vm1, $0xb8;
	[tilespmem:$0x1E200] =	vst v63  }
0x6e: {  	s21 =	simm.s32 $0xA00;
	s2 =	sld [smem:$0x7DC];
	v3 =	vadd.s32 v1, v3  }
0x6f: {  	[tilespmem:s21], [sflag:$0x3] =	stream.indirect_vreg.gather [hbm4b:s1+s11], $0x80, v7, vm1, $0xb8;
	[tilespmem:$0x1E200] =	vst v63  }
0x70: {  	s3 =	simm.s32 $0x1200  }
0x71: {  	[tilespmem:s3], [sflag:$0x3] =	stream.indirect_vreg.gather [hbm4b:s2+s11], $0x80, v7, vm1, $0xb8;
	[tilespmem:$0x1E200] =	vst v63  }
0x72: {  	s22 =	simm.s32 $0x1A00  }
0x73: {  	[tilespmem:s22], [sflag:$0x3] =	stream.indirect_vreg.gather [hbm4b:s0+s11], $0x80, v3, vm1, $0xb8;
	[tilespmem:$0x1E200] =	vst v63  }
0x74: {  	s23 =	simm.s32 $0x2200  }
0x75: {  	[tilespmem:s23], [sflag:$0x3] =	stream.indirect_vreg.gather [hbm4b:s1+s11], $0x80, v3, vm1, $0xb8;
	[tilespmem:$0x1E200] =	vst v63  }
0x76: {  	s24 =	simm.s32 $0x2A00  }
0x77: {  	[tilespmem:s24], [sflag:$0x3] =	stream.indirect_vreg.gather [hbm4b:s2+s11], $0x80, v3, vm1, $0xb8;
	[tilespmem:$0x1E200] =	vst v63  }
0x78: {  	v3 =	vld [tilespmem:$0x110];
	_ =	sdelay $0x4  }
0x79: {  	v4 =	vshrl.u32 v3, $0x3  }
0x7a: {  	v4 =	vmul.u32 $0x30, v4  }
0x7b: {  	v3 =	vand.u32 $0x7, v3  }
0x7c: {  	v3 =	vor.u32 v3, v4  }
0x7d: {  	v4 =	vperm.xlane v3, v0;
	_ =	sdelay $0x1  }
0x7e: {  	v4 =	vadd.s32 v1, v4;
	_ =	sdelay $0x3  }
0x7f: {  	s25 =	simm.s32 $0x3200;
	v3 =	vperm.xlane v3, v2  }
0x80: {  	[tilespmem:s25], [sflag:$0x3] =	stream.indirect_vreg.gather [hbm4b:s0+s11], $0x80, v4, vm1, $0xb8;
	[tilespmem:$0x1E200] =	vst v63  }
0x81: {  	s26 =	simm.s32 $0x3A00;
	v3 =	vadd.s32 v1, v3  }
0x82: {  	[tilespmem:s26], [sflag:$0x3] =	stream.indirect_vreg.gather [hbm4b:s1+s11], $0x80, v4, vm1, $0xb8;
	[tilespmem:$0x1E200] =	vst v63  }
0x83: {  	s28 =	simm.s32 $0x4200  }
0x84: {  	[tilespmem:s28], [sflag:$0x3] =	stream.indirect_vreg.gather [hbm4b:s2+s11], $0x80, v4, vm1, $0xb8;
	[tilespmem:$0x1E200] =	vst v63  }
0x85: {  	s29 =	simm.s32 $0x4A00  }
0x86: {  	[tilespmem:s29], [sflag:$0x3] =	stream.indirect_vreg.gather [hbm4b:s0+s11], $0x80, v3, vm1, $0xb8;
	[tilespmem:$0x1E200] =	vst v63  }
0x87: {  	s30 =	simm.s32 $0x5200  }
0x88: {  	[tilespmem:s30], [sflag:$0x3] =	stream.indirect_vreg.gather [hbm4b:s1+s11], $0x80, v3, vm1, $0xb8;
	[tilespmem:$0x1E200] =	vst v63  }
0x89: {  	s31 =	simm.s32 $0x5A00  }
0x8a: {  	[tilespmem:s31], [sflag:$0x3] =	stream.indirect_vreg.gather [hbm4b:s2+s11], $0x80, v3, vm1, $0xb8;
	[tilespmem:$0x1E200] =	vst v63  }
0x8b: {  	v3 =	vld [tilespmem:$0x120];
	_ =	sdelay $0x4  }
0x8c: {  	v4 =	vshrl.u32 v3, $0x3  }
0x8d: {  	v4 =	vmul.u32 $0x30, v4  }
0x8e: {  	v3 =	vand.u32 $0x7, v3  }
0x8f: {  	v3 =	vor.u32 v3, v4  }
0x90: {  	v4 =	vperm.xlane v3, v0;
	_ =	sdelay $0x1  }
0x91: {  	v4 =	vadd.s32 v1, v4;
	_ =	sdelay $0x3  }
0x92: {  	v3 =	vperm.xlane v3, v2  }
0x93: {  	[tilespmem:s4], [sflag:$0x4] =	stream.indirect_vreg.gather [hbm4b:s0+s11], $0x80, v4, vm1, $0xb8;
	[tilespmem:$0x1E200] =	vst v63  }
0x94: {  	s8 =	simm.s32 $0x6A00;
	v3 =	vadd.s32 v1, v3  }
0x95: {  	[tilespmem:s8], [sflag:$0x4] =	stream.indirect_vreg.gather [hbm4b:s1+s11], $0x80, v4, vm1, $0xb8;
	[tilespmem:$0x1E200] =	vst v63  }
0x96: {  	s9 =	simm.s32 $0x7200  }
0x97: {  	[tilespmem:s9], [sflag:$0x4] =	stream.indirect_vreg.gather [hbm4b:s2+s11], $0x80, v4, vm1, $0xb8;
	[tilespmem:$0x1E200] =	vst v63  }
0x98: {  	_ = 	snop  }
0x99: {  	[tilespmem:s5], [sflag:$0x4] =	stream.indirect_vreg.gather [hbm4b:s0+s11], $0x80, v3, vm1, $0xb8;
	[tilespmem:$0x1E200] =	vst v63  }
0x9a: {  	s10 =	simm.s32 $0x8200  }
0x9b: {  	[tilespmem:s10], [sflag:$0x4] =	stream.indirect_vreg.gather [hbm4b:s1+s11], $0x80, v3, vm1, $0xb8;
	[tilespmem:$0x1E200] =	vst v63  }
0x9c: {  	s12 =	simm.s32 $0x8A00  }
0x9d: {  	[tilespmem:s12], [sflag:$0x4] =	stream.indirect_vreg.gather [hbm4b:s2+s11], $0x80, v3, vm1, $0xb8;
	[tilespmem:$0x1E200] =	vst v63  }
0x9e: {  	v3 =	vld [tilespmem:$0x130];
	_ =	sdelay $0x4  }
0x9f: {  	v4 =	vshrl.u32 v3, $0x3  }
0xa0: {  	v4 =	vmul.u32 $0x30, v4  }
0xa1: {  	v3 =	vand.u32 $0x7, v3  }
0xa2: {  	v3 =	vor.u32 v3, v4  }
0xa3: {  	v4 =	vperm.xlane v3, v0;
	_ =	sdelay $0x1  }
0xa4: {  	v4 =	vadd.s32 v1, v4;
	_ =	sdelay $0x3  }
0xa5: {  	v3 =	vperm.xlane v3, v2  }
0xa6: {  	[tilespmem:s6], [sflag:$0x4] =	stream.indirect_vreg.gather [hbm4b:s0+s11], $0x80, v4, vm1, $0xb8;
	[tilespmem:$0x1E200] =	vst v63  }
0xa7: {  	s13 =	simm.s32 $0x9A00;
	v3 =	vadd.s32 v1, v3  }
0xa8: {  	[tilespmem:s13], [sflag:$0x4] =	stream.indirect_vreg.gather [hbm4b:s1+s11], $0x80, v4, vm1, $0xb8;
	[tilespmem:$0x1E200] =	vst v63  }
0xa9: {  	s14 =	simm.s32 $0xA200  }
0xaa: {  	[tilespmem:s14], [sflag:$0x4] =	stream.indirect_vreg.gather [hbm4b:s2+s11], $0x80, v4, vm1, $0xb8;
	[tilespmem:$0x1E200] =	vst v63  }
0xab: {  	_ = 	snop  }
0xac: {  	[tilespmem:s7], [sflag:$0x4] =	stream.indirect_vreg.gather [hbm4b:s0+s11], $0x80, v3, vm1, $0xb8;
	[tilespmem:$0x1E200] =	vst v63  }
0xad: {  	s15 =	simm.s32 $0xB200  }
0xae: {  	[tilespmem:s15], [sflag:$0x4] =	stream.indirect_vreg.gather [hbm4b:s1+s11], $0x80, v3, vm1, $0xb8;
	[tilespmem:$0x1E200] =	vst v63  }
0xaf: {  	s16 =	simm.s32 $0xBA00  }
0xb0: {  	[tilespmem:s16], [sflag:$0x4] =	stream.indirect_vreg.gather [hbm4b:s2+s11], $0x80, v3, vm1, $0xb8;
	[tilespmem:$0x1E200] =	vst v63  }
0xb1: {  	v3 =	vld [tilespmem:$0x140];
	_ =	sdelay $0x4  }
0xb2: {  	v4 =	vshrl.u32 v3, $0x3  }
0xb3: {  	v4 =	vmul.u32 $0x30, v4  }
0xb4: {  	v3 =	vand.u32 $0x7, v3  }
0xb5: {  	v3 =	vor.u32 v3, v4  }
0xb6: {  	v4 =	vperm.xlane v3, v0;
	_ =	sdelay $0x1  }
0xb7: {  	v4 =	vadd.s32 v1, v4;
	_ =	sdelay $0x3  }
0xb8: {  	s17 =	simm.s32 $0xC200;
	v3 =	vperm.xlane v3, v2  }
0xb9: {  	[tilespmem:s17], [sflag:$0x5] =	stream.indirect_vreg.gather [hbm4b:s0+s11], $0x80, v4, vm1, $0xb8;
	[tilespmem:$0x1E200] =	vst v63  }
0xba: {  	s18 =	simm.s32 $0xCA00;
	v3 =	vadd.s32 v1, v3  }
0xbb: {  	[tilespmem:s18], [sflag:$0x5] =	stream.indirect_vreg.gather [hbm4b:s1+s11], $0x80, v4, vm1, $0xb8;
	[tilespmem:$0x1E200] =	vst v63  }
0xbc: {  	s19 =	simm.s32 $0xD200  }
0xbd: {  	[tilespmem:s19], [sflag:$0x5] =	stream.indirect_vreg.gather [hbm4b:s2+s11], $0x80, v4, vm1, $0xb8;
	[tilespmem:$0x1E200] =	vst v63  }
0xbe: {  	s20 =	simm.s32 $0xDA00  }
0xbf: {  	[tilespmem:s20], [sflag:$0x5] =	stream.indirect_vreg.gather [hbm4b:s0+s11], $0x80, v3, vm1, $0xb8;
	[tilespmem:$0x1E200] =	vst v63  }
0xc0: {  	s21 =	simm.s32 $0xE200  }
0xc1: {  	[tilespmem:s21], [sflag:$0x5] =	stream.indirect_vreg.gather [hbm4b:s1+s11], $0x80, v3, vm1, $0xb8;
	[tilespmem:$0x1E200] =	vst v63  }
0xc2: {  	s22 =	simm.s32 $0xEA00  }
0xc3: {  	[tilespmem:s22], [sflag:$0x5] =	stream.indirect_vreg.gather [hbm4b:s2+s11], $0x80, v3, vm1, $0xb8;
	[tilespmem:$0x1E200] =	vst v63  }
0xc4: {  	v3 =	vld [tilespmem:$0x150];
	_ =	sdelay $0x4  }
0xc5: {  	v4 =	vshrl.u32 v3, $0x3  }
0xc6: {  	v4 =	vmul.u32 $0x30, v4  }
0xc7: {  	v3 =	vand.u32 $0x7, v3  }
0xc8: {  	v3 =	vor.u32 v3, v4  }
0xc9: {  	v4 =	vperm.xlane v3, v0;
	_ =	sdelay $0x1  }
0xca: {  	v4 =	vadd.s32 v1, v4;
	_ =	sdelay $0x3  }
0xcb: {  	s23 =	simm.s32 $0xF200;
	v3 =	vperm.xlane v3, v2  }
0xcc: {  	[tilespmem:s23], [sflag:$0x5] =	stream.indirect_vreg.gather [hbm4b:s0+s11], $0x80, v4, vm1, $0xb8;
	[tilespmem:$0x1E200] =	vst v63  }
0xcd: {  	s24 =	simm.s32 $0xFA00;
	v3 =	vadd.s32 v1, v3  }
0xce: {  	[tilespmem:s24], [sflag:$0x5] =	stream.indirect_vreg.gather [hbm4b:s1+s11], $0x80, v4, vm1, $0xb8;
	[tilespmem:$0x1E200] =	vst v63  }
0xcf: {  	s25 =	simm.s32 $0x10200  }
0xd0: {  	[tilespmem:s25], [sflag:$0x5] =	stream.indirect_vreg.gather [hbm4b:s2+s11], $0x80, v4, vm1, $0xb8;
	[tilespmem:$0x1E200] =	vst v63  }
0xd1: {  	s26 =	simm.s32 $0x10A00  }
0xd2: {  	[tilespmem:s26], [sflag:$0x5] =	stream.indirect_vreg.gather [hbm4b:s0+s11], $0x80, v3, vm1, $0xb8;
	[tilespmem:$0x1E200] =	vst v63  }
0xd3: {  	s28 =	simm.s32 $0x11200  }
0xd4: {  	[tilespmem:s28], [sflag:$0x5] =	stream.indirect_vreg.gather [hbm4b:s1+s11], $0x80, v3, vm1, $0xb8;
	[tilespmem:$0x1E200] =	vst v63  }
0xd5: {  	s3 =	simm.s32 $0x0;
	s29 =	simm.s32 $0x11A00;
	s30 =	simm.s32 $0x1  }
0xd6: {  	[tilespmem:s29], [sflag:$0x5] =	stream.indirect_vreg.gather [hbm4b:s2+s11], $0x80, v3, vm1, $0xb8;
	[tilespmem:$0x1E200] =	vst v63  }
0xd7: {  	s31 =	simm.s32 $0x3;
	s7 =	simm.s32 $0x0;
	_ =	swait.ge [sflag:s30], $0xC000  }
0xd8: {  	s4 =	simm.s32 $0x0;
	s2 =	sand.u32 $0x4, s7;
	[sflag:s30] =	ssyncset.done $0x0  }
0xd9: {  	s9 =	sand.u32 $0x70, s4;
	s0 =	sshll.u32 s2, $0x7;
	[sflag:s30] =	ssyncadd.s32 $0xFFFF4000  }
0xda: {  	s6 =	sand.u32 $0x1C00, s3;
	s21 =	sor.u32 $0x180, s0;
	_ =	swait.ge [sflag:s31], $0x6000  }
0xdb: {  	s22 =	sor.u32 $0x80, s0;
	s1 =	sor.u32 s21, s6;
	[sflag:s31] =	ssyncset.done $0x0  }
0xdc: {  	s23 =	sor.u32 s22, s6;
	s24 =	sor.u32 s9, s1;
	[sflag:s31] =	ssyncadd.s32 $0xFFFFA000  }
0xdd: {  	s0 =	sor.u32 $0x100, s0;
	s5 =	sor.u32 s9, s23;
	v4 =	vld [tilespmem:s24+$0x200]  }
0xde: {  	s25 =	sor.u32 s0, s6;
	v6 =	vld [tilespmem:s5+$0x200]  }
0xdf: {  	s10 =	sor.u32 s9, s25;
	v3 =	vld [tilespmem:s24+$0x12200]  }
0xe0: {  	s8 =	sand.u32 $0x200, s11;
	s26 =	sor.u32 s6, s9;
	v7 =	vld [tilespmem:s10+$0x200]  }
0xe1: {  	s13 =	sadd.s32 $0x4A00, s6;
	s28 =	sadd.s32 $0x3200, s6;
	s1 =	sor.u32 s8, s26;
	v5 =	vld [tilespmem:s5+$0x12200]  }
0xe2: {  	s3 =	sadd.s32 $0x1A00, s6;
	s16 =	sadd.s32 s8, s13;
	s12 =	sadd.s32 s8, s28;
	v9 =	vld [tilespmem:s1+$0x200];
	v8 =	vmul.f32 $2.771281240e+01, v4  }
0xe3: {  	s14 =	sor.u32 s9, s12;
	s15 =	sadd.s32 s22, s28;
	s17 =	sadd.s32 s22, s13;
	v4 =	vld [tilespmem:s10+$0x12200]  }
0xe4: {  	s19 =	sadd.s32 s0, s13;
	s20 =	sadd.s32 s21, s28;
	s29 =	sadd.s32 s21, s13;
	v10 =	vmul.f32 $2.771281240e+01, v6;
	v6 =	vld [tilespmem:s1+$0x12200];
	v8 =	vadd.f32 v8, v3  }
0xe5: {  	s13 =	sor.u32 s9, s16;
	s30 =	sadd.s32 s8, s3;
	s4 =	sadd.s32 s21, s3;
	v12 =	vld [tilespmem:s14+$0x0]  }
0xe6: {  	s21 =	sadd.s32 s0, s3;
	s31 =	sadd.s32 s22, s3;
	s3 =	sor.u32 s9, s4;
	v13 =	vmul.f32 $2.771281240e+01, v7;
	v7 =	vld [tilespmem:s13+$0x0];
	v10 =	vadd.f32 v10, v5;
	[tilespmem:s24+$0x200] =	vst v8  }
0xe7: {  	s18 =	sadd.s32 s0, s28;
	s11 =	sor.u32 s9, s15;
	v9 =	vmul.f32 $2.771281240e+01, v9;
	v11 =	vld [tilespmem:s3+$0x0]  }
0xe8: {  	s12 =	simm.s32 $0x0;
	s6 =	sor.u32 s9, s17;
	s8 =	sor.u32 s9, s18;
	v8 =	vld [tilespmem:s11+$0x0];
	[tilespmem:s5+$0x200] =	vst v10;
	v14 =	vadd.f32 v13, v4  }
0xe9: {  	s2 =	sor.u32 s9, s19;
	s0 =	sor.u32 s9, s29;
	s16 =	sor.u32 s9, s31;
	v10 =	vld [tilespmem:s6+$0x0];
	v13 =	vadd.f32 v9, v6  }
0xea: {  	s15 =	sor.u32 s9, s21;
	s4 =	sor.u32 s9, s30;
	v12 =	vmul.f32 $2.771281240e+01, v12;
	s5 =	sor.u32 s9, s20;
	v9 =	vld [tilespmem:s16+$0x0];
	[tilespmem:s10+$0x200] =	vst v14  }
.LBB2_2:
0xeb: {  	s7 =	sadd.s32 $0x4, s7;
	[tilespmem:s1+$0x200] =	vst v13;
	v7 =	vmul.f32 $2.771281240e+01, v7;
	v13 =	vld [tilespmem:s15+$0x0];
	s12 =	sadd.s32 $0x200, s12  }
0xec: {  	s1 =	sand.u32 $0x4, s7;
	p0 =	slt.u32 s7, $0x17C;
	v14 =	vld [tilespmem:s4+$0x0];
	v12 =	vadd.f32 v12, v6;
	v11 =	vmul.f32 $2.771281240e+01, v11;
	s9 =	sshll.u32 s7, $0x4  }
0xed: {  	s10 =	sand.u32 $0x200, s12;
	s18 =	sshll.u32 s7, $0x1;
	s1 =	sshll.u32 s1, $0x7;
	v7 =	vadd.f32 v7, v6;
	v8 =	vmul.f32 $2.771281240e+01, v8;
	v15 =	vld [tilespmem:s8+$0x0]  }
0xee: {  	s23 =	sand.u32 $0x1C00, s9;
	s9 =	sand.u32 $0x70, s18;
	s17 =	sor.u32 $0x180, s1;
	[tilespmem:s14+$0x0] =	vst v12;
	v10 =	vmul.f32 $2.771281240e+01, v10;
	v12 =	vld [tilespmem:s2+$0x0];
	v11 =	vadd.f32 v11, v3  }
0xef: {  	s20 =	sor.u32 $0x80, s1;
	s21 =	sor.u32 $0x100, s1;
	s14 =	sor.u32 s17, s23;
	[tilespmem:s13+$0x0] =	vst v7;
	v7 =	vmul.f32 $2.771281240e+01, v9;
	v8 =	vadd.f32 v8, v5;
	v9 =	vld [tilespmem:s5+$0x0]  }
0xf0: {  	s1 =	sor.u32 s23, s9;
	s13 =	sor.u32 s20, s23;
	s22 =	sor.u32 s9, s14;
	v10 =	vadd.f32 v10, v5;
	v13 =	vmul.f32 $2.771281240e+01, v13;
	[tilespmem:s3+$0x0] =	vst v11;
	v11 =	vld [tilespmem:s0+$0x0]  }
0xf1: {  	s18 =	sor.u32 s9, s13;
	s3 =	sor.u32 s21, s23;
	v16 =	vld [tilespmem:s22+$0x200];
	v14 =	vmul.f32 $2.771281240e+01, v14;
	v5 =	vadd.f32 v7, v5;
	[tilespmem:s11+$0x0] =	vst v8;
	s11 =	sadd.s32 $0x3200, s23  }
0xf2: {  	s1 =	sor.u32 s10, s1;
	s19 =	sor.u32 s9, s3;
	v7 =	vld [tilespmem:s18+$0x200];
	[tilespmem:s6+$0x0] =	vst v10;
	v8 =	vadd.f32 v13, v4;
	v10 =	vmul.f32 $2.771281240e+01, v15;
	s3 =	sadd.s32 s10, s11  }
0xf3: {  	s6 =	sadd.s32 $0x4A00, s23;
	s24 =	sadd.s32 s20, s11;
	s25 =	sadd.s32 s21, s11;
	v13 =	vld [tilespmem:s22+$0x12200];
	v6 =	vadd.f32 v14, v6;
	[tilespmem:s16+$0x0] =	vst v5;
	v5 =	vmul.f32 $2.771281240e+01, v12  }
0xf4: {  	s26 =	sadd.s32 s17, s11;
	s13 =	sadd.s32 s10, s6;
	s16 =	sadd.s32 s20, s6;
	v12 =	vld [tilespmem:s19+$0x200];
	[tilespmem:s15+$0x0] =	vst v8;
	v8 =	vadd.f32 v10, v4;
	v9 =	vmul.f32 $2.771281240e+01, v9  }
0xf5: {  	s28 =	sadd.s32 s17, s6;
	s14 =	sor.u32 s9, s3;
	s15 =	sadd.s32 s21, s6;
	v10 =	vld [tilespmem:s1+$0x200];
	[tilespmem:s4+$0x0] =	vst v6;
	v6 =	vadd.f32 v5, v4;
	v11 =	vmul.f32 $2.771281240e+01, v11  }
0xf6: {  	s11 =	sor.u32 s9, s24;
	s3 =	sadd.s32 $0x1A00, s23;
	s13 =	sor.u32 s9, s13;
	v5 =	vld [tilespmem:s18+$0x12200];
	v14 =	vmul.f32 $2.771281240e+01, v16;
	[tilespmem:s8+$0x0] =	vst v8;
	v8 =	vadd.f32 v9, v3  }
0xf7: {  	s6 =	sor.u32 s9, s16;
	s8 =	sor.u32 s9, s25;
	v9 =	vmul.f32 $2.771281240e+01, v7;
	v4 =	vld [tilespmem:s19+$0x12200];
	[tilespmem:s2+$0x0] =	vst v6;
	s2 =	sor.u32 s9, s15;
	v7 =	vadd.f32 v11, v3  }
0xf8: {  	s23 =	sor.u32 s9, s28;
	s4 =	sadd.s32 s10, s3;
	v6 =	vld [tilespmem:s1+$0x12200];
	v11 =	vadd.f32 v14, v13;
	[tilespmem:s5+$0x0] =	vst v8;
	s5 =	sor.u32 s9, s26;
	v3 =	vmov v13  }
0xf9: {  	s10 =	sadd.s32 s20, s3;
	s4 =	sor.u32 s9, s4;
	s15 =	sadd.s32 s17, s3;
	v14 =	vld [tilespmem:s14+$0x0];
	v12 =	vmul.f32 $2.771281240e+01, v12;
	[tilespmem:s0+$0x0] =	vst v7  }
.Ltmp0:
0xfa: {  	s0 =	sadd.s32 s21, s3;
	s3 =	sor.u32 s9, s15;
	v10 =	vmul.f32 $2.771281240e+01, v10;
	v7 =	vld [tilespmem:s13+$0x0];
	[tilespmem:s22+$0x200] =	vst v11;
	(pc) =	sbr.rel @p0 .LBB2_2-.Ltmp0, $4  }
0xfb: {  	s16 =	sor.u32 s9, s10;
	s15 =	sor.u32 s9, s0;
	s0 =	smov.u32 s23;
	v9 =	vadd.f32 v9, v5;
	v11 =	vld [tilespmem:s3+$0x0]  }
0xfc: {  	v8 =	vld [tilespmem:s11+$0x0];
	v15 =	vadd.f32 v12, v4  }
0xfd: {  	v13 =	vadd.f32 v10, v6;
	[tilespmem:s18+$0x200] =	vst v9;
	v10 =	vld [tilespmem:s6+$0x0]  }
0xfe: {  	v12 =	vmul.f32 $2.771281240e+01, v14;
	v9 =	vld [tilespmem:s16+$0x0];
	[tilespmem:s19+$0x200] =	vst v15  }
0xff: {  	_ = 	snop  }
0x100: {  	[tilespmem:s1+$0x200] =	vst v13;
	v13 =	vld [tilespmem:s15+$0x0];
	v11 =	vmul.f32 $2.771281240e+01, v11  }
0x101: {  	v7 =	vmul.f32 $2.771281240e+01, v7;
	v14 =	vld [tilespmem:s4+$0x0];
	v12 =	vadd.f32 v12, v6  }
0x102: {  	v15 =	vld [tilespmem:s8+$0x0];
	v8 =	vmul.f32 $2.771281240e+01, v8;
	v11 =	vadd.f32 v11, v3  }
0x103: {  	v16 =	vld [tilespmem:s2+$0x0];
	v7 =	vadd.f32 v7, v6;
	[tilespmem:s14+$0x0] =	vst v12;
	v10 =	vmul.f32 $2.771281240e+01, v10  }
0x104: {  	v12 =	vld [tilespmem:s5+$0x0];
	v9 =	vmul.f32 $2.771281240e+01, v9;
	v8 =	vadd.f32 v8, v5;
	[tilespmem:s3+$0x0] =	vst v11  }
0x105: {  	[tilespmem:s13+$0x0] =	vst v7;
	v7 =	vadd.f32 v10, v5;
	v10 =	vmul.f32 $2.771281240e+01, v13;
	v11 =	vld [tilespmem:s0+$0x0]  }
0x106: {  	v13 =	vmul.f32 $2.771281240e+01, v14;
	v5 =	vadd.f32 v9, v5;
	[tilespmem:s11+$0x0] =	vst v8  }
0x107: {  	v8 =	vmul.f32 $2.771281240e+01, v15;
	[tilespmem:s6+$0x0] =	vst v7;
	v7 =	vadd.f32 v10, v4  }
0x108: {  	v6 =	vadd.f32 v13, v6;
	[tilespmem:s16+$0x0] =	vst v5;
	v5 =	vmul.f32 $2.771281240e+01, v16  }
0x109: {  	[tilespmem:s15+$0x0] =	vst v7;
	v7 =	vadd.f32 v8, v4;
	v8 =	vmul.f32 $2.771281240e+01, v12  }
0x10a: {  	[tilespmem:s4+$0x0] =	vst v6;
	v4 =	vadd.f32 v5, v4;
	v5 =	vmul.f32 $2.771281240e+01, v11  }
0x10b: {  	[tilespmem:s8+$0x0] =	vst v7;
	v6 =	vadd.f32 v8, v3  }
0x10c: {  	[tilespmem:s2+$0x0] =	vst v4;
	v3 =	vadd.f32 v5, v3  }
0x10d: {  	[tilespmem:s5+$0x0] =	vst v6  }
0x10e: {  	[tilespmem:s0+$0x0] =	vst v3  }
0x10f: {  	s0 =	sld [smem:$0x7FC];
	_ =	sdelay $0x1  }
0x110: {  	s13 =	simm.s32 $0x200;
	s11 =	simm.s32 $0x0;
	s14 =	sld [smem:$0x7DD]  }
0x111: {  	[hbm4b:s0+s11] =	stream.linear.scatter [tilespmem:s13], [sflag:$0x6], $0x1800, $0x38;
	[tilespmem:$0x1E200] =	vst v63  }
0x112: {  	s15 =	simm.s32 $0x1A00;
	s16 =	sld [smem:$0x7DE]  }
0x113: {  	[hbm4b:s14+s11] =	stream.linear.scatter [tilespmem:s15], [sflag:$0x6], $0x1800, $0x38;
	[tilespmem:$0x1E200] =	vst v63  }
0x114: {  	s17 =	simm.s32 $0x3200;
	s18 =	sld [smem:$0x7DF]  }
0x115: {  	[hbm4b:s16+s11] =	stream.linear.scatter [tilespmem:s17], [sflag:$0x6], $0x1800, $0x38;
	[tilespmem:$0x1E200] =	vst v63  }
0x116: {  	s7 =	simm.s32 $0x4A00;
	s19 =	simm.s32 $0x6  }
0x117: {  	[hbm4b:s18+s11] =	stream.linear.scatter [tilespmem:s7], [sflag:$0x6], $0x1800, $0x38;
	[tilespmem:$0x1E200] =	vst v63  }
0x118: {  	_ =	swait.ge [sflag:s19], $0x1800  }
0x119: {  	[sflag:s19] =	ssyncset.done $0x0  }
0x11a: {  	[sflag:s19] =	ssyncadd.s32 $0xFFFFE800  }
0x11b: {  	_ =	swait.ge [sflag:s19], $0x1800  }
0x11c: {  	[sflag:s19] =	ssyncset.done $0x0  }
0x11d: {  	[sflag:s19] =	ssyncadd.s32 $0xFFFFE800  }
0x11e: {  	_ =	swait.ge [sflag:s19], $0x1800  }
0x11f: {  	[sflag:s19] =	ssyncset.done $0x0  }
0x120: {  	[sflag:s19] =	ssyncadd.s32 $0xFFFFE800  }
0x121: {  	_ =	swait.ge [sflag:s19], $0x1800  }
0x122: {  	[sflag:s19] =	ssyncset.done $0x0  }
0x123: {  	[sflag:s19] =	ssyncadd.s32 $0xFFFFE800  }
0x124: {  	v3 =	vld [tilespmem:$0x160];
	_ =	sdelay $0x4  }
0x125: {  	v4 =	vshrl.u32 v3, $0x3  }
0x126: {  	v4 =	vmul.u32 $0x30, v4  }
0x127: {  	v3 =	vand.u32 $0x7, v3  }
0x128: {  	v3 =	vor.u32 v3, v4  }
0x129: {  	v4 =	vperm.xlane v3, v0;
	_ =	sdelay $0x1  }
0x12a: {  	v4 =	vadd.s32 v1, v4;
	_ =	sdelay $0x2  }
0x12b: {  	s20 =	rddreg [dreg:$0x1f]  }
0x12c: {  	s0 =	rddreg [dreg:$0x1];
	v3 =	vperm.xlane v3, v2  }
0x12d: {  	[tilespmem:s13], [sflag:$0x3] =	stream.indirect_vreg.gather [hbm4b:s0+s11], $0x80, v4, vm1, $0xb8;
	[tilespmem:$0x1E200] =	vst v63  }
0x12e: {  	s21 =	simm.s32 $0xA00;
	s22 =	sld [smem:$0x7DC];
	v3 =	vadd.s32 v1, v3  }
0x12f: {  	[tilespmem:s21], [sflag:$0x3] =	stream.indirect_vreg.gather [hbm4b:s20+s11], $0x80, v4, vm1, $0xb8;
	[tilespmem:$0x1E200] =	vst v63  }
0x130: {  	s23 =	simm.s32 $0x1200  }
0x131: {  	[tilespmem:s23], [sflag:$0x3] =	stream.indirect_vreg.gather [hbm4b:s22+s11], $0x80, v4, vm1, $0xb8;
	[tilespmem:$0x1E200] =	vst v63  }
0x132: {  	_ = 	snop  }
0x133: {  	[tilespmem:s15], [sflag:$0x3] =	stream.indirect_vreg.gather [hbm4b:s0+s11], $0x80, v3, vm1, $0xb8;
	[tilespmem:$0x1E200] =	vst v63  }
0x134: {  	s24 =	simm.s32 $0x2200  }
0x135: {  	[tilespmem:s24], [sflag:$0x3] =	stream.indirect_vreg.gather [hbm4b:s20+s11], $0x80, v3, vm1, $0xb8;
	[tilespmem:$0x1E200] =	vst v63  }
0x136: {  	s25 =	simm.s32 $0x2A00  }
0x137: {  	[tilespmem:s25], [sflag:$0x3] =	stream.indirect_vreg.gather [hbm4b:s22+s11], $0x80, v3, vm1, $0xb8;
	[tilespmem:$0x1E200] =	vst v63  }
0x138: {  	v3 =	vld [tilespmem:$0x170];
	_ =	sdelay $0x4  }
0x139: {  	v4 =	vshrl.u32 v3, $0x3  }
0x13a: {  	v4 =	vmul.u32 $0x30, v4  }
0x13b: {  	v3 =	vand.u32 $0x7, v3  }
0x13c: {  	v3 =	vor.u32 v3, v4  }
0x13d: {  	v4 =	vperm.xlane v3, v0;
	_ =	sdelay $0x1  }
0x13e: {  	v4 =	vadd.s32 v1, v4;
	_ =	sdelay $0x3  }
0x13f: {  	v3 =	vperm.xlane v3, v2  }
0x140: {  	[tilespmem:s17], [sflag:$0x3] =	stream.indirect_vreg.gather [hbm4b:s0+s11], $0x80, v4, vm1, $0xb8;
	[tilespmem:$0x1E200] =	vst v63  }
0x141: {  	s26 =	simm.s32 $0x3A00;
	v3 =	vadd.s32 v1, v3  }
0x142: {  	[tilespmem:s26], [sflag:$0x3] =	stream.indirect_vreg.gather [hbm4b:s20+s11], $0x80, v4, vm1, $0xb8;
	[tilespmem:$0x1E200] =	vst v63  }
0x143: {  	s28 =	simm.s32 $0x4200;
	s29 =	simm.s32 $0x5200;
	s5 =	simm.s32 $0x0  }
0x144: {  	[tilespmem:s28], [sflag:$0x3] =	stream.indirect_vreg.gather [hbm4b:s22+s11], $0x80, v4, vm1, $0xb8;
	[tilespmem:$0x1E200] =	vst v63  }
0x145: {  	s30 =	simm.s32 $0x5A00;
	s4 =	simm.s32 $0x0;
	s6 =	sand.u32 $0x1C00, s5  }
0x146: {  	[tilespmem:s7], [sflag:$0x3] =	stream.indirect_vreg.gather [hbm4b:s0+s11], $0x80, v3, vm1, $0xb8;
	[tilespmem:$0x1E200] =	vst v63  }
0x147: {  	s31 =	simm.s32 $0x4;
	s14 =	sor.u32 $0x6200, s6;
	s0 =	sand.u32 $0x4, s4  }
0x148: {  	[tilespmem:s29], [sflag:$0x3] =	stream.indirect_vreg.gather [hbm4b:s20+s11], $0x80, v3, vm1, $0xb8;
	[tilespmem:$0x1E200] =	vst v63  }
0x149: {  	s13 =	simm.s32 $0x0;
	s4 =	sand.u32 $0x200, s11;
	s12 =	sshll.u32 s0, $0x7  }
0x14a: {  	[tilespmem:s30], [sflag:$0x3] =	stream.indirect_vreg.gather [hbm4b:s22+s11], $0x80, v3, vm1, $0xb8;
	[tilespmem:$0x1E200] =	vst v63  }
0x14b: {  	s0 =	sand.u32 $0x70, s13;
	s15 =	sor.u32 $0x180, s12;
	_ =	swait.ge [sflag:s31], $0x6000  }
0x14c: {  	s29 =	sadd.s32 s15, s14;
	s30 =	sor.u32 s0, s6;
	[sflag:s31] =	ssyncset.done $0x0  }
0x14d: {  	s9 =	sor.u32 s0, s29;
	s7 =	sadd.s32 $0x1800, s30;
	[sflag:s31] =	ssyncadd.s32 $0xFFFFA000  }
0x14e: {  	s1 =	sadd.s32 s4, s14;
	s3 =	sor.u32 $0x80, s12;
	s31 =	sor.u32 s15, s7;
	v4 =	vld [tilespmem:s9+$0x0]  }
0x14f: {  	s10 =	sor.u32 s0, s1;
	s19 =	sadd.s32 s3, s14;
	v12 =	vld [tilespmem:s31+$0x12200]  }
0x150: {  	s2 =	sor.u32 $0x100, s12;
	s20 =	sor.u32 s0, s19;
	v6 =	vld [tilespmem:s10+$0x0]  }
0x151: {  	s5 =	sadd.s32 s2, s14;
	s1 =	sor.u32 s4, s7;
	v7 =	vld [tilespmem:s20+$0x0]  }
0x152: {  	s21 =	sor.u32 s0, s5;
	v3 =	vld [tilespmem:s1+$0x12200]  }
0x153: {  	s8 =	sor.u32 s3, s7;
	v8 =	vld [tilespmem:s21+$0x0];
	v4 =	vmul.f32 $2.771281240e+01, v4  }
0x154: {  	v5 =	vld [tilespmem:s8+$0x12200]  }
0x155: {  	s5 =	sor.u32 s2, s7;
	v6 =	vmul.f32 $2.771281240e+01, v6;
	v9 =	vadd.f32 v4, v12  }
0x156: {  	v4 =	vld [tilespmem:s5+$0x12200]  }
0x157: {  	s22 =	sadd.s32 $0xAA00, s6;
	v7 =	vmul.f32 $2.771281240e+01, v7;
	v6 =	vadd.f32 v6, v3;
	[tilespmem:s9+$0x0] =	vst v9  }
0x158: {  	s23 =	sadd.s32 s4, s22;
	v9 =	vld [tilespmem:s31+$0x6200]  }
0x159: {  	s16 =	sor.u32 s0, s23;
	v8 =	vmul.f32 $2.771281240e+01, v8;
	v7 =	vadd.f32 v7, v5;
	[tilespmem:s10+$0x0] =	vst v6  }
0x15a: {  	s26 =	simm.s32 $0x40;
	s28 =	simm.s32 $0x8;
	s12 =	simm.s32 $0x4;
	v6 =	vld [tilespmem:s16+$0x0]  }
0x15b: {  	s13 =	simm.s32 $0x200;
	s17 =	sand.u32 $0x4, s12;
	s7 =	sadd.s32 s15, s22;
	[tilespmem:s20+$0x0] =	vst v7;
	v10 =	vld [tilespmem:s1+$0x6200];
	v8 =	vadd.f32 v8, v4  }
0x15c: {  	s19 =	sshll.u32 s17, $0x7;
	s24 =	sadd.s32 s3, s22;
	s9 =	sor.u32 s0, s7;
	v7 =	vld [tilespmem:s8+$0x6200]  }
0x15d: {  	s25 =	sadd.s32 s2, s22;
	s18 =	sor.u32 s0, s24;
	v14 =	vld [tilespmem:s9+$0x0];
	[tilespmem:s21+$0x0] =	vst v8;
	s21 =	sand.u32 $0x1C00, s26;
	v9 =	vmul.f32 $2.771281240e+01, v9  }
0x15e: {  	s14 =	sor.u32 $0x180, s19;
	s7 =	sand.u32 $0x70, s28;
	v11 =	vld [tilespmem:s18+$0x0];
	s22 =	sor.u32 $0x6200, s21  }
0x15f: {  	s10 =	sor.u32 s0, s25;
	v8 =	vld [tilespmem:s5+$0x6200];
	s30 =	sor.u32 s7, s21;
	s29 =	sadd.s32 s14, s22;
	v9 =	vadd.f32 v9, v12  }
0x160: {  	s25 =	sadd.s32 $0x9200, s6;
	v13 =	vld [tilespmem:s10+$0x0];
	v6 =	vmul.f32 $2.771281240e+01, v6;
	s23 =	sadd.s32 $0x1800, s30;
	s26 =	sor.u32 s7, s29  }
0x161: {  	s17 =	sand.u32 $0x200, s13;
	s6 =	sadd.s32 s15, s25;
	s11 =	sor.u32 s14, s23;
	v15 =	vld [tilespmem:s26+$0x0];
	[tilespmem:s31+$0x6200] =	vst v9;
	v9 =	vmul.f32 $2.771281240e+01, v10  }
0x162: {  	s20 =	sor.u32 $0x80, s19;
	s24 =	sor.u32 s0, s6;
	v14 =	vmul.f32 $2.771281240e+01, v14;
	v16 =	vadd.f32 v6, v3;
	v6 =	vld [tilespmem:s11+$0x12200];
	s31 =	sadd.s32 s17, s22  }
0x163: {  	v7 =	vmul.f32 $2.771281240e+01, v7;
	s15 =	sadd.s32 s20, s22;
	v10 =	vld [tilespmem:s24+$0x0];
	s28 =	sor.u32 s7, s31;
	v9 =	vadd.f32 v9, v3  }
0x164: {  	s19 =	sor.u32 $0x100, s19;
	s6 =	sor.u32 s7, s15;
	v14 =	vadd.f32 v14, v12;
	[tilespmem:s16+$0x0] =	vst v16;
	v8 =	vmul.f32 $2.771281240e+01, v8;
	v17 =	vld [tilespmem:s28+$0x0]  }
0x165: {  	s15 =	sor.u32 s17, s23;
	v18 =	vld [tilespmem:s6+$0x0];
	s22 =	sadd.s32 s19, s22;
	v16 =	vadd.f32 v7, v5;
	[tilespmem:s1+$0x6200] =	vst v9;
	v9 =	vmul.f32 $2.771281240e+01, v13  }
0x166: {  	v11 =	vmul.f32 $2.771281240e+01, v11;
	v7 =	vld [tilespmem:s15+$0x12200];
	[tilespmem:s9+$0x0] =	vst v14;
	v8 =	vadd.f32 v8, v4;
	s1 =	sor.u32 s7, s22  }
0x167: {  	s16 =	sor.u32 s20, s23;
	[tilespmem:s8+$0x6200] =	vst v16;
	v15 =	vmul.f32 $2.771281240e+01, v15;
	v13 =	vld [tilespmem:s1+$0x0];
	v16 =	vadd.f32 v9, v4  }
0x168: {  	s4 =	sadd.s32 s4, s25;
	v11 =	vadd.f32 v11, v5;
	s8 =	sor.u32 s19, s23;
	[tilespmem:s5+$0x6200] =	vst v8;
	v9 =	vld [tilespmem:s16+$0x12200]  }
0x169: {  	s3 =	sadd.s32 s3, s25;
	s22 =	sor.u32 s0, s4;
	v8 =	vld [tilespmem:s8+$0x12200];
	v15 =	vadd.f32 v15, v6;
	v17 =	vmul.f32 $2.771281240e+01, v17;
	[tilespmem:s10+$0x0] =	vst v16;
	v16 =	vmul.f32 $2.771281240e+01, v10  }
0x16a: {  	s23 =	sor.u32 s0, s3;
	[tilespmem:s18+$0x0] =	vst v11;
	v11 =	vld [tilespmem:s22+$0x0]  }
0x16b: {  	s2 =	sadd.s32 s2, s25;
	[tilespmem:s26+$0x0] =	vst v15;
	s26 =	sadd.s32 $0xAA00, s21;
	v10 =	vld [tilespmem:s23+$0x0];
	v15 =	vadd.f32 v17, v7;
	v14 =	vadd.f32 v16, v12;
	v16 =	vmul.f32 $2.771281240e+01, v18  }
0x16c: {  	s18 =	sor.u32 s0, s2;
	s29 =	sadd.s32 s17, s26;
	s30 =	sadd.s32 s20, s26;
	v17 =	vmul.f32 $2.771281240e+01, v13;
	v13 =	vld [tilespmem:s11+$0x6200]  }
0x16d: {  	s31 =	sadd.s32 s19, s26;
	s3 =	sadd.s32 s14, s26;
	s4 =	sor.u32 s7, s29;
	v12 =	vld [tilespmem:s18+$0x0];
	[tilespmem:s28+$0x0] =	vst v15;
	v16 =	vadd.f32 v16, v9  }
0x16e: {  	s0 =	sor.u32 s7, s30;
	s5 =	sor.u32 s7, s31;
	s2 =	sor.u32 s7, s3;
	[tilespmem:s24+$0x0] =	vst v14;
	v14 =	vld [tilespmem:s4+$0x0];
	v15 =	vadd.f32 v17, v8  }
.LBB2_4:
0x16f: {  	s12 =	sadd.s32 $0x4, s12;
	v17 =	vld [tilespmem:s15+$0x6200];
	[tilespmem:s6+$0x0] =	vst v16;
	s13 =	sadd.s32 $0x200, s13;
	v11 =	vmul.f32 $2.771281240e+01, v11  }
0x170: {  	s3 =	sshll.u32 s12, $0x4;
	s6 =	sand.u32 $0x4, s12;
	p0 =	slt.u32 s12, $0x17C;
	v16 =	vld [tilespmem:s16+$0x6200];
	[tilespmem:s1+$0x0] =	vst v15;
	v10 =	vmul.f32 $2.771281240e+01, v10  }
0x171: {  	s24 =	sand.u32 $0x200, s13;
	s3 =	sand.u32 $0x1C00, s3;
	s1 =	sshll.u32 s6, $0x7;
	v15 =	vld [tilespmem:s8+$0x6200];
	v13 =	vmul.f32 $2.771281240e+01, v13;
	v11 =	vadd.f32 v11, v3;
	v3 =	vmov v7  }
0x172: {  	s6 =	sshll.u32 s12, $0x1;
	s30 =	sor.u32 $0x6200, s3;
	s9 =	sor.u32 $0x180, s1;
	v7 =	vld [tilespmem:s0+$0x0];
	v10 =	vadd.f32 v10, v5;
	v12 =	vmul.f32 $2.771281240e+01, v12;
	v5 =	vmov v9  }
0x173: {  	s29 =	sadd.s32 $0x9200, s21;
	s10 =	sand.u32 $0x70, s6;
	s6 =	sadd.s32 s9, s30;
	v9 =	vmul.f32 $2.771281240e+01, v14;
	v14 =	vld [tilespmem:s5+$0x0];
	v13 =	vadd.f32 v13, v6;
	[tilespmem:s22+$0x0] =	vst v11  }
0x174: {  	s22 =	sor.u32 s10, s3;
	s21 =	sor.u32 s10, s6;
	v11 =	vmul.f32 $2.771281240e+01, v17;
	s6 =	sadd.s32 s14, s29;
	v17 =	vld [tilespmem:s2+$0x0];
	[tilespmem:s23+$0x0] =	vst v10;
	v10 =	vadd.f32 v12, v4;
	v4 =	vmov v8  }
0x175: {  	s25 =	sor.u32 $0x80, s1;
	s22 =	sadd.s32 $0x1800, s22;
	v8 =	vld [tilespmem:s21+$0x0];
	v9 =	vadd.f32 v9, v3;
	v12 =	vmul.f32 $2.771281240e+01, v16;
	[tilespmem:s11+$0x6200] =	vst v13;
	s14 =	sor.u32 s7, s6  }
0x176: {  	s26 =	sor.u32 $0x100, s1;
	s6 =	sadd.s32 s24, s30;
	s11 =	sor.u32 s9, s22;
	v11 =	vadd.f32 v11, v3;
	v13 =	vmul.f32 $2.771281240e+01, v15;
	v15 =	vld [tilespmem:s14+$0x0];
	[tilespmem:s18+$0x0] =	vst v10  }
0x177: {  	s1 =	sadd.s32 s25, s30;
	s28 =	sor.u32 s10, s6;
	s18 =	sadd.s32 s26, s30;
	v10 =	vld [tilespmem:s11+$0x12200];
	[tilespmem:s4+$0x0] =	vst v9;
	v9 =	vadd.f32 v12, v5;
	v7 =	vmul.f32 $2.771281240e+01, v7  }
0x178: {  	s6 =	sor.u32 s10, s1;
	s1 =	sor.u32 s10, s18;
	v12 =	vld [tilespmem:s28+$0x0];
	[tilespmem:s15+$0x6200] =	vst v11;
	s15 =	sor.u32 s24, s22;
	v11 =	vadd.f32 v13, v4;
	v13 =	vmul.f32 $2.771281240e+01, v14  }
0x179: {  	s30 =	sor.u32 s26, s22;
	s18 =	sadd.s32 $0xAA00, s3;
	v14 =	vld [tilespmem:s6+$0x0];
	[tilespmem:s16+$0x6200] =	vst v9;
	s16 =	sor.u32 s25, s22;
	v9 =	vadd.f32 v7, v5;
	v16 =	vmul.f32 $2.771281240e+01, v17  }
0x17a: {  	s17 =	sadd.s32 s17, s29;
	s20 =	sadd.s32 s20, s29;
	s4 =	sadd.s32 s24, s18;
	v17 =	vld [tilespmem:s1+$0x0];
	v8 =	vmul.f32 $2.771281240e+01, v8;
	[tilespmem:s8+$0x6200] =	vst v11;
	v11 =	vadd.f32 v13, v4  }
0x17b: {  	s19 =	sadd.s32 s19, s29;
	s31 =	sadd.s32 s26, s18;
	s8 =	sadd.s32 s25, s18;
	v7 =	vld [tilespmem:s15+$0x12200];
	[tilespmem:s0+$0x0] =	vst v9;
	v13 =	vmul.f32 $2.771281240e+01, v15;
	v15 =	vadd.f32 v16, v6  }
0x17c: {  	s29 =	sadd.s32 s9, s18;
	s4 =	sor.u32 s10, s4;
	s22 =	sor.u32 s7, s17;
	v9 =	vld [tilespmem:s16+$0x12200];
	v16 =	vadd.f32 v8, v10;
	[tilespmem:s5+$0x0] =	vst v11  }
0x17d: {  	s23 =	sor.u32 s7, s20;
	s18 =	sor.u32 s7, s19;
	s0 =	sor.u32 s10, s8;
	v12 =	vmul.f32 $2.771281240e+01, v12;
	v8 =	vld [tilespmem:s30+$0x12200];
	v13 =	vadd.f32 v13, v6;
	[tilespmem:s2+$0x0] =	vst v15;
	v6 =	vmov v10  }
.Ltmp1:
0x17e: {  	s5 =	sor.u32 s10, s31;
	s2 =	sor.u32 s10, s29;
	v14 =	vmul.f32 $2.771281240e+01, v14;
	[tilespmem:s21+$0x0] =	vst v16;
	v11 =	vld [tilespmem:s22+$0x0];
	(pc) =	sbr.rel @p0 .LBB2_4-.Ltmp1, $4  }
0x17f: {  	s17 =	smov.u32 s24;
	s21 =	smov.u32 s3;
	v15 =	vmul.f32 $2.771281240e+01, v17;
	v10 =	vld [tilespmem:s23+$0x0];
	[tilespmem:s14+$0x0] =	vst v13;
	s14 =	smov.u32 s9  }
0x180: {  	s20 =	smov.u32 s25;
	s7 =	smov.u32 s10;
	s19 =	smov.u32 s26;
	v17 =	vadd.f32 v12, v7;
	v13 =	vld [tilespmem:s11+$0x6200]  }
0x181: {  	s8 =	smov.u32 s30;
	v16 =	vadd.f32 v14, v9;
	v12 =	vld [tilespmem:s18+$0x0]  }
0x182: {  	[tilespmem:s28+$0x0] =	vst v17;
	v14 =	vld [tilespmem:s4+$0x0];
	v15 =	vadd.f32 v15, v8  }
0x183: {  	v17 =	vld [tilespmem:s15+$0x6200];
	[tilespmem:s6+$0x0] =	vst v16  }
0x184: {  	v16 =	vld [tilespmem:s16+$0x6200];
	[tilespmem:s1+$0x0] =	vst v15  }
0x185: {  	v15 =	vld [tilespmem:s8+$0x6200]  }
0x186: {  	v18 =	vld [tilespmem:s0+$0x0];
	v13 =	vmul.f32 $2.771281240e+01, v13  }
0x187: {  	v19 =	vld [tilespmem:s5+$0x0];
	v14 =	vmul.f32 $2.771281240e+01, v14  }
0x188: {  	v13 =	vadd.f32 v13, v6;
	v17 =	vmul.f32 $2.771281240e+01, v17  }
0x189: {  	v14 =	vadd.f32 v14, v7;
	v16 =	vmul.f32 $2.771281240e+01, v16  }
0x18a: {  	v20 =	vld [tilespmem:s2+$0x0];
	[tilespmem:s11+$0x6200] =	vst v13;
	v13 =	vadd.f32 v17, v7;
	v15 =	vmul.f32 $2.771281240e+01, v15  }
0x18b: {  	s13 =	sadd.s32 $0x9200, s21;
	[tilespmem:s4+$0x0] =	vst v14;
	v14 =	vadd.f32 v16, v9;
	v16 =	vmul.f32 $2.771281240e+01, v18  }
0x18c: {  	s3 =	sadd.s32 s14, s13;
	[tilespmem:s15+$0x6200] =	vst v13;
	v13 =	vadd.f32 v15, v8;
	v15 =	vmul.f32 $2.771281240e+01, v19  }
0x18d: {  	s14 =	sadd.s32 s17, s13;
	s3 =	sor.u32 s7, s3;
	[tilespmem:s16+$0x6200] =	vst v14;
	v14 =	vadd.f32 v16, v9  }
0x18e: {  	s4 =	sor.u32 s7, s14;
	s15 =	sadd.s32 s20, s13;
	v16 =	vld [tilespmem:s3+$0x0];
	[tilespmem:s8+$0x6200] =	vst v13;
	v13 =	vadd.f32 v15, v8  }
0x18f: {  	v11 =	vmul.f32 $2.771281240e+01, v11;
	s16 =	sadd.s32 s19, s13;
	s17 =	sor.u32 s7, s15;
	[tilespmem:s0+$0x0] =	vst v14;
	v14 =	vld [tilespmem:s4+$0x0]  }
0x190: {  	v10 =	vmul.f32 $2.771281240e+01, v10;
	s0 =	sor.u32 s7, s16;
	[tilespmem:s5+$0x0] =	vst v13;
	v13 =	vld [tilespmem:s17+$0x0]  }
0x191: {  	v3 =	vadd.f32 v11, v3;
	v11 =	vmul.f32 $2.771281240e+01, v12;
	v12 =	vld [tilespmem:s0+$0x0]  }
0x192: {  	v5 =	vadd.f32 v10, v5;
	v10 =	vmul.f32 $2.771281240e+01, v20  }
0x193: {  	[tilespmem:s22+$0x0] =	vst v3;
	v3 =	vadd.f32 v11, v4;
	v4 =	vmul.f32 $2.771281240e+01, v16  }
0x194: {  	[tilespmem:s23+$0x0] =	vst v5;
	v5 =	vadd.f32 v10, v6;
	v10 =	vmul.f32 $2.771281240e+01, v14  }
0x195: {  	[tilespmem:s18+$0x0] =	vst v3;
	v3 =	vadd.f32 v4, v6;
	v4 =	vmul.f32 $2.771281240e+01, v13  }
0x196: {  	[tilespmem:s2+$0x0] =	vst v5;
	v5 =	vadd.f32 v10, v7;
	v6 =	vmul.f32 $2.771281240e+01, v12  }
0x197: {  	[tilespmem:s3+$0x0] =	vst v3;
	v3 =	vadd.f32 v4, v9  }
0x198: {  	[tilespmem:s4+$0x0] =	vst v5;
	v4 =	vadd.f32 v6, v8  }
0x199: {  	[tilespmem:s17+$0x0] =	vst v3  }
0x19a: {  	[tilespmem:s0+$0x0] =	vst v4  }
0x19b: {  	s1 =	sld [smem:$0x7E0];
	_ =	sdelay $0x1  }
0x19c: {  	s18 =	simm.s32 $0x6200;
	s0 =	simm.s32 $0x0;
	s19 =	sld [smem:$0x7E1]  }
0x19d: {  	[hbm4b:s1+s0] =	stream.linear.scatter [tilespmem:s18], [sflag:$0x7], $0x1800, $0x38;
	[tilespmem:$0x1E200] =	vst v63  }
0x19e: {  	s20 =	simm.s32 $0x7A00;
	s21 =	sld [smem:$0x7E2]  }
0x19f: {  	[hbm4b:s19+s0] =	stream.linear.scatter [tilespmem:s20], [sflag:$0x7], $0x1800, $0x38;
	[tilespmem:$0x1E200] =	vst v63  }
0x1a0: {  	s22 =	simm.s32 $0x9200;
	s23 =	sld [smem:$0x7E3]  }
0x1a1: {  	[hbm4b:s21+s0] =	stream.linear.scatter [tilespmem:s22], [sflag:$0x7], $0x1800, $0x38;
	[tilespmem:$0x1E200] =	vst v63  }
0x1a2: {  	s24 =	simm.s32 $0xAA00;
	s25 =	simm.s32 $0x7  }
0x1a3: {  	[hbm4b:s23+s0] =	stream.linear.scatter [tilespmem:s24], [sflag:$0x7], $0x1800, $0x38;
	[tilespmem:$0x1E200] =	vst v63  }
0x1a4: {  	_ =	swait.ge [sflag:s25], $0x1800  }
0x1a5: {  	[sflag:s25] =	ssyncset.done $0x0  }
0x1a6: {  	[sflag:s25] =	ssyncadd.s32 $0xFFFFE800  }
0x1a7: {  	_ =	swait.ge [sflag:s25], $0x1800  }
0x1a8: {  	[sflag:s25] =	ssyncset.done $0x0  }
0x1a9: {  	[sflag:s25] =	ssyncadd.s32 $0xFFFFE800  }
0x1aa: {  	_ =	swait.ge [sflag:s25], $0x1800  }
0x1ab: {  	[sflag:s25] =	ssyncset.done $0x0  }
0x1ac: {  	[sflag:s25] =	ssyncadd.s32 $0xFFFFE800  }
0x1ad: {  	_ =	swait.ge [sflag:s25], $0x1800  }
0x1ae: {  	[sflag:s25] =	ssyncset.done $0x0  }
0x1af: {  	[sflag:s25] =	ssyncadd.s32 $0xFFFFE800  }
0x1b0: {  	v3 =	vld [tilespmem:$0x180];
	_ =	sdelay $0x4  }
0x1b1: {  	v4 =	vshrl.u32 v3, $0x3  }
0x1b2: {  	v4 =	vmul.u32 $0x30, v4  }
0x1b3: {  	v3 =	vand.u32 $0x7, v3  }
0x1b4: {  	v3 =	vor.u32 v3, v4  }
0x1b5: {  	v4 =	vperm.xlane v3, v0;
	_ =	sdelay $0x1  }
0x1b6: {  	v4 =	vadd.s32 v1, v4;
	_ =	sdelay $0x2  }
0x1b7: {  	s26 =	rddreg [dreg:$0x1f]  }
0x1b8: {  	s1 =	rddreg [dreg:$0x1];
	v3 =	vperm.xlane v3, v2  }
0x1b9: {  	[tilespmem:s18], [sflag:$0x4] =	stream.indirect_vreg.gather [hbm4b:s1+s0], $0x80, v4, vm1, $0xb8;
	[tilespmem:$0x1E200] =	vst v63  }
0x1ba: {  	s29 =	simm.s32 $0x6A00;
	s31 =	sld [smem:$0x7DC];
	v3 =	vadd.s32 v1, v3  }
0x1bb: {  	[tilespmem:s29], [sflag:$0x4] =	stream.indirect_vreg.gather [hbm4b:s26+s0], $0x80, v4, vm1, $0xb8;
	[tilespmem:$0x1E200] =	vst v63  }
0x1bc: {  	s8 =	simm.s32 $0x7200  }
0x1bd: {  	[tilespmem:s8], [sflag:$0x4] =	stream.indirect_vreg.gather [hbm4b:s31+s0], $0x80, v4, vm1, $0xb8;
	[tilespmem:$0x1E200] =	vst v63  }
0x1be: {  	_ = 	snop  }
0x1bf: {  	[tilespmem:s20], [sflag:$0x4] =	stream.indirect_vreg.gather [hbm4b:s1+s0], $0x80, v3, vm1, $0xb8;
	[tilespmem:$0x1E200] =	vst v63  }
0x1c0: {  	s9 =	simm.s32 $0x8200  }
0x1c1: {  	[tilespmem:s9], [sflag:$0x4] =	stream.indirect_vreg.gather [hbm4b:s26+s0], $0x80, v3, vm1, $0xb8;
	[tilespmem:$0x1E200] =	vst v63  }
0x1c2: {  	s10 =	simm.s32 $0x8A00  }
0x1c3: {  	[tilespmem:s10], [sflag:$0x4] =	stream.indirect_vreg.gather [hbm4b:s31+s0], $0x80, v3, vm1, $0xb8;
	[tilespmem:$0x1E200] =	vst v63  }
0x1c4: {  	v3 =	vld [tilespmem:$0x190];
	_ =	sdelay $0x4  }
0x1c5: {  	v4 =	vshrl.u32 v3, $0x3  }
0x1c6: {  	v4 =	vmul.u32 $0x30, v4  }
0x1c7: {  	v3 =	vand.u32 $0x7, v3  }
0x1c8: {  	v3 =	vor.u32 v3, v4  }
0x1c9: {  	v4 =	vperm.xlane v3, v0;
	_ =	sdelay $0x1  }
0x1ca: {  	v4 =	vadd.s32 v1, v4;
	_ =	sdelay $0x3  }
0x1cb: {  	v3 =	vperm.xlane v3, v2  }
0x1cc: {  	[tilespmem:s22], [sflag:$0x4] =	stream.indirect_vreg.gather [hbm4b:s1+s0], $0x80, v4, vm1, $0xb8;
	[tilespmem:$0x1E200] =	vst v63  }
0x1cd: {  	s11 =	simm.s32 $0x9A00;
	v3 =	vadd.s32 v1, v3  }
0x1ce: {  	[tilespmem:s11], [sflag:$0x4] =	stream.indirect_vreg.gather [hbm4b:s26+s0], $0x80, v4, vm1, $0xb8;
	[tilespmem:$0x1E200] =	vst v63  }
0x1cf: {  	s12 =	simm.s32 $0xA200;
	s14 =	simm.s32 $0xBA00;
	s13 =	simm.s32 $0xB200  }
0x1d0: {  	[tilespmem:s12], [sflag:$0x4] =	stream.indirect_vreg.gather [hbm4b:s31+s0], $0x80, v4, vm1, $0xb8;
	[tilespmem:$0x1E200] =	vst v63  }
0x1d1: {  	s15 =	simm.s32 $0x5;
	s16 =	simm.s32 $0x0;
	s17 =	simm.s32 $0x0  }
0x1d2: {  	[tilespmem:s24], [sflag:$0x4] =	stream.indirect_vreg.gather [hbm4b:s1+s0], $0x80, v3, vm1, $0xb8;
	[tilespmem:$0x1E200] =	vst v63  }
0x1d3: {  	s4 =	sand.u32 $0x1C00, s17;
	s20 =	simm.s32 $0x0;
	s1 =	sand.u32 $0x4, s16  }
0x1d4: {  	[tilespmem:s13], [sflag:$0x4] =	stream.indirect_vreg.gather [hbm4b:s26+s0], $0x80, v3, vm1, $0xb8;
	[tilespmem:$0x1E200] =	vst v63  }
0x1d5: {  	s21 =	sor.u32 $0xC200, s4;
	s19 =	sand.u32 $0x70, s20;
	s18 =	sshll.u32 s1, $0x7  }
0x1d6: {  	[tilespmem:s14], [sflag:$0x4] =	stream.indirect_vreg.gather [hbm4b:s31+s0], $0x80, v3, vm1, $0xb8;
	[tilespmem:$0x1E200] =	vst v63  }
0x1d7: {  	s22 =	sadd.s32 $0xDA00, s4;
	s1 =	sor.u32 $0x180, s18;
	_ =	swait.ge [sflag:s15], $0x6000  }
0x1d8: {  	s24 =	sor.u32 s19, s4;
	s23 =	sadd.s32 s1, s21;
	[sflag:s15] =	ssyncset.done $0x0  }
0x1d9: {  	s26 =	sadd.s32 s1, s22;
	s25 =	sor.u32 s19, s23;
	[sflag:s15] =	ssyncadd.s32 $0xFFFFA000  }
0x1da: {  	s10 =	sadd.s32 $0x3000, s24;
	s29 =	sor.u32 s19, s26;
	v3 =	vld [tilespmem:s25+$0x0]  }
0x1db: {  	s13 =	sor.u32 s1, s10;
	v4 =	vld [tilespmem:s29+$0x0]  }
0x1dc: {  	v8 =	vld [tilespmem:s13+$0x12200];
	_ =	sdelay $0x2  }
0x1dd: {  	v3 =	vmul.f32 $2.771281240e+01, v3  }
0x1de: {  	s5 =	sand.u32 $0x200, s0  }
0x1df: {  	s0 =	sadd.s32 s5, s21;
	v4 =	vmul.f32 $2.771281240e+01, v4;
	v3 =	vadd.f32 v3, v8  }
0x1e0: {  	s9 =	sadd.s32 s5, s22;
	s15 =	sor.u32 s19, s0  }
0x1e1: {  	s17 =	sor.u32 s19, s9;
	s31 =	sor.u32 $0x80, s18;
	v5 =	vld [tilespmem:s15+$0x0];
	v4 =	vadd.f32 v4, v8;
	[tilespmem:s25+$0x0] =	vst v3  }
0x1e2: {  	s2 =	sor.u32 $0x100, s18;
	s11 =	sadd.s32 s31, s21;
	v6 =	vld [tilespmem:s17+$0x0];
	[smem:$0x7D6] =	sst s31  }
0x1e3: {  	s6 =	sadd.s32 s2, s21;
	s3 =	sadd.s32 s2, s22;
	s11 =	sor.u32 s19, s11;
	[tilespmem:s29+$0x0] =	vst v4  }
0x1e4: {  	s16 =	smov.u32 s2;
	v7 =	vld [tilespmem:s11+$0x0];
	[smem:$0x7D8] =	sst s2;
	s2 =	sor.u32 s5, s10  }
0x1e5: {  	v9 =	vld [tilespmem:s2+$0x12200]  }
0x1e6: {  	s20 =	simm.s32 $0x40;
	s18 =	simm.s32 $0x4;
	s12 =	sadd.s32 s31, s22  }
0x1e7: {  	s8 =	sand.u32 $0x1C00, s20;
	s12 =	sor.u32 s19, s12;
	s0 =	sand.u32 $0x4, s18;
	v4 =	vld [tilespmem:s13+$0xC200]  }
0x1e8: {  	s7 =	sor.u32 s19, s6;
	s9 =	sor.u32 s19, s3;
	s21 =	sshll.u32 s0, $0x7;
	v5 =	vmul.f32 $2.771281240e+01, v5;
	v11 =	vld [tilespmem:s12+$0x0]  }
0x1e9: {  	s23 =	sor.u32 $0xC200, s8;
	s22 =	simm.s32 $0x8;
	s0 =	sor.u32 $0x180, s21;
	v12 =	vld [tilespmem:s7+$0x0]  }
0x1ea: {  	s26 =	sor.u32 s31, s10;
	s22 =	sand.u32 $0x70, s22;
	s24 =	sadd.s32 s0, s23;
	v13 =	vld [tilespmem:s9+$0x0];
	v5 =	vadd.f32 v5, v9  }
0x1eb: {  	s16 =	sor.u32 s16, s10;
	s28 =	sor.u32 s22, s24;
	s25 =	sadd.s32 $0xDA00, s8;
	v3 =	vld [tilespmem:s26+$0x12200]  }
0x1ec: {  	s3 =	sadd.s32 $0x10A00, s4;
	s31 =	sadd.s32 s0, s25;
	s29 =	sor.u32 s22, s8;
	v15 =	vld [tilespmem:s28+$0x0];
	v10 =	vmul.f32 $2.771281240e+01, v4;
	[tilespmem:s15+$0x0] =	vst v5  }
0x1ed: {  	v6 =	vmul.f32 $2.771281240e+01, v6;
	s31 =	sor.u32 s22, s31;
	s29 =	sadd.s32 $0x3000, s29;
	v4 =	vld [tilespmem:s16+$0x12200];
	[smem:$0x7D7] =	sst s3  }
0x1ee: {  	s14 =	sor.u32 s0, s29;
	v14 =	vadd.f32 v10, v8;
	v5 =	vld [tilespmem:s31+$0x0]  }
0x1ef: {  	s1 =	sadd.s32 s1, s3;
	s10 =	simm.s32 $0x200;
	v6 =	vadd.f32 v6, v9;
	v10 =	vld [tilespmem:s14+$0x12200]  }
0x1f0: {  	s30 =	sor.u32 s19, s1;
	s4 =	sand.u32 $0x200, s10;
	[tilespmem:s13+$0xC200] =	vst v14  }
0x1f1: {  	s24 =	sor.u32 $0x80, s21;
	s21 =	sor.u32 $0x100, s21;
	[tilespmem:s17+$0x0] =	vst v6;
	s13 =	sadd.s32 s4, s23;
	v14 =	vld [tilespmem:s30+$0x0]  }
0x1f2: {  	s15 =	sadd.s32 s4, s25;
	v6 =	vmul.f32 $2.771281240e+01, v15;
	s10 =	sor.u32 s22, s13;
	v16 =	vld [tilespmem:s2+$0xC200];
	[smem:$0x7D9] =	sst s4  }
0x1f3: {  	s6 =	sadd.s32 s21, s23;
	s20 =	sor.u32 s22, s15;
	s17 =	sadd.s32 s24, s23;
	v17 =	vld [tilespmem:s10+$0x0]  }
0x1f4: {  	s1 =	sadd.s32 s24, s25;
	s15 =	sor.u32 s22, s6;
	s18 =	sor.u32 s22, s17;
	v15 =	vld [tilespmem:s20+$0x0];
	v5 =	vmul.f32 $2.771281240e+01, v5;
	v6 =	vadd.f32 v6, v10  }
0x1f5: {  	v7 =	vmul.f32 $2.771281240e+01, v7;
	s23 =	sor.u32 s22, s1;
	v18 =	vld [tilespmem:s18+$0x0];
	[smem:$0x7D5] =	sst s15  }
0x1f6: {  	s17 =	sor.u32 s4, s29;
	v19 =	vld [tilespmem:s23+$0x0];
	v5 =	vadd.f32 v5, v10;
	[tilespmem:s28+$0x0] =	vst v6  }
0x1f7: {  	v11 =	vmul.f32 $2.771281240e+01, v11;
	v7 =	vadd.f32 v7, v3;
	v62 =	vld [tilespmem:s15+$0x0];
	[smem:$0x7D4] =	sst s17  }
0x1f8: {  	v16 =	vmul.f32 $2.771281240e+01, v16;
	[tilespmem:s31+$0x0] =	vst v5  }
0x1f9: {  	s25 =	sadd.s32 s21, s25;
	v11 =	vadd.f32 v11, v3;
	v5 =	vmul.f32 $2.771281240e+01, v12;
	v6 =	vld [tilespmem:s17+$0x12200];
	v12 =	vmul.f32 $2.771281240e+01, v13;
	[tilespmem:s11+$0x0] =	vst v7;
	s31 =	sor.u32 s24, s29  }
0x1fa: {  	s25 =	sor.u32 s22, s25;
	v16 =	vadd.f32 v16, v9;
	v13 =	vld [tilespmem:s14+$0xC200];
	[smem:$0x7DA] =	sst s31  }
0x1fb: {  	s5 =	sadd.s32 s5, s3;
	v7 =	vadd.f32 v5, v4;
	v21 =	vld [tilespmem:s25+$0x0];
	[tilespmem:s12+$0x0] =	vst v11;
	v11 =	vadd.f32 v12, v4;
	v12 =	vmul.f32 $2.771281240e+01, v14  }
0x1fc: {  	s17 =	sor.u32 s19, s5;
	v5 =	vld [tilespmem:s31+$0x12200];
	[tilespmem:s2+$0xC200] =	vst v16  }
0x1fd: {  	s13 =	sor.u32 s21, s29;
	v14 =	vmul.f32 $2.771281240e+01, v17;
	v17 =	vld [tilespmem:s17+$0x0];
	[tilespmem:s7+$0x0] =	vst v7;
	v8 =	vadd.f32 v12, v8  }
0x1fe: {  	s4 =	simm.s32 $0x80;
	v7 =	vld [tilespmem:s13+$0x12200];
	[tilespmem:s9+$0x0] =	vst v11;
	v11 =	vmul.f32 $2.771281240e+01, v15  }
0x1ff: {  	s6 =	sand.u32 $0x1C00, s4;
	v16 =	vmul.f32 $2.771281240e+01, v18;
	v12 =	vld [tilespmem:s26+$0xC200];
	v14 =	vadd.f32 v14, v6;
	[tilespmem:s30+$0x0] =	vst v8  }
0x200: {  	v15 =	vld [tilespmem:s16+$0xC200];
	v13 =	vmul.f32 $2.771281240e+01, v13;
	v11 =	vadd.f32 v11, v6;
	[dreg:$0x6] =	wrdreg s6  }
0x201: {  	s3 =	simm.s32 $0x10;
	s12 =	simm.s32 $0x8;
	v16 =	vadd.f32 v16, v5;
	[tilespmem:s10+$0x0] =	vst v14;
	v14 =	vmul.f32 $2.771281240e+01, v19  }
0x202: {  	s4 =	sadd.s32 $0x10A00, s8;
	s1 =	sor.u32 $0xC200, s6;
	s11 =	sand.u32 $0x4, s12;
	v13 =	vadd.f32 v13, v10;
	[tilespmem:s20+$0x0] =	vst v11  }
0x203: {  	s0 =	sadd.s32 s0, s4;
	s7 =	sand.u32 $0x70, s3;
	s31 =	sshll.u32 s11, $0x7;
	[tilespmem:s18+$0x0] =	vst v16;
	v14 =	vadd.f32 v14, v5  }
0x204: {  	s3 =	sadd.s32 $0xDA00, s6;
	s15 =	sor.u32 s7, s6;
	s29 =	sor.u32 $0x180, s31;
	[tilespmem:s14+$0xC200] =	vst v13  }
0x205: {  	s15 =	sadd.s32 $0x3000, s15;
	s9 =	sadd.s32 s29, s1;
	s5 =	smov.u32 s29;
	v11 =	vmul.f32 $2.771281240e+01, v62;
	[tilespmem:s23+$0x0] =	vst v14  }
0x206: {  	s11 =	sor.u32 s7, s9;
	s20 =	simm.s32 $0x400;
	v13 =	vmul.f32 $2.771281240e+01, v21;
	s9 =	sld [smem:$0x7D5]  }
0x207: {  	s2 =	sor.u32 s29, s15;
	s10 =	sadd.s32 s29, s3;
	v12 =	vmul.f32 $2.771281240e+01, v12;
	s29 =	sand.u32 $0x200, s20;
	v11 =	vadd.f32 v11, v7  }
0x208: {  	s28 =	smov.u32 s16;
	s6 =	sor.u32 s7, s10;
	s16 =	sadd.s32 s29, s1;
	v13 =	vadd.f32 v13, v7;
	v14 =	vmul.f32 $2.771281240e+01, v15  }
0x209: {  	s10 =	sor.u32 s22, s0;
	v19 =	vld [tilespmem:s6+$0x0];
	v12 =	vadd.f32 v12, v3;
	s0 =	sor.u32 s7, s16;
	s16 =	sld [smem:$0x7D4];
	[tilespmem:s9+$0x0] =	vst v11;
	v11 =	vmul.f32 $2.771281240e+01, v17  }
0x20a: {  	v18 =	vld [tilespmem:s11+$0x0];
	[tilespmem:s25+$0x0] =	vst v13;
	v13 =	vadd.f32 v14, v4  }
0x20b: {  	s23 =	sor.u32 $0x80, s31;
	[tilespmem:s26+$0xC200] =	vst v12;
	v9 =	vadd.f32 v11, v9  }
0x20c: {  	v8 =	vld [tilespmem:s2+$0x12200];
	s14 =	sadd.s32 s23, s3;
	[tilespmem:s28+$0xC200] =	vst v13  }
0x20d: {  	v16 =	vld [tilespmem:s10+$0x0];
	s26 =	sor.u32 s7, s14;
	[tilespmem:s17+$0x0] =	vst v9  }
0x20e: {  	v12 =	vmul.f32 $2.771281240e+01, v19;
	v19 =	vld [tilespmem:s26+$0x0];
	s17 =	sld [smem:$0x7D6]  }
0x20f: {  	s18 =	sadd.s32 s29, s3;
	v18 =	vmul.f32 $2.771281240e+01, v18;
	v15 =	vld [tilespmem:s16+$0xC200];
	s25 =	sor.u32 $0x100, s31;
	s31 =	sld [smem:$0x7D7]  }
0x210: {  	s18 =	sor.u32 s7, s18;
	v17 =	vld [tilespmem:s0+$0x0];
	s9 =	sadd.s32 s23, s1  }
0x211: {  	s30 =	sor.u32 s7, s9;
	v14 =	vld [tilespmem:s18+$0x0];
	s1 =	sadd.s32 s25, s1;
	s3 =	sadd.s32 s25, s3;
	v13 =	vadd.f32 v18, v8  }
0x212: {  	v63 =	vld [tilespmem:s30+$0x0];
	s14 =	sor.u32 s7, s1;
	s1 =	sadd.s32 s17, s31;
	s17 =	sld [smem:$0x7D8]  }
0x213: {  	s9 =	sor.u32 s7, s3;
	v11 =	vld [tilespmem:s14+$0x0];
	v9 =	vadd.f32 v12, v8;
	[tilespmem:s11+$0x0] =	vst v13  }
0x214: {  	v16 =	vmul.f32 $2.771281240e+01, v16;
	v12 =	vld [tilespmem:s9+$0x0];
	[dreg:$0x5] =	wrdreg s29  }
0x215: {  	[tilespmem:s6+$0x0] =	vst v9;
	s3 =	sadd.s32 s17, s31  }
0x216: {  	v15 =	vmul.f32 $2.771281240e+01, v15;
	v13 =	vadd.f32 v16, v10;
	s11 =	sor.u32 s19, s1;
	s17 =	sor.u32 s19, s3;
	s19 =	sld [smem:$0x7D9]  }
0x217: {  	s28 =	sor.u32 s29, s15  }
0x218: {  	s8 =	sor.u32 s23, s15;
	v16 =	vadd.f32 v15, v6;
	s29 =	sadd.s32 s24, s4;
	v10 =	vld [tilespmem:s28+$0x12200];
	s6 =	sor.u32 s25, s15;
	[tilespmem:s10+$0x0] =	vst v13  }
0x219: {  	v15 =	vmul.f32 $2.771281240e+01, v14;
	v9 =	vld [tilespmem:s8+$0x12200];
	s31 =	sadd.s32 s21, s4;
	v13 =	vmul.f32 $2.771281240e+01, v17;
	s10 =	sld [smem:$0x7DA];
	s1 =	sadd.s32 s19, s4  }
0x21a: {  	v14 =	vld [tilespmem:s2+$0xC200];
	v17 =	vmul.f32 $2.771281240e+01, v19;
	[tilespmem:s16+$0xC200] =	vst v16;
	v16 =	vmul.f32 $2.771281240e+01, v63;
	s4 =	sor.u32 s22, s29;
	s21 =	sor.u32 s22, s1;
	s1 =	sor.u32 s22, s31  }
.LBB2_6:
0x21b: {  	[dreg:$0x15] =	wrdreg s21  }
0x21c: {  	[dreg:$0xe] =	wrdreg s8  }
0x21d: {  	[dreg:$0x7] =	wrdreg s6;
	s12 =	sadd.s32 $0x4, s12;
	s20 =	sadd.s32 $0x200, s20  }
0x21e: {  	s29 =	smov.u32 s11;
	s3 =	smov.u32 s4;
	s24 =	rddreg [dreg:$0x6]  }
0x21f: {  	s19 =	smov.u32 s17;
	s31 =	smov.u32 s1;
	[dreg:$0x13] =	wrdreg s29  }
0x220: {  	v21 =	vld [tilespmem:s21+$0x0];
	s21 =	smov.u32 s13;
	s22 =	smov.u32 s10;
	[dreg:$0x8] =	wrdreg s3  }
0x221: {  	s8 =	smov.u32 s25;
	s25 =	smov.u32 s23;
	[dreg:$0x14] =	wrdreg s19  }
0x222: {  	[dreg:$0x9] =	wrdreg s31;
	s4 =	sshll.u32 s12, $0x1;
	s11 =	sshll.u32 s12, $0x4  }
0x223: {  	v18 =	vld [tilespmem:s6+$0x12200];
	s6 =	sand.u32 $0x200, s20;
	s15 =	sand.u32 $0x4, s12;
	s31 =	sand.u32 $0x70, s4  }
0x224: {  	v19 =	vld [tilespmem:s10+$0xC200];
	s3 =	sand.u32 $0x1C00, s11;
	s11 =	sshll.u32 s15, $0x7;
	s4 =	sadd.s32 $0x10A00, s24  }
0x225: {  	v20 =	vld [tilespmem:s13+$0xC200];
	s16 =	sor.u32 s31, s3;
	s13 =	sor.u32 $0xC200, s3;
	s10 =	sor.u32 $0x180, s11;
	v13 =	vadd.f32 v13, v10  }
0x226: {  	s15 =	sadd.s32 $0xDA00, s3;
	s24 =	sor.u32 $0x80, s11;
	v15 =	vadd.f32 v15, v10;
	s1 =	sadd.s32 $0x3000, s16  }
0x227: {  	s11 =	sor.u32 $0x100, s11;
	v11 =	vmul.f32 $2.771281240e+01, v11;
	v17 =	vadd.f32 v17, v9;
	s17 =	sadd.s32 s10, s13;
	s16 =	sor.u32 s10, s1;
	[tilespmem:s0+$0x0] =	vst v13;
	v13 =	vmul.f32 $2.771281240e+01, v14;
	v14 =	vld [tilespmem:s29+$0x0]  }
0x228: {  	v12 =	vmul.f32 $2.771281240e+01, v12;
	v16 =	vadd.f32 v16, v9;
	s17 =	sor.u32 s31, s17;
	[tilespmem:s18+$0x0] =	vst v15;
	v15 =	vld [tilespmem:s19+$0x0];
	s19 =	sadd.s32 s10, s15;
	s29 =	sadd.s32 s5, s4  }
0x229: {  	v11 =	vadd.f32 v11, v18;
	[tilespmem:s26+$0x0] =	vst v17;
	s5 =	sadd.s32 s6, s13;
	s18 =	sadd.s32 s6, s15;
	s26 =	sadd.s32 s24, s13  }
0x22a: {  	v12 =	vadd.f32 v12, v18;
	[tilespmem:s30+$0x0] =	vst v16;
	v16 =	vmul.f32 $2.771281240e+01, v19;
	s23 =	sor.u32 s31, s19;
	s19 =	sor.u32 s7, s29;
	s29 =	sadd.s32 s24, s15  }
0x22b: {  	v22 =	vld [tilespmem:s16+$0x12200];
	v17 =	vmul.f32 $2.771281240e+01, v20;
	s0 =	sor.u32 s31, s5;
	s30 =	sor.u32 s31, s26;
	s5 =	rddreg [dreg:$0x5];
	v13 =	vadd.f32 v13, v8;
	[tilespmem:s14+$0x0] =	vst v11  }
0x22c: {  	v19 =	vld [tilespmem:s17+$0x0];
	v16 =	vadd.f32 v16, v5;
	s14 =	sadd.s32 s11, s13;
	s13 =	sadd.s32 s11, s15;
	[tilespmem:s9+$0x0] =	vst v12;
	s26 =	sor.u32 s31, s29  }
0x22d: {  	v61 =	vld [tilespmem:s23+$0x0];
	v17 =	vadd.f32 v17, v7;
	s15 =	sor.u32 s6, s1;
	s29 =	sor.u32 s11, s1;
	s9 =	sor.u32 s31, s13;
	[tilespmem:s2+$0xC200] =	vst v13  }
0x22e: {  	s13 =	sor.u32 s24, s1;
	s1 =	sadd.s32 s5, s4;
	s5 =	rddreg [dreg:$0x13];
	v13 =	vmul.f32 $2.771281240e+01, v21;
	[tilespmem:s22+$0xC200] =	vst v16;
	v11 =	vld [tilespmem:s19+$0x0]  }
0x22f: {  	v62 =	vld [tilespmem:s28+$0xC200];
	s18 =	sor.u32 s31, s18;
	[tilespmem:s21+$0xC200] =	vst v17;
	s21 =	rddreg [dreg:$0x15];
	v14 =	vmul.f32 $2.771281240e+01, v14  }
0x230: {  	s22 =	sadd.s32 s25, s4;
	s25 =	sadd.s32 s8, s4;
	s8 =	smov.u32 s6;
	v16 =	vld [tilespmem:s30+$0x0];
	v12 =	vadd.f32 v13, v6;
	v13 =	vmul.f32 $2.771281240e+01, v15  }
0x231: {  	s4 =	sor.u32 s7, s22;
	[dreg:$0x5] =	wrdreg s8;
	s22 =	smov.u32 s3;
	v6 =	vmov v10;
	v10 =	vld [tilespmem:s0+$0x0];
	v15 =	vmul.f32 $2.771281240e+01, v19;
	v14 =	vadd.f32 v14, v3  }
0x232: {  	p0 =	slt.u32 s12, $0x17C;
	s14 =	sor.u32 s31, s14;
	[dreg:$0x6] =	wrdreg s22;
	v3 =	vmovc v5;
	v5 =	vmov v9;
	v9 =	vld [tilespmem:s18+$0x0];
	v17 =	vmul.f32 $2.771281240e+01, v61;
	v13 =	vadd.f32 v13, v4;
	[tilespmem:s21+$0x0] =	vst v12  }
0x233: {  	v4 =	vmovc v7;
	v7 =	vmov v18;
	v18 =	vld [tilespmem:s26+$0x0];
	v15 =	vadd.f32 v15, v22;
	s21 =	sor.u32 s7, s1;
	s1 =	sor.u32 s7, s25;
	s7 =	rddreg [dreg:$0x14];
	[tilespmem:s5+$0x0] =	vst v14;
	v19 =	vmul.f32 $2.771281240e+01, v11  }
.Ltmp2:
0x234: {  	v12 =	vld [tilespmem:s9+$0x0];
	s25 =	smov.u32 s11;
	s11 =	rddreg [dreg:$0x8];
	v14 =	vadd.f32 v17, v22;
	v17 =	vmul.f32 $2.771281240e+01, v62;
	[tilespmem:s7+$0x0] =	vst v13;
	(pc) =	sbr.rel @p0 .LBB2_6-.Ltmp2, $4  }
0x235: {  	s2 =	smov.u32 s16;
	s6 =	smov.u32 s29;
	v11 =	vld [tilespmem:s14+$0x0];
	[tilespmem:s17+$0x0] =	vst v15;
	s17 =	rddreg [dreg:$0x9];
	v19 =	vadd.f32 v19, v8  }
0x236: {  	s8 =	smov.u32 s13;
	s7 =	smov.u32 s31;
	s31 =	rddreg [dreg:$0x7];
	v13 =	vmul.f32 $2.771281240e+01, v10;
	v10 =	vld [tilespmem:s15+$0x12200];
	[tilespmem:s23+$0x0] =	vst v14;
	v63 =	vadd.f32 v17, v6  }
0x237: {  	s5 =	smov.u32 s10;
	s23 =	smov.u32 s24;
	s24 =	rddreg [dreg:$0xe];
	v15 =	vmul.f32 $2.771281240e+01, v9;
	v9 =	vld [tilespmem:s13+$0x12200];
	[tilespmem:s19+$0x0] =	vst v19  }
0x238: {  	v16 =	vmul.f32 $2.771281240e+01, v16;
	v8 =	vmov v22;
	s10 =	smov.u32 s24;
	s13 =	smov.u32 s31;
	v17 =	vmul.f32 $2.771281240e+01, v18;
	[tilespmem:s28+$0xC200] =	vst v63;
	s28 =	smov.u32 s15;
	v14 =	vld [tilespmem:s2+$0xC200]  }
0x239: {  	_ = 	snop  }
0x23a: {  	v18 =	vld [tilespmem:s6+$0x12200]  }
0x23b: {  	v13 =	vadd.f32 v13, v10  }
0x23c: {  	v15 =	vadd.f32 v15, v10  }
0x23d: {  	v11 =	vmul.f32 $2.771281240e+01, v11;
	[tilespmem:s0+$0x0] =	vst v13;
	v13 =	vadd.f32 v16, v9  }
0x23e: {  	v12 =	vmul.f32 $2.771281240e+01, v12;
	[tilespmem:s18+$0x0] =	vst v15;
	v15 =	vadd.f32 v17, v9  }
0x23f: {  	v11 =	vadd.f32 v11, v18;
	[tilespmem:s30+$0x0] =	vst v13  }
0x240: {  	v12 =	vadd.f32 v12, v18;
	v13 =	vld [tilespmem:s28+$0xC200];
	[tilespmem:s26+$0x0] =	vst v15  }
0x241: {  	v15 =	vld [tilespmem:s10+$0xC200];
	[tilespmem:s14+$0x0] =	vst v11  }
0x242: {  	v59 =	vld [tilespmem:s13+$0xC200];
	[tilespmem:s9+$0x0] =	vst v12;
	v12 =	vmul.f32 $2.771281240e+01, v14  }
0x243: {  	v11 =	vld [tilespmem:s8+$0xC200]  }
0x244: {  	v14 =	vld [tilespmem:s6+$0xC200];
	v12 =	vadd.f32 v12, v8  }
0x245: {  	s0 =	rddreg [dreg:$0x6];
	v13 =	vmul.f32 $2.771281240e+01, v13  }
0x246: {  	v60 =	vld [tilespmem:s21+$0x0];
	s0 =	sadd.s32 $0x10A00, s0;
	v15 =	vmul.f32 $2.771281240e+01, v15;
	[tilespmem:s2+$0xC200] =	vst v12  }
0x247: {  	v19 =	vld [tilespmem:s11+$0x0];
	v16 =	vmul.f32 $2.771281240e+01, v59;
	s3 =	sadd.s32 s5, s0;
	v13 =	vadd.f32 v13, v10;
	s30 =	rddreg [dreg:$0x5]  }
0x248: {  	v20 =	vld [tilespmem:s17+$0x0];
	s29 =	sor.u32 s7, s3;
	v11 =	vmul.f32 $2.771281240e+01, v11;
	v12 =	vadd.f32 v15, v5;
	s3 =	sadd.s32 s30, s0  }
0x249: {  	v16 =	vadd.f32 v16, v7;
	v15 =	vld [tilespmem:s29+$0x0];
	s3 =	sor.u32 s7, s3;
	[tilespmem:s28+$0xC200] =	vst v13;
	v13 =	vmul.f32 $2.771281240e+01, v14  }
0x24a: {  	v11 =	vadd.f32 v11, v9;
	[tilespmem:s10+$0xC200] =	vst v12;
	v12 =	vld [tilespmem:s3+$0x0]  }
0x24b: {  	s31 =	sadd.s32 s23, s0;
	[tilespmem:s13+$0xC200] =	vst v16;
	v14 =	vmul.f32 $2.771281240e+01, v60;
	v61 =	vld [tilespmem:s4+$0x0];
	v13 =	vadd.f32 v13, v18  }
0x24c: {  	v62 =	vmul.f32 $2.771281240e+01, v19;
	s5 =	sor.u32 s7, s31;
	s0 =	sadd.s32 s25, s0;
	v63 =	vld [tilespmem:s1+$0x0];
	[tilespmem:s8+$0xC200] =	vst v11  }
0x24d: {  	s0 =	sor.u32 s7, s0;
	v6 =	vadd.f32 v14, v6;
	v11 =	vmul.f32 $2.771281240e+01, v20;
	[tilespmem:s6+$0xC200] =	vst v13;
	v13 =	vld [tilespmem:s5+$0x0]  }
0x24e: {  	v3 =	vadd.f32 v62, v3;
	v14 =	vmul.f32 $2.771281240e+01, v15;
	v15 =	vld [tilespmem:s0+$0x0]  }
0x24f: {  	v4 =	vadd.f32 v11, v4;
	[tilespmem:s21+$0x0] =	vst v6;
	v6 =	vmul.f32 $2.771281240e+01, v12  }
0x250: {  	[tilespmem:s11+$0x0] =	vst v3;
	v3 =	vadd.f32 v14, v8;
	v8 =	vmul.f32 $2.771281240e+01, v61  }
0x251: {  	[tilespmem:s17+$0x0] =	vst v4;
	v4 =	vadd.f32 v6, v10;
	v6 =	vmul.f32 $2.771281240e+01, v63  }
0x252: {  	[tilespmem:s29+$0x0] =	vst v3;
	v3 =	vadd.f32 v8, v5;
	v5 =	vmul.f32 $2.771281240e+01, v13  }
0x253: {  	v6 =	vadd.f32 v6, v7;
	[tilespmem:s3+$0x0] =	vst v4;
	v4 =	vmul.f32 $2.771281240e+01, v15  }
0x254: {  	[tilespmem:s4+$0x0] =	vst v3;
	v3 =	vadd.f32 v5, v9  }
0x255: {  	[tilespmem:s1+$0x0] =	vst v6;
	v4 =	vadd.f32 v4, v18  }
0x256: {  	[tilespmem:s5+$0x0] =	vst v3  }
0x257: {  	[tilespmem:s0+$0x0] =	vst v4  }
0x258: {  	s0 =	sld [smem:$0x7E4];
	_ =	sdelay $0x1  }
0x259: {  	s7 =	simm.s32 $0x0;
	s4 =	simm.s32 $0xC200;
	s5 =	sld [smem:$0x7EB]  }
0x25a: {  	[hbm4b:s0+s7] =	stream.linear.scatter [tilespmem:s4], [sflag:$0x8], $0x1800, $0x38;
	[tilespmem:$0x1E200] =	vst v63  }
0x25b: {  	s6 =	simm.s32 $0xDA00;
	s8 =	sld [smem:$0x7EC]  }
0x25c: {  	[hbm4b:s5+s7] =	stream.linear.scatter [tilespmem:s6], [sflag:$0x8], $0x1800, $0x38;
	[tilespmem:$0x1E200] =	vst v63  }
0x25d: {  	s9 =	simm.s32 $0xF200;
	s10 =	sld [smem:$0x7ED]  }
0x25e: {  	[hbm4b:s8+s7] =	stream.linear.scatter [tilespmem:s9], [sflag:$0x8], $0x1800, $0x38;
	[tilespmem:$0x1E200] =	vst v63  }
0x25f: {  	s12 =	simm.s32 $0x8;
	s11 =	simm.s32 $0x10A00  }
0x260: {  	[hbm4b:s10+s7] =	stream.linear.scatter [tilespmem:s11], [sflag:$0x8], $0x1800, $0x38;
	[tilespmem:$0x1E200] =	vst v63  }
0x261: {  	_ =	swait.ge [sflag:s12], $0x1800  }
0x262: {  	[sflag:s12] =	ssyncset.done $0x0  }
0x263: {  	[sflag:s12] =	ssyncadd.s32 $0xFFFFE800  }
0x264: {  	_ =	swait.ge [sflag:s12], $0x1800  }
0x265: {  	[sflag:s12] =	ssyncset.done $0x0  }
0x266: {  	[sflag:s12] =	ssyncadd.s32 $0xFFFFE800  }
0x267: {  	_ =	swait.ge [sflag:s12], $0x1800  }
0x268: {  	[sflag:s12] =	ssyncset.done $0x0  }
0x269: {  	[sflag:s12] =	ssyncadd.s32 $0xFFFFE800  }
0x26a: {  	_ =	swait.ge [sflag:s12], $0x1800  }
0x26b: {  	[sflag:s12] =	ssyncset.done $0x0  }
0x26c: {  	[sflag:s12] =	ssyncadd.s32 $0xFFFFE800  }
0x26d: {  	v3 =	vld [tilespmem:$0x1A0];
	_ =	sdelay $0x4  }
0x26e: {  	v4 =	vshrl.u32 v3, $0x3  }
0x26f: {  	v4 =	vmul.u32 $0x30, v4  }
0x270: {  	v3 =	vand.u32 $0x7, v3  }
0x271: {  	v3 =	vor.u32 v3, v4  }
0x272: {  	v4 =	vperm.xlane v3, v0;
	_ =	sdelay $0x1  }
0x273: {  	v4 =	vadd.s32 v1, v4;
	_ =	sdelay $0x2  }
0x274: {  	s13 =	rddreg [dreg:$0x1f]  }
0x275: {  	s0 =	rddreg [dreg:$0x1];
	v3 =	vperm.xlane v3, v2  }
0x276: {  	[tilespmem:s4], [sflag:$0x5] =	stream.indirect_vreg.gather [hbm4b:s0+s7], $0x80, v4, vm1, $0xb8;
	[tilespmem:$0x1E200] =	vst v63  }
0x277: {  	s14 =	simm.s32 $0xCA00;
	s15 =	sld [smem:$0x7DC];
	v3 =	vadd.s32 v1, v3  }
0x278: {  	[tilespmem:s14], [sflag:$0x5] =	stream.indirect_vreg.gather [hbm4b:s13+s7], $0x80, v4, vm1, $0xb8;
	[tilespmem:$0x1E200] =	vst v63  }
0x279: {  	s16 =	simm.s32 $0xD200  }
0x27a: {  	[tilespmem:s16], [sflag:$0x5] =	stream.indirect_vreg.gather [hbm4b:s15+s7], $0x80, v4, vm1, $0xb8;
	[tilespmem:$0x1E200] =	vst v63  }
0x27b: {  	_ = 	snop  }
0x27c: {  	[tilespmem:s6], [sflag:$0x5] =	stream.indirect_vreg.gather [hbm4b:s0+s7], $0x80, v3, vm1, $0xb8;
	[tilespmem:$0x1E200] =	vst v63  }
0x27d: {  	s17 =	simm.s32 $0xE200  }
0x27e: {  	[tilespmem:s17], [sflag:$0x5] =	stream.indirect_vreg.gather [hbm4b:s13+s7], $0x80, v3, vm1, $0xb8;
	[tilespmem:$0x1E200] =	vst v63  }
0x27f: {  	s18 =	simm.s32 $0xEA00  }
0x280: {  	[tilespmem:s18], [sflag:$0x5] =	stream.indirect_vreg.gather [hbm4b:s15+s7], $0x80, v3, vm1, $0xb8;
	[tilespmem:$0x1E200] =	vst v63  }
0x281: {  	v3 =	vld [tilespmem:$0x1B0];
	_ =	sdelay $0x4  }
0x282: {  	v4 =	vshrl.u32 v3, $0x3  }
0x283: {  	v4 =	vmul.u32 $0x30, v4  }
0x284: {  	v3 =	vand.u32 $0x7, v3  }
0x285: {  	v3 =	vor.u32 v3, v4  }
0x286: {  	v4 =	vperm.xlane v3, v0;
	_ =	sdelay $0x1  }
0x287: {  	v4 =	vadd.s32 v1, v4;
	_ =	sdelay $0x3  }
0x288: {  	v3 =	vperm.xlane v3, v2  }
0x289: {  	[tilespmem:s9], [sflag:$0x5] =	stream.indirect_vreg.gather [hbm4b:s0+s7], $0x80, v4, vm1, $0xb8;
	[tilespmem:$0x1E200] =	vst v63  }
0x28a: {  	s19 =	simm.s32 $0xFA00;
	v3 =	vadd.s32 v1, v3  }
0x28b: {  	[tilespmem:s19], [sflag:$0x5] =	stream.indirect_vreg.gather [hbm4b:s13+s7], $0x80, v4, vm1, $0xb8;
	[tilespmem:$0x1E200] =	vst v63  }
0x28c: {  	s20 =	simm.s32 $0x10200  }
0x28d: {  	[tilespmem:s20], [sflag:$0x5] =	stream.indirect_vreg.gather [hbm4b:s15+s7], $0x80, v4, vm1, $0xb8;
	[tilespmem:$0x1E200] =	vst v63  }
0x28e: {  	_ = 	snop  }
0x28f: {  	[tilespmem:s11], [sflag:$0x5] =	stream.indirect_vreg.gather [hbm4b:s0+s7], $0x80, v3, vm1, $0xb8;
	[tilespmem:$0x1E200] =	vst v63  }
0x290: {  	s22 =	simm.s32 $0x11A00;
	s23 =	simm.s32 $0x0;
	s11 =	simm.s32 $0x0  }
0x291: {  	s26 =	sand.u32 $0x1C00, s23;
	s21 =	simm.s32 $0x11200;
	s24 =	sand.u32 $0x4, s11  }
0x292: {  	[tilespmem:s21], [sflag:$0x5] =	stream.indirect_vreg.gather [hbm4b:s13+s7], $0x80, v3, vm1, $0xb8;
	[tilespmem:$0x1E200] =	vst v63  }
0x293: {  	s25 =	simm.s32 $0x3;
	s30 =	sadd.s32 $0x3200, s26;
	s28 =	sshll.u32 s24, $0x7  }
0x294: {  	[tilespmem:s22], [sflag:$0x5] =	stream.indirect_vreg.gather [hbm4b:s15+s7], $0x80, v3, vm1, $0xb8;
	[tilespmem:$0x1E200] =	vst v63  }
0x295: {  	s29 =	simm.s32 $0x0;
	s31 =	sor.u32 $0x180, s28;
	_ =	swait.ge [sflag:s25], $0x6000  }
0x296: {  	s8 =	sand.u32 $0x70, s29;
	s10 =	sadd.s32 s31, s30;
	[sflag:s25] =	ssyncset.done $0x0  }
0x297: {  	s12 =	sor.u32 s8, s26;
	s13 =	sor.u32 s8, s10;
	[sflag:s25] =	ssyncadd.s32 $0xFFFFA000  }
0x298: {  	s17 =	sand.u32 $0x200, s7;
	s18 =	sadd.s32 $0x4800, s12;
	v4 =	vld [tilespmem:s13+$0x0]  }
0x299: {  	s19 =	sadd.s32 s17, s30;
	s12 =	sor.u32 $0x80, s28;
	s2 =	sor.u32 s31, s18  }
0x29a: {  	s20 =	sor.u32 $0x100, s28;
	s21 =	sadd.s32 s12, s30;
	s22 =	sor.u32 s8, s19;
	v3 =	vld [tilespmem:s2+$0x12200]  }
0x29b: {  	s23 =	sadd.s32 s20, s30;
	s16 =	sor.u32 s8, s21;
	v7 =	vld [tilespmem:s22+$0x0]  }
0x29c: {  	s1 =	sor.u32 s8, s23;
	v8 =	vld [tilespmem:s16+$0x0]  }
0x29d: {  	s15 =	sor.u32 s17, s18;
	v10 =	vld [tilespmem:s1+$0x0];
	v4 =	vmul.f32 $2.771281240e+01, v4  }
0x29e: {  	s24 =	sor.u32 $0x200, s26;
	s14 =	sor.u32 s12, s18;
	v6 =	vld [tilespmem:s15+$0x12200]  }
0x29f: {  	s0 =	sor.u32 s20, s18;
	s25 =	sadd.s32 s17, s24;
	v5 =	vld [tilespmem:s14+$0x12200];
	v11 =	vadd.f32 v4, v3  }
0x2a0: {  	s19 =	sadd.s32 $0x1A00, s26;
	s3 =	sor.u32 s8, s25;
	v4 =	vld [tilespmem:s0+$0x12200]  }
0x2a1: {  	s26 =	sadd.s32 s12, s24;
	s9 =	sadd.s32 s17, s19;
	v9 =	vld [tilespmem:s3+$0x0];
	v12 =	vmul.f32 $2.771281240e+01, v7;
	[tilespmem:s13+$0x0] =	vst v11  }
0x2a2: {  	s29 =	sadd.s32 s20, s24;
	s28 =	sadd.s32 s12, s19;
	s17 =	sor.u32 s8, s9;
	v8 =	vmul.f32 $2.771281240e+01, v8;
	v7 =	vld [tilespmem:s2+$0x200]  }
0x2a3: {  	s30 =	sadd.s32 s20, s19;
	s20 =	sadd.s32 s31, s24;
	s4 =	sor.u32 s8, s26;
	v14 =	vmul.f32 $2.771281240e+01, v10;
	v10 =	vld [tilespmem:s17+$0x0];
	v12 =	vadd.f32 v12, v6  }
0x2a4: {  	s31 =	sadd.s32 s31, s19;
	s6 =	sor.u32 s8, s28;
	s12 =	sor.u32 s8, s30;
	v13 =	vadd.f32 v8, v5;
	v11 =	vld [tilespmem:s4+$0x0]  }
0x2a5: {  	s5 =	sor.u32 s8, s20;
	v8 =	vld [tilespmem:s6+$0x0];
	s13 =	sor.u32 s8, s29;
	s8 =	sor.u32 s8, s31;
	[tilespmem:s22+$0x0] =	vst v12;
	v12 =	vadd.f32 v14, v4  }
.LBB2_8:
0x2a6: {  	s11 =	sadd.s32 $0x4, s11;
	v9 =	vmul.f32 $2.771281240e+01, v9;
	v14 =	vld [tilespmem:s15+$0x200];
	[tilespmem:s16+$0x0] =	vst v13;
	s7 =	sadd.s32 $0x200, s7  }
0x2a7: {  	s9 =	sshll.u32 s11, $0x4;
	s10 =	sand.u32 $0x4, s11;
	p0 =	slt.u32 s11, $0x17C;
	v13 =	vld [tilespmem:s14+$0x200];
	[tilespmem:s1+$0x0] =	vst v12;
	v7 =	vmul.f32 $2.771281240e+01, v7  }
0x2a8: {  	s20 =	sand.u32 $0x200, s7;
	s22 =	sand.u32 $0x1C00, s9;
	s1 =	sshll.u32 s10, $0x7;
	v9 =	vadd.f32 v9, v6;
	v10 =	vmul.f32 $2.771281240e+01, v10;
	v12 =	vld [tilespmem:s0+$0x200]  }
0x2a9: {  	s9 =	sshll.u32 s11, $0x1;
	s16 =	sadd.s32 $0x3200, s22;
	s19 =	sor.u32 $0x180, s1;
	v11 =	vmul.f32 $2.771281240e+01, v11;
	v15 =	vld [tilespmem:s13+$0x0];
	v7 =	vadd.f32 v7, v3  }
0x2aa: {  	s9 =	sand.u32 $0x70, s9;
	s23 =	sor.u32 $0x80, s1;
	s10 =	sadd.s32 s19, s16;
	[tilespmem:s3+$0x0] =	vst v9;
	v9 =	vadd.f32 v10, v6;
	v8 =	vmul.f32 $2.771281240e+01, v8;
	v10 =	vld [tilespmem:s12+$0x0]  }
0x2ab: {  	s24 =	sor.u32 $0x100, s1;
	s3 =	sor.u32 s9, s22;
	s18 =	sor.u32 s9, s10;
	v14 =	vmul.f32 $2.771281240e+01, v14;
	v11 =	vadd.f32 v11, v5;
	v16 =	vld [tilespmem:s5+$0x0];
	[tilespmem:s2+$0x200] =	vst v7  }
0x2ac: {  	s1 =	sadd.s32 s20, s16;
	s25 =	sadd.s32 s23, s16;
	s3 =	sadd.s32 $0x4800, s3;
	v7 =	vld [tilespmem:s18+$0x0];
	[tilespmem:s17+$0x0] =	vst v9;
	v8 =	vadd.f32 v8, v5;
	v9 =	vmul.f32 $2.771281240e+01, v13  }
0x2ad: {  	s10 =	sor.u32 s9, s1;
	s1 =	sadd.s32 s24, s16;
	s2 =	sor.u32 s19, s3;
	v6 =	vadd.f32 v14, v6;
	[tilespmem:s4+$0x0] =	vst v11;
	v11 =	vmul.f32 $2.771281240e+01, v12;
	v12 =	vld [tilespmem:s8+$0x0]  }
0x2ae: {  	s16 =	sor.u32 s9, s25;
	s21 =	sor.u32 s20, s3;
	s1 =	sor.u32 s9, s1;
	v13 =	vld [tilespmem:s2+$0x12200];
	[tilespmem:s6+$0x0] =	vst v8;
	v5 =	vadd.f32 v9, v5;
	v8 =	vmul.f32 $2.771281240e+01, v15  }
0x2af: {  	s25 =	sor.u32 s23, s3;
	s26 =	sor.u32 s24, s3;
	s4 =	sor.u32 $0x200, s22;
	v9 =	vld [tilespmem:s10+$0x0];
	[tilespmem:s15+$0x200] =	vst v6;
	v6 =	vmul.f32 $2.771281240e+01, v10;
	v10 =	vadd.f32 v11, v4  }
0x2b0: {  	s3 =	sadd.s32 s20, s4;
	s6 =	sadd.s32 $0x1A00, s22;
	s15 =	sadd.s32 s23, s4;
	v11 =	vld [tilespmem:s16+$0x0];
	[tilespmem:s14+$0x200] =	vst v5;
	v5 =	vadd.f32 v8, v4;
	v8 =	vmul.f32 $2.771281240e+01, v16  }
0x2b1: {  	s22 =	sadd.s32 s24, s4;
	s14 =	sadd.s32 s20, s6;
	s20 =	sadd.s32 s23, s6;
	v14 =	vld [tilespmem:s1+$0x0];
	v7 =	vmul.f32 $2.771281240e+01, v7;
	v4 =	vadd.f32 v6, v4;
	[tilespmem:s0+$0x200] =	vst v10  }
0x2b2: {  	s23 =	sadd.s32 s19, s4;
	s19 =	sadd.s32 s19, s6;
	s0 =	sadd.s32 s24, s6;
	v6 =	vld [tilespmem:s21+$0x12200];
	[tilespmem:s13+$0x0] =	vst v5;
	v8 =	vadd.f32 v8, v3;
	v10 =	vmul.f32 $2.771281240e+01, v12  }
0x2b3: {  	s3 =	sor.u32 s9, s3;
	s4 =	sor.u32 s9, s15;
	s17 =	sor.u32 s9, s14;
	v5 =	vld [tilespmem:s25+$0x12200];
	v7 =	vadd.f32 v7, v13;
	[tilespmem:s12+$0x0] =	vst v4  }
0x2b4: {  	s6 =	sor.u32 s9, s20;
	s13 =	sor.u32 s9, s22;
	s12 =	sor.u32 s9, s0;
	v12 =	vmul.f32 $2.771281240e+01, v9;
	v4 =	vld [tilespmem:s26+$0x12200];
	[tilespmem:s5+$0x0] =	vst v8;
	v8 =	vadd.f32 v10, v3;
	v3 =	vmov v13  }
.Ltmp3:
0x2b5: {  	s5 =	sor.u32 s9, s23;
	s9 =	sor.u32 s9, s19;
	v9 =	vld [tilespmem:s3+$0x0];
	v13 =	vmul.f32 $2.771281240e+01, v11;
	[tilespmem:s18+$0x0] =	vst v7;
	(pc) =	sbr.rel @p0 .LBB2_8-.Ltmp3, $4  }
0x2b6: {  	s15 =	smov.u32 s21;
	s14 =	smov.u32 s25;
	s0 =	smov.u32 s26;
	v14 =	vmul.f32 $2.771281240e+01, v14;
	v7 =	vld [tilespmem:s2+$0x200];
	[tilespmem:s8+$0x0] =	vst v8  }
0x2b7: {  	s8 =	smov.u32 s9;
	v10 =	vld [tilespmem:s17+$0x0];
	v8 =	vadd.f32 v12, v6  }
0x2b8: {  	v11 =	vld [tilespmem:s4+$0x0];
	v13 =	vadd.f32 v13, v5  }
0x2b9: {  	[tilespmem:s10+$0x0] =	vst v8;
	v8 =	vld [tilespmem:s6+$0x0];
	v12 =	vadd.f32 v14, v4  }
0x2ba: {  	v14 =	vld [tilespmem:s15+$0x200];
	[tilespmem:s16+$0x0] =	vst v13;
	v9 =	vmul.f32 $2.771281240e+01, v9  }
0x2bb: {  	v13 =	vld [tilespmem:s14+$0x200];
	[tilespmem:s1+$0x0] =	vst v12;
	v7 =	vmul.f32 $2.771281240e+01, v7  }
0x2bc: {  	v12 =	vld [tilespmem:s0+$0x200];
	v9 =	vadd.f32 v9, v6;
	v10 =	vmul.f32 $2.771281240e+01, v10  }
0x2bd: {  	v15 =	vld [tilespmem:s13+$0x0];
	v11 =	vmul.f32 $2.771281240e+01, v11;
	v7 =	vadd.f32 v7, v3  }
0x2be: {  	v16 =	vld [tilespmem:s12+$0x0];
	[tilespmem:s3+$0x0] =	vst v9;
	v9 =	vadd.f32 v10, v6;
	v8 =	vmul.f32 $2.771281240e+01, v8  }
0x2bf: {  	v10 =	vld [tilespmem:s5+$0x0];
	v14 =	vmul.f32 $2.771281240e+01, v14;
	v11 =	vadd.f32 v11, v5;
	[tilespmem:s2+$0x200] =	vst v7  }
0x2c0: {  	[tilespmem:s17+$0x0] =	vst v9;
	v7 =	vadd.f32 v8, v5;
	v8 =	vmul.f32 $2.771281240e+01, v13;
	v9 =	vld [tilespmem:s8+$0x0]  }
0x2c1: {  	v6 =	vadd.f32 v14, v6;
	[tilespmem:s4+$0x0] =	vst v11;
	v11 =	vmul.f32 $2.771281240e+01, v12  }
0x2c2: {  	[tilespmem:s6+$0x0] =	vst v7;
	v5 =	vadd.f32 v8, v5;
	v7 =	vmul.f32 $2.771281240e+01, v15  }
0x2c3: {  	[tilespmem:s15+$0x200] =	vst v6;
	v6 =	vmul.f32 $2.771281240e+01, v16;
	v8 =	vadd.f32 v11, v4  }
0x2c4: {  	[tilespmem:s14+$0x200] =	vst v5;
	v5 =	vadd.f32 v7, v4;
	v7 =	vmul.f32 $2.771281240e+01, v10  }
0x2c5: {  	v4 =	vadd.f32 v6, v4;
	[tilespmem:s0+$0x200] =	vst v8;
	v6 =	vmul.f32 $2.771281240e+01, v9  }
0x2c6: {  	[tilespmem:s13+$0x0] =	vst v5;
	v5 =	vadd.f32 v7, v3  }
0x2c7: {  	[tilespmem:s12+$0x0] =	vst v4;
	v3 =	vadd.f32 v6, v3  }
0x2c8: {  	[tilespmem:s5+$0x0] =	vst v5  }
0x2c9: {  	[tilespmem:s8+$0x0] =	vst v3  }
0x2ca: {  	s1 =	sld [smem:$0x7E5];
	_ =	sdelay $0x1  }
0x2cb: {  	s10 =	simm.s32 $0x0;
	s11 =	simm.s32 $0x200;
	s12 =	sld [smem:$0x7EE]  }
0x2cc: {  	[hbm4b:s1+s10] =	stream.linear.scatter [tilespmem:s11], [sflag:$0x6], $0x1800, $0x38;
	[tilespmem:$0x1E200] =	vst v63  }
0x2cd: {  	s13 =	simm.s32 $0x1A00;
	s14 =	sld [smem:$0x7EF]  }
0x2ce: {  	[hbm4b:s12+s10] =	stream.linear.scatter [tilespmem:s13], [sflag:$0x6], $0x1800, $0x38;
	[tilespmem:$0x1E200] =	vst v63  }
0x2cf: {  	s15 =	simm.s32 $0x3200;
	s16 =	sld [smem:$0x7F0]  }
0x2d0: {  	[hbm4b:s14+s10] =	stream.linear.scatter [tilespmem:s15], [sflag:$0x6], $0x1800, $0x38;
	[tilespmem:$0x1E200] =	vst v63  }
0x2d1: {  	s7 =	simm.s32 $0x4A00;
	s17 =	simm.s32 $0x6  }
0x2d2: {  	[hbm4b:s16+s10] =	stream.linear.scatter [tilespmem:s7], [sflag:$0x6], $0x1800, $0x38;
	[tilespmem:$0x1E200] =	vst v63  }
0x2d3: {  	_ =	swait.ge [sflag:s17], $0x1800  }
0x2d4: {  	[sflag:s17] =	ssyncset.done $0x0  }
0x2d5: {  	[sflag:s17] =	ssyncadd.s32 $0xFFFFE800  }
0x2d6: {  	_ =	swait.ge [sflag:s17], $0x1800  }
0x2d7: {  	[sflag:s17] =	ssyncset.done $0x0  }
0x2d8: {  	[sflag:s17] =	ssyncadd.s32 $0xFFFFE800  }
0x2d9: {  	_ =	swait.ge [sflag:s17], $0x1800  }
0x2da: {  	[sflag:s17] =	ssyncset.done $0x0  }
0x2db: {  	[sflag:s17] =	ssyncadd.s32 $0xFFFFE800  }
0x2dc: {  	_ =	swait.ge [sflag:s17], $0x1800  }
0x2dd: {  	[sflag:s17] =	ssyncset.done $0x0  }
0x2de: {  	[sflag:s17] =	ssyncadd.s32 $0xFFFFE800  }
0x2df: {  	v3 =	vld [tilespmem:$0x1C0];
	_ =	sdelay $0x4  }
0x2e0: {  	v4 =	vshrl.u32 v3, $0x3  }
0x2e1: {  	v4 =	vmul.u32 $0x30, v4  }
0x2e2: {  	v3 =	vand.u32 $0x7, v3  }
0x2e3: {  	v3 =	vor.u32 v3, v4  }
0x2e4: {  	v4 =	vperm.xlane v3, v0;
	_ =	sdelay $0x1  }
0x2e5: {  	v4 =	vadd.s32 v1, v4;
	_ =	sdelay $0x2  }
0x2e6: {  	s18 =	rddreg [dreg:$0x1f]  }
0x2e7: {  	s1 =	rddreg [dreg:$0x1];
	v3 =	vperm.xlane v3, v2  }
0x2e8: {  	[tilespmem:s11], [sflag:$0x3] =	stream.indirect_vreg.gather [hbm4b:s1+s10], $0x80, v4, vm1, $0xb8;
	[tilespmem:$0x1E200] =	vst v63  }
0x2e9: {  	s19 =	simm.s32 $0xA00;
	s20 =	sld [smem:$0x7DC];
	v3 =	vadd.s32 v1, v3  }
0x2ea: {  	[tilespmem:s19], [sflag:$0x3] =	stream.indirect_vreg.gather [hbm4b:s18+s10], $0x80, v4, vm1, $0xb8;
	[tilespmem:$0x1E200] =	vst v63  }
0x2eb: {  	s21 =	simm.s32 $0x1200  }
0x2ec: {  	[tilespmem:s21], [sflag:$0x3] =	stream.indirect_vreg.gather [hbm4b:s20+s10], $0x80, v4, vm1, $0xb8;
	[tilespmem:$0x1E200] =	vst v63  }
0x2ed: {  	_ = 	snop  }
0x2ee: {  	[tilespmem:s13], [sflag:$0x3] =	stream.indirect_vreg.gather [hbm4b:s1+s10], $0x80, v3, vm1, $0xb8;
	[tilespmem:$0x1E200] =	vst v63  }
0x2ef: {  	s22 =	simm.s32 $0x2200  }
0x2f0: {  	[tilespmem:s22], [sflag:$0x3] =	stream.indirect_vreg.gather [hbm4b:s18+s10], $0x80, v3, vm1, $0xb8;
	[tilespmem:$0x1E200] =	vst v63  }
0x2f1: {  	s23 =	simm.s32 $0x2A00  }
0x2f2: {  	[tilespmem:s23], [sflag:$0x3] =	stream.indirect_vreg.gather [hbm4b:s20+s10], $0x80, v3, vm1, $0xb8;
	[tilespmem:$0x1E200] =	vst v63  }
0x2f3: {  	v3 =	vld [tilespmem:$0x1D0];
	_ =	sdelay $0x4  }
0x2f4: {  	v4 =	vshrl.u32 v3, $0x3  }
0x2f5: {  	v4 =	vmul.u32 $0x30, v4  }
0x2f6: {  	v3 =	vand.u32 $0x7, v3  }
0x2f7: {  	v3 =	vor.u32 v3, v4  }
0x2f8: {  	v4 =	vperm.xlane v3, v0;
	_ =	sdelay $0x1  }
0x2f9: {  	v4 =	vadd.s32 v1, v4;
	_ =	sdelay $0x1  }
0x2fa: {  	s24 =	simm.s32 $0x3A00;
	s25 =	simm.s32 $0x4200  }
0x2fb: {  	s26 =	simm.s32 $0x5200;
	s28 =	simm.s32 $0x5A00;
	s0 =	sand.u32 $0x800, s10  }
0x2fc: {  	s29 =	simm.s32 $0x4;
	s6 =	sor.u32 $0x400, s0;
	s5 =	simm.s32 $0x0;
	v3 =	vperm.xlane v3, v2  }
0x2fd: {  	[tilespmem:s15], [sflag:$0x3] =	stream.indirect_vreg.gather [hbm4b:s1+s10], $0x80, v4, vm1, $0xb8;
	[tilespmem:$0x1E200] =	vst v63  }
0x2fe: {  	s30 =	sand.u32 $0x200, s10;
	s3 =	sshrl.u32 s6, $0x2;
	s2 =	sand.u32 $0x1C00, s5;
	v3 =	vadd.s32 v1, v3  }
0x2ff: {  	[tilespmem:s24], [sflag:$0x3] =	stream.indirect_vreg.gather [hbm4b:s18+s10], $0x80, v4, vm1, $0xb8;
	[tilespmem:$0x1E200] =	vst v63  }
0x300: {  	s8 =	simm.s32 $0x0;
	s6 =	sor.u32 $0x18200, s2;
	s9 =	sadd.s32 $0x7A00, s2  }
0x301: {  	[tilespmem:s25], [sflag:$0x3] =	stream.indirect_vreg.gather [hbm4b:s20+s10], $0x80, v4, vm1, $0xb8;
	[tilespmem:$0x1E200] =	vst v63  }
0x302: {  	s5 =	sadd.s32 s30, s9;
	s12 =	sor.u32 $0x6200, s2;
	s11 =	sadd.s32 $0xAA00, s2  }
0x303: {  	[tilespmem:s7], [sflag:$0x3] =	stream.indirect_vreg.gather [hbm4b:s1+s10], $0x80, v3, vm1, $0xb8;
	[tilespmem:$0x1E200] =	vst v63  }
0x304: {  	s19 =	sadd.s32 s3, s11;
	s21 =	sadd.s32 $0x9200, s2;
	s13 =	sadd.s32 s30, s11  }
0x305: {  	[tilespmem:s26], [sflag:$0x3] =	stream.indirect_vreg.gather [hbm4b:s18+s10], $0x80, v3, vm1, $0xb8;
	[tilespmem:$0x1E200] =	vst v63  }
0x306: {  	s22 =	sadd.s32 s3, s6;
	s24 =	sadd.s32 s3, s12;
	s7 =	sor.u32 $0x600, s0  }
0x307: {  	[tilespmem:s28], [sflag:$0x3] =	stream.indirect_vreg.gather [hbm4b:s20+s10], $0x80, v3, vm1, $0xb8;
	[tilespmem:$0x1E200] =	vst v63  }
0x308: {  	s1 =	sadd.s32 s30, s21;
	s0 =	sor.u32 $0x200, s0;
	_ =	swait.ge [sflag:s29], $0x6000  }
0x309: {  	s23 =	sshrl.u32 s7, $0x2;
	s18 =	sand.u32 $0x70, s8;
	[sflag:s29] =	ssyncset.done $0x0  }
0x30a: {  	s25 =	sadd.s32 s23, s6;
	s14 =	sor.u32 s18, s22;
	[sflag:s29] =	ssyncadd.s32 $0xFFFFA000  }
0x30b: {  	s0 =	sshrl.u32 s0, $0x2;
	s26 =	sadd.s32 s3, s9;
	s8 =	sor.u32 s18, s25;
	v3 =	vld [tilespmem:s14+$0x0]  }
0x30c: {  	s15 =	sadd.s32 s23, s9;
	s3 =	sadd.s32 s3, s21;
	s22 =	sor.u32 s18, s24;
	v4 =	vld [tilespmem:s8+$0x0]  }
0x30d: {  	s7 =	sadd.s32 s0, s12;
	s17 =	sor.u32 s18, s26;
	s29 =	sadd.s32 s23, s11;
	v6 =	vld [tilespmem:s22+$0x0]  }
0x30e: {  	s26 =	sor.u32 s18, s7;
	s20 =	sadd.s32 s30, s12;
	s4 =	sor.u32 s18, s29;
	v8 =	vld [tilespmem:s17+$0x0]  }
0x30f: {  	s13 =	sor.u32 s18, s13;
	s10 =	sadd.s32 s30, s6;
	s2 =	sor.u32 s18, s20;
	v9 =	vld [tilespmem:s4+$0x0]  }
0x310: {  	s31 =	sor.u32 s18, s15;
	s15 =	sor.u32 s18, s3;
	s10 =	sor.u32 s18, s10;
	v12 =	vld [tilespmem:s2+$0x0]  }
0x311: {  	s28 =	sadd.s32 s23, s21;
	s30 =	sadd.s32 s0, s9;
	s9 =	sor.u32 s18, s1;
	v5 =	vld [tilespmem:s10+$0x0]  }
0x312: {  	s21 =	sadd.s32 s0, s21;
	s6 =	sadd.s32 s0, s6;
	s8 =	sor.u32 s18, s19;
	v11 =	vld [tilespmem:s9+$0x0];
	v10 =	vmul.f32 $2.771281240e+01, v6  }
0x313: {  	s20 =	sadd.s32 s23, s12;
	s1 =	sor.u32 s18, s28;
	s16 =	sor.u32 s18, s21;
	v7 =	vld [tilespmem:s8+$0x0]  }
0x314: {  	s21 =	sor.u32 s18, s6;
	s23 =	sadd.s32 s0, s11;
	s19 =	sor.u32 s18, s5;
	v6 =	vld [tilespmem:s26+$0x0];
	v8 =	vmul.f32 $2.771281240e+01, v8;
	v14 =	vmul.f32 $2.771281240e+01, v9;
	v13 =	vadd.f32 v10, v3  }
0x315: {  	s0 =	sor.u32 s18, s20;
	s20 =	simm.s32 $0x200;
	s14 =	simm.s32 $0x0;
	v9 =	vmul.f32 $2.771281240e+01, v12;
	v12 =	vld [tilespmem:s19+$0x0]  }
0x316: {  	s5 =	sor.u32 s18, s30;
	s12 =	sor.u32 s18, s23;
	s18 =	simm.s32 $0x800;
	v10 =	vld [tilespmem:s1+$0x0];
	v8 =	vadd.f32 v8, v3;
	[tilespmem:s22+$0x0] =	vst v13;
	v13 =	vadd.f32 v14, v4  }
.LBB2_10:
0x317: {  	[dreg:$0x16] =	wrdreg s12  }
0x318: {  	[dreg:$0xf] =	wrdreg s26;
	s14 =	sadd.s32 $0x4, s14;
	s29 =	sand.u32 $0x200, s20  }
0x319: {  	s28 =	sand.u32 $0x800, s18;
	s18 =	sadd.s32 $0x800, s18;
	s20 =	sadd.s32 $0x200, s20  }
0x31a: {  	s3 =	sshll.u32 s14, $0x4;
	s6 =	sor.u32 $0x400, s28;
	s30 =	sor.u32 $0x600, s28  }
0x31b: {  	v14 =	vld [tilespmem:s0+$0x0];
	[tilespmem:s4+$0x0] =	vst v13;
	s4 =	sshll.u32 s14, $0x1;
	s28 =	sor.u32 $0x200, s28;
	p0 =	slt.u32 s14, $0x17C  }
0x31c: {  	v15 =	vld [tilespmem:s5+$0x0];
	s10 =	sand.u32 $0x1C00, s3;
	s26 =	sshrl.u32 s6, $0x2;
	s3 =	smov.u32 s31;
	v11 =	vmul.f32 $2.771281240e+01, v11  }
0x31d: {  	v13 =	vld [tilespmem:s31+$0x0];
	s6 =	sor.u32 $0x18200, s10;
	s22 =	sor.u32 $0x6200, s10;
	s23 =	sadd.s32 $0x7A00, s10;
	v9 =	vadd.f32 v9, v5  }
0x31e: {  	v16 =	vld [tilespmem:s13+$0x0];
	[tilespmem:s17+$0x0] =	vst v8;
	s24 =	sadd.s32 $0xAA00, s10;
	v7 =	vmul.f32 $2.771281240e+01, v7;
	s25 =	sadd.s32 s29, s6;
	s31 =	sadd.s32 s29, s22;
	v11 =	vadd.f32 v11, v5  }
0x31f: {  	v17 =	vld [tilespmem:s16+$0x0];
	s7 =	sadd.s32 s29, s24;
	s11 =	sadd.s32 s26, s6;
	s17 =	sadd.s32 s26, s23;
	[tilespmem:s2+$0x0] =	vst v9;
	v9 =	vmul.f32 $2.771281240e+01, v12  }
0x320: {  	v10 =	vmul.f32 $2.771281240e+01, v10;
	[dreg:$0xa] =	wrdreg s25;
	s25 =	sadd.s32 $0x9200, s10;
	v14 =	vmul.f32 $2.771281240e+01, v14;
	s10 =	sand.u32 $0x70, s4;
	v7 =	vadd.f32 v7, v3;
	[tilespmem:s9+$0x0] =	vst v11;
	v11 =	vld [tilespmem:s15+$0x0]  }
0x321: {  	s4 =	sadd.s32 s29, s23;
	v12 =	vld [tilespmem:s12+$0x0];
	s2 =	sor.u32 s10, s31;
	s12 =	sadd.s32 s29, s25;
	v9 =	vadd.f32 v9, v5  }
0x322: {  	v8 =	vadd.f32 v10, v4;
	v10 =	vld [tilespmem:s21+$0x0];
	v13 =	vmul.f32 $2.771281240e+01, v13;
	s11 =	sor.u32 s10, s11;
	s17 =	sor.u32 s10, s17;
	s9 =	sshrl.u32 s30, $0x2;
	[tilespmem:s8+$0x0] =	vst v7;
	v7 =	vadd.f32 v14, v4  }
0x323: {  	s30 =	sadd.s32 s26, s22;
	s8 =	sadd.s32 s26, s24;
	v14 =	vld [tilespmem:s17+$0x0];
	s21 =	sadd.s32 s9, s6;
	[tilespmem:s19+$0x0] =	vst v9;
	v9 =	vmul.f32 $2.771281240e+01, v16  }
0x324: {  	v4 =	vadd.f32 v13, v4;
	s31 =	sadd.s32 s9, s22;
	s29 =	sor.u32 s10, s30;
	[tilespmem:s0+$0x0] =	vst v7;
	v7 =	vld [tilespmem:s2+$0x0];
	s0 =	sadd.s32 s9, s24  }
0x325: {  	v6 =	vmul.f32 $2.771281240e+01, v6;
	[tilespmem:s1+$0x0] =	vst v8;
	s30 =	sadd.s32 s9, s25;
	s19 =	sor.u32 s10, s4;
	v8 =	vld [tilespmem:s29+$0x0];
	s4 =	sor.u32 s10, s0;
	v5 =	vadd.f32 v9, v5;
	v9 =	vmul.f32 $2.771281240e+01, v11  }
0x326: {  	s8 =	sor.u32 s10, s8;
	s9 =	sadd.s32 s9, s23;
	[tilespmem:s3+$0x0] =	vst v4;
	s21 =	sor.u32 s10, s21;
	v11 =	vmul.f32 $2.771281240e+01, v15;
	v15 =	vld [tilespmem:s4+$0x0]  }
0x327: {  	s1 =	sor.u32 s10, s30;
	s0 =	sor.u32 s10, s31;
	s31 =	sor.u32 s10, s9;
	[tilespmem:s13+$0x0] =	vst v5;
	v5 =	vadd.f32 v6, v10;
	v6 =	vmul.f32 $2.771281240e+01, v12;
	v12 =	vadd.f32 v9, v3;
	v3 =	vld [tilespmem:s11+$0x0]  }
0x328: {  	v13 =	vmul.f32 $2.771281240e+01, v17;
	v4 =	vld [tilespmem:s21+$0x0];
	s13 =	sor.u32 s10, s7;
	s7 =	sadd.s32 s26, s25;
	s26 =	rddreg [dreg:$0xf];
	v11 =	vadd.f32 v11, v10  }
0x329: {  	s9 =	sor.u32 s10, s12;
	s11 =	sshrl.u32 s28, $0x2;
	v9 =	vmul.f32 $2.771281240e+01, v7;
	s7 =	sor.u32 s10, s7;
	v7 =	vld [tilespmem:s8+$0x0];
	[tilespmem:s26+$0x0] =	vst v5  }
.Ltmp4:
0x32a: {  	v13 =	vadd.f32 v13, v10;
	v8 =	vmul.f32 $2.771281240e+01, v8;
	s28 =	sadd.s32 s11, s22;
	s3 =	sadd.s32 s11, s23;
	[tilespmem:s5+$0x0] =	vst v11;
	v11 =	vld [tilespmem:s9+$0x0];
	(pc) =	sbr.rel @p0 .LBB2_10-.Ltmp4, $4  }
0x32b: {  	v5 =	vadd.f32 v6, v10;
	s23 =	sadd.s32 s11, s24;
	s24 =	rddreg [dreg:$0xa];
	s26 =	sor.u32 s10, s28;
	[tilespmem:s15+$0x0] =	vst v12;
	v12 =	vld [tilespmem:s19+$0x0]  }
0x32c: {  	[tilespmem:s16+$0x0] =	vst v13;
	s22 =	sadd.s32 s11, s25;
	v10 =	vmul.f32 $2.771281240e+01, v14;
	s25 =	sor.u32 s10, s24;
	s28 =	rddreg [dreg:$0x16];
	v6 =	vld [tilespmem:s26+$0x0];
	v13 =	vmul.f32 $2.771281240e+01, v15;
	v8 =	vadd.f32 v8, v3  }
0x32d: {  	s30 =	sadd.s32 s11, s6;
	s5 =	sor.u32 s10, s3;
	s16 =	sor.u32 s10, s22;
	[tilespmem:s28+$0x0] =	vst v5;
	v5 =	vld [tilespmem:s25+$0x0]  }
0x32e: {  	s12 =	sor.u32 s10, s23;
	s15 =	smov.u32 s7;
	s21 =	sor.u32 s10, s30;
	v13 =	vadd.f32 v13, v4;
	[tilespmem:s29+$0x0] =	vst v8;
	v8 =	vadd.f32 v10, v3;
	v10 =	vld [tilespmem:s1+$0x0]  }
0x32f: {  	_ =	sdelay $0x1  }
0x330: {  	v14 =	vld [tilespmem:s0+$0x0]  }
0x331: {  	v11 =	vmul.f32 $2.771281240e+01, v11;
	v15 =	vld [tilespmem:s5+$0x0];
	v9 =	vadd.f32 v9, v5  }
0x332: {  	[tilespmem:s4+$0x0] =	vst v13;
	v13 =	vld [tilespmem:s13+$0x0]  }
0x333: {  	v7 =	vmul.f32 $2.771281240e+01, v7;
	v16 =	vld [tilespmem:s31+$0x0];
	v11 =	vadd.f32 v11, v5;
	[tilespmem:s2+$0x0] =	vst v9  }
0x334: {  	v9 =	vmul.f32 $2.771281240e+01, v12;
	v12 =	vld [tilespmem:s15+$0x0];
	[tilespmem:s17+$0x0] =	vst v8  }
0x335: {  	v7 =	vadd.f32 v7, v3;
	v8 =	vld [tilespmem:s21+$0x0];
	[tilespmem:s9+$0x0] =	vst v11;
	v11 =	vmul.f32 $2.771281240e+01, v14  }
0x336: {  	v10 =	vmul.f32 $2.771281240e+01, v10;
	v14 =	vld [tilespmem:s16+$0x0];
	v9 =	vadd.f32 v9, v5  }
0x337: {  	[tilespmem:s8+$0x0] =	vst v7;
	v7 =	vadd.f32 v11, v4;
	v11 =	vmul.f32 $2.771281240e+01, v13  }
0x338: {  	v10 =	vadd.f32 v10, v4;
	v16 =	vmul.f32 $2.771281240e+01, v16;
	v13 =	vld [tilespmem:s12+$0x0];
	[tilespmem:s19+$0x0] =	vst v9  }
0x339: {  	v6 =	vmul.f32 $2.771281240e+01, v6;
	[tilespmem:s0+$0x0] =	vst v7;
	v5 =	vadd.f32 v11, v5  }
0x33a: {  	v4 =	vadd.f32 v16, v4;
	v7 =	vmul.f32 $2.771281240e+01, v15;
	[tilespmem:s1+$0x0] =	vst v10  }
0x33b: {  	v9 =	vmul.f32 $2.771281240e+01, v14;
	[tilespmem:s13+$0x0] =	vst v5;
	v5 =	vadd.f32 v6, v8  }
0x33c: {  	v6 =	vmul.f32 $2.771281240e+01, v12;
	v7 =	vadd.f32 v7, v8;
	[tilespmem:s31+$0x0] =	vst v4  }
0x33d: {  	v4 =	vmul.f32 $2.771281240e+01, v13;
	v9 =	vadd.f32 v9, v8;
	[tilespmem:s26+$0x0] =	vst v5  }
0x33e: {  	v3 =	vadd.f32 v6, v3;
	[tilespmem:s5+$0x0] =	vst v7  }
0x33f: {  	v4 =	vadd.f32 v4, v8;
	[tilespmem:s16+$0x0] =	vst v9  }
0x340: {  	[tilespmem:s15+$0x0] =	vst v3  }
0x341: {  	[tilespmem:s12+$0x0] =	vst v4  }
0x342: {  	s1 =	sld [smem:$0x7E6];
	_ =	sdelay $0x1  }
0x343: {  	s10 =	simm.s32 $0x0;
	s11 =	simm.s32 $0x6200;
	s12 =	sld [smem:$0x7F1]  }
0x344: {  	[hbm4b:s1+s10] =	stream.linear.scatter [tilespmem:s11], [sflag:$0x7], $0x1800, $0x38;
	[tilespmem:$0x1E200] =	vst v63  }
0x345: {  	s13 =	simm.s32 $0x7A00;
	s14 =	sld [smem:$0x7F2]  }
0x346: {  	[hbm4b:s12+s10] =	stream.linear.scatter [tilespmem:s13], [sflag:$0x7], $0x1800, $0x38;
	[tilespmem:$0x1E200] =	vst v63  }
0x347: {  	s6 =	simm.s32 $0x9200;
	s15 =	sld [smem:$0x7F3]  }
0x348: {  	[hbm4b:s14+s10] =	stream.linear.scatter [tilespmem:s6], [sflag:$0x7], $0x1800, $0x38;
	[tilespmem:$0x1E200] =	vst v63  }
0x349: {  	s7 =	simm.s32 $0xAA00;
	s16 =	simm.s32 $0x7  }
0x34a: {  	[hbm4b:s15+s10] =	stream.linear.scatter [tilespmem:s7], [sflag:$0x7], $0x1800, $0x38;
	[tilespmem:$0x1E200] =	vst v63  }
0x34b: {  	_ =	swait.ge [sflag:s16], $0x1800  }
0x34c: {  	[sflag:s16] =	ssyncset.done $0x0  }
0x34d: {  	[sflag:s16] =	ssyncadd.s32 $0xFFFFE800  }
0x34e: {  	_ =	swait.ge [sflag:s16], $0x1800  }
0x34f: {  	[sflag:s16] =	ssyncset.done $0x0  }
0x350: {  	[sflag:s16] =	ssyncadd.s32 $0xFFFFE800  }
0x351: {  	_ =	swait.ge [sflag:s16], $0x1800  }
0x352: {  	[sflag:s16] =	ssyncset.done $0x0  }
0x353: {  	[sflag:s16] =	ssyncadd.s32 $0xFFFFE800  }
0x354: {  	_ =	swait.ge [sflag:s16], $0x1800  }
0x355: {  	[sflag:s16] =	ssyncset.done $0x0  }
0x356: {  	[sflag:s16] =	ssyncadd.s32 $0xFFFFE800  }
0x357: {  	v3 =	vld [tilespmem:$0x1E0];
	_ =	sdelay $0x4  }
0x358: {  	v4 =	vshrl.u32 v3, $0x3  }
0x359: {  	v4 =	vmul.u32 $0x30, v4  }
0x35a: {  	v3 =	vand.u32 $0x7, v3  }
0x35b: {  	v3 =	vor.u32 v3, v4  }
0x35c: {  	v4 =	vperm.xlane v3, v0;
	_ =	sdelay $0x1  }
0x35d: {  	v4 =	vadd.s32 v1, v4;
	_ =	sdelay $0x2  }
0x35e: {  	s17 =	rddreg [dreg:$0x1f]  }
0x35f: {  	s1 =	rddreg [dreg:$0x1];
	v3 =	vperm.xlane v3, v2  }
0x360: {  	[tilespmem:s11], [sflag:$0x4] =	stream.indirect_vreg.gather [hbm4b:s1+s10], $0x80, v4, vm1, $0xb8;
	[tilespmem:$0x1E200] =	vst v63  }
0x361: {  	s3 =	simm.s32 $0x6A00;
	s18 =	sld [smem:$0x7DC];
	v3 =	vadd.s32 v1, v3  }
0x362: {  	[tilespmem:s3], [sflag:$0x4] =	stream.indirect_vreg.gather [hbm4b:s17+s10], $0x80, v4, vm1, $0xb8;
	[tilespmem:$0x1E200] =	vst v63  }
0x363: {  	s19 =	simm.s32 $0x7200  }
0x364: {  	[tilespmem:s19], [sflag:$0x4] =	stream.indirect_vreg.gather [hbm4b:s18+s10], $0x80, v4, vm1, $0xb8;
	[tilespmem:$0x1E200] =	vst v63  }
0x365: {  	_ = 	snop  }
0x366: {  	[tilespmem:s13], [sflag:$0x4] =	stream.indirect_vreg.gather [hbm4b:s1+s10], $0x80, v3, vm1, $0xb8;
	[tilespmem:$0x1E200] =	vst v63  }
0x367: {  	s20 =	simm.s32 $0x8200  }
0x368: {  	[tilespmem:s20], [sflag:$0x4] =	stream.indirect_vreg.gather [hbm4b:s17+s10], $0x80, v3, vm1, $0xb8;
	[tilespmem:$0x1E200] =	vst v63  }
0x369: {  	s21 =	simm.s32 $0x8A00  }
0x36a: {  	[tilespmem:s21], [sflag:$0x4] =	stream.indirect_vreg.gather [hbm4b:s18+s10], $0x80, v3, vm1, $0xb8;
	[tilespmem:$0x1E200] =	vst v63  }
0x36b: {  	v3 =	vld [tilespmem:$0x1F0];
	_ =	sdelay $0x4  }
0x36c: {  	v4 =	vshrl.u32 v3, $0x3  }
0x36d: {  	v4 =	vmul.u32 $0x30, v4  }
0x36e: {  	v3 =	vand.u32 $0x7, v3  }
0x36f: {  	v3 =	vor.u32 v3, v4  }
0x370: {  	v4 =	vperm.xlane v3, v0;
	_ =	sdelay $0x1  }
0x371: {  	v4 =	vadd.s32 v1, v4;
	_ =	sdelay $0x1  }
0x372: {  	s22 =	simm.s32 $0x9A00;
	s23 =	simm.s32 $0xA200  }
0x373: {  	s24 =	simm.s32 $0xB200;
	s25 =	simm.s32 $0xBA00;
	s5 =	simm.s32 $0x0  }
0x374: {  	s28 =	sand.u32 $0x200, s10;
	s8 =	simm.s32 $0x0;
	s2 =	sand.u32 $0x1C00, s5;
	v3 =	vperm.xlane v3, v2  }
0x375: {  	[tilespmem:s6], [sflag:$0x4] =	stream.indirect_vreg.gather [hbm4b:s1+s10], $0x80, v4, vm1, $0xb8;
	[tilespmem:$0x1E200] =	vst v63  }
0x376: {  	s0 =	sand.u32 $0x800, s10;
	s26 =	simm.s32 $0x5;
	s9 =	sor.u32 $0xC200, s2;
	v3 =	vadd.s32 v1, v3  }
0x377: {  	[tilespmem:s22], [sflag:$0x4] =	stream.indirect_vreg.gather [hbm4b:s17+s10], $0x80, v4, vm1, $0xb8;
	[tilespmem:$0x1E200] =	vst v63  }
0x378: {  	s29 =	sadd.s32 $0xDA00, s2;
	s12 =	sadd.s32 $0xF200, s2;
	s6 =	sor.u32 $0x400, s0  }
0x379: {  	[tilespmem:s23], [sflag:$0x4] =	stream.indirect_vreg.gather [hbm4b:s18+s10], $0x80, v4, vm1, $0xb8;
	[tilespmem:$0x1E200] =	vst v63  }
0x37a: {  	s11 =	sadd.s32 $0x10A00, s2;
	s3 =	sshrl.u32 s6, $0x2;
	s6 =	sadd.s32 $0x19A00, s2  }
0x37b: {  	[tilespmem:s7], [sflag:$0x4] =	stream.indirect_vreg.gather [hbm4b:s1+s10], $0x80, v3, vm1, $0xb8;
	[tilespmem:$0x1E200] =	vst v63  }
0x37c: {  	s13 =	sadd.s32 s28, s11;
	s14 =	sadd.s32 s3, s6;
	s21 =	sadd.s32 s3, s9  }
0x37d: {  	[tilespmem:s24], [sflag:$0x4] =	stream.indirect_vreg.gather [hbm4b:s17+s10], $0x80, v3, vm1, $0xb8;
	[tilespmem:$0x1E200] =	vst v63  }
0x37e: {  	s23 =	sadd.s32 s3, s29;
	s7 =	sor.u32 $0x600, s0;
	s1 =	sadd.s32 s28, s12  }
0x37f: {  	[tilespmem:s25], [sflag:$0x4] =	stream.indirect_vreg.gather [hbm4b:s18+s10], $0x80, v3, vm1, $0xb8;
	[tilespmem:$0x1E200] =	vst v63  }
0x380: {  	s0 =	sor.u32 $0x200, s0;
	s30 =	sshrl.u32 s7, $0x2;
	_ =	swait.ge [sflag:s26], $0x6000  }
0x381: {  	s0 =	sshrl.u32 s0, $0x2;
	s18 =	sand.u32 $0x70, s8;
	[sflag:s26] =	ssyncset.done $0x0  }
0x382: {  	s22 =	sadd.s32 s30, s6;
	s14 =	sor.u32 s18, s14;
	[sflag:s26] =	ssyncadd.s32 $0xFFFFA000  }
0x383: {  	s24 =	sadd.s32 s3, s11;
	s20 =	sadd.s32 s30, s9;
	s8 =	sor.u32 s18, s22;
	v3 =	vld [tilespmem:s14+$0x0]  }
0x384: {  	s10 =	sadd.s32 s28, s6;
	s25 =	sadd.s32 s28, s9;
	s22 =	sor.u32 s18, s21;
	v4 =	vld [tilespmem:s8+$0x0]  }
0x385: {  	s17 =	sor.u32 s18, s23;
	s26 =	sadd.s32 s28, s29;
	s28 =	sadd.s32 s30, s11;
	v6 =	vld [tilespmem:s22+$0x0]  }
0x386: {  	s15 =	sadd.s32 s30, s29;
	s3 =	sadd.s32 s3, s12;
	s4 =	sor.u32 s18, s28;
	v8 =	vld [tilespmem:s17+$0x0]  }
0x387: {  	s7 =	sadd.s32 s0, s9;
	s6 =	sadd.s32 s0, s6;
	s2 =	sor.u32 s18, s25;
	v9 =	vld [tilespmem:s4+$0x0]  }
0x388: {  	s25 =	sadd.s32 s30, s12;
	s10 =	sor.u32 s18, s10;
	s23 =	sadd.s32 s0, s11;
	v12 =	vld [tilespmem:s2+$0x0]  }
0x389: {  	s13 =	sor.u32 s18, s13;
	s9 =	sor.u32 s18, s1;
	s31 =	sor.u32 s18, s15;
	v5 =	vld [tilespmem:s10+$0x0]  }
0x38a: {  	s15 =	sor.u32 s18, s3;
	s21 =	sor.u32 s18, s6;
	s8 =	sor.u32 s18, s24;
	v11 =	vld [tilespmem:s9+$0x0];
	v10 =	vmul.f32 $2.771281240e+01, v6  }
0x38b: {  	s1 =	sor.u32 s18, s25;
	s19 =	sor.u32 s18, s26;
	s26 =	sor.u32 s18, s7;
	v7 =	vld [tilespmem:s8+$0x0]  }
0x38c: {  	s29 =	sadd.s32 s0, s29;
	s30 =	sadd.s32 s0, s12;
	s0 =	sor.u32 s18, s20;
	v6 =	vld [tilespmem:s26+$0x0];
	v8 =	vmul.f32 $2.771281240e+01, v8;
	v14 =	vmul.f32 $2.771281240e+01, v9;
	v13 =	vadd.f32 v10, v3  }
0x38d: {  	s12 =	sor.u32 s18, s23;
	s20 =	simm.s32 $0x200;
	s14 =	simm.s32 $0x0;
	v9 =	vmul.f32 $2.771281240e+01, v12;
	v12 =	vld [tilespmem:s19+$0x0]  }
0x38e: {  	s5 =	sor.u32 s18, s29;
	s16 =	sor.u32 s18, s30;
	s18 =	simm.s32 $0x800;
	v10 =	vld [tilespmem:s1+$0x0];
	v8 =	vadd.f32 v8, v3;
	[tilespmem:s22+$0x0] =	vst v13;
	v13 =	vadd.f32 v14, v4  }
.LBB2_12:
0x38f: {  	[dreg:$0x17] =	wrdreg s12  }
0x390: {  	[dreg:$0x10] =	wrdreg s26;
	s14 =	sadd.s32 $0x4, s14;
	s29 =	sand.u32 $0x200, s20  }
0x391: {  	s28 =	sand.u32 $0x800, s18;
	s18 =	sadd.s32 $0x800, s18;
	s20 =	sadd.s32 $0x200, s20  }
0x392: {  	s3 =	sshll.u32 s14, $0x4;
	s6 =	sor.u32 $0x400, s28;
	s30 =	sor.u32 $0x600, s28  }
0x393: {  	v14 =	vld [tilespmem:s0+$0x0];
	[tilespmem:s4+$0x0] =	vst v13;
	s4 =	sshll.u32 s14, $0x1;
	s28 =	sor.u32 $0x200, s28;
	p0 =	slt.u32 s14, $0x17C  }
0x394: {  	v15 =	vld [tilespmem:s5+$0x0];
	s10 =	sand.u32 $0x1C00, s3;
	s26 =	sshrl.u32 s6, $0x2;
	s3 =	smov.u32 s31;
	v11 =	vmul.f32 $2.771281240e+01, v11  }
0x395: {  	v13 =	vld [tilespmem:s31+$0x0];
	s6 =	sadd.s32 $0x19A00, s10;
	s22 =	sor.u32 $0xC200, s10;
	s23 =	sadd.s32 $0xDA00, s10;
	v9 =	vadd.f32 v9, v5  }
0x396: {  	v16 =	vld [tilespmem:s13+$0x0];
	[tilespmem:s17+$0x0] =	vst v8;
	s24 =	sadd.s32 $0x10A00, s10;
	v7 =	vmul.f32 $2.771281240e+01, v7;
	s25 =	sadd.s32 s29, s6;
	s31 =	sadd.s32 s29, s22;
	v11 =	vadd.f32 v11, v5  }
0x397: {  	v17 =	vld [tilespmem:s16+$0x0];
	s7 =	sadd.s32 s29, s24;
	s11 =	sadd.s32 s26, s6;
	s17 =	sadd.s32 s26, s23;
	[tilespmem:s2+$0x0] =	vst v9;
	v9 =	vmul.f32 $2.771281240e+01, v12  }
0x398: {  	v10 =	vmul.f32 $2.771281240e+01, v10;
	[dreg:$0xb] =	wrdreg s25;
	s25 =	sadd.s32 $0xF200, s10;
	v14 =	vmul.f32 $2.771281240e+01, v14;
	s10 =	sand.u32 $0x70, s4;
	v7 =	vadd.f32 v7, v3;
	[tilespmem:s9+$0x0] =	vst v11;
	v11 =	vld [tilespmem:s15+$0x0]  }
0x399: {  	s4 =	sadd.s32 s29, s23;
	v12 =	vld [tilespmem:s12+$0x0];
	s2 =	sor.u32 s10, s31;
	s12 =	sadd.s32 s29, s25;
	v9 =	vadd.f32 v9, v5  }
0x39a: {  	v8 =	vadd.f32 v10, v4;
	v10 =	vld [tilespmem:s21+$0x0];
	v13 =	vmul.f32 $2.771281240e+01, v13;
	s11 =	sor.u32 s10, s11;
	s17 =	sor.u32 s10, s17;
	s9 =	sshrl.u32 s30, $0x2;
	[tilespmem:s8+$0x0] =	vst v7;
	v7 =	vadd.f32 v14, v4  }
0x39b: {  	s30 =	sadd.s32 s26, s22;
	s8 =	sadd.s32 s26, s24;
	v14 =	vld [tilespmem:s17+$0x0];
	s21 =	sadd.s32 s9, s6;
	[tilespmem:s19+$0x0] =	vst v9;
	v9 =	vmul.f32 $2.771281240e+01, v16  }
0x39c: {  	v4 =	vadd.f32 v13, v4;
	s31 =	sadd.s32 s9, s22;
	s29 =	sor.u32 s10, s30;
	[tilespmem:s0+$0x0] =	vst v7;
	v7 =	vld [tilespmem:s2+$0x0];
	s0 =	sadd.s32 s9, s24  }
0x39d: {  	v6 =	vmul.f32 $2.771281240e+01, v6;
	[tilespmem:s1+$0x0] =	vst v8;
	s30 =	sadd.s32 s9, s25;
	s19 =	sor.u32 s10, s4;
	v8 =	vld [tilespmem:s29+$0x0];
	s4 =	sor.u32 s10, s0;
	v5 =	vadd.f32 v9, v5;
	v9 =	vmul.f32 $2.771281240e+01, v11  }
0x39e: {  	s8 =	sor.u32 s10, s8;
	s9 =	sadd.s32 s9, s23;
	[tilespmem:s3+$0x0] =	vst v4;
	s21 =	sor.u32 s10, s21;
	v11 =	vmul.f32 $2.771281240e+01, v15;
	v15 =	vld [tilespmem:s4+$0x0]  }
0x39f: {  	s1 =	sor.u32 s10, s30;
	s0 =	sor.u32 s10, s31;
	s31 =	sor.u32 s10, s9;
	[tilespmem:s13+$0x0] =	vst v5;
	v5 =	vadd.f32 v6, v10;
	v6 =	vmul.f32 $2.771281240e+01, v12;
	v12 =	vadd.f32 v9, v3;
	v3 =	vld [tilespmem:s11+$0x0]  }
0x3a0: {  	v13 =	vmul.f32 $2.771281240e+01, v17;
	v4 =	vld [tilespmem:s21+$0x0];
	s13 =	sor.u32 s10, s7;
	s7 =	sadd.s32 s26, s25;
	s26 =	rddreg [dreg:$0x10];
	v11 =	vadd.f32 v11, v10  }
0x3a1: {  	s9 =	sor.u32 s10, s12;
	s11 =	sshrl.u32 s28, $0x2;
	v9 =	vmul.f32 $2.771281240e+01, v7;
	s7 =	sor.u32 s10, s7;
	v7 =	vld [tilespmem:s8+$0x0];
	[tilespmem:s26+$0x0] =	vst v5  }
.Ltmp5:
0x3a2: {  	v13 =	vadd.f32 v13, v10;
	v8 =	vmul.f32 $2.771281240e+01, v8;
	s28 =	sadd.s32 s11, s22;
	s3 =	sadd.s32 s11, s23;
	[tilespmem:s5+$0x0] =	vst v11;
	v11 =	vld [tilespmem:s9+$0x0];
	(pc) =	sbr.rel @p0 .LBB2_12-.Ltmp5, $4  }
0x3a3: {  	v5 =	vadd.f32 v6, v10;
	s23 =	sadd.s32 s11, s24;
	s24 =	rddreg [dreg:$0xb];
	s26 =	sor.u32 s10, s28;
	[tilespmem:s15+$0x0] =	vst v12;
	v12 =	vld [tilespmem:s19+$0x0]  }
0x3a4: {  	[tilespmem:s16+$0x0] =	vst v13;
	s22 =	sadd.s32 s11, s25;
	v10 =	vmul.f32 $2.771281240e+01, v14;
	s25 =	sor.u32 s10, s24;
	s28 =	rddreg [dreg:$0x17];
	v6 =	vld [tilespmem:s26+$0x0];
	v13 =	vmul.f32 $2.771281240e+01, v15;
	v8 =	vadd.f32 v8, v3  }
0x3a5: {  	s30 =	sadd.s32 s11, s6;
	s5 =	sor.u32 s10, s3;
	s16 =	sor.u32 s10, s22;
	[tilespmem:s28+$0x0] =	vst v5;
	v5 =	vld [tilespmem:s25+$0x0]  }
0x3a6: {  	s12 =	sor.u32 s10, s23;
	s15 =	smov.u32 s7;
	s21 =	sor.u32 s10, s30;
	v13 =	vadd.f32 v13, v4;
	[tilespmem:s29+$0x0] =	vst v8;
	v8 =	vadd.f32 v10, v3;
	v10 =	vld [tilespmem:s1+$0x0]  }
0x3a7: {  	_ =	sdelay $0x1  }
0x3a8: {  	v14 =	vld [tilespmem:s0+$0x0]  }
0x3a9: {  	v11 =	vmul.f32 $2.771281240e+01, v11;
	v15 =	vld [tilespmem:s5+$0x0];
	v9 =	vadd.f32 v9, v5  }
0x3aa: {  	[tilespmem:s4+$0x0] =	vst v13;
	v13 =	vld [tilespmem:s13+$0x0]  }
0x3ab: {  	v7 =	vmul.f32 $2.771281240e+01, v7;
	v16 =	vld [tilespmem:s31+$0x0];
	v11 =	vadd.f32 v11, v5;
	[tilespmem:s2+$0x0] =	vst v9  }
0x3ac: {  	v9 =	vmul.f32 $2.771281240e+01, v12;
	v12 =	vld [tilespmem:s15+$0x0];
	[tilespmem:s17+$0x0] =	vst v8  }
0x3ad: {  	v7 =	vadd.f32 v7, v3;
	v8 =	vld [tilespmem:s21+$0x0];
	[tilespmem:s9+$0x0] =	vst v11;
	v11 =	vmul.f32 $2.771281240e+01, v14  }
0x3ae: {  	v10 =	vmul.f32 $2.771281240e+01, v10;
	v14 =	vld [tilespmem:s16+$0x0];
	v9 =	vadd.f32 v9, v5  }
0x3af: {  	[tilespmem:s8+$0x0] =	vst v7;
	v7 =	vadd.f32 v11, v4;
	v11 =	vmul.f32 $2.771281240e+01, v13  }
0x3b0: {  	v10 =	vadd.f32 v10, v4;
	v16 =	vmul.f32 $2.771281240e+01, v16;
	v13 =	vld [tilespmem:s12+$0x0];
	[tilespmem:s19+$0x0] =	vst v9  }
0x3b1: {  	v6 =	vmul.f32 $2.771281240e+01, v6;
	[tilespmem:s0+$0x0] =	vst v7;
	v5 =	vadd.f32 v11, v5  }
0x3b2: {  	v4 =	vadd.f32 v16, v4;
	v7 =	vmul.f32 $2.771281240e+01, v15;
	[tilespmem:s1+$0x0] =	vst v10  }
0x3b3: {  	v9 =	vmul.f32 $2.771281240e+01, v14;
	[tilespmem:s13+$0x0] =	vst v5;
	v5 =	vadd.f32 v6, v8  }
0x3b4: {  	v6 =	vmul.f32 $2.771281240e+01, v12;
	v7 =	vadd.f32 v7, v8;
	[tilespmem:s31+$0x0] =	vst v4  }
0x3b5: {  	v4 =	vmul.f32 $2.771281240e+01, v13;
	v9 =	vadd.f32 v9, v8;
	[tilespmem:s26+$0x0] =	vst v5  }
0x3b6: {  	v3 =	vadd.f32 v6, v3;
	[tilespmem:s5+$0x0] =	vst v7  }
0x3b7: {  	s10 =	simm.s32 $0x0;
	v4 =	vadd.f32 v4, v8;
	[tilespmem:s16+$0x0] =	vst v9  }
0x3b8: {  	s11 =	simm.s32 $0xC200;
	s18 =	simm.s32 $0x3;
	s23 =	simm.s32 $0x0;
	[tilespmem:s15+$0x0] =	vst v3  }
0x3b9: {  	s28 =	simm.s32 $0x0;
	s17 =	simm.s32 $0x10A00;
	s2 =	sand.u32 $0x1C00, s23;
	[tilespmem:s12+$0x0] =	vst v4  }
0x3ba: {  	s6 =	sadd.s32 $0x1B200, s2;
	s7 =	sor.u32 $0x200, s2;
	s1 =	sld [smem:$0x7E7]  }
0x3bb: {  	s29 =	sadd.s32 $0x1A00, s2;
	s19 =	sand.u32 $0x200, s10;
	s0 =	sand.u32 $0x800, s10  }
0x3bc: {  	s25 =	sadd.s32 s19, s7;
	s3 =	sor.u32 $0x400, s0;
	s12 =	sld [smem:$0x7F4]  }
0x3bd: {  	[hbm4b:s1+s10] =	stream.linear.scatter [tilespmem:s11], [sflag:$0x8], $0x1800, $0x38;
	[tilespmem:$0x1E200] =	vst v63  }
0x3be: {  	s24 =	sor.u32 $0x600, s0;
	s13 =	simm.s32 $0xDA00;
	s14 =	sld [smem:$0x7F5]  }
0x3bf: {  	[hbm4b:s12+s10] =	stream.linear.scatter [tilespmem:s13], [sflag:$0x8], $0x1800, $0x38;
	[tilespmem:$0x1E200] =	vst v63  }
0x3c0: {  	s0 =	sor.u32 $0x200, s0;
	s15 =	simm.s32 $0xF200;
	s16 =	sld [smem:$0x7F6]  }
0x3c1: {  	[hbm4b:s14+s10] =	stream.linear.scatter [tilespmem:s15], [sflag:$0x8], $0x1800, $0x38;
	[tilespmem:$0x1E200] =	vst v63  }
0x3c2: {  	s3 =	sshrl.u32 s3, $0x2;
	s30 =	sshrl.u32 s24, $0x2;
	s0 =	sshrl.u32 s0, $0x2  }
0x3c3: {  	[hbm4b:s16+s10] =	stream.linear.scatter [tilespmem:s17], [sflag:$0x8], $0x1800, $0x38;
	[tilespmem:$0x1E200] =	vst v63  }
0x3c4: {  	s21 =	sadd.s32 s3, s7;
	s22 =	sadd.s32 s30, s6;
	_ =	swait.ge [sflag:s18], $0x6000  }
0x3c5: {  	s23 =	sadd.s32 s3, s29;
	s20 =	sadd.s32 s30, s7;
	[sflag:s18] =	ssyncset.done $0x0  }
0x3c6: {  	s14 =	sadd.s32 s3, s6;
	[sflag:s18] =	ssyncadd.s32 $0xFFFFA000;
	s18 =	sand.u32 $0x70, s28  }
0x3c7: {  	s7 =	sadd.s32 s0, s7;
	s11 =	sadd.s32 $0x4A00, s2;
	s14 =	sor.u32 s18, s14  }
0x3c8: {  	s26 =	sadd.s32 s19, s29;
	s24 =	sadd.s32 s3, s11;
	s8 =	sor.u32 s18, s22;
	v3 =	vld [tilespmem:s14+$0x0]  }
0x3c9: {  	s12 =	sadd.s32 $0x3200, s2;
	s13 =	sadd.s32 s19, s11;
	s22 =	sor.u32 s18, s21;
	v4 =	vld [tilespmem:s8+$0x0]  }
0x3ca: {  	s1 =	sadd.s32 s19, s12;
	s28 =	sadd.s32 s30, s11;
	s17 =	sor.u32 s18, s23;
	v6 =	vld [tilespmem:s22+$0x0]  }
0x3cb: {  	s15 =	sadd.s32 s30, s29;
	s3 =	sadd.s32 s3, s12;
	s4 =	sor.u32 s18, s28;
	v8 =	vld [tilespmem:s17+$0x0]  }
0x3cc: {  	s29 =	sadd.s32 s0, s29;
	s10 =	sadd.s32 s19, s6;
	s2 =	sor.u32 s18, s25;
	v9 =	vld [tilespmem:s4+$0x0]  }
0x3cd: {  	s6 =	sadd.s32 s0, s6;
	s25 =	sadd.s32 s30, s12;
	s10 =	sor.u32 s18, s10;
	v12 =	vld [tilespmem:s2+$0x0]  }
0x3ce: {  	s30 =	sadd.s32 s0, s12;
	s23 =	sadd.s32 s0, s11;
	s9 =	sor.u32 s18, s1;
	v5 =	vld [tilespmem:s10+$0x0]  }
0x3cf: {  	s19 =	sor.u32 s18, s26;
	s26 =	sor.u32 s18, s7;
	s8 =	sor.u32 s18, s24;
	v11 =	vld [tilespmem:s9+$0x0];
	v10 =	vmul.f32 $2.771281240e+01, v6  }
0x3d0: {  	s13 =	sor.u32 s18, s13;
	s0 =	sor.u32 s18, s20;
	s31 =	sor.u32 s18, s15;
	v7 =	vld [tilespmem:s8+$0x0]  }
0x3d1: {  	s15 =	sor.u32 s18, s3;
	s5 =	sor.u32 s18, s29;
	s21 =	sor.u32 s18, s6;
	v6 =	vld [tilespmem:s26+$0x0];
	v8 =	vmul.f32 $2.771281240e+01, v8;
	v14 =	vmul.f32 $2.771281240e+01, v9;
	v13 =	vadd.f32 v10, v3  }
0x3d2: {  	s20 =	simm.s32 $0x200;
	s14 =	simm.s32 $0x0;
	s1 =	sor.u32 s18, s25;
	v9 =	vmul.f32 $2.771281240e+01, v12;
	v12 =	vld [tilespmem:s19+$0x0]  }
0x3d3: {  	s16 =	sor.u32 s18, s30;
	s12 =	sor.u32 s18, s23;
	s18 =	simm.s32 $0x800;
	v10 =	vld [tilespmem:s1+$0x0];
	v8 =	vadd.f32 v8, v3;
	[tilespmem:s22+$0x0] =	vst v13;
	v13 =	vadd.f32 v14, v4  }
.LBB2_14:
0x3d4: {  	[dreg:$0x18] =	wrdreg s12  }
0x3d5: {  	[dreg:$0x11] =	wrdreg s26;
	s14 =	sadd.s32 $0x4, s14;
	s29 =	sand.u32 $0x200, s20  }
0x3d6: {  	s28 =	sand.u32 $0x800, s18;
	s18 =	sadd.s32 $0x800, s18;
	s20 =	sadd.s32 $0x200, s20  }
0x3d7: {  	s3 =	sshll.u32 s14, $0x4;
	s6 =	sor.u32 $0x400, s28;
	s30 =	sor.u32 $0x600, s28  }
0x3d8: {  	v14 =	vld [tilespmem:s0+$0x0];
	[tilespmem:s4+$0x0] =	vst v13;
	s4 =	sshll.u32 s14, $0x1;
	s28 =	sor.u32 $0x200, s28;
	p0 =	slt.u32 s14, $0x17C  }
0x3d9: {  	v15 =	vld [tilespmem:s5+$0x0];
	s10 =	sand.u32 $0x1C00, s3;
	s26 =	sshrl.u32 s6, $0x2;
	s3 =	smov.u32 s31;
	v11 =	vmul.f32 $2.771281240e+01, v11  }
0x3da: {  	v13 =	vld [tilespmem:s31+$0x0];
	s6 =	sadd.s32 $0x1B200, s10;
	s22 =	sor.u32 $0x200, s10;
	s23 =	sadd.s32 $0x1A00, s10;
	v9 =	vadd.f32 v9, v5  }
0x3db: {  	v16 =	vld [tilespmem:s13+$0x0];
	[tilespmem:s17+$0x0] =	vst v8;
	s24 =	sadd.s32 $0x4A00, s10;
	v7 =	vmul.f32 $2.771281240e+01, v7;
	s25 =	sadd.s32 s29, s6;
	s31 =	sadd.s32 s29, s22;
	v11 =	vadd.f32 v11, v5  }
0x3dc: {  	v17 =	vld [tilespmem:s16+$0x0];
	s7 =	sadd.s32 s29, s24;
	s11 =	sadd.s32 s26, s6;
	s17 =	sadd.s32 s26, s23;
	[tilespmem:s2+$0x0] =	vst v9;
	v9 =	vmul.f32 $2.771281240e+01, v12  }
0x3dd: {  	v10 =	vmul.f32 $2.771281240e+01, v10;
	[dreg:$0xc] =	wrdreg s25;
	s25 =	sadd.s32 $0x3200, s10;
	v14 =	vmul.f32 $2.771281240e+01, v14;
	s10 =	sand.u32 $0x70, s4;
	v7 =	vadd.f32 v7, v3;
	[tilespmem:s9+$0x0] =	vst v11;
	v11 =	vld [tilespmem:s15+$0x0]  }
0x3de: {  	s4 =	sadd.s32 s29, s23;
	v12 =	vld [tilespmem:s12+$0x0];
	s2 =	sor.u32 s10, s31;
	s12 =	sadd.s32 s29, s25;
	v9 =	vadd.f32 v9, v5  }
0x3df: {  	v8 =	vadd.f32 v10, v4;
	v10 =	vld [tilespmem:s21+$0x0];
	v13 =	vmul.f32 $2.771281240e+01, v13;
	s11 =	sor.u32 s10, s11;
	s17 =	sor.u32 s10, s17;
	s9 =	sshrl.u32 s30, $0x2;
	[tilespmem:s8+$0x0] =	vst v7;
	v7 =	vadd.f32 v14, v4  }
0x3e0: {  	s30 =	sadd.s32 s26, s22;
	s8 =	sadd.s32 s26, s24;
	v14 =	vld [tilespmem:s17+$0x0];
	s21 =	sadd.s32 s9, s6;
	[tilespmem:s19+$0x0] =	vst v9;
	v9 =	vmul.f32 $2.771281240e+01, v16  }
0x3e1: {  	v4 =	vadd.f32 v13, v4;
	s31 =	sadd.s32 s9, s22;
	s29 =	sor.u32 s10, s30;
	[tilespmem:s0+$0x0] =	vst v7;
	v7 =	vld [tilespmem:s2+$0x0];
	s0 =	sadd.s32 s9, s24  }
0x3e2: {  	v6 =	vmul.f32 $2.771281240e+01, v6;
	[tilespmem:s1+$0x0] =	vst v8;
	s30 =	sadd.s32 s9, s25;
	s19 =	sor.u32 s10, s4;
	v8 =	vld [tilespmem:s29+$0x0];
	s4 =	sor.u32 s10, s0;
	v5 =	vadd.f32 v9, v5;
	v9 =	vmul.f32 $2.771281240e+01, v11  }
0x3e3: {  	s8 =	sor.u32 s10, s8;
	s9 =	sadd.s32 s9, s23;
	[tilespmem:s3+$0x0] =	vst v4;
	s21 =	sor.u32 s10, s21;
	v11 =	vmul.f32 $2.771281240e+01, v15;
	v15 =	vld [tilespmem:s4+$0x0]  }
0x3e4: {  	s1 =	sor.u32 s10, s30;
	s0 =	sor.u32 s10, s31;
	s31 =	sor.u32 s10, s9;
	[tilespmem:s13+$0x0] =	vst v5;
	v5 =	vadd.f32 v6, v10;
	v6 =	vmul.f32 $2.771281240e+01, v12;
	v12 =	vadd.f32 v9, v3;
	v3 =	vld [tilespmem:s11+$0x0]  }
0x3e5: {  	v13 =	vmul.f32 $2.771281240e+01, v17;
	v4 =	vld [tilespmem:s21+$0x0];
	s13 =	sor.u32 s10, s7;
	s7 =	sadd.s32 s26, s25;
	s26 =	rddreg [dreg:$0x11];
	v11 =	vadd.f32 v11, v10  }
0x3e6: {  	s9 =	sor.u32 s10, s12;
	s11 =	sshrl.u32 s28, $0x2;
	v9 =	vmul.f32 $2.771281240e+01, v7;
	s7 =	sor.u32 s10, s7;
	v7 =	vld [tilespmem:s8+$0x0];
	[tilespmem:s26+$0x0] =	vst v5  }
.Ltmp6:
0x3e7: {  	v13 =	vadd.f32 v13, v10;
	v8 =	vmul.f32 $2.771281240e+01, v8;
	s28 =	sadd.s32 s11, s22;
	s3 =	sadd.s32 s11, s23;
	[tilespmem:s5+$0x0] =	vst v11;
	v11 =	vld [tilespmem:s9+$0x0];
	(pc) =	sbr.rel @p0 .LBB2_14-.Ltmp6, $4  }
0x3e8: {  	v5 =	vadd.f32 v6, v10;
	s23 =	sadd.s32 s11, s24;
	s24 =	rddreg [dreg:$0xc];
	s26 =	sor.u32 s10, s28;
	[tilespmem:s15+$0x0] =	vst v12;
	v12 =	vld [tilespmem:s19+$0x0]  }
0x3e9: {  	[tilespmem:s16+$0x0] =	vst v13;
	s22 =	sadd.s32 s11, s25;
	v10 =	vmul.f32 $2.771281240e+01, v14;
	s25 =	sor.u32 s10, s24;
	s28 =	rddreg [dreg:$0x18];
	v6 =	vld [tilespmem:s26+$0x0];
	v13 =	vmul.f32 $2.771281240e+01, v15;
	v8 =	vadd.f32 v8, v3  }
0x3ea: {  	s30 =	sadd.s32 s11, s6;
	s5 =	sor.u32 s10, s3;
	s16 =	sor.u32 s10, s22;
	[tilespmem:s28+$0x0] =	vst v5;
	v5 =	vld [tilespmem:s25+$0x0]  }
0x3eb: {  	s12 =	sor.u32 s10, s23;
	s15 =	smov.u32 s7;
	s21 =	sor.u32 s10, s30;
	v13 =	vadd.f32 v13, v4;
	[tilespmem:s29+$0x0] =	vst v8;
	v8 =	vadd.f32 v10, v3;
	v10 =	vld [tilespmem:s1+$0x0]  }
0x3ec: {  	_ =	sdelay $0x1  }
0x3ed: {  	v14 =	vld [tilespmem:s0+$0x0]  }
0x3ee: {  	v11 =	vmul.f32 $2.771281240e+01, v11;
	v15 =	vld [tilespmem:s5+$0x0];
	v9 =	vadd.f32 v9, v5  }
0x3ef: {  	[tilespmem:s4+$0x0] =	vst v13;
	v13 =	vld [tilespmem:s13+$0x0]  }
0x3f0: {  	v7 =	vmul.f32 $2.771281240e+01, v7;
	v16 =	vld [tilespmem:s31+$0x0];
	v11 =	vadd.f32 v11, v5;
	[tilespmem:s2+$0x0] =	vst v9  }
0x3f1: {  	v9 =	vmul.f32 $2.771281240e+01, v12;
	v12 =	vld [tilespmem:s15+$0x0];
	[tilespmem:s17+$0x0] =	vst v8  }
0x3f2: {  	v7 =	vadd.f32 v7, v3;
	v8 =	vld [tilespmem:s21+$0x0];
	[tilespmem:s9+$0x0] =	vst v11;
	v11 =	vmul.f32 $2.771281240e+01, v14  }
0x3f3: {  	v10 =	vmul.f32 $2.771281240e+01, v10;
	v14 =	vld [tilespmem:s16+$0x0];
	v9 =	vadd.f32 v9, v5  }
0x3f4: {  	[tilespmem:s8+$0x0] =	vst v7;
	v7 =	vadd.f32 v11, v4;
	v11 =	vmul.f32 $2.771281240e+01, v13  }
0x3f5: {  	v10 =	vadd.f32 v10, v4;
	v16 =	vmul.f32 $2.771281240e+01, v16;
	v13 =	vld [tilespmem:s12+$0x0];
	[tilespmem:s19+$0x0] =	vst v9  }
0x3f6: {  	v6 =	vmul.f32 $2.771281240e+01, v6;
	[tilespmem:s0+$0x0] =	vst v7;
	v5 =	vadd.f32 v11, v5  }
0x3f7: {  	v4 =	vadd.f32 v16, v4;
	v7 =	vmul.f32 $2.771281240e+01, v15;
	[tilespmem:s1+$0x0] =	vst v10  }
0x3f8: {  	v9 =	vmul.f32 $2.771281240e+01, v14;
	[tilespmem:s13+$0x0] =	vst v5;
	v5 =	vadd.f32 v6, v8  }
0x3f9: {  	v6 =	vmul.f32 $2.771281240e+01, v12;
	v7 =	vadd.f32 v7, v8;
	[tilespmem:s31+$0x0] =	vst v4  }
0x3fa: {  	v4 =	vmul.f32 $2.771281240e+01, v13;
	v9 =	vadd.f32 v9, v8;
	[tilespmem:s26+$0x0] =	vst v5  }
0x3fb: {  	s18 =	simm.s32 $0x200;
	v3 =	vadd.f32 v6, v3;
	[tilespmem:s5+$0x0] =	vst v7  }
0x3fc: {  	s20 =	simm.s32 $0x1A00;
	s22 =	simm.s32 $0x3200;
	s29 =	simm.s32 $0x0;
	v4 =	vadd.f32 v4, v8;
	[tilespmem:s16+$0x0] =	vst v9  }
0x3fd: {  	s24 =	simm.s32 $0x4A00;
	s25 =	simm.s32 $0x4;
	s2 =	sand.u32 $0x1C00, s29;
	[tilespmem:s15+$0x0] =	vst v3  }
0x3fe: {  	s17 =	simm.s32 $0x0;
	s9 =	simm.s32 $0x0;
	s6 =	sadd.s32 $0x1CA00, s2;
	[tilespmem:s12+$0x0] =	vst v4  }
0x3ff: {  	s7 =	sor.u32 $0x6200, s2;
	s0 =	sand.u32 $0x800, s17;
	s1 =	sld [smem:$0x7E8]  }
0x400: {  	s8 =	sadd.s32 $0x7A00, s2;
	s11 =	sadd.s32 $0xAA00, s2;
	s3 =	sor.u32 $0x400, s0  }
0x401: {  	s30 =	sor.u32 $0x600, s0;
	s0 =	sor.u32 $0x200, s0;
	s19 =	sld [smem:$0x7F7]  }
0x402: {  	[hbm4b:s1+s17] =	stream.linear.scatter [tilespmem:s18], [sflag:$0x6], $0x1800, $0x38;
	[tilespmem:$0x1E200] =	vst v63  }
0x403: {  	s3 =	sshrl.u32 s3, $0x2;
	s30 =	sshrl.u32 s30, $0x2;
	s21 =	sld [smem:$0x7F8]  }
0x404: {  	[hbm4b:s19+s17] =	stream.linear.scatter [tilespmem:s20], [sflag:$0x6], $0x1800, $0x38;
	[tilespmem:$0x1E200] =	vst v63  }
0x405: {  	s0 =	sshrl.u32 s0, $0x2;
	s26 =	sand.u32 $0x200, s17;
	s23 =	sld [smem:$0x7F9]  }
0x406: {  	[hbm4b:s21+s17] =	stream.linear.scatter [tilespmem:s22], [sflag:$0x6], $0x1800, $0x38;
	[tilespmem:$0x1E200] =	vst v63  }
0x407: {  	s14 =	sadd.s32 s3, s6;
	s29 =	sadd.s32 s30, s11;
	s10 =	sadd.s32 s26, s7  }
0x408: {  	[hbm4b:s23+s17] =	stream.linear.scatter [tilespmem:s24], [sflag:$0x6], $0x1800, $0x38;
	[tilespmem:$0x1E200] =	vst v63  }
0x409: {  	s13 =	sadd.s32 s26, s11;
	s15 =	sadd.s32 $0x9200, s2;
	_ =	swait.ge [sflag:s25], $0x6000  }
0x40a: {  	s16 =	sadd.s32 s30, s8;
	s18 =	sand.u32 $0x70, s9;
	[sflag:s25] =	ssyncset.done $0x0  }
0x40b: {  	s20 =	sadd.s32 s30, s6;
	s21 =	sor.u32 s18, s14;
	[sflag:s25] =	ssyncadd.s32 $0xFFFFA000  }
0x40c: {  	s12 =	sadd.s32 s26, s6;
	s19 =	sadd.s32 s3, s7;
	s5 =	sor.u32 s18, s20;
	v3 =	vld [tilespmem:s21+$0x0]  }
0x40d: {  	s1 =	sadd.s32 s26, s15;
	s2 =	sor.u32 s18, s10;
	s20 =	sor.u32 s18, s19;
	v4 =	vld [tilespmem:s5+$0x0]  }
0x40e: {  	s4 =	sor.u32 s18, s29;
	s9 =	sor.u32 s18, s12;
	s22 =	sadd.s32 s3, s8;
	v6 =	vld [tilespmem:s20+$0x0]  }
0x40f: {  	s13 =	sor.u32 s18, s13;
	s6 =	sadd.s32 s0, s6;
	s5 =	sor.u32 s18, s22;
	v9 =	vld [tilespmem:s4+$0x0]  }
0x410: {  	s31 =	sor.u32 s18, s16;
	s19 =	simm.s32 $0x0;
	s28 =	sor.u32 s18, s6;
	v8 =	vld [tilespmem:s5+$0x0]  }
0x411: {  	s23 =	sadd.s32 s3, s11;
	s24 =	sadd.s32 s30, s7;
	s3 =	sadd.s32 s3, s15;
	v12 =	vld [tilespmem:s2+$0x0]  }
0x412: {  	s7 =	sadd.s32 s0, s7;
	s14 =	sor.u32 s18, s23;
	s23 =	sadd.s32 s0, s11;
	v5 =	vld [tilespmem:s9+$0x0]  }
0x413: {  	s25 =	sadd.s32 s26, s8;
	s26 =	sadd.s32 s30, s15;
	v7 =	vld [tilespmem:s14+$0x0];
	s9 =	sor.u32 s18, s1;
	v10 =	vmul.f32 $2.771281240e+01, v6  }
0x414: {  	s30 =	sadd.s32 s0, s8;
	s8 =	sor.u32 s18, s25;
	s25 =	sor.u32 s18, s7;
	v11 =	vld [tilespmem:s9+$0x0]  }
0x415: {  	s12 =	sor.u32 s18, s23;
	s22 =	sadd.s32 s0, s15;
	s0 =	sor.u32 s18, s24;
	v6 =	vld [tilespmem:s25+$0x0];
	v14 =	vmul.f32 $2.771281240e+01, v9;
	v8 =	vmul.f32 $2.771281240e+01, v8;
	v13 =	vadd.f32 v10, v3  }
0x416: {  	s15 =	sor.u32 s18, s3;
	s1 =	sor.u32 s18, s26;
	s17 =	sor.u32 s18, s30;
	v9 =	vmul.f32 $2.771281240e+01, v12;
	v12 =	vld [tilespmem:s8+$0x0]  }
0x417: {  	s16 =	sor.u32 s18, s22;
	s18 =	simm.s32 $0x800;
	v10 =	vld [tilespmem:s1+$0x0];
	v8 =	vadd.f32 v8, v3;
	[tilespmem:s20+$0x0] =	vst v13;
	v13 =	vadd.f32 v14, v4;
	s20 =	simm.s32 $0x200  }
.LBB2_16:
0x418: {  	[dreg:$0x19] =	wrdreg s12  }
0x419: {  	[dreg:$0x12] =	wrdreg s25;
	s19 =	sadd.s32 $0x4, s19;
	s29 =	sand.u32 $0x200, s20  }
0x41a: {  	s26 =	sand.u32 $0x800, s18;
	s18 =	sadd.s32 $0x800, s18;
	s20 =	sadd.s32 $0x200, s20  }
0x41b: {  	v14 =	vld [tilespmem:s0+$0x0];
	s3 =	sshll.u32 s19, $0x4;
	s6 =	sor.u32 $0x400, s26;
	s30 =	sor.u32 $0x600, s26  }
0x41c: {  	[tilespmem:s4+$0x0] =	vst v13;
	s4 =	sshll.u32 s19, $0x1;
	s26 =	sor.u32 $0x200, s26;
	p0 =	slt.u32 s19, $0x17C  }
0x41d: {  	v15 =	vld [tilespmem:s17+$0x0];
	s10 =	sand.u32 $0x1C00, s3;
	s25 =	sshrl.u32 s6, $0x2;
	s3 =	smov.u32 s31;
	v11 =	vmul.f32 $2.771281240e+01, v11;
	v9 =	vadd.f32 v9, v5  }
0x41e: {  	v16 =	vld [tilespmem:s13+$0x0];
	s6 =	sadd.s32 $0x1CA00, s10;
	s21 =	sor.u32 $0x6200, s10;
	s22 =	sadd.s32 $0x7A00, s10;
	v7 =	vmul.f32 $2.771281240e+01, v7  }
0x41f: {  	v13 =	vld [tilespmem:s31+$0x0];
	s23 =	sadd.s32 $0xAA00, s10;
	s24 =	sadd.s32 s29, s6;
	s31 =	sadd.s32 s29, s21;
	v11 =	vadd.f32 v11, v5;
	[tilespmem:s2+$0x0] =	vst v9;
	v9 =	vmul.f32 $2.771281240e+01, v12  }
0x420: {  	v17 =	vld [tilespmem:s16+$0x0];
	[tilespmem:s5+$0x0] =	vst v8;
	s7 =	sadd.s32 s29, s23;
	s11 =	sadd.s32 s25, s6;
	s5 =	sadd.s32 s25, s22;
	v14 =	vmul.f32 $2.771281240e+01, v14;
	v7 =	vadd.f32 v7, v3  }
0x421: {  	v10 =	vmul.f32 $2.771281240e+01, v10;
	[dreg:$0xd] =	wrdreg s24;
	s24 =	sadd.s32 $0x9200, s10;
	s10 =	sand.u32 $0x70, s4;
	[tilespmem:s9+$0x0] =	vst v11;
	v11 =	vld [tilespmem:s15+$0x0];
	v9 =	vadd.f32 v9, v5  }
0x422: {  	s4 =	sadd.s32 s29, s22;
	v12 =	vld [tilespmem:s12+$0x0];
	s2 =	sor.u32 s10, s31;
	s12 =	sadd.s32 s29, s24;
	[tilespmem:s14+$0x0] =	vst v7;
	v7 =	vadd.f32 v14, v4  }
0x423: {  	v8 =	vadd.f32 v10, v4;
	v10 =	vld [tilespmem:s28+$0x0];
	s11 =	sor.u32 s10, s11;
	s5 =	sor.u32 s10, s5;
	s9 =	sshrl.u32 s30, $0x2;
	[tilespmem:s8+$0x0] =	vst v9  }
0x424: {  	s30 =	sadd.s32 s25, s21;
	s14 =	sadd.s32 s25, s23;
	s25 =	sadd.s32 s25, s24;
	v9 =	vmul.f32 $2.771281240e+01, v16;
	[tilespmem:s0+$0x0] =	vst v7;
	v7 =	vld [tilespmem:s2+$0x0]  }
0x425: {  	v13 =	vmul.f32 $2.771281240e+01, v13;
	v14 =	vld [tilespmem:s5+$0x0];
	s28 =	sadd.s32 s9, s6;
	s29 =	sor.u32 s10, s30;
	s0 =	sadd.s32 s9, s23  }
0x426: {  	v6 =	vmul.f32 $2.771281240e+01, v6;
	[tilespmem:s1+$0x0] =	vst v8;
	s31 =	sadd.s32 s9, s21;
	s8 =	sor.u32 s10, s4;
	v8 =	vld [tilespmem:s29+$0x0];
	s4 =	sor.u32 s10, s0;
	v5 =	vadd.f32 v9, v5;
	v9 =	vmul.f32 $2.771281240e+01, v11  }
0x427: {  	v4 =	vadd.f32 v13, v4;
	s30 =	sadd.s32 s9, s24;
	s14 =	sor.u32 s10, s14;
	s9 =	sadd.s32 s9, s22;
	v11 =	vmul.f32 $2.771281240e+01, v15;
	v15 =	vld [tilespmem:s4+$0x0]  }
0x428: {  	s0 =	sor.u32 s10, s31;
	s31 =	sor.u32 s10, s9;
	s9 =	rddreg [dreg:$0x12];
	[tilespmem:s13+$0x0] =	vst v5;
	v5 =	vadd.f32 v6, v10;
	v6 =	vmul.f32 $2.771281240e+01, v12;
	v12 =	vadd.f32 v9, v3;
	v3 =	vld [tilespmem:s11+$0x0]  }
0x429: {  	v13 =	vmul.f32 $2.771281240e+01, v17;
	[tilespmem:s3+$0x0] =	vst v4;
	s13 =	sor.u32 s10, s7;
	v11 =	vadd.f32 v11, v10;
	s11 =	sshrl.u32 s26, $0x2;
	s26 =	sor.u32 s10, s28;
	v9 =	vmul.f32 $2.771281240e+01, v7;
	v7 =	vld [tilespmem:s14+$0x0]  }
0x42a: {  	s7 =	sor.u32 s10, s25;
	[tilespmem:s9+$0x0] =	vst v5;
	s21 =	sadd.s32 s11, s21;
	v4 =	vld [tilespmem:s26+$0x0];
	s9 =	sor.u32 s10, s12  }
.Ltmp7:
0x42b: {  	v13 =	vadd.f32 v13, v10;
	v8 =	vmul.f32 $2.771281240e+01, v8;
	s22 =	sadd.s32 s11, s22;
	s26 =	sadd.s32 s11, s24;
	[tilespmem:s17+$0x0] =	vst v11;
	v11 =	vld [tilespmem:s9+$0x0];
	(pc) =	sbr.rel @p0 .LBB2_16-.Ltmp7, $4  }
0x42c: {  	v5 =	vadd.f32 v6, v10;
	s3 =	sadd.s32 s11, s23;
	s23 =	rddreg [dreg:$0xd];
	s25 =	sor.u32 s10, s21;
	[tilespmem:s15+$0x0] =	vst v12;
	v12 =	vld [tilespmem:s8+$0x0]  }
0x42d: {  	[tilespmem:s16+$0x0] =	vst v13;
	v10 =	vmul.f32 $2.771281240e+01, v14;
	s16 =	sor.u32 s10, s26;
	s24 =	sor.u32 s10, s23;
	s26 =	rddreg [dreg:$0x19];
	v6 =	vld [tilespmem:s25+$0x0];
	v13 =	vmul.f32 $2.771281240e+01, v15;
	v8 =	vadd.f32 v8, v3  }
0x42e: {  	s1 =	sor.u32 s10, s30;
	s30 =	sadd.s32 s11, s6;
	s17 =	sor.u32 s10, s22;
	[tilespmem:s26+$0x0] =	vst v5;
	v5 =	vld [tilespmem:s24+$0x0]  }
0x42f: {  	s12 =	sor.u32 s10, s3;
	s15 =	smov.u32 s7;
	s28 =	sor.u32 s10, s30;
	v13 =	vadd.f32 v13, v4;
	[tilespmem:s29+$0x0] =	vst v8;
	v8 =	vadd.f32 v10, v3;
	v10 =	vld [tilespmem:s1+$0x0]  }
0x430: {  	v14 =	vld [tilespmem:s0+$0x0]  }
0x431: {  	v15 =	vld [tilespmem:s28+$0x0];
	v7 =	vmul.f32 $2.771281240e+01, v7  }
0x432: {  	v48 =	vld [tilespmem:s13+$0x0]  }
0x433: {  	v11 =	vmul.f32 $2.771281240e+01, v11;
	v49 =	vld [tilespmem:s17+$0x0];
	[tilespmem:s4+$0x0] =	vst v13;
	v7 =	vadd.f32 v7, v3  }
0x434: {  	v50 =	vld [tilespmem:s15+$0x0];
	v12 =	vmul.f32 $2.771281240e+01, v12;
	[tilespmem:s5+$0x0] =	vst v8;
	v9 =	vadd.f32 v9, v5  }
0x435: {  	v6 =	vmul.f32 $2.771281240e+01, v6;
	v11 =	vadd.f32 v11, v5;
	[tilespmem:s14+$0x0] =	vst v7  }
0x436: {  	v53 =	vld [tilespmem:s16+$0x0];
	v52 =	vadd.f32 v12, v5;
	[tilespmem:s2+$0x0] =	vst v9;
	v14 =	vmul.f32 $2.771281240e+01, v14  }
0x437: {  	v16 =	vld [tilespmem:s31+$0x0];
	v13 =	vmul.f32 $2.771281240e+01, v48;
	v6 =	vadd.f32 v6, v15;
	[tilespmem:s9+$0x0] =	vst v11  }
0x438: {  	v55 =	vld [tilespmem:s12+$0x0];
	v59 =	vmul.f32 $2.771281240e+01, v49;
	v54 =	vadd.f32 v14, v4;
	[tilespmem:s8+$0x0] =	vst v52  }
0x439: {  	v61 =	vmul.f32 $2.771281240e+01, v50;
	v57 =	vadd.f32 v13, v5;
	[tilespmem:s25+$0x0] =	vst v6  }
0x43a: {  	v51 =	vmul.f32 $2.771281240e+01, v10;
	v7 =	vadd.f32 v59, v15;
	[tilespmem:s0+$0x0] =	vst v54  }
0x43b: {  	v60 =	vmul.f32 $2.771281240e+01, v53;
	v3 =	vadd.f32 v61, v3;
	[tilespmem:s13+$0x0] =	vst v57  }
0x43c: {  	v8 =	vadd.f32 v51, v4;
	v56 =	vmul.f32 $2.771281240e+01, v16;
	[tilespmem:s17+$0x0] =	vst v7  }
0x43d: {  	v62 =	vmul.f32 $2.771281240e+01, v55;
	v5 =	vadd.f32 v60, v15;
	[tilespmem:s15+$0x0] =	vst v3  }
0x43e: {  	v58 =	vadd.f32 v56, v4;
	[tilespmem:s1+$0x0] =	vst v8  }
0x43f: {  	v63 =	vadd.f32 v62, v15;
	[tilespmem:s16+$0x0] =	vst v5  }
0x440: {  	[tilespmem:s31+$0x0] =	vst v58  }
0x441: {  	[tilespmem:s12+$0x0] =	vst v63  }
0x442: {  	s0 =	sld [smem:$0x7E9];
	_ =	sdelay $0x1  }
0x443: {  	s11 =	simm.s32 $0x0;
	s4 =	simm.s32 $0x6200;
	s23 =	sld [smem:$0x7FA]  }
0x444: {  	[hbm4b:s0+s11] =	stream.linear.scatter [tilespmem:s4], [sflag:$0x7], $0x1800, $0x38;
	[tilespmem:$0x1E200] =	vst v63  }
0x445: {  	s5 =	simm.s32 $0x7A00;
	s24 =	sld [smem:$0x7FB]  }
0x446: {  	[hbm4b:s23+s11] =	stream.linear.scatter [tilespmem:s5], [sflag:$0x7], $0x1800, $0x38;
	[tilespmem:$0x1E200] =	vst v63  }
0x447: {  	s6 =	simm.s32 $0x9200;
	s25 =	sld [smem:$0x7FD]  }
0x448: {  	[hbm4b:s24+s11] =	stream.linear.scatter [tilespmem:s6], [sflag:$0x7], $0x1800, $0x38;
	[tilespmem:$0x1E200] =	vst v63  }
0x449: {  	s7 =	simm.s32 $0xAA00;
	s26 =	simm.s32 $0x8  }
0x44a: {  	[hbm4b:s25+s11] =	stream.linear.scatter [tilespmem:s7], [sflag:$0x7], $0x1800, $0x38;
	[tilespmem:$0x1E200] =	vst v63  }
0x44b: {  	_ =	swait.ge [sflag:s26], $0x1800  }
0x44c: {  	[sflag:s26] =	ssyncset.done $0x0  }
0x44d: {  	[sflag:s26] =	ssyncadd.s32 $0xFFFFE800  }
0x44e: {  	_ =	swait.ge [sflag:s26], $0x1800  }
0x44f: {  	[sflag:s26] =	ssyncset.done $0x0  }
0x450: {  	[sflag:s26] =	ssyncadd.s32 $0xFFFFE800  }
0x451: {  	_ =	swait.ge [sflag:s26], $0x1800  }
0x452: {  	[sflag:s26] =	ssyncset.done $0x0  }
0x453: {  	[sflag:s26] =	ssyncadd.s32 $0xFFFFE800  }
0x454: {  	_ =	swait.ge [sflag:s26], $0x1800  }
0x455: {  	[sflag:s26] =	ssyncset.done $0x0  }
0x456: {  	s28 =	simm.s32 $0x6;
	[sflag:s26] =	ssyncadd.s32 $0xFFFFE800  }
0x457: {  	_ =	swait.ge [sflag:s28], $0x1800  }
0x458: {  	[sflag:s28] =	ssyncset.done $0x0  }
0x459: {  	[sflag:s28] =	ssyncadd.s32 $0xFFFFE800  }
0x45a: {  	_ =	swait.ge [sflag:s28], $0x1800  }
0x45b: {  	[sflag:s28] =	ssyncset.done $0x0  }
0x45c: {  	[sflag:s28] =	ssyncadd.s32 $0xFFFFE800  }
0x45d: {  	_ =	swait.ge [sflag:s28], $0x1800  }
0x45e: {  	[sflag:s28] =	ssyncset.done $0x0  }
0x45f: {  	[sflag:s28] =	ssyncadd.s32 $0xFFFFE800  }
0x460: {  	_ =	swait.ge [sflag:s28], $0x1800  }
0x461: {  	[sflag:s28] =	ssyncset.done $0x0  }
0x462: {  	s29 =	simm.s32 $0x7;
	[sflag:s28] =	ssyncadd.s32 $0xFFFFE800  }
0x463: {  	_ =	swait.ge [sflag:s29], $0x1800  }
0x464: {  	[sflag:s29] =	ssyncset.done $0x0  }
0x465: {  	[sflag:s29] =	ssyncadd.s32 $0xFFFFE800  }
0x466: {  	_ =	swait.ge [sflag:s29], $0x1800  }
0x467: {  	[sflag:s29] =	ssyncset.done $0x0  }
0x468: {  	[sflag:s29] =	ssyncadd.s32 $0xFFFFE800  }
0x469: {  	_ =	swait.ge [sflag:s29], $0x1800  }
0x46a: {  	[sflag:s29] =	ssyncset.done $0x0  }
0x46b: {  	[sflag:s29] =	ssyncadd.s32 $0xFFFFE800  }
0x46c: {  	_ =	swait.ge [sflag:s29], $0x1800  }
0x46d: {  	s30 =	sld [smem:$0x7DB]  }
0x46e: {  	s31 =	sld [smem:$0x7EA];
	_ =	sdelay $0x1  }
0x46f: {  	s2 =	sadd.s32 $0x1, s30  }
0x470: {  	p0 =	sne.s32 s2, s31  }
.Ltmp8:
0x471: {  	_ = 	snop;
	(pc) =	sbr.rel @p0 .LBB2_1-.Ltmp8, $3  }
0x472: {  	_ =	sdelay $0x1  }
0x473: {  	[sflag:s29] =	ssyncset.done $0x0  }
0x474: {  	[sflag:s29] =	ssyncadd.s32 $0xFFFFE800  }
0x475: {  	_ =	sfence.sel $0x180000  }
0x476: {  	[bflag:$0x0] =	sbarrier.arrive $0xFFFF  }
0x477: {  	_ =	strace $0x90000047  }
0x478: {  	s0 =	stileid.u32;
	[bflag:$0x2] =	sbarrier.arrive $0xFFFF  }
0x479: {  	p0 =	sne.s32 s0, $0x0;
	s0 =	rddreg [dreg:$0x4]  }
0x47a: {  	s0 =	sadd.s32 @!p0 $0x100000, s0  }
0x47b: {  	[sflag:s0] =	ssyncadd.tile.s32 @!p0 $0x1;
	_ =	shalt  }
.Lfunc_end2:
_tile_overlayer_lowered:
.L_overlay_start_2:
0x47c: {  	(tag) =	ssettag $0x2  }
0x47d: {  	s0 =	rddreg [dreg:$0x0];
	s2 =	stileid.u32  }
0x47e: {  	s1 =	rddreg [dreg:$0x1];
	p0 =	sne.s32 s2, $0x0  }
0x47f: {  	s3 =	rddreg [dreg:$0x2];
	[bflag:$0x3] =	sbarrier.arrive $0xFFFF;
	s2 =	simm.s32 @!p0 $0x1C09  }
0x480: {  	[timem:s3], [sflag:s2] =	dma.local @!p0 [hbm:s0], s1  }
0x481: {  	s0 =	simm.s32 @!p0 $0x9  }
0x482: {  	_ =	swait.ge @!p0 [sflag:s0], s1  }
0x483: {  	s1 =	ssub.s32 @!p0 $0x0, s1;
	[sflag:s0] =	ssyncset.done @!p0 $0x0  }
0x484: {  	[sflag:s0] =	ssyncadd.s32 @!p0 s1  }
0x485: {  	[bflag:$0x3] =	sbarrier.arrive $0xFFFF  }
0x486: {  	_ =	shalt  }

</sc_bundles>
